<compile_context>
chip_gen: v7x
topology: tpu7x:2x2x1
jax: 0.10.2.dev20260603
libtpu: 0.0.44.dev20260713+nightly
codegen_flags: <defaults>
</compile_context>

<pallas_src>
import functools

import jax
import jax.numpy as jnp
from jax import lax
from jax.experimental import pallas as pl
from jax.experimental.pallas import tpu as pltpu
from jax.experimental.pallas import tpu_sc as plsc

N = 10000
E = 320000
D_IN = 128
D_HID = 128
D_OUT = 64

NC = 2
NS = 16
NW = NC * NS
EPW = E // NW
K = 5
NPAD = 10240
RPS = NPAD // NS
DPS = NPAD // NS


@functools.cache
def _make_sc_agg(d, with_deg):
    mesh = plsc.VectorSubcoreMesh(core_axis_name="c", subcore_axis_name="s",
                                  num_cores=NC, num_subcores=NS)
    CH = 40 if d > 64 else 200
    NCHUNK = EPW // CH
    out_type = [jax.ShapeDtypeStruct((NC, NPAD, d), jnp.float32)]
    scratch = (
        [pltpu.VMEM_SHARED((NPAD, d), jnp.float32)]
        + [pltpu.VMEM((CH,), jnp.int32) for _ in range(K)]
        + [pltpu.VMEM((CH,), jnp.int32) for _ in range(K)]
        + [pltpu.VMEM((CH, d), jnp.float32) for _ in range(K)]
        + [pltpu.SemaphoreType.DMA for _ in range(K)]
        + [pltpu.SemaphoreType.DMA for _ in range(K)]
        + [pltpu.SemaphoreType.DMA for _ in range(K)]
    )
    if with_deg:
        out_type.append(jax.ShapeDtypeStruct((NC, NPAD), jnp.float32))
        scratch += [
            pltpu.VMEM_SHARED((NPAD,), jnp.float32),
            pltpu.VMEM((DPS,), jnp.float32),
            pltpu.VMEM((CH,), jnp.float32),
        ]

    def body(x_hbm, src_hbm, dst_hbm, agg_out, *rest):
        rest = list(rest)
        deg_out = rest.pop(0) if with_deg else None
        agg_sh = rest.pop(0)
        src_v = [rest.pop(0) for _ in range(K)]
        dst_v = [rest.pop(0) for _ in range(K)]
        rows_v = [rest.pop(0) for _ in range(K)]
        semi = [rest.pop(0) for _ in range(K)]
        semg = [rest.pop(0) for _ in range(K)]
        sems = [rest.pop(0) for _ in range(K)]
        if with_deg:
            deg_sh, zdeg, ones_v = rest
        c = lax.axis_index("c")
        s = lax.axis_index("s")

        ZR = 40
        def zfill(i, _):
            r = i // (d // 16)
            col = (i % (d // 16)) * 16
            rows_v[0][r, pl.ds(col, 16)] = jnp.zeros((16,), jnp.float32)
            return _
        lax.fori_loop(0, ZR * (d // 16), zfill, None)
        for j in range(RPS // ZR):
            pltpu.sync_copy(rows_v[0].at[pl.ds(0, ZR)],
                            agg_sh.at[pl.ds(s * RPS + j * ZR, ZR)])
        if with_deg:
            def zdfill(i, _):
                zdeg[pl.ds(i * 16, 16)] = jnp.zeros((16,), jnp.float32)
                return _
            lax.fori_loop(0, DPS // 16, zdfill, None)
            pltpu.sync_copy(zdeg, deg_sh.at[pl.ds(s * DPS, DPS)])
            offs = list(range(0, CH - 15, 16))
            if CH % 16:
                offs.append(CH - 16)
            for o in offs:
                ones_v[pl.ds(o, 16)] = jnp.ones((16,), jnp.float32)
        plsc.subcore_barrier()

        base = (c * NS + s) * EPW

        def issue_idx(i, sl):
            pltpu.async_copy(src_hbm.at[pl.ds(base + i * CH, CH)],
                             src_v[sl], semi[sl])
            pltpu.async_copy(dst_hbm.at[pl.ds(base + i * CH, CH)],
                             dst_v[sl], semi[sl])

        def wait_idx(sl):
            for ref in (src_v[sl], dst_v[sl]):
                pltpu.make_async_copy(src_hbm.at[pl.ds(0, CH)], ref,
                                      semi[sl]).wait()

        def issue_gather(sl):
            pltpu.async_copy(x_hbm.at[src_v[sl]], rows_v[sl], semg[sl])

        def wait_gather(sl):
            pltpu.make_async_copy(x_hbm.at[src_v[sl]], rows_v[sl],
                                  semg[sl]).wait()

        def issue_scatter(sl):
            pltpu.async_copy(rows_v[sl], agg_sh.at[dst_v[sl]], sems[sl],
                             add=True)
            if with_deg:
                pltpu.async_copy(ones_v, deg_sh.at[dst_v[sl]], sems[sl],
                                 add=True)

        def wait_scatter(sl):
            pltpu.make_async_copy(rows_v[sl], agg_sh.at[dst_v[sl]],
                                  sems[sl]).wait()
            if with_deg:
                pltpu.make_async_copy(ones_v, deg_sh.at[dst_v[sl]],
                                      sems[sl]).wait()

        def chunk_body(i, j, drain, nxt2, nxt1):
            if drain:
                wait_scatter((j + 2) % K)
            if nxt2:
                issue_idx(i + 2, (j + 2) % K)
            if nxt1:
                wait_idx((j + 1) % K)
                issue_gather((j + 1) % K)
            wait_gather(j)
            issue_scatter(j)

        assert NCHUNK % K == 0 and NCHUNK // K >= 2
        G = NCHUNK // K
        issue_idx(0, 0)
        issue_idx(1, 1)
        wait_idx(0)
        issue_gather(0)
        for j in range(K):
            chunk_body(j, j, j + 2 >= K, True, True)

        def steady(t, _):
            for j in range(K):
                chunk_body(t * K + j, j, True, True, True)
            return _
        lax.fori_loop(1, G - 1, steady, None)

        for j in range(K):
            i = (G - 1) * K + j
            chunk_body(i, j, True, i + 2 < NCHUNK, i + 1 < NCHUNK)
        for sl in (K - 3, K - 2, K - 1):
            wait_scatter(sl)

        plsc.subcore_barrier()
        pltpu.sync_copy(agg_sh.at[pl.ds(s * RPS, RPS)],
                        agg_out.at[c, pl.ds(s * RPS, RPS)])
        if with_deg:
            pltpu.sync_copy(deg_sh.at[pl.ds(s * DPS, DPS)],
                            deg_out.at[c, pl.ds(s * DPS, DPS)])

    params = None
    if d % 128 != 0:
        params = pltpu.CompilerParams(use_tc_tiling_on_sc=False)
    return pl.kernel(body, out_type=tuple(out_type), mesh=mesh,
                     scratch_types=scratch, compiler_params=params)


EPS = E // NS


@functools.cache
def _make_sc_agg_split(d):
    mesh = plsc.VectorSubcoreMesh(core_axis_name="c", subcore_axis_name="s",
                                  num_cores=NC, num_subcores=NS)
    CH = 200
    NCHUNK = EPS // CH
    out_type = (jax.ShapeDtypeStruct((NC, NPAD, d), jnp.float32),
                jax.ShapeDtypeStruct((NC, NPAD), jnp.float32))
    scratch = (
        [pltpu.VMEM_SHARED((NPAD, d), jnp.float32)]
        + [pltpu.VMEM((CH,), jnp.int32) for _ in range(K)]
        + [pltpu.VMEM((CH,), jnp.int32) for _ in range(K)]
        + [pltpu.VMEM((CH, d), jnp.float32) for _ in range(K)]
        + [pltpu.SemaphoreType.DMA for _ in range(K)]
        + [pltpu.SemaphoreType.DMA for _ in range(K)]
        + [pltpu.SemaphoreType.DMA for _ in range(K)]
        + [pltpu.VMEM_SHARED((NPAD,), jnp.float32),
           pltpu.VMEM((DPS,), jnp.float32),
           pltpu.VMEM((CH,), jnp.float32)]
    )

    def body(x_hbm, src_hbm, dst_hbm, agg_out, deg_out, agg_sh, *rest):
        rest = list(rest)
        src_v = [rest.pop(0) for _ in range(K)]
        dst_v = [rest.pop(0) for _ in range(K)]
        rows_v = [rest.pop(0) for _ in range(K)]
        semi = [rest.pop(0) for _ in range(K)]
        semg = [rest.pop(0) for _ in range(K)]
        sems = [rest.pop(0) for _ in range(K)]
        deg_sh, zdeg, ones_v = rest
        c = lax.axis_index("c")
        s = lax.axis_index("s")

        ZR = 40
        def zfill(i, _):
            r = i // (d // 16)
            col = (i % (d // 16)) * 16
            rows_v[0][r, pl.ds(col, 16)] = jnp.zeros((16,), jnp.float32)
            return _
        lax.fori_loop(0, ZR * (d // 16), zfill, None)
        for j in range(RPS // ZR):
            pltpu.sync_copy(rows_v[0].at[pl.ds(0, ZR)],
                            agg_sh.at[pl.ds(s * RPS + j * ZR, ZR)])
        def zdfill(i, _):
            zdeg[pl.ds(i * 16, 16)] = jnp.zeros((16,), jnp.float32)
            return _
        lax.fori_loop(0, DPS // 16, zdfill, None)
        pltpu.sync_copy(zdeg, deg_sh.at[pl.ds(s * DPS, DPS)])
        offs = list(range(0, CH - 15, 16))
        if CH % 16:
            offs.append(CH - 16)
        for o in offs:
            ones_v[pl.ds(o, 16)] = jnp.ones((16,), jnp.float32)
        plsc.subcore_barrier()

        base = s * EPS

        def issue_idx(i, sl):
            pltpu.async_copy(src_hbm.at[pl.ds(base + i * CH, CH)],
                             src_v[sl], semi[sl])
            pltpu.async_copy(dst_hbm.at[pl.ds(base + i * CH, CH)],
                             dst_v[sl], semi[sl])

        def wait_idx(sl):
            for ref in (src_v[sl], dst_v[sl]):
                pltpu.make_async_copy(src_hbm.at[pl.ds(0, CH)], ref,
                                      semi[sl]).wait()

        def issue_gather(sl):
            pltpu.async_copy(x_hbm.at[c].at[src_v[sl]], rows_v[sl], semg[sl])

        def wait_gather(sl):
            pltpu.make_async_copy(x_hbm.at[c].at[src_v[sl]], rows_v[sl],
                                  semg[sl]).wait()

        def issue_scatter(sl):
            pltpu.async_copy(rows_v[sl], agg_sh.at[dst_v[sl]], sems[sl],
                             add=True)
            pltpu.async_copy(ones_v, deg_sh.at[dst_v[sl]], sems[sl],
                             add=True)

        def wait_scatter(sl):
            pltpu.make_async_copy(rows_v[sl], agg_sh.at[dst_v[sl]],
                                  sems[sl]).wait()
            pltpu.make_async_copy(ones_v, deg_sh.at[dst_v[sl]],
                                  sems[sl]).wait()

        def chunk_body(i, j, drain, nxt2, nxt1):
            if drain:
                wait_scatter((j + 2) % K)
            if nxt2:
                issue_idx(i + 2, (j + 2) % K)
            if nxt1:
                wait_idx((j + 1) % K)
                issue_gather((j + 1) % K)
            wait_gather(j)
            issue_scatter(j)

        assert NCHUNK % K == 0 and NCHUNK // K >= 2
        G = NCHUNK // K
        issue_idx(0, 0)
        issue_idx(1, 1)
        wait_idx(0)
        issue_gather(0)
        for j in range(K):
            chunk_body(j, j, j + 2 >= K, True, True)

        def steady(t, _):
            for j in range(K):
                chunk_body(t * K + j, j, True, True, True)
            return _
        lax.fori_loop(1, G - 1, steady, None)

        for j in range(K):
            i = (G - 1) * K + j
            chunk_body(i, j, True, i + 2 < NCHUNK, i + 1 < NCHUNK)
        for sl in (K - 3, K - 2, K - 1):
            wait_scatter(sl)

        plsc.subcore_barrier()
        pltpu.sync_copy(agg_sh.at[pl.ds(s * RPS, RPS)],
                        agg_out.at[c, pl.ds(s * RPS, RPS)])
        pltpu.sync_copy(deg_sh.at[pl.ds(s * DPS, DPS)],
                        deg_out.at[c, pl.ds(s * DPS, DPS)])

    params = pltpu.CompilerParams(use_tc_tiling_on_sc=False)
    return pl.kernel(body, out_type=out_type, mesh=mesh,
                     scratch_types=scratch, compiler_params=params)


BN = 2000
GRID = N // BN


def _self1_body(x_ref, ws1_ref, b1_ref, xs_ref):
    xs_ref[...] = x_ref[...] @ ws1_ref[...] + b1_ref[...]


def _dense1_body(xs_ref, p0_ref, p1_ref, deg_ref, wn1_ref,
                 ws2_ref, wn2_ref, y2_ref, z_ref, inv_ref):
    inv = 1.0 / jnp.maximum(deg_ref[0], 1.0)
    inv_ref[...] = inv
    hn = jnp.concatenate([p0_ref[0], p1_ref[0]], axis=1) * inv
    h1 = jnp.maximum(xs_ref[...] + hn @ wn1_ref[...], 0.0)
    y2_ref[...] = h1 @ wn2_ref[...]
    z_ref[...] = h1 @ ws2_ref[...]


def _dense2_body(z_ref, p0_ref, p1_ref, inv_ref, b2_ref, out_ref):
    logits = z_ref[...] + (p0_ref[0] + p1_ref[0]) * inv_ref[...] + b2_ref[...]
    m = jnp.max(logits, axis=1, keepdims=True)
    t = logits - m
    out_ref[...] = t - jnp.log(jnp.sum(jnp.exp(t), axis=1, keepdims=True))


def kernel(x, edge_index, W_self1, W_neigh1, b1, W_self2, W_neigh2, b2):
    src = edge_index[0]
    dst = edge_index[1]

    xsplit = x.reshape(N, NC, D_IN // NC).transpose(1, 0, 2)
    agg1p, degp = _make_sc_agg_split(D_IN // NC)(xsplit, src, dst)
    degp = degp.reshape(NC, NPAD, 1)

    xs = pl.pallas_call(
        _self1_body,
        grid=(GRID,),
        in_specs=[
            pl.BlockSpec((BN, D_IN), lambda i: (i, 0)),
            pl.BlockSpec((D_IN, D_HID), lambda i: (0, 0)),
            pl.BlockSpec((1, D_HID), lambda i: (0, 0)),
        ],
        out_specs=pl.BlockSpec((BN, D_HID), lambda i: (i, 0)),
        out_shape=jax.ShapeDtypeStruct((N, D_HID), jnp.float32),
    )(x, W_self1, b1.reshape(1, D_HID))

    y2, z, inv_deg = pl.pallas_call(
        _dense1_body,
        grid=(GRID,),
        in_specs=[
            pl.BlockSpec((BN, D_HID), lambda i: (i, 0)),
            pl.BlockSpec((1, BN, D_IN // NC), lambda i: (0, i, 0)),
            pl.BlockSpec((1, BN, D_IN // NC), lambda i: (1, i, 0)),
            pl.BlockSpec((1, BN, 1), lambda i: (0, i, 0)),
            pl.BlockSpec((D_IN, D_HID), lambda i: (0, 0)),
            pl.BlockSpec((D_HID, D_OUT), lambda i: (0, 0)),
            pl.BlockSpec((D_HID, D_OUT), lambda i: (0, 0)),
        ],
        out_specs=[
            pl.BlockSpec((BN, D_OUT), lambda i: (i, 0)),
            pl.BlockSpec((BN, D_OUT), lambda i: (i, 0)),
            pl.BlockSpec((BN, 1), lambda i: (i, 0)),
        ],
        out_shape=[
            jax.ShapeDtypeStruct((N, D_OUT), jnp.float32),
            jax.ShapeDtypeStruct((N, D_OUT), jnp.float32),
            jax.ShapeDtypeStruct((N, 1), jnp.float32),
        ],
    )(xs, agg1p, agg1p, degp, W_neigh1, W_self2, W_neigh2)

    (agg2p,) = _make_sc_agg(D_OUT, False)(y2, src, dst)

    out = pl.pallas_call(
        _dense2_body,
        grid=(GRID,),
        in_specs=[
            pl.BlockSpec((BN, D_OUT), lambda i: (i, 0)),
            pl.BlockSpec((1, BN, D_OUT), lambda i: (0, i, 0)),
            pl.BlockSpec((1, BN, D_OUT), lambda i: (1, i, 0)),
            pl.BlockSpec((BN, 1), lambda i: (i, 0)),
            pl.BlockSpec((1, D_OUT), lambda i: (0, 0)),
        ],
        out_specs=pl.BlockSpec((BN, D_OUT), lambda i: (i, 0)),
        out_shape=jax.ShapeDtypeStruct((N, D_OUT), jnp.float32),
    )(z, agg2p, agg2p, inv_deg, b2.reshape(1, D_OUT))

    return out

# --- scband reference (transcript-rebuilt; emitter-appended) ---
"""Pipeline reference for scband-graph-sage-16630113370270 (READ-ONLY COPY).

The authoritative reference and input builder live on the scoring server;
editing this copy changes nothing except your own understanding.
"""

import jax, jax.numpy as jnp
import numpy as np

N = 10000
E = 320000
D_IN = 128
D_HID = 128
D_OUT = 64


def setup_inputs(seed: int = 0) -> dict:
    key = jax.random.key(seed)
    ks = jax.random.split(key, 8)
    x = jax.random.normal(ks[0], (N, D_IN), dtype=jnp.float32)
    edge_index = jax.random.randint(ks[1], (2, E), 0, N)
    W_self1 = jax.random.normal(ks[2], (D_IN, D_HID), dtype=jnp.float32) * 0.05
    W_neigh1 = jax.random.normal(ks[3], (D_IN, D_HID), dtype=jnp.float32) * 0.05
    b1 = jnp.zeros((D_HID,), dtype=jnp.float32)
    W_self2 = jax.random.normal(ks[4], (D_HID, D_OUT), dtype=jnp.float32) * 0.05
    W_neigh2 = jax.random.normal(ks[5], (D_HID, D_OUT), dtype=jnp.float32) * 0.05
    b2 = jnp.zeros((D_OUT,), dtype=jnp.float32)
    return {"x": x, "edge_index": edge_index,
            "W_self1": W_self1, "W_neigh1": W_neigh1, "b1": b1,
            "W_self2": W_self2, "W_neigh2": W_neigh2, "b2": b2}


def _sage_conv(x, src, dst, W_self, W_neigh, b):
    # DGL SAGEConv, aggregator_type='mean':
    # h_neigh = mean over in-neighbors of source features (gather + scatter-add / degree)
    # rst = fc_self(h_self) + fc_neigh(h_neigh) + bias
    msgs = x[src]  # gather: [E, d]
    agg = jax.ops.segment_sum(msgs, dst, num_segments=N)  # scatter-add: [N, d]
    deg = jax.ops.segment_sum(jnp.ones((src.shape[0],), dtype=x.dtype), dst, num_segments=N)
    h_neigh = agg / jnp.maximum(deg, 1.0)[:, None]  # zero-in-degree nodes stay 0
    return x @ W_self + h_neigh @ W_neigh + b


def reference(x, edge_index, W_self1, W_neigh1, b1, W_self2, W_neigh2, b2):
    src = edge_index[0]
    dst = edge_index[1]
    h = _sage_conv(x, src, dst, W_self1, W_neigh1, b1)
    h = jax.nn.relu(h)
    # dropout is identity in eval mode
    h = _sage_conv(h, src, dst, W_self2, W_neigh2, b2)
    return jax.nn.log_softmax(h, axis=-1)

if __name__ == "__main__":
    import jax
    _d = setup_inputs()
    print(jax.jit(kernel)(*tuple(_d.values())))

</pallas_src>

<mosaic_0001>
#map = affine_map<(d0, d1) -> (0, 0)>
#map1 = affine_map<(d0, d1) -> (0)>
#map2 = affine_map<(d0, d1) -> (0, 0, 0)>
module attributes {stable_mosaic.version = 14 : i64} {
  func.func @body(%arg0: i32, %arg1: i32, %arg2: memref<10000x64xf32, #tpu.memory_space<hbm>>, %arg3: memref<320000xi32, #tpu.memory_space<hbm>>, %arg4: memref<320000xi32, #tpu.memory_space<hbm>>, %arg5: memref<2x10240x64xf32, #tpu.memory_space<hbm>>, %arg6: memref<10240x64xf32, #tpu.memory_space<vmem_shared>>, %arg7: memref<200xi32, #tpu.memory_space<vmem>>, %arg8: memref<200xi32, #tpu.memory_space<vmem>>, %arg9: memref<200xi32, #tpu.memory_space<vmem>>, %arg10: memref<200xi32, #tpu.memory_space<vmem>>, %arg11: memref<200xi32, #tpu.memory_space<vmem>>, %arg12: memref<200xi32, #tpu.memory_space<vmem>>, %arg13: memref<200xi32, #tpu.memory_space<vmem>>, %arg14: memref<200xi32, #tpu.memory_space<vmem>>, %arg15: memref<200xi32, #tpu.memory_space<vmem>>, %arg16: memref<200xi32, #tpu.memory_space<vmem>>, %arg17: memref<200x64xf32, #tpu.memory_space<vmem>>, %arg18: memref<200x64xf32, #tpu.memory_space<vmem>>, %arg19: memref<200x64xf32, #tpu.memory_space<vmem>>, %arg20: memref<200x64xf32, #tpu.memory_space<vmem>>, %arg21: memref<200x64xf32, #tpu.memory_space<vmem>>, %arg22: memref<!tpu.dma_semaphore, #tpu.memory_space<semaphore_mem>>, %arg23: memref<!tpu.dma_semaphore, #tpu.memory_space<semaphore_mem>>, %arg24: memref<!tpu.dma_semaphore, #tpu.memory_space<semaphore_mem>>, %arg25: memref<!tpu.dma_semaphore, #tpu.memory_space<semaphore_mem>>, %arg26: memref<!tpu.dma_semaphore, #tpu.memory_space<semaphore_mem>>, %arg27: memref<!tpu.dma_semaphore, #tpu.memory_space<semaphore_mem>>, %arg28: memref<!tpu.dma_semaphore, #tpu.memory_space<semaphore_mem>>, %arg29: memref<!tpu.dma_semaphore, #tpu.memory_space<semaphore_mem>>, %arg30: memref<!tpu.dma_semaphore, #tpu.memory_space<semaphore_mem>>, %arg31: memref<!tpu.dma_semaphore, #tpu.memory_space<semaphore_mem>>, %arg32: memref<!tpu.dma_semaphore, #tpu.memory_space<semaphore_mem>>, %arg33: memref<!tpu.dma_semaphore, #tpu.memory_space<semaphore_mem>>, %arg34: memref<!tpu.dma_semaphore, #tpu.memory_space<semaphore_mem>>, %arg35: memref<!tpu.dma_semaphore, #tpu.memory_space<semaphore_mem>>, %arg36: memref<!tpu.dma_semaphore, #tpu.memory_space<semaphore_mem>>) attributes {dimension_semantics = [#tpu.dimension_semantics<core_parallel>, #tpu.dimension_semantics<subcore_parallel>], iteration_bounds = array<i64: 2, 16>, scalar_prefetch = 0 : i64, scratch_operands = 31 : i64, tpu.core_type = #tpu.core_type<sc_vector_subcore>, window_params = [{transform_indices = #map}, {transform_indices = #map1}, {transform_indices = #map1}, {transform_indices = #map2}]} {
    %scan3A = arith.constant 0 : i32
    %scan3A_0 = arith.constant 160 : i32
    %scan3A_1 = arith.addi %scan3A, %scan3A_0 : i32
    %scan3A_2 = arith.constant 1 : i32
    scf.for %scan3A_359 = %scan3A to %scan3A_1 step %scan3A_2  : i32 {
      %jit3A = arith.constant 4 : i32
      %div3A = arith.divsi %scan3A_359, %jit3A : i32
      %sign3A = arith.constant 0 : i32
      %sign3A_360 = arith.cmpi sgt, %scan3A_359, %sign3A : i32
      %sign3A_361 = arith.extui %sign3A_360 : i1 to i32
      %sign3A_362 = arith.constant 0 : i32
      %sign3A_363 = arith.cmpi slt, %scan3A_359, %sign3A_362 : i32
      %sign3A_364 = arith.extui %sign3A_363 : i1 to i32
      %sign3A_365 = arith.subi %sign3A_361, %sign3A_364 : i32
      %sign3A_366 = arith.constant 0 : i32
      %sign3A_367 = arith.cmpi sgt, %jit3A, %sign3A_366 : i32
      %sign3A_368 = arith.extui %sign3A_367 : i1 to i32
      %sign3A_369 = arith.constant 0 : i32
      %sign3A_370 = arith.cmpi slt, %jit3A, %sign3A_369 : i32
      %sign3A_371 = arith.extui %sign3A_370 : i1 to i32
      %sign3A_372 = arith.subi %sign3A_368, %sign3A_371 : i32
      %ne3A = arith.cmpi ne, %sign3A_365, %sign3A_372 : i32
      %rem3A = arith.remsi %scan3A_359, %jit3A : i32
      %ne3A_373 = arith.constant 0 : i32
      %ne3A_374 = arith.cmpi ne, %rem3A, %ne3A_373 : i32
      %and3A = arith.andi %ne3A, %ne3A_374 : i1
      %sub3A = arith.constant 1 : i32
      %sub3A_375 = arith.subi %div3A, %sub3A : i32
      %select_n3A = arith.select %and3A, %sub3A_375, %div3A : i32
      %jit3A_376 = arith.constant 4 : i32
      %eq3A = arith.constant 0 : i32
      %eq3A_377 = arith.cmpi eq, %jit3A_376, %eq3A : i32
      %jit3A_378 = arith.constant 1 : i32
      %select_n3A_379 = arith.select %eq3A_377, %jit3A_378, %jit3A_376 : i32
      %rem3A_380 = arith.remsi %scan3A_359, %select_n3A_379 : i32
      %ne3A_381 = arith.constant 0 : i32
      %ne3A_382 = arith.cmpi ne, %rem3A_380, %ne3A_381 : i32
      %lt3A = arith.constant 0 : i32
      %lt3A_383 = arith.cmpi slt, %rem3A_380, %lt3A : i32
      %lt3A_384 = arith.constant 0 : i32
      %lt3A_385 = arith.cmpi slt, %select_n3A_379, %lt3A_384 : i32
      %ne3A_386 = arith.xori %lt3A_383, %lt3A_385 : i1
      %and3A_387 = arith.andi %ne3A_386, %ne3A_382 : i1
      %add3A_388 = arith.addi %rem3A_380, %select_n3A_379 : i32
      %select_n3A_389 = arith.select %and3A_387, %add3A_388, %rem3A_380 : i32
      %mul3A_390 = arith.constant 16 : i32
      %mul3A_391 = arith.muli %select_n3A_389, %mul3A_390 : i32
      %broadcast_in_dim3A = arith.constant 0.000000e+00 : f32
      %broadcast_in_dim3A_392 = vector.broadcast %broadcast_in_dim3A : f32 to vector<16xf32>
      %swap3A = arith.index_cast %select_n3A : i32 to index
      %swap3A_393 = arith.index_cast %mul3A_391 : i32 to index
      %swap3A_394 = tpu.vector_load %arg17[%swap3A, %swap3A_393] {strides = array<i32>} : memref<200x64xf32, #tpu.memory_space<vmem>>, vector<1x16xf32>,
      %swap3A_395 = vector.shape_cast %swap3A_394 : vector<1x16xf32> to vector<16xf32>
      %swap3A_396 = vector.shape_cast %broadcast_in_dim3A_392 : vector<16xf32> to vector<1x16xf32>
      tpu.vector_store %arg17[%swap3A, %swap3A_393], %swap3A_396 {strides = array<i32>} : memref<200x64xf32, #tpu.memory_space<vmem>>, vector<1x16xf32>,
    }
    %scan3A_3 = arith.constant 160 : i32
    %mul3A = arith.constant 640 : i32
    %mul3A_4 = arith.muli %arg1, %mul3A : i32
    %add3A = arith.constant 0 : i32
    %add3A_5 = arith.addi %mul3A_4, %add3A : i32
    "tpu.region"() ({
      %run_scoped3A = tpu.sem_alloc : memref<!tpu.dma_semaphore, #tpu.memory_space<semaphore_mem>>
      %dma_start3A_359 = arith.constant 0 : i32
      %dma_start3A_360 = arith.constant 0 : i32
      %dma_start3A_361 = tpu.memref_slice %arg17[%dma_start3A_359, %dma_start3A_360] : memref<200x64xf32, #tpu.memory_space<vmem>> -> memref<40x64xf32, #tpu.memory_space<vmem>>
      %dma_start3A_362 = arith.constant 0 : i32
      %dma_start3A_363 = tpu.memref_slice %arg6[%add3A_5, %dma_start3A_362] : memref<10240x64xf32, #tpu.memory_space<vmem_shared>> -> memref<40x64xf32, #tpu.memory_space<vmem_shared>>
      %dma_start3A_364 = arith.constant 0 : i32
      %dma_start3A_365 = tpu.memref_slice %arg6[%add3A_5, %dma_start3A_364] : memref<10240x64xf32, #tpu.memory_space<vmem_shared>> -> memref<40x64xf32, #tpu.memory_space<vmem_shared>>
      %dma_start3A_366 = arith.constant 0 : i32
      %dma_start3A_367 = arith.constant 0 : i32
      %dma_start3A_368 = tpu.memref_slice %arg17[%dma_start3A_366, %dma_start3A_367] : memref<200x64xf32, #tpu.memory_space<vmem>> -> memref<40x64xf32, #tpu.memory_space<vmem>>
      tpu.enqueue_dma source(%dma_start3A_368 : memref<40x64xf32, #tpu.memory_space<vmem>>) target(%dma_start3A_365 : memref<40x64xf32, #tpu.memory_space<vmem_shared>>) target_semaphore(%run_scoped3A : memref<!tpu.dma_semaphore, #tpu.memory_space<semaphore_mem>>)
      %dma_wait3A_369 = arith.constant 0 : i32
      %dma_wait3A_370 = arith.constant 0 : i32
      %dma_wait3A_371 = tpu.memref_slice %arg17[%dma_wait3A_369, %dma_wait3A_370] : memref<200x64xf32, #tpu.memory_space<vmem>> -> memref<40x64xf32, #tpu.memory_space<vmem>>
      %dma_wait3A_372 = arith.constant 0 : i32
      %dma_wait3A_373 = tpu.memref_slice %arg6[%add3A_5, %dma_wait3A_372] : memref<10240x64xf32, #tpu.memory_space<vmem_shared>> -> memref<40x64xf32, #tpu.memory_space<vmem_shared>>
      %dma_wait3A_374 = arith.constant 0 : i32
      %dma_wait3A_375 = tpu.memref_slice %arg6[%add3A_5, %dma_wait3A_374] : memref<10240x64xf32, #tpu.memory_space<vmem_shared>> -> memref<40x64xf32, #tpu.memory_space<vmem_shared>>
      %dma_wait3A_376 = arith.constant 0 : i32
      %dma_wait3A_377 = arith.constant 0 : i32
      %dma_wait3A_378 = tpu.memref_slice %arg17[%dma_wait3A_376, %dma_wait3A_377] : memref<200x64xf32, #tpu.memory_space<vmem>> -> memref<40x64xf32, #tpu.memory_space<vmem>>
      tpu.wait_dma2 semaphore(%run_scoped3A : memref<!tpu.dma_semaphore, #tpu.memory_space<semaphore_mem>>) src(%dma_wait3A_378 : memref<40x64xf32, #tpu.memory_space<vmem>>) dst(%dma_wait3A_375 : memref<40x64xf32, #tpu.memory_space<vmem_shared>>)
      tpu.yield
    }) : () -> ()
    %mul3A_6 = arith.constant 640 : i32
    %mul3A_7 = arith.muli %arg1, %mul3A_6 : i32
    %add3A_8 = arith.constant 40 : i32
    %add3A_9 = arith.addi %mul3A_7, %add3A_8 : i32
    "tpu.region"() ({
      %run_scoped3A = tpu.sem_alloc : memref<!tpu.dma_semaphore, #tpu.memory_space<semaphore_mem>>
      %dma_start3A_359 = arith.constant 0 : i32
      %dma_start3A_360 = arith.constant 0 : i32
      %dma_start3A_361 = tpu.memref_slice %arg17[%dma_start3A_359, %dma_start3A_360] : memref<200x64xf32, #tpu.memory_space<vmem>> -> memref<40x64xf32, #tpu.memory_space<vmem>>
      %dma_start3A_362 = arith.constant 0 : i32
      %dma_start3A_363 = tpu.memref_slice %arg6[%add3A_9, %dma_start3A_362] : memref<10240x64xf32, #tpu.memory_space<vmem_shared>> -> memref<40x64xf32, #tpu.memory_space<vmem_shared>>
      %dma_start3A_364 = arith.constant 0 : i32
      %dma_start3A_365 = tpu.memref_slice %arg6[%add3A_9, %dma_start3A_364] : memref<10240x64xf32, #tpu.memory_space<vmem_shared>> -> memref<40x64xf32, #tpu.memory_space<vmem_shared>>
      %dma_start3A_366 = arith.constant 0 : i32
      %dma_start3A_367 = arith.constant 0 : i32
      %dma_start3A_368 = tpu.memref_slice %arg17[%dma_start3A_366, %dma_start3A_367] : memref<200x64xf32, #tpu.memory_space<vmem>> -> memref<40x64xf32, #tpu.memory_space<vmem>>
      tpu.enqueue_dma source(%dma_start3A_368 : memref<40x64xf32, #tpu.memory_space<vmem>>) target(%dma_start3A_365 : memref<40x64xf32, #tpu.memory_space<vmem_shared>>) target_semaphore(%run_scoped3A : memref<!tpu.dma_semaphore, #tpu.memory_space<semaphore_mem>>)
      %dma_wait3A_369 = arith.constant 0 : i32
      %dma_wait3A_370 = arith.constant 0 : i32
      %dma_wait3A_371 = tpu.memref_slice %arg17[%dma_wait3A_369, %dma_wait3A_370] : memref<200x64xf32, #tpu.memory_space<vmem>> -> memref<40x64xf32, #tpu.memory_space<vmem>>
      %dma_wait3A_372 = arith.constant 0 : i32
      %dma_wait3A_373 = tpu.memref_slice %arg6[%add3A_9, %dma_wait3A_372] : memref<10240x64xf32, #tpu.memory_space<vmem_shared>> -> memref<40x64xf32, #tpu.memory_space<vmem_shared>>
      %dma_wait3A_374 = arith.constant 0 : i32
      %dma_wait3A_375 = tpu.memref_slice %arg6[%add3A_9, %dma_wait3A_374] : memref<10240x64xf32, #tpu.memory_space<vmem_shared>> -> memref<40x64xf32, #tpu.memory_space<vmem_shared>>
      %dma_wait3A_376 = arith.constant 0 : i32
      %dma_wait3A_377 = arith.constant 0 : i32
      %dma_wait3A_378 = tpu.memref_slice %arg17[%dma_wait3A_376, %dma_wait3A_377] : memref<200x64xf32, #tpu.memory_space<vmem>> -> memref<40x64xf32, #tpu.memory_space<vmem>>
      tpu.wait_dma2 semaphore(%run_scoped3A : memref<!tpu.dma_semaphore, #tpu.memory_space<semaphore_mem>>) src(%dma_wait3A_378 : memref<40x64xf32, #tpu.memory_space<vmem>>) dst(%dma_wait3A_375 : memref<40x64xf32, #tpu.memory_space<vmem_shared>>)
      tpu.yield
    }) : () -> ()
    %mul3A_10 = arith.constant 640 : i32
    %mul3A_11 = arith.muli %arg1, %mul3A_10 : i32
    %add3A_12 = arith.constant 80 : i32
    %add3A_13 = arith.addi %mul3A_11, %add3A_12 : i32
    "tpu.region"() ({
      %run_scoped3A = tpu.sem_alloc : memref<!tpu.dma_semaphore, #tpu.memory_space<semaphore_mem>>
      %dma_start3A_359 = arith.constant 0 : i32
      %dma_start3A_360 = arith.constant 0 : i32
      %dma_start3A_361 = tpu.memref_slice %arg17[%dma_start3A_359, %dma_start3A_360] : memref<200x64xf32, #tpu.memory_space<vmem>> -> memref<40x64xf32, #tpu.memory_space<vmem>>
      %dma_start3A_362 = arith.constant 0 : i32
      %dma_start3A_363 = tpu.memref_slice %arg6[%add3A_13, %dma_start3A_362] : memref<10240x64xf32, #tpu.memory_space<vmem_shared>> -> memref<40x64xf32, #tpu.memory_space<vmem_shared>>
      %dma_start3A_364 = arith.constant 0 : i32
      %dma_start3A_365 = tpu.memref_slice %arg6[%add3A_13, %dma_start3A_364] : memref<10240x64xf32, #tpu.memory_space<vmem_shared>> -> memref<40x64xf32, #tpu.memory_space<vmem_shared>>
      %dma_start3A_366 = arith.constant 0 : i32
      %dma_start3A_367 = arith.constant 0 : i32
      %dma_start3A_368 = tpu.memref_slice %arg17[%dma_start3A_366, %dma_start3A_367] : memref<200x64xf32, #tpu.memory_space<vmem>> -> memref<40x64xf32, #tpu.memory_space<vmem>>
      tpu.enqueue_dma source(%dma_start3A_368 : memref<40x64xf32, #tpu.memory_space<vmem>>) target(%dma_start3A_365 : memref<40x64xf32, #tpu.memory_space<vmem_shared>>) target_semaphore(%run_scoped3A : memref<!tpu.dma_semaphore, #tpu.memory_space<semaphore_mem>>)
      %dma_wait3A_369 = arith.constant 0 : i32
      %dma_wait3A_370 = arith.constant 0 : i32
      %dma_wait3A_371 = tpu.memref_slice %arg17[%dma_wait3A_369, %dma_wait3A_370] : memref<200x64xf32, #tpu.memory_space<vmem>> -> memref<40x64xf32, #tpu.memory_space<vmem>>
      %dma_wait3A_372 = arith.constant 0 : i32
      %dma_wait3A_373 = tpu.memref_slice %arg6[%add3A_13, %dma_wait3A_372] : memref<10240x64xf32, #tpu.memory_space<vmem_shared>> -> memref<40x64xf32, #tpu.memory_space<vmem_shared>>
      %dma_wait3A_374 = arith.constant 0 : i32
      %dma_wait3A_375 = tpu.memref_slice %arg6[%add3A_13, %dma_wait3A_374] : memref<10240x64xf32, #tpu.memory_space<vmem_shared>> -> memref<40x64xf32, #tpu.memory_space<vmem_shared>>
      %dma_wait3A_376 = arith.constant 0 : i32
      %dma_wait3A_377 = arith.constant 0 : i32
      %dma_wait3A_378 = tpu.memref_slice %arg17[%dma_wait3A_376, %dma_wait3A_377] : memref<200x64xf32, #tpu.memory_space<vmem>> -> memref<40x64xf32, #tpu.memory_space<vmem>>
      tpu.wait_dma2 semaphore(%run_scoped3A : memref<!tpu.dma_semaphore, #tpu.memory_space<semaphore_mem>>) src(%dma_wait3A_378 : memref<40x64xf32, #tpu.memory_space<vmem>>) dst(%dma_wait3A_375 : memref<40x64xf32, #tpu.memory_space<vmem_shared>>)
      tpu.yield
    }) : () -> ()
    %mul3A_14 = arith.constant 640 : i32
    %mul3A_15 = arith.muli %arg1, %mul3A_14 : i32
    %add3A_16 = arith.constant 120 : i32
    %add3A_17 = arith.addi %mul3A_15, %add3A_16 : i32
    "tpu.region"() ({
      %run_scoped3A = tpu.sem_alloc : memref<!tpu.dma_semaphore, #tpu.memory_space<semaphore_mem>>
      %dma_start3A_359 = arith.constant 0 : i32
      %dma_start3A_360 = arith.constant 0 : i32
      %dma_start3A_361 = tpu.memref_slice %arg17[%dma_start3A_359, %dma_start3A_360] : memref<200x64xf32, #tpu.memory_space<vmem>> -> memref<40x64xf32, #tpu.memory_space<vmem>>
      %dma_start3A_362 = arith.constant 0 : i32
      %dma_start3A_363 = tpu.memref_slice %arg6[%add3A_17, %dma_start3A_362] : memref<10240x64xf32, #tpu.memory_space<vmem_shared>> -> memref<40x64xf32, #tpu.memory_space<vmem_shared>>
      %dma_start3A_364 = arith.constant 0 : i32
      %dma_start3A_365 = tpu.memref_slice %arg6[%add3A_17, %dma_start3A_364] : memref<10240x64xf32, #tpu.memory_space<vmem_shared>> -> memref<40x64xf32, #tpu.memory_space<vmem_shared>>
      %dma_start3A_366 = arith.constant 0 : i32
      %dma_start3A_367 = arith.constant 0 : i32
      %dma_start3A_368 = tpu.memref_slice %arg17[%dma_start3A_366, %dma_start3A_367] : memref<200x64xf32, #tpu.memory_space<vmem>> -> memref<40x64xf32, #tpu.memory_space<vmem>>
      tpu.enqueue_dma source(%dma_start3A_368 : memref<40x64xf32, #tpu.memory_space<vmem>>) target(%dma_start3A_365 : memref<40x64xf32, #tpu.memory_space<vmem_shared>>) target_semaphore(%run_scoped3A : memref<!tpu.dma_semaphore, #tpu.memory_space<semaphore_mem>>)
      %dma_wait3A_369 = arith.constant 0 : i32
      %dma_wait3A_370 = arith.constant 0 : i32
      %dma_wait3A_371 = tpu.memref_slice %arg17[%dma_wait3A_369, %dma_wait3A_370] : memref<200x64xf32, #tpu.memory_space<vmem>> -> memref<40x64xf32, #tpu.memory_space<vmem>>
      %dma_wait3A_372 = arith.constant 0 : i32
      %dma_wait3A_373 = tpu.memref_slice %arg6[%add3A_17, %dma_wait3A_372] : memref<10240x64xf32, #tpu.memory_space<vmem_shared>> -> memref<40x64xf32, #tpu.memory_space<vmem_shared>>
      %dma_wait3A_374 = arith.constant 0 : i32
      %dma_wait3A_375 = tpu.memref_slice %arg6[%add3A_17, %dma_wait3A_374] : memref<10240x64xf32, #tpu.memory_space<vmem_shared>> -> memref<40x64xf32, #tpu.memory_space<vmem_shared>>
      %dma_wait3A_376 = arith.constant 0 : i32
      %dma_wait3A_377 = arith.constant 0 : i32
      %dma_wait3A_378 = tpu.memref_slice %arg17[%dma_wait3A_376, %dma_wait3A_377] : memref<200x64xf32, #tpu.memory_space<vmem>> -> memref<40x64xf32, #tpu.memory_space<vmem>>
      tpu.wait_dma2 semaphore(%run_scoped3A : memref<!tpu.dma_semaphore, #tpu.memory_space<semaphore_mem>>) src(%dma_wait3A_378 : memref<40x64xf32, #tpu.memory_space<vmem>>) dst(%dma_wait3A_375 : memref<40x64xf32, #tpu.memory_space<vmem_shared>>)
      tpu.yield
    }) : () -> ()
    %mul3A_18 = arith.constant 640 : i32
    %mul3A_19 = arith.muli %arg1, %mul3A_18 : i32
    %add3A_20 = arith.constant 160 : i32
    %add3A_21 = arith.addi %mul3A_19, %add3A_20 : i32
    "tpu.region"() ({
      %run_scoped3A = tpu.sem_alloc : memref<!tpu.dma_semaphore, #tpu.memory_space<semaphore_mem>>
      %dma_start3A_359 = arith.constant 0 : i32
      %dma_start3A_360 = arith.constant 0 : i32
      %dma_start3A_361 = tpu.memref_slice %arg17[%dma_start3A_359, %dma_start3A_360] : memref<200x64xf32, #tpu.memory_space<vmem>> -> memref<40x64xf32, #tpu.memory_space<vmem>>
      %dma_start3A_362 = arith.constant 0 : i32
      %dma_start3A_363 = tpu.memref_slice %arg6[%add3A_21, %dma_start3A_362] : memref<10240x64xf32, #tpu.memory_space<vmem_shared>> -> memref<40x64xf32, #tpu.memory_space<vmem_shared>>
      %dma_start3A_364 = arith.constant 0 : i32
      %dma_start3A_365 = tpu.memref_slice %arg6[%add3A_21, %dma_start3A_364] : memref<10240x64xf32, #tpu.memory_space<vmem_shared>> -> memref<40x64xf32, #tpu.memory_space<vmem_shared>>
      %dma_start3A_366 = arith.constant 0 : i32
      %dma_start3A_367 = arith.constant 0 : i32
      %dma_start3A_368 = tpu.memref_slice %arg17[%dma_start3A_366, %dma_start3A_367] : memref<200x64xf32, #tpu.memory_space<vmem>> -> memref<40x64xf32, #tpu.memory_space<vmem>>
      tpu.enqueue_dma source(%dma_start3A_368 : memref<40x64xf32, #tpu.memory_space<vmem>>) target(%dma_start3A_365 : memref<40x64xf32, #tpu.memory_space<vmem_shared>>) target_semaphore(%run_scoped3A : memref<!tpu.dma_semaphore, #tpu.memory_space<semaphore_mem>>)
      %dma_wait3A_369 = arith.constant 0 : i32
      %dma_wait3A_370 = arith.constant 0 : i32
      %dma_wait3A_371 = tpu.memref_slice %arg17[%dma_wait3A_369, %dma_wait3A_370] : memref<200x64xf32, #tpu.memory_space<vmem>> -> memref<40x64xf32, #tpu.memory_space<vmem>>
      %dma_wait3A_372 = arith.constant 0 : i32
      %dma_wait3A_373 = tpu.memref_slice %arg6[%add3A_21, %dma_wait3A_372] : memref<10240x64xf32, #tpu.memory_space<vmem_shared>> -> memref<40x64xf32, #tpu.memory_space<vmem_shared>>
      %dma_wait3A_374 = arith.constant 0 : i32
      %dma_wait3A_375 = tpu.memref_slice %arg6[%add3A_21, %dma_wait3A_374] : memref<10240x64xf32, #tpu.memory_space<vmem_shared>> -> memref<40x64xf32, #tpu.memory_space<vmem_shared>>
      %dma_wait3A_376 = arith.constant 0 : i32
      %dma_wait3A_377 = arith.constant 0 : i32
      %dma_wait3A_378 = tpu.memref_slice %arg17[%dma_wait3A_376, %dma_wait3A_377] : memref<200x64xf32, #tpu.memory_space<vmem>> -> memref<40x64xf32, #tpu.memory_space<vmem>>
      tpu.wait_dma2 semaphore(%run_scoped3A : memref<!tpu.dma_semaphore, #tpu.memory_space<semaphore_mem>>) src(%dma_wait3A_378 : memref<40x64xf32, #tpu.memory_space<vmem>>) dst(%dma_wait3A_375 : memref<40x64xf32, #tpu.memory_space<vmem_shared>>)
      tpu.yield
    }) : () -> ()
    %mul3A_22 = arith.constant 640 : i32
    %mul3A_23 = arith.muli %arg1, %mul3A_22 : i32
    %add3A_24 = arith.constant 200 : i32
    %add3A_25 = arith.addi %mul3A_23, %add3A_24 : i32
    "tpu.region"() ({
      %run_scoped3A = tpu.sem_alloc : memref<!tpu.dma_semaphore, #tpu.memory_space<semaphore_mem>>
      %dma_start3A_359 = arith.constant 0 : i32
      %dma_start3A_360 = arith.constant 0 : i32
      %dma_start3A_361 = tpu.memref_slice %arg17[%dma_start3A_359, %dma_start3A_360] : memref<200x64xf32, #tpu.memory_space<vmem>> -> memref<40x64xf32, #tpu.memory_space<vmem>>
      %dma_start3A_362 = arith.constant 0 : i32
      %dma_start3A_363 = tpu.memref_slice %arg6[%add3A_25, %dma_start3A_362] : memref<10240x64xf32, #tpu.memory_space<vmem_shared>> -> memref<40x64xf32, #tpu.memory_space<vmem_shared>>
      %dma_start3A_364 = arith.constant 0 : i32
      %dma_start3A_365 = tpu.memref_slice %arg6[%add3A_25, %dma_start3A_364] : memref<10240x64xf32, #tpu.memory_space<vmem_shared>> -> memref<40x64xf32, #tpu.memory_space<vmem_shared>>
      %dma_start3A_366 = arith.constant 0 : i32
      %dma_start3A_367 = arith.constant 0 : i32
      %dma_start3A_368 = tpu.memref_slice %arg17[%dma_start3A_366, %dma_start3A_367] : memref<200x64xf32, #tpu.memory_space<vmem>> -> memref<40x64xf32, #tpu.memory_space<vmem>>
      tpu.enqueue_dma source(%dma_start3A_368 : memref<40x64xf32, #tpu.memory_space<vmem>>) target(%dma_start3A_365 : memref<40x64xf32, #tpu.memory_space<vmem_shared>>) target_semaphore(%run_scoped3A : memref<!tpu.dma_semaphore, #tpu.memory_space<semaphore_mem>>)
      %dma_wait3A_369 = arith.constant 0 : i32
      %dma_wait3A_370 = arith.constant 0 : i32
      %dma_wait3A_371 = tpu.memref_slice %arg17[%dma_wait3A_369, %dma_wait3A_370] : memref<200x64xf32, #tpu.memory_space<vmem>> -> memref<40x64xf32, #tpu.memory_space<vmem>>
      %dma_wait3A_372 = arith.constant 0 : i32
      %dma_wait3A_373 = tpu.memref_slice %arg6[%add3A_25, %dma_wait3A_372] : memref<10240x64xf32, #tpu.memory_space<vmem_shared>> -> memref<40x64xf32, #tpu.memory_space<vmem_shared>>
      %dma_wait3A_374 = arith.constant 0 : i32
      %dma_wait3A_375 = tpu.memref_slice %arg6[%add3A_25, %dma_wait3A_374] : memref<10240x64xf32, #tpu.memory_space<vmem_shared>> -> memref<40x64xf32, #tpu.memory_space<vmem_shared>>
      %dma_wait3A_376 = arith.constant 0 : i32
      %dma_wait3A_377 = arith.constant 0 : i32
      %dma_wait3A_378 = tpu.memref_slice %arg17[%dma_wait3A_376, %dma_wait3A_377] : memref<200x64xf32, #tpu.memory_space<vmem>> -> memref<40x64xf32, #tpu.memory_space<vmem>>
      tpu.wait_dma2 semaphore(%run_scoped3A : memref<!tpu.dma_semaphore, #tpu.memory_space<semaphore_mem>>) src(%dma_wait3A_378 : memref<40x64xf32, #tpu.memory_space<vmem>>) dst(%dma_wait3A_375 : memref<40x64xf32, #tpu.memory_space<vmem_shared>>)
      tpu.yield
    }) : () -> ()
    %mul3A_26 = arith.constant 640 : i32
    %mul3A_27 = arith.muli %arg1, %mul3A_26 : i32
    %add3A_28 = arith.constant 240 : i32
    %add3A_29 = arith.addi %mul3A_27, %add3A_28 : i32
    "tpu.region"() ({
      %run_scoped3A = tpu.sem_alloc : memref<!tpu.dma_semaphore, #tpu.memory_space<semaphore_mem>>
      %dma_start3A_359 = arith.constant 0 : i32
      %dma_start3A_360 = arith.constant 0 : i32
      %dma_start3A_361 = tpu.memref_slice %arg17[%dma_start3A_359, %dma_start3A_360] : memref<200x64xf32, #tpu.memory_space<vmem>> -> memref<40x64xf32, #tpu.memory_space<vmem>>
      %dma_start3A_362 = arith.constant 0 : i32
      %dma_start3A_363 = tpu.memref_slice %arg6[%add3A_29, %dma_start3A_362] : memref<10240x64xf32, #tpu.memory_space<vmem_shared>> -> memref<40x64xf32, #tpu.memory_space<vmem_shared>>
      %dma_start3A_364 = arith.constant 0 : i32
      %dma_start3A_365 = tpu.memref_slice %arg6[%add3A_29, %dma_start3A_364] : memref<10240x64xf32, #tpu.memory_space<vmem_shared>> -> memref<40x64xf32, #tpu.memory_space<vmem_shared>>
      %dma_start3A_366 = arith.constant 0 : i32
      %dma_start3A_367 = arith.constant 0 : i32
      %dma_start3A_368 = tpu.memref_slice %arg17[%dma_start3A_366, %dma_start3A_367] : memref<200x64xf32, #tpu.memory_space<vmem>> -> memref<40x64xf32, #tpu.memory_space<vmem>>
      tpu.enqueue_dma source(%dma_start3A_368 : memref<40x64xf32, #tpu.memory_space<vmem>>) target(%dma_start3A_365 : memref<40x64xf32, #tpu.memory_space<vmem_shared>>) target_semaphore(%run_scoped3A : memref<!tpu.dma_semaphore, #tpu.memory_space<semaphore_mem>>)
      %dma_wait3A_369 = arith.constant 0 : i32
      %dma_wait3A_370 = arith.constant 0 : i32
      %dma_wait3A_371 = tpu.memref_slice %arg17[%dma_wait3A_369, %dma_wait3A_370] : memref<200x64xf32, #tpu.memory_space<vmem>> -> memref<40x64xf32, #tpu.memory_space<vmem>>
      %dma_wait3A_372 = arith.constant 0 : i32
      %dma_wait3A_373 = tpu.memref_slice %arg6[%add3A_29, %dma_wait3A_372] : memref<10240x64xf32, #tpu.memory_space<vmem_shared>> -> memref<40x64xf32, #tpu.memory_space<vmem_shared>>
      %dma_wait3A_374 = arith.constant 0 : i32
      %dma_wait3A_375 = tpu.memref_slice %arg6[%add3A_29, %dma_wait3A_374] : memref<10240x64xf32, #tpu.memory_space<vmem_shared>> -> memref<40x64xf32, #tpu.memory_space<vmem_shared>>
      %dma_wait3A_376 = arith.constant 0 : i32
      %dma_wait3A_377 = arith.constant 0 : i32
      %dma_wait3A_378 = tpu.memref_slice %arg17[%dma_wait3A_376, %dma_wait3A_377] : memref<200x64xf32, #tpu.memory_space<vmem>> -> memref<40x64xf32, #tpu.memory_space<vmem>>
      tpu.wait_dma2 semaphore(%run_scoped3A : memref<!tpu.dma_semaphore, #tpu.memory_space<semaphore_mem>>) src(%dma_wait3A_378 : memref<40x64xf32, #tpu.memory_space<vmem>>) dst(%dma_wait3A_375 : memref<40x64xf32, #tpu.memory_space<vmem_shared>>)
      tpu.yield
    }) : () -> ()
    %mul3A_30 = arith.constant 640 : i32
    %mul3A_31 = arith.muli %arg1, %mul3A_30 : i32
    %add3A_32 = arith.constant 280 : i32
    %add3A_33 = arith.addi %mul3A_31, %add3A_32 : i32
    "tpu.region"() ({
      %run_scoped3A = tpu.sem_alloc : memref<!tpu.dma_semaphore, #tpu.memory_space<semaphore_mem>>
      %dma_start3A_359 = arith.constant 0 : i32
      %dma_start3A_360 = arith.constant 0 : i32
      %dma_start3A_361 = tpu.memref_slice %arg17[%dma_start3A_359, %dma_start3A_360] : memref<200x64xf32, #tpu.memory_space<vmem>> -> memref<40x64xf32, #tpu.memory_space<vmem>>
      %dma_start3A_362 = arith.constant 0 : i32
      %dma_start3A_363 = tpu.memref_slice %arg6[%add3A_33, %dma_start3A_362] : memref<10240x64xf32, #tpu.memory_space<vmem_shared>> -> memref<40x64xf32, #tpu.memory_space<vmem_shared>>
      %dma_start3A_364 = arith.constant 0 : i32
      %dma_start3A_365 = tpu.memref_slice %arg6[%add3A_33, %dma_start3A_364] : memref<10240x64xf32, #tpu.memory_space<vmem_shared>> -> memref<40x64xf32, #tpu.memory_space<vmem_shared>>
      %dma_start3A_366 = arith.constant 0 : i32
      %dma_start3A_367 = arith.constant 0 : i32
      %dma_start3A_368 = tpu.memref_slice %arg17[%dma_start3A_366, %dma_start3A_367] : memref<200x64xf32, #tpu.memory_space<vmem>> -> memref<40x64xf32, #tpu.memory_space<vmem>>
      tpu.enqueue_dma source(%dma_start3A_368 : memref<40x64xf32, #tpu.memory_space<vmem>>) target(%dma_start3A_365 : memref<40x64xf32, #tpu.memory_space<vmem_shared>>) target_semaphore(%run_scoped3A : memref<!tpu.dma_semaphore, #tpu.memory_space<semaphore_mem>>)
      %dma_wait3A_369 = arith.constant 0 : i32
      %dma_wait3A_370 = arith.constant 0 : i32
      %dma_wait3A_371 = tpu.memref_slice %arg17[%dma_wait3A_369, %dma_wait3A_370] : memref<200x64xf32, #tpu.memory_space<vmem>> -> memref<40x64xf32, #tpu.memory_space<vmem>>
      %dma_wait3A_372 = arith.constant 0 : i32
      %dma_wait3A_373 = tpu.memref_slice %arg6[%add3A_33, %dma_wait3A_372] : memref<10240x64xf32, #tpu.memory_space<vmem_shared>> -> memref<40x64xf32, #tpu.memory_space<vmem_shared>>
      %dma_wait3A_374 = arith.constant 0 : i32
      %dma_wait3A_375 = tpu.memref_slice %arg6[%add3A_33, %dma_wait3A_374] : memref<10240x64xf32, #tpu.memory_space<vmem_shared>> -> memref<40x64xf32, #tpu.memory_space<vmem_shared>>
      %dma_wait3A_376 = arith.constant 0 : i32
      %dma_wait3A_377 = arith.constant 0 : i32
      %dma_wait3A_378 = tpu.memref_slice %arg17[%dma_wait3A_376, %dma_wait3A_377] : memref<200x64xf32, #tpu.memory_space<vmem>> -> memref<40x64xf32, #tpu.memory_space<vmem>>
      tpu.wait_dma2 semaphore(%run_scoped3A : memref<!tpu.dma_semaphore, #tpu.memory_space<semaphore_mem>>) src(%dma_wait3A_378 : memref<40x64xf32, #tpu.memory_space<vmem>>) dst(%dma_wait3A_375 : memref<40x64xf32, #tpu.memory_space<vmem_shared>>)
      tpu.yield
    }) : () -> ()
    %mul3A_34 = arith.constant 640 : i32
    %mul3A_35 = arith.muli %arg1, %mul3A_34 : i32
    %add3A_36 = arith.constant 320 : i32
    %add3A_37 = arith.addi %mul3A_35, %add3A_36 : i32
    "tpu.region"() ({
      %run_scoped3A = tpu.sem_alloc : memref<!tpu.dma_semaphore, #tpu.memory_space<semaphore_mem>>
      %dma_start3A_359 = arith.constant 0 : i32
      %dma_start3A_360 = arith.constant 0 : i32
      %dma_start3A_361 = tpu.memref_slice %arg17[%dma_start3A_359, %dma_start3A_360] : memref<200x64xf32, #tpu.memory_space<vmem>> -> memref<40x64xf32, #tpu.memory_space<vmem>>
      %dma_start3A_362 = arith.constant 0 : i32
      %dma_start3A_363 = tpu.memref_slice %arg6[%add3A_37, %dma_start3A_362] : memref<10240x64xf32, #tpu.memory_space<vmem_shared>> -> memref<40x64xf32, #tpu.memory_space<vmem_shared>>
      %dma_start3A_364 = arith.constant 0 : i32
      %dma_start3A_365 = tpu.memref_slice %arg6[%add3A_37, %dma_start3A_364] : memref<10240x64xf32, #tpu.memory_space<vmem_shared>> -> memref<40x64xf32, #tpu.memory_space<vmem_shared>>
      %dma_start3A_366 = arith.constant 0 : i32
      %dma_start3A_367 = arith.constant 0 : i32
      %dma_start3A_368 = tpu.memref_slice %arg17[%dma_start3A_366, %dma_start3A_367] : memref<200x64xf32, #tpu.memory_space<vmem>> -> memref<40x64xf32, #tpu.memory_space<vmem>>
      tpu.enqueue_dma source(%dma_start3A_368 : memref<40x64xf32, #tpu.memory_space<vmem>>) target(%dma_start3A_365 : memref<40x64xf32, #tpu.memory_space<vmem_shared>>) target_semaphore(%run_scoped3A : memref<!tpu.dma_semaphore, #tpu.memory_space<semaphore_mem>>)
      %dma_wait3A_369 = arith.constant 0 : i32
      %dma_wait3A_370 = arith.constant 0 : i32
      %dma_wait3A_371 = tpu.memref_slice %arg17[%dma_wait3A_369, %dma_wait3A_370] : memref<200x64xf32, #tpu.memory_space<vmem>> -> memref<40x64xf32, #tpu.memory_space<vmem>>
      %dma_wait3A_372 = arith.constant 0 : i32
      %dma_wait3A_373 = tpu.memref_slice %arg6[%add3A_37, %dma_wait3A_372] : memref<10240x64xf32, #tpu.memory_space<vmem_shared>> -> memref<40x64xf32, #tpu.memory_space<vmem_shared>>
      %dma_wait3A_374 = arith.constant 0 : i32
      %dma_wait3A_375 = tpu.memref_slice %arg6[%add3A_37, %dma_wait3A_374] : memref<10240x64xf32, #tpu.memory_space<vmem_shared>> -> memref<40x64xf32, #tpu.memory_space<vmem_shared>>
      %dma_wait3A_376 = arith.constant 0 : i32
      %dma_wait3A_377 = arith.constant 0 : i32
      %dma_wait3A_378 = tpu.memref_slice %arg17[%dma_wait3A_376, %dma_wait3A_377] : memref<200x64xf32, #tpu.memory_space<vmem>> -> memref<40x64xf32, #tpu.memory_space<vmem>>
      tpu.wait_dma2 semaphore(%run_scoped3A : memref<!tpu.dma_semaphore, #tpu.memory_space<semaphore_mem>>) src(%dma_wait3A_378 : memref<40x64xf32, #tpu.memory_space<vmem>>) dst(%dma_wait3A_375 : memref<40x64xf32, #tpu.memory_space<vmem_shared>>)
      tpu.yield
    }) : () -> ()
    %mul3A_38 = arith.constant 640 : i32
    %mul3A_39 = arith.muli %arg1, %mul3A_38 : i32
    %add3A_40 = arith.constant 360 : i32
    %add3A_41 = arith.addi %mul3A_39, %add3A_40 : i32
    "tpu.region"() ({
      %run_scoped3A = tpu.sem_alloc : memref<!tpu.dma_semaphore, #tpu.memory_space<semaphore_mem>>
      %dma_start3A_359 = arith.constant 0 : i32
      %dma_start3A_360 = arith.constant 0 : i32
      %dma_start3A_361 = tpu.memref_slice %arg17[%dma_start3A_359, %dma_start3A_360] : memref<200x64xf32, #tpu.memory_space<vmem>> -> memref<40x64xf32, #tpu.memory_space<vmem>>
      %dma_start3A_362 = arith.constant 0 : i32
      %dma_start3A_363 = tpu.memref_slice %arg6[%add3A_41, %dma_start3A_362] : memref<10240x64xf32, #tpu.memory_space<vmem_shared>> -> memref<40x64xf32, #tpu.memory_space<vmem_shared>>
      %dma_start3A_364 = arith.constant 0 : i32
      %dma_start3A_365 = tpu.memref_slice %arg6[%add3A_41, %dma_start3A_364] : memref<10240x64xf32, #tpu.memory_space<vmem_shared>> -> memref<40x64xf32, #tpu.memory_space<vmem_shared>>
      %dma_start3A_366 = arith.constant 0 : i32
      %dma_start3A_367 = arith.constant 0 : i32
      %dma_start3A_368 = tpu.memref_slice %arg17[%dma_start3A_366, %dma_start3A_367] : memref<200x64xf32, #tpu.memory_space<vmem>> -> memref<40x64xf32, #tpu.memory_space<vmem>>
      tpu.enqueue_dma source(%dma_start3A_368 : memref<40x64xf32, #tpu.memory_space<vmem>>) target(%dma_start3A_365 : memref<40x64xf32, #tpu.memory_space<vmem_shared>>) target_semaphore(%run_scoped3A : memref<!tpu.dma_semaphore, #tpu.memory_space<semaphore_mem>>)
      %dma_wait3A_369 = arith.constant 0 : i32
      %dma_wait3A_370 = arith.constant 0 : i32
      %dma_wait3A_371 = tpu.memref_slice %arg17[%dma_wait3A_369, %dma_wait3A_370] : memref<200x64xf32, #tpu.memory_space<vmem>> -> memref<40x64xf32, #tpu.memory_space<vmem>>
      %dma_wait3A_372 = arith.constant 0 : i32
      %dma_wait3A_373 = tpu.memref_slice %arg6[%add3A_41, %dma_wait3A_372] : memref<10240x64xf32, #tpu.memory_space<vmem_shared>> -> memref<40x64xf32, #tpu.memory_space<vmem_shared>>
      %dma_wait3A_374 = arith.constant 0 : i32
      %dma_wait3A_375 = tpu.memref_slice %arg6[%add3A_41, %dma_wait3A_374] : memref<10240x64xf32, #tpu.memory_space<vmem_shared>> -> memref<40x64xf32, #tpu.memory_space<vmem_shared>>
      %dma_wait3A_376 = arith.constant 0 : i32
      %dma_wait3A_377 = arith.constant 0 : i32
      %dma_wait3A_378 = tpu.memref_slice %arg17[%dma_wait3A_376, %dma_wait3A_377] : memref<200x64xf32, #tpu.memory_space<vmem>> -> memref<40x64xf32, #tpu.memory_space<vmem>>
      tpu.wait_dma2 semaphore(%run_scoped3A : memref<!tpu.dma_semaphore, #tpu.memory_space<semaphore_mem>>) src(%dma_wait3A_378 : memref<40x64xf32, #tpu.memory_space<vmem>>) dst(%dma_wait3A_375 : memref<40x64xf32, #tpu.memory_space<vmem_shared>>)
      tpu.yield
    }) : () -> ()
    %mul3A_42 = arith.constant 640 : i32
    %mul3A_43 = arith.muli %arg1, %mul3A_42 : i32
    %add3A_44 = arith.constant 400 : i32
    %add3A_45 = arith.addi %mul3A_43, %add3A_44 : i32
    "tpu.region"() ({
      %run_scoped3A = tpu.sem_alloc : memref<!tpu.dma_semaphore, #tpu.memory_space<semaphore_mem>>
      %dma_start3A_359 = arith.constant 0 : i32
      %dma_start3A_360 = arith.constant 0 : i32
      %dma_start3A_361 = tpu.memref_slice %arg17[%dma_start3A_359, %dma_start3A_360] : memref<200x64xf32, #tpu.memory_space<vmem>> -> memref<40x64xf32, #tpu.memory_space<vmem>>
      %dma_start3A_362 = arith.constant 0 : i32
      %dma_start3A_363 = tpu.memref_slice %arg6[%add3A_45, %dma_start3A_362] : memref<10240x64xf32, #tpu.memory_space<vmem_shared>> -> memref<40x64xf32, #tpu.memory_space<vmem_shared>>
      %dma_start3A_364 = arith.constant 0 : i32
      %dma_start3A_365 = tpu.memref_slice %arg6[%add3A_45, %dma_start3A_364] : memref<10240x64xf32, #tpu.memory_space<vmem_shared>> -> memref<40x64xf32, #tpu.memory_space<vmem_shared>>
      %dma_start3A_366 = arith.constant 0 : i32
      %dma_start3A_367 = arith.constant 0 : i32
      %dma_start3A_368 = tpu.memref_slice %arg17[%dma_start3A_366, %dma_start3A_367] : memref<200x64xf32, #tpu.memory_space<vmem>> -> memref<40x64xf32, #tpu.memory_space<vmem>>
      tpu.enqueue_dma source(%dma_start3A_368 : memref<40x64xf32, #tpu.memory_space<vmem>>) target(%dma_start3A_365 : memref<40x64xf32, #tpu.memory_space<vmem_shared>>) target_semaphore(%run_scoped3A : memref<!tpu.dma_semaphore, #tpu.memory_space<semaphore_mem>>)
      %dma_wait3A_369 = arith.constant 0 : i32
      %dma_wait3A_370 = arith.constant 0 : i32
      %dma_wait3A_371 = tpu.memref_slice %arg17[%dma_wait3A_369, %dma_wait3A_370] : memref<200x64xf32, #tpu.memory_space<vmem>> -> memref<40x64xf32, #tpu.memory_space<vmem>>
      %dma_wait3A_372 = arith.constant 0 : i32
      %dma_wait3A_373 = tpu.memref_slice %arg6[%add3A_45, %dma_wait3A_372] : memref<10240x64xf32, #tpu.memory_space<vmem_shared>> -> memref<40x64xf32, #tpu.memory_space<vmem_shared>>
      %dma_wait3A_374 = arith.constant 0 : i32
      %dma_wait3A_375 = tpu.memref_slice %arg6[%add3A_45, %dma_wait3A_374] : memref<10240x64xf32, #tpu.memory_space<vmem_shared>> -> memref<40x64xf32, #tpu.memory_space<vmem_shared>>
      %dma_wait3A_376 = arith.constant 0 : i32
      %dma_wait3A_377 = arith.constant 0 : i32
      %dma_wait3A_378 = tpu.memref_slice %arg17[%dma_wait3A_376, %dma_wait3A_377] : memref<200x64xf32, #tpu.memory_space<vmem>> -> memref<40x64xf32, #tpu.memory_space<vmem>>
      tpu.wait_dma2 semaphore(%run_scoped3A : memref<!tpu.dma_semaphore, #tpu.memory_space<semaphore_mem>>) src(%dma_wait3A_378 : memref<40x64xf32, #tpu.memory_space<vmem>>) dst(%dma_wait3A_375 : memref<40x64xf32, #tpu.memory_space<vmem_shared>>)
      tpu.yield
    }) : () -> ()
    %mul3A_46 = arith.constant 640 : i32
    %mul3A_47 = arith.muli %arg1, %mul3A_46 : i32
    %add3A_48 = arith.constant 440 : i32
    %add3A_49 = arith.addi %mul3A_47, %add3A_48 : i32
    "tpu.region"() ({
      %run_scoped3A = tpu.sem_alloc : memref<!tpu.dma_semaphore, #tpu.memory_space<semaphore_mem>>
      %dma_start3A_359 = arith.constant 0 : i32
      %dma_start3A_360 = arith.constant 0 : i32
      %dma_start3A_361 = tpu.memref_slice %arg17[%dma_start3A_359, %dma_start3A_360] : memref<200x64xf32, #tpu.memory_space<vmem>> -> memref<40x64xf32, #tpu.memory_space<vmem>>
      %dma_start3A_362 = arith.constant 0 : i32
      %dma_start3A_363 = tpu.memref_slice %arg6[%add3A_49, %dma_start3A_362] : memref<10240x64xf32, #tpu.memory_space<vmem_shared>> -> memref<40x64xf32, #tpu.memory_space<vmem_shared>>
      %dma_start3A_364 = arith.constant 0 : i32
      %dma_start3A_365 = tpu.memref_slice %arg6[%add3A_49, %dma_start3A_364] : memref<10240x64xf32, #tpu.memory_space<vmem_shared>> -> memref<40x64xf32, #tpu.memory_space<vmem_shared>>
      %dma_start3A_366 = arith.constant 0 : i32
      %dma_start3A_367 = arith.constant 0 : i32
      %dma_start3A_368 = tpu.memref_slice %arg17[%dma_start3A_366, %dma_start3A_367] : memref<200x64xf32, #tpu.memory_space<vmem>> -> memref<40x64xf32, #tpu.memory_space<vmem>>
      tpu.enqueue_dma source(%dma_start3A_368 : memref<40x64xf32, #tpu.memory_space<vmem>>) target(%dma_start3A_365 : memref<40x64xf32, #tpu.memory_space<vmem_shared>>) target_semaphore(%run_scoped3A : memref<!tpu.dma_semaphore, #tpu.memory_space<semaphore_mem>>)
      %dma_wait3A_369 = arith.constant 0 : i32
      %dma_wait3A_370 = arith.constant 0 : i32
      %dma_wait3A_371 = tpu.memref_slice %arg17[%dma_wait3A_369, %dma_wait3A_370] : memref<200x64xf32, #tpu.memory_space<vmem>> -> memref<40x64xf32, #tpu.memory_space<vmem>>
      %dma_wait3A_372 = arith.constant 0 : i32
      %dma_wait3A_373 = tpu.memref_slice %arg6[%add3A_49, %dma_wait3A_372] : memref<10240x64xf32, #tpu.memory_space<vmem_shared>> -> memref<40x64xf32, #tpu.memory_space<vmem_shared>>
      %dma_wait3A_374 = arith.constant 0 : i32
      %dma_wait3A_375 = tpu.memref_slice %arg6[%add3A_49, %dma_wait3A_374] : memref<10240x64xf32, #tpu.memory_space<vmem_shared>> -> memref<40x64xf32, #tpu.memory_space<vmem_shared>>
      %dma_wait3A_376 = arith.constant 0 : i32
      %dma_wait3A_377 = arith.constant 0 : i32
      %dma_wait3A_378 = tpu.memref_slice %arg17[%dma_wait3A_376, %dma_wait3A_377] : memref<200x64xf32, #tpu.memory_space<vmem>> -> memref<40x64xf32, #tpu.memory_space<vmem>>
      tpu.wait_dma2 semaphore(%run_scoped3A : memref<!tpu.dma_semaphore, #tpu.memory_space<semaphore_mem>>) src(%dma_wait3A_378 : memref<40x64xf32, #tpu.memory_space<vmem>>) dst(%dma_wait3A_375 : memref<40x64xf32, #tpu.memory_space<vmem_shared>>)
      tpu.yield
    }) : () -> ()
    %mul3A_50 = arith.constant 640 : i32
    %mul3A_51 = arith.muli %arg1, %mul3A_50 : i32
    %add3A_52 = arith.constant 480 : i32
    %add3A_53 = arith.addi %mul3A_51, %add3A_52 : i32
    "tpu.region"() ({
      %run_scoped3A = tpu.sem_alloc : memref<!tpu.dma_semaphore, #tpu.memory_space<semaphore_mem>>
      %dma_start3A_359 = arith.constant 0 : i32
      %dma_start3A_360 = arith.constant 0 : i32
      %dma_start3A_361 = tpu.memref_slice %arg17[%dma_start3A_359, %dma_start3A_360] : memref<200x64xf32, #tpu.memory_space<vmem>> -> memref<40x64xf32, #tpu.memory_space<vmem>>
      %dma_start3A_362 = arith.constant 0 : i32
      %dma_start3A_363 = tpu.memref_slice %arg6[%add3A_53, %dma_start3A_362] : memref<10240x64xf32, #tpu.memory_space<vmem_shared>> -> memref<40x64xf32, #tpu.memory_space<vmem_shared>>
      %dma_start3A_364 = arith.constant 0 : i32
      %dma_start3A_365 = tpu.memref_slice %arg6[%add3A_53, %dma_start3A_364] : memref<10240x64xf32, #tpu.memory_space<vmem_shared>> -> memref<40x64xf32, #tpu.memory_space<vmem_shared>>
      %dma_start3A_366 = arith.constant 0 : i32
      %dma_start3A_367 = arith.constant 0 : i32
      %dma_start3A_368 = tpu.memref_slice %arg17[%dma_start3A_366, %dma_start3A_367] : memref<200x64xf32, #tpu.memory_space<vmem>> -> memref<40x64xf32, #tpu.memory_space<vmem>>
      tpu.enqueue_dma source(%dma_start3A_368 : memref<40x64xf32, #tpu.memory_space<vmem>>) target(%dma_start3A_365 : memref<40x64xf32, #tpu.memory_space<vmem_shared>>) target_semaphore(%run_scoped3A : memref<!tpu.dma_semaphore, #tpu.memory_space<semaphore_mem>>)
      %dma_wait3A_369 = arith.constant 0 : i32
      %dma_wait3A_370 = arith.constant 0 : i32
      %dma_wait3A_371 = tpu.memref_slice %arg17[%dma_wait3A_369, %dma_wait3A_370] : memref<200x64xf32, #tpu.memory_space<vmem>> -> memref<40x64xf32, #tpu.memory_space<vmem>>
      %dma_wait3A_372 = arith.constant 0 : i32
      %dma_wait3A_373 = tpu.memref_slice %arg6[%add3A_53, %dma_wait3A_372] : memref<10240x64xf32, #tpu.memory_space<vmem_shared>> -> memref<40x64xf32, #tpu.memory_space<vmem_shared>>
      %dma_wait3A_374 = arith.constant 0 : i32
      %dma_wait3A_375 = tpu.memref_slice %arg6[%add3A_53, %dma_wait3A_374] : memref<10240x64xf32, #tpu.memory_space<vmem_shared>> -> memref<40x64xf32, #tpu.memory_space<vmem_shared>>
      %dma_wait3A_376 = arith.constant 0 : i32
      %dma_wait3A_377 = arith.constant 0 : i32
      %dma_wait3A_378 = tpu.memref_slice %arg17[%dma_wait3A_376, %dma_wait3A_377] : memref<200x64xf32, #tpu.memory_space<vmem>> -> memref<40x64xf32, #tpu.memory_space<vmem>>
      tpu.wait_dma2 semaphore(%run_scoped3A : memref<!tpu.dma_semaphore, #tpu.memory_space<semaphore_mem>>) src(%dma_wait3A_378 : memref<40x64xf32, #tpu.memory_space<vmem>>) dst(%dma_wait3A_375 : memref<40x64xf32, #tpu.memory_space<vmem_shared>>)
      tpu.yield
    }) : () -> ()
    %mul3A_54 = arith.constant 640 : i32
    %mul3A_55 = arith.muli %arg1, %mul3A_54 : i32
    %add3A_56 = arith.constant 520 : i32
    %add3A_57 = arith.addi %mul3A_55, %add3A_56 : i32
    "tpu.region"() ({
      %run_scoped3A = tpu.sem_alloc : memref<!tpu.dma_semaphore, #tpu.memory_space<semaphore_mem>>
      %dma_start3A_359 = arith.constant 0 : i32
      %dma_start3A_360 = arith.constant 0 : i32
      %dma_start3A_361 = tpu.memref_slice %arg17[%dma_start3A_359, %dma_start3A_360] : memref<200x64xf32, #tpu.memory_space<vmem>> -> memref<40x64xf32, #tpu.memory_space<vmem>>
      %dma_start3A_362 = arith.constant 0 : i32
      %dma_start3A_363 = tpu.memref_slice %arg6[%add3A_57, %dma_start3A_362] : memref<10240x64xf32, #tpu.memory_space<vmem_shared>> -> memref<40x64xf32, #tpu.memory_space<vmem_shared>>
      %dma_start3A_364 = arith.constant 0 : i32
      %dma_start3A_365 = tpu.memref_slice %arg6[%add3A_57, %dma_start3A_364] : memref<10240x64xf32, #tpu.memory_space<vmem_shared>> -> memref<40x64xf32, #tpu.memory_space<vmem_shared>>
      %dma_start3A_366 = arith.constant 0 : i32
      %dma_start3A_367 = arith.constant 0 : i32
      %dma_start3A_368 = tpu.memref_slice %arg17[%dma_start3A_366, %dma_start3A_367] : memref<200x64xf32, #tpu.memory_space<vmem>> -> memref<40x64xf32, #tpu.memory_space<vmem>>
      tpu.enqueue_dma source(%dma_start3A_368 : memref<40x64xf32, #tpu.memory_space<vmem>>) target(%dma_start3A_365 : memref<40x64xf32, #tpu.memory_space<vmem_shared>>) target_semaphore(%run_scoped3A : memref<!tpu.dma_semaphore, #tpu.memory_space<semaphore_mem>>)
      %dma_wait3A_369 = arith.constant 0 : i32
      %dma_wait3A_370 = arith.constant 0 : i32
      %dma_wait3A_371 = tpu.memref_slice %arg17[%dma_wait3A_369, %dma_wait3A_370] : memref<200x64xf32, #tpu.memory_space<vmem>> -> memref<40x64xf32, #tpu.memory_space<vmem>>
      %dma_wait3A_372 = arith.constant 0 : i32
      %dma_wait3A_373 = tpu.memref_slice %arg6[%add3A_57, %dma_wait3A_372] : memref<10240x64xf32, #tpu.memory_space<vmem_shared>> -> memref<40x64xf32, #tpu.memory_space<vmem_shared>>
      %dma_wait3A_374 = arith.constant 0 : i32
      %dma_wait3A_375 = tpu.memref_slice %arg6[%add3A_57, %dma_wait3A_374] : memref<10240x64xf32, #tpu.memory_space<vmem_shared>> -> memref<40x64xf32, #tpu.memory_space<vmem_shared>>
      %dma_wait3A_376 = arith.constant 0 : i32
      %dma_wait3A_377 = arith.constant 0 : i32
      %dma_wait3A_378 = tpu.memref_slice %arg17[%dma_wait3A_376, %dma_wait3A_377] : memref<200x64xf32, #tpu.memory_space<vmem>> -> memref<40x64xf32, #tpu.memory_space<vmem>>
      tpu.wait_dma2 semaphore(%run_scoped3A : memref<!tpu.dma_semaphore, #tpu.memory_space<semaphore_mem>>) src(%dma_wait3A_378 : memref<40x64xf32, #tpu.memory_space<vmem>>) dst(%dma_wait3A_375 : memref<40x64xf32, #tpu.memory_space<vmem_shared>>)
      tpu.yield
    }) : () -> ()
    %mul3A_58 = arith.constant 640 : i32
    %mul3A_59 = arith.muli %arg1, %mul3A_58 : i32
    %add3A_60 = arith.constant 560 : i32
    %add3A_61 = arith.addi %mul3A_59, %add3A_60 : i32
    "tpu.region"() ({
      %run_scoped3A = tpu.sem_alloc : memref<!tpu.dma_semaphore, #tpu.memory_space<semaphore_mem>>
      %dma_start3A_359 = arith.constant 0 : i32
      %dma_start3A_360 = arith.constant 0 : i32
      %dma_start3A_361 = tpu.memref_slice %arg17[%dma_start3A_359, %dma_start3A_360] : memref<200x64xf32, #tpu.memory_space<vmem>> -> memref<40x64xf32, #tpu.memory_space<vmem>>
      %dma_start3A_362 = arith.constant 0 : i32
      %dma_start3A_363 = tpu.memref_slice %arg6[%add3A_61, %dma_start3A_362] : memref<10240x64xf32, #tpu.memory_space<vmem_shared>> -> memref<40x64xf32, #tpu.memory_space<vmem_shared>>
      %dma_start3A_364 = arith.constant 0 : i32
      %dma_start3A_365 = tpu.memref_slice %arg6[%add3A_61, %dma_start3A_364] : memref<10240x64xf32, #tpu.memory_space<vmem_shared>> -> memref<40x64xf32, #tpu.memory_space<vmem_shared>>
      %dma_start3A_366 = arith.constant 0 : i32
      %dma_start3A_367 = arith.constant 0 : i32
      %dma_start3A_368 = tpu.memref_slice %arg17[%dma_start3A_366, %dma_start3A_367] : memref<200x64xf32, #tpu.memory_space<vmem>> -> memref<40x64xf32, #tpu.memory_space<vmem>>
      tpu.enqueue_dma source(%dma_start3A_368 : memref<40x64xf32, #tpu.memory_space<vmem>>) target(%dma_start3A_365 : memref<40x64xf32, #tpu.memory_space<vmem_shared>>) target_semaphore(%run_scoped3A : memref<!tpu.dma_semaphore, #tpu.memory_space<semaphore_mem>>)
      %dma_wait3A_369 = arith.constant 0 : i32
      %dma_wait3A_370 = arith.constant 0 : i32
      %dma_wait3A_371 = tpu.memref_slice %arg17[%dma_wait3A_369, %dma_wait3A_370] : memref<200x64xf32, #tpu.memory_space<vmem>> -> memref<40x64xf32, #tpu.memory_space<vmem>>
      %dma_wait3A_372 = arith.constant 0 : i32
      %dma_wait3A_373 = tpu.memref_slice %arg6[%add3A_61, %dma_wait3A_372] : memref<10240x64xf32, #tpu.memory_space<vmem_shared>> -> memref<40x64xf32, #tpu.memory_space<vmem_shared>>
      %dma_wait3A_374 = arith.constant 0 : i32
      %dma_wait3A_375 = tpu.memref_slice %arg6[%add3A_61, %dma_wait3A_374] : memref<10240x64xf32, #tpu.memory_space<vmem_shared>> -> memref<40x64xf32, #tpu.memory_space<vmem_shared>>
      %dma_wait3A_376 = arith.constant 0 : i32
      %dma_wait3A_377 = arith.constant 0 : i32
      %dma_wait3A_378 = tpu.memref_slice %arg17[%dma_wait3A_376, %dma_wait3A_377] : memref<200x64xf32, #tpu.memory_space<vmem>> -> memref<40x64xf32, #tpu.memory_space<vmem>>
      tpu.wait_dma2 semaphore(%run_scoped3A : memref<!tpu.dma_semaphore, #tpu.memory_space<semaphore_mem>>) src(%dma_wait3A_378 : memref<40x64xf32, #tpu.memory_space<vmem>>) dst(%dma_wait3A_375 : memref<40x64xf32, #tpu.memory_space<vmem_shared>>)
      tpu.yield
    }) : () -> ()
    %mul3A_62 = arith.constant 640 : i32
    %mul3A_63 = arith.muli %arg1, %mul3A_62 : i32
    %add3A_64 = arith.constant 600 : i32
    %add3A_65 = arith.addi %mul3A_63, %add3A_64 : i32
    "tpu.region"() ({
      %run_scoped3A = tpu.sem_alloc : memref<!tpu.dma_semaphore, #tpu.memory_space<semaphore_mem>>
      %dma_start3A_359 = arith.constant 0 : i32
      %dma_start3A_360 = arith.constant 0 : i32
      %dma_start3A_361 = tpu.memref_slice %arg17[%dma_start3A_359, %dma_start3A_360] : memref<200x64xf32, #tpu.memory_space<vmem>> -> memref<40x64xf32, #tpu.memory_space<vmem>>
      %dma_start3A_362 = arith.constant 0 : i32
      %dma_start3A_363 = tpu.memref_slice %arg6[%add3A_65, %dma_start3A_362] : memref<10240x64xf32, #tpu.memory_space<vmem_shared>> -> memref<40x64xf32, #tpu.memory_space<vmem_shared>>
      %dma_start3A_364 = arith.constant 0 : i32
      %dma_start3A_365 = tpu.memref_slice %arg6[%add3A_65, %dma_start3A_364] : memref<10240x64xf32, #tpu.memory_space<vmem_shared>> -> memref<40x64xf32, #tpu.memory_space<vmem_shared>>
      %dma_start3A_366 = arith.constant 0 : i32
      %dma_start3A_367 = arith.constant 0 : i32
      %dma_start3A_368 = tpu.memref_slice %arg17[%dma_start3A_366, %dma_start3A_367] : memref<200x64xf32, #tpu.memory_space<vmem>> -> memref<40x64xf32, #tpu.memory_space<vmem>>
      tpu.enqueue_dma source(%dma_start3A_368 : memref<40x64xf32, #tpu.memory_space<vmem>>) target(%dma_start3A_365 : memref<40x64xf32, #tpu.memory_space<vmem_shared>>) target_semaphore(%run_scoped3A : memref<!tpu.dma_semaphore, #tpu.memory_space<semaphore_mem>>)
      %dma_wait3A_369 = arith.constant 0 : i32
      %dma_wait3A_370 = arith.constant 0 : i32
      %dma_wait3A_371 = tpu.memref_slice %arg17[%dma_wait3A_369, %dma_wait3A_370] : memref<200x64xf32, #tpu.memory_space<vmem>> -> memref<40x64xf32, #tpu.memory_space<vmem>>
      %dma_wait3A_372 = arith.constant 0 : i32
      %dma_wait3A_373 = tpu.memref_slice %arg6[%add3A_65, %dma_wait3A_372] : memref<10240x64xf32, #tpu.memory_space<vmem_shared>> -> memref<40x64xf32, #tpu.memory_space<vmem_shared>>
      %dma_wait3A_374 = arith.constant 0 : i32
      %dma_wait3A_375 = tpu.memref_slice %arg6[%add3A_65, %dma_wait3A_374] : memref<10240x64xf32, #tpu.memory_space<vmem_shared>> -> memref<40x64xf32, #tpu.memory_space<vmem_shared>>
      %dma_wait3A_376 = arith.constant 0 : i32
      %dma_wait3A_377 = arith.constant 0 : i32
      %dma_wait3A_378 = tpu.memref_slice %arg17[%dma_wait3A_376, %dma_wait3A_377] : memref<200x64xf32, #tpu.memory_space<vmem>> -> memref<40x64xf32, #tpu.memory_space<vmem>>
      tpu.wait_dma2 semaphore(%run_scoped3A : memref<!tpu.dma_semaphore, #tpu.memory_space<semaphore_mem>>) src(%dma_wait3A_378 : memref<40x64xf32, #tpu.memory_space<vmem>>) dst(%dma_wait3A_375 : memref<40x64xf32, #tpu.memory_space<vmem_shared>>)
      tpu.yield
    }) : () -> ()
    %barrier3A = arith.constant 0 : index
    tpu.barrier barrier_id(%barrier3A)
    %mul3A_66 = arith.constant 16 : i32
    %mul3A_67 = arith.muli %arg0, %mul3A_66 : i32
    %add3A_68 = arith.addi %mul3A_67, %arg1 : i32
    %mul3A_69 = arith.constant 10000 : i32
    %mul3A_70 = arith.muli %add3A_68, %mul3A_69 : i32
    %add3A_71 = arith.constant 0 : i32
    %add3A_72 = arith.addi %mul3A_70, %add3A_71 : i32
    %dma_start3A = tpu.memref_slice %arg3[%add3A_72] : memref<320000xi32, #tpu.memory_space<hbm>> -> memref<200xi32, #tpu.memory_space<hbm>>
    %dma_start3A_73 = tpu.memref_slice %arg3[%add3A_72] : memref<320000xi32, #tpu.memory_space<hbm>> -> memref<200xi32, #tpu.memory_space<hbm>>
    tpu.enqueue_dma source(%dma_start3A_73 : memref<200xi32, #tpu.memory_space<hbm>>) target(%arg7 : memref<200xi32, #tpu.memory_space<vmem>>) target_semaphore(%arg22 : memref<!tpu.dma_semaphore, #tpu.memory_space<semaphore_mem>>)
    %add3A_74 = arith.constant 0 : i32
    %add3A_75 = arith.addi %mul3A_70, %add3A_74 : i32
    %dma_start3A_76 = tpu.memref_slice %arg4[%add3A_75] : memref<320000xi32, #tpu.memory_space<hbm>> -> memref<200xi32, #tpu.memory_space<hbm>>
    %dma_start3A_77 = tpu.memref_slice %arg4[%add3A_75] : memref<320000xi32, #tpu.memory_space<hbm>> -> memref<200xi32, #tpu.memory_space<hbm>>
    tpu.enqueue_dma source(%dma_start3A_77 : memref<200xi32, #tpu.memory_space<hbm>>) target(%arg12 : memref<200xi32, #tpu.memory_space<vmem>>) target_semaphore(%arg22 : memref<!tpu.dma_semaphore, #tpu.memory_space<semaphore_mem>>)
    %add3A_78 = arith.constant 200 : i32
    %add3A_79 = arith.addi %mul3A_70, %add3A_78 : i32
    %dma_start3A_80 = tpu.memref_slice %arg3[%add3A_79] : memref<320000xi32, #tpu.memory_space<hbm>> -> memref<200xi32, #tpu.memory_space<hbm>>
    %dma_start3A_81 = tpu.memref_slice %arg3[%add3A_79] : memref<320000xi32, #tpu.memory_space<hbm>> -> memref<200xi32, #tpu.memory_space<hbm>>
    tpu.enqueue_dma source(%dma_start3A_81 : memref<200xi32, #tpu.memory_space<hbm>>) target(%arg8 : memref<200xi32, #tpu.memory_space<vmem>>) target_semaphore(%arg23 : memref<!tpu.dma_semaphore, #tpu.memory_space<semaphore_mem>>)
    %add3A_82 = arith.constant 200 : i32
    %add3A_83 = arith.addi %mul3A_70, %add3A_82 : i32
    %dma_start3A_84 = tpu.memref_slice %arg4[%add3A_83] : memref<320000xi32, #tpu.memory_space<hbm>> -> memref<200xi32, #tpu.memory_space<hbm>>
    %dma_start3A_85 = tpu.memref_slice %arg4[%add3A_83] : memref<320000xi32, #tpu.memory_space<hbm>> -> memref<200xi32, #tpu.memory_space<hbm>>
    tpu.enqueue_dma source(%dma_start3A_85 : memref<200xi32, #tpu.memory_space<hbm>>) target(%arg13 : memref<200xi32, #tpu.memory_space<vmem>>) target_semaphore(%arg23 : memref<!tpu.dma_semaphore, #tpu.memory_space<semaphore_mem>>)
    %dma_wait3A = arith.constant 0 : i32
    %dma_wait3A_86 = tpu.memref_slice %arg3[%dma_wait3A] : memref<320000xi32, #tpu.memory_space<hbm>> -> memref<200xi32, #tpu.memory_space<hbm>>
    %dma_wait3A_87 = arith.constant 0 : i32
    %dma_wait3A_88 = tpu.memref_slice %arg3[%dma_wait3A_87] : memref<320000xi32, #tpu.memory_space<hbm>> -> memref<200xi32, #tpu.memory_space<hbm>>
    tpu.wait_dma2 semaphore(%arg22 : memref<!tpu.dma_semaphore, #tpu.memory_space<semaphore_mem>>) src(%dma_wait3A_88 : memref<200xi32, #tpu.memory_space<hbm>>) dst(%arg7 : memref<200xi32, #tpu.memory_space<vmem>>)
    %dma_wait3A_89 = arith.constant 0 : i32
    %dma_wait3A_90 = tpu.memref_slice %arg3[%dma_wait3A_89] : memref<320000xi32, #tpu.memory_space<hbm>> -> memref<200xi32, #tpu.memory_space<hbm>>
    %dma_wait3A_91 = arith.constant 0 : i32
    %dma_wait3A_92 = tpu.memref_slice %arg3[%dma_wait3A_91] : memref<320000xi32, #tpu.memory_space<hbm>> -> memref<200xi32, #tpu.memory_space<hbm>>
    tpu.wait_dma2 semaphore(%arg22 : memref<!tpu.dma_semaphore, #tpu.memory_space<semaphore_mem>>) src(%dma_wait3A_92 : memref<200xi32, #tpu.memory_space<hbm>>) dst(%arg12 : memref<200xi32, #tpu.memory_space<vmem>>)
    %dma_start3A_93 = arith.constant 0 : i32
    %dma_start3A_94 = arith.constant 0 : i32
    %dma_start3A_95 = tpu.memref_slice %arg2[%dma_start3A_93, %dma_start3A_94] : memref<10000x64xf32, #tpu.memory_space<hbm>> -> memref<10000x64xf32, #tpu.memory_space<hbm>>
    tpu.enqueue_indirect_dma source(%dma_start3A_95 : memref<10000x64xf32, #tpu.memory_space<hbm>>) target(%arg17 : memref<200x64xf32, #tpu.memory_space<vmem>>) offsets(%arg7 : memref<200xi32, #tpu.memory_space<vmem>>) semaphore(%arg27 : memref<!tpu.dma_semaphore, #tpu.memory_space<semaphore_mem>>)
    %add3A_96 = arith.constant 400 : i32
    %add3A_97 = arith.addi %mul3A_70, %add3A_96 : i32
    %dma_start3A_98 = tpu.memref_slice %arg3[%add3A_97] : memref<320000xi32, #tpu.memory_space<hbm>> -> memref<200xi32, #tpu.memory_space<hbm>>
    %dma_start3A_99 = tpu.memref_slice %arg3[%add3A_97] : memref<320000xi32, #tpu.memory_space<hbm>> -> memref<200xi32, #tpu.memory_space<hbm>>
    tpu.enqueue_dma source(%dma_start3A_99 : memref<200xi32, #tpu.memory_space<hbm>>) target(%arg9 : memref<200xi32, #tpu.memory_space<vmem>>) target_semaphore(%arg24 : memref<!tpu.dma_semaphore, #tpu.memory_space<semaphore_mem>>)
    %add3A_100 = arith.constant 400 : i32
    %add3A_101 = arith.addi %mul3A_70, %add3A_100 : i32
    %dma_start3A_102 = tpu.memref_slice %arg4[%add3A_101] : memref<320000xi32, #tpu.memory_space<hbm>> -> memref<200xi32, #tpu.memory_space<hbm>>
    %dma_start3A_103 = tpu.memref_slice %arg4[%add3A_101] : memref<320000xi32, #tpu.memory_space<hbm>> -> memref<200xi32, #tpu.memory_space<hbm>>
    tpu.enqueue_dma source(%dma_start3A_103 : memref<200xi32, #tpu.memory_space<hbm>>) target(%arg14 : memref<200xi32, #tpu.memory_space<vmem>>) target_semaphore(%arg24 : memref<!tpu.dma_semaphore, #tpu.memory_space<semaphore_mem>>)
    %dma_wait3A_104 = arith.constant 0 : i32
    %dma_wait3A_105 = tpu.memref_slice %arg3[%dma_wait3A_104] : memref<320000xi32, #tpu.memory_space<hbm>> -> memref<200xi32, #tpu.memory_space<hbm>>
    %dma_wait3A_106 = arith.constant 0 : i32
    %dma_wait3A_107 = tpu.memref_slice %arg3[%dma_wait3A_106] : memref<320000xi32, #tpu.memory_space<hbm>> -> memref<200xi32, #tpu.memory_space<hbm>>
    tpu.wait_dma2 semaphore(%arg23 : memref<!tpu.dma_semaphore, #tpu.memory_space<semaphore_mem>>) src(%dma_wait3A_107 : memref<200xi32, #tpu.memory_space<hbm>>) dst(%arg8 : memref<200xi32, #tpu.memory_space<vmem>>)
    %dma_wait3A_108 = arith.constant 0 : i32
    %dma_wait3A_109 = tpu.memref_slice %arg3[%dma_wait3A_108] : memref<320000xi32, #tpu.memory_space<hbm>> -> memref<200xi32, #tpu.memory_space<hbm>>
    %dma_wait3A_110 = arith.constant 0 : i32
    %dma_wait3A_111 = tpu.memref_slice %arg3[%dma_wait3A_110] : memref<320000xi32, #tpu.memory_space<hbm>> -> memref<200xi32, #tpu.memory_space<hbm>>
    tpu.wait_dma2 semaphore(%arg23 : memref<!tpu.dma_semaphore, #tpu.memory_space<semaphore_mem>>) src(%dma_wait3A_111 : memref<200xi32, #tpu.memory_space<hbm>>) dst(%arg13 : memref<200xi32, #tpu.memory_space<vmem>>)
    %dma_start3A_112 = arith.constant 0 : i32
    %dma_start3A_113 = arith.constant 0 : i32
    %dma_start3A_114 = tpu.memref_slice %arg2[%dma_start3A_112, %dma_start3A_113] : memref<10000x64xf32, #tpu.memory_space<hbm>> -> memref<10000x64xf32, #tpu.memory_space<hbm>>
    tpu.enqueue_indirect_dma source(%dma_start3A_114 : memref<10000x64xf32, #tpu.memory_space<hbm>>) target(%arg18 : memref<200x64xf32, #tpu.memory_space<vmem>>) offsets(%arg8 : memref<200xi32, #tpu.memory_space<vmem>>) semaphore(%arg28 : memref<!tpu.dma_semaphore, #tpu.memory_space<semaphore_mem>>)
    %dma_wait3A_115 = arith.constant 0 : i32
    %dma_wait3A_116 = arith.constant 0 : i32
    %dma_wait3A_117 = tpu.memref_slice %arg2[%dma_wait3A_115, %dma_wait3A_116] : memref<10000x64xf32, #tpu.memory_space<hbm>> -> memref<10000x64xf32, #tpu.memory_space<hbm>>
    tpu.wait_indirect_dma semaphore(%arg27 : memref<!tpu.dma_semaphore, #tpu.memory_space<semaphore_mem>>) src(%dma_wait3A_117 : memref<10000x64xf32, #tpu.memory_space<hbm>>) dst(%arg17 : memref<200x64xf32, #tpu.memory_space<vmem>>)
    %dma_start3A_118 = arith.constant 0 : i32
    %dma_start3A_119 = arith.constant 0 : i32
    %dma_start3A_120 = tpu.memref_slice %arg6[%dma_start3A_118, %dma_start3A_119] : memref<10240x64xf32, #tpu.memory_space<vmem_shared>> -> memref<10240x64xf32, #tpu.memory_space<vmem_shared>>
    tpu.enqueue_indirect_dma source(%arg17 : memref<200x64xf32, #tpu.memory_space<vmem>>) target(%dma_start3A_120 : memref<10240x64xf32, #tpu.memory_space<vmem_shared>>) offsets(%arg12 : memref<200xi32, #tpu.memory_space<vmem>>) semaphore(%arg32 : memref<!tpu.dma_semaphore, #tpu.memory_space<semaphore_mem>>) {add = true}
    %add3A_121 = arith.constant 600 : i32
    %add3A_122 = arith.addi %mul3A_70, %add3A_121 : i32
    %dma_start3A_123 = tpu.memref_slice %arg3[%add3A_122] : memref<320000xi32, #tpu.memory_space<hbm>> -> memref<200xi32, #tpu.memory_space<hbm>>
    %dma_start3A_124 = tpu.memref_slice %arg3[%add3A_122] : memref<320000xi32, #tpu.memory_space<hbm>> -> memref<200xi32, #tpu.memory_space<hbm>>
    tpu.enqueue_dma source(%dma_start3A_124 : memref<200xi32, #tpu.memory_space<hbm>>) target(%arg10 : memref<200xi32, #tpu.memory_space<vmem>>) target_semaphore(%arg25 : memref<!tpu.dma_semaphore, #tpu.memory_space<semaphore_mem>>)
    %add3A_125 = arith.constant 600 : i32
    %add3A_126 = arith.addi %mul3A_70, %add3A_125 : i32
    %dma_start3A_127 = tpu.memref_slice %arg4[%add3A_126] : memref<320000xi32, #tpu.memory_space<hbm>> -> memref<200xi32, #tpu.memory_space<hbm>>
    %dma_start3A_128 = tpu.memref_slice %arg4[%add3A_126] : memref<320000xi32, #tpu.memory_space<hbm>> -> memref<200xi32, #tpu.memory_space<hbm>>
    tpu.enqueue_dma source(%dma_start3A_128 : memref<200xi32, #tpu.memory_space<hbm>>) target(%arg15 : memref<200xi32, #tpu.memory_space<vmem>>) target_semaphore(%arg25 : memref<!tpu.dma_semaphore, #tpu.memory_space<semaphore_mem>>)
    %dma_wait3A_129 = arith.constant 0 : i32
    %dma_wait3A_130 = tpu.memref_slice %arg3[%dma_wait3A_129] : memref<320000xi32, #tpu.memory_space<hbm>> -> memref<200xi32, #tpu.memory_space<hbm>>
    %dma_wait3A_131 = arith.constant 0 : i32
    %dma_wait3A_132 = tpu.memref_slice %arg3[%dma_wait3A_131] : memref<320000xi32, #tpu.memory_space<hbm>> -> memref<200xi32, #tpu.memory_space<hbm>>
    tpu.wait_dma2 semaphore(%arg24 : memref<!tpu.dma_semaphore, #tpu.memory_space<semaphore_mem>>) src(%dma_wait3A_132 : memref<200xi32, #tpu.memory_space<hbm>>) dst(%arg9 : memref<200xi32, #tpu.memory_space<vmem>>)
    %dma_wait3A_133 = arith.constant 0 : i32
    %dma_wait3A_134 = tpu.memref_slice %arg3[%dma_wait3A_133] : memref<320000xi32, #tpu.memory_space<hbm>> -> memref<200xi32, #tpu.memory_space<hbm>>
    %dma_wait3A_135 = arith.constant 0 : i32
    %dma_wait3A_136 = tpu.memref_slice %arg3[%dma_wait3A_135] : memref<320000xi32, #tpu.memory_space<hbm>> -> memref<200xi32, #tpu.memory_space<hbm>>
    tpu.wait_dma2 semaphore(%arg24 : memref<!tpu.dma_semaphore, #tpu.memory_space<semaphore_mem>>) src(%dma_wait3A_136 : memref<200xi32, #tpu.memory_space<hbm>>) dst(%arg14 : memref<200xi32, #tpu.memory_space<vmem>>)
    %dma_start3A_137 = arith.constant 0 : i32
    %dma_start3A_138 = arith.constant 0 : i32
    %dma_start3A_139 = tpu.memref_slice %arg2[%dma_start3A_137, %dma_start3A_138] : memref<10000x64xf32, #tpu.memory_space<hbm>> -> memref<10000x64xf32, #tpu.memory_space<hbm>>
    tpu.enqueue_indirect_dma source(%dma_start3A_139 : memref<10000x64xf32, #tpu.memory_space<hbm>>) target(%arg19 : memref<200x64xf32, #tpu.memory_space<vmem>>) offsets(%arg9 : memref<200xi32, #tpu.memory_space<vmem>>) semaphore(%arg29 : memref<!tpu.dma_semaphore, #tpu.memory_space<semaphore_mem>>)
    %dma_wait3A_140 = arith.constant 0 : i32
    %dma_wait3A_141 = arith.constant 0 : i32
    %dma_wait3A_142 = tpu.memref_slice %arg2[%dma_wait3A_140, %dma_wait3A_141] : memref<10000x64xf32, #tpu.memory_space<hbm>> -> memref<10000x64xf32, #tpu.memory_space<hbm>>
    tpu.wait_indirect_dma semaphore(%arg28 : memref<!tpu.dma_semaphore, #tpu.memory_space<semaphore_mem>>) src(%dma_wait3A_142 : memref<10000x64xf32, #tpu.memory_space<hbm>>) dst(%arg18 : memref<200x64xf32, #tpu.memory_space<vmem>>)
    %dma_start3A_143 = arith.constant 0 : i32
    %dma_start3A_144 = arith.constant 0 : i32
    %dma_start3A_145 = tpu.memref_slice %arg6[%dma_start3A_143, %dma_start3A_144] : memref<10240x64xf32, #tpu.memory_space<vmem_shared>> -> memref<10240x64xf32, #tpu.memory_space<vmem_shared>>
    tpu.enqueue_indirect_dma source(%arg18 : memref<200x64xf32, #tpu.memory_space<vmem>>) target(%dma_start3A_145 : memref<10240x64xf32, #tpu.memory_space<vmem_shared>>) offsets(%arg13 : memref<200xi32, #tpu.memory_space<vmem>>) semaphore(%arg33 : memref<!tpu.dma_semaphore, #tpu.memory_space<semaphore_mem>>) {add = true}
    %add3A_146 = arith.constant 800 : i32
    %add3A_147 = arith.addi %mul3A_70, %add3A_146 : i32
    %dma_start3A_148 = tpu.memref_slice %arg3[%add3A_147] : memref<320000xi32, #tpu.memory_space<hbm>> -> memref<200xi32, #tpu.memory_space<hbm>>
    %dma_start3A_149 = tpu.memref_slice %arg3[%add3A_147] : memref<320000xi32, #tpu.memory_space<hbm>> -> memref<200xi32, #tpu.memory_space<hbm>>
    tpu.enqueue_dma source(%dma_start3A_149 : memref<200xi32, #tpu.memory_space<hbm>>) target(%arg11 : memref<200xi32, #tpu.memory_space<vmem>>) target_semaphore(%arg26 : memref<!tpu.dma_semaphore, #tpu.memory_space<semaphore_mem>>)
    %add3A_150 = arith.constant 800 : i32
    %add3A_151 = arith.addi %mul3A_70, %add3A_150 : i32
    %dma_start3A_152 = tpu.memref_slice %arg4[%add3A_151] : memref<320000xi32, #tpu.memory_space<hbm>> -> memref<200xi32, #tpu.memory_space<hbm>>
    %dma_start3A_153 = tpu.memref_slice %arg4[%add3A_151] : memref<320000xi32, #tpu.memory_space<hbm>> -> memref<200xi32, #tpu.memory_space<hbm>>
    tpu.enqueue_dma source(%dma_start3A_153 : memref<200xi32, #tpu.memory_space<hbm>>) target(%arg16 : memref<200xi32, #tpu.memory_space<vmem>>) target_semaphore(%arg26 : memref<!tpu.dma_semaphore, #tpu.memory_space<semaphore_mem>>)
    %dma_wait3A_154 = arith.constant 0 : i32
    %dma_wait3A_155 = tpu.memref_slice %arg3[%dma_wait3A_154] : memref<320000xi32, #tpu.memory_space<hbm>> -> memref<200xi32, #tpu.memory_space<hbm>>
    %dma_wait3A_156 = arith.constant 0 : i32
    %dma_wait3A_157 = tpu.memref_slice %arg3[%dma_wait3A_156] : memref<320000xi32, #tpu.memory_space<hbm>> -> memref<200xi32, #tpu.memory_space<hbm>>
    tpu.wait_dma2 semaphore(%arg25 : memref<!tpu.dma_semaphore, #tpu.memory_space<semaphore_mem>>) src(%dma_wait3A_157 : memref<200xi32, #tpu.memory_space<hbm>>) dst(%arg10 : memref<200xi32, #tpu.memory_space<vmem>>)
    %dma_wait3A_158 = arith.constant 0 : i32
    %dma_wait3A_159 = tpu.memref_slice %arg3[%dma_wait3A_158] : memref<320000xi32, #tpu.memory_space<hbm>> -> memref<200xi32, #tpu.memory_space<hbm>>
    %dma_wait3A_160 = arith.constant 0 : i32
    %dma_wait3A_161 = tpu.memref_slice %arg3[%dma_wait3A_160] : memref<320000xi32, #tpu.memory_space<hbm>> -> memref<200xi32, #tpu.memory_space<hbm>>
    tpu.wait_dma2 semaphore(%arg25 : memref<!tpu.dma_semaphore, #tpu.memory_space<semaphore_mem>>) src(%dma_wait3A_161 : memref<200xi32, #tpu.memory_space<hbm>>) dst(%arg15 : memref<200xi32, #tpu.memory_space<vmem>>)
    %dma_start3A_162 = arith.constant 0 : i32
    %dma_start3A_163 = arith.constant 0 : i32
    %dma_start3A_164 = tpu.memref_slice %arg2[%dma_start3A_162, %dma_start3A_163] : memref<10000x64xf32, #tpu.memory_space<hbm>> -> memref<10000x64xf32, #tpu.memory_space<hbm>>
    tpu.enqueue_indirect_dma source(%dma_start3A_164 : memref<10000x64xf32, #tpu.memory_space<hbm>>) target(%arg20 : memref<200x64xf32, #tpu.memory_space<vmem>>) offsets(%arg10 : memref<200xi32, #tpu.memory_space<vmem>>) semaphore(%arg30 : memref<!tpu.dma_semaphore, #tpu.memory_space<semaphore_mem>>)
    %dma_wait3A_165 = arith.constant 0 : i32
    %dma_wait3A_166 = arith.constant 0 : i32
    %dma_wait3A_167 = tpu.memref_slice %arg2[%dma_wait3A_165, %dma_wait3A_166] : memref<10000x64xf32, #tpu.memory_space<hbm>> -> memref<10000x64xf32, #tpu.memory_space<hbm>>
    tpu.wait_indirect_dma semaphore(%arg29 : memref<!tpu.dma_semaphore, #tpu.memory_space<semaphore_mem>>) src(%dma_wait3A_167 : memref<10000x64xf32, #tpu.memory_space<hbm>>) dst(%arg19 : memref<200x64xf32, #tpu.memory_space<vmem>>)
    %dma_start3A_168 = arith.constant 0 : i32
    %dma_start3A_169 = arith.constant 0 : i32
    %dma_start3A_170 = tpu.memref_slice %arg6[%dma_start3A_168, %dma_start3A_169] : memref<10240x64xf32, #tpu.memory_space<vmem_shared>> -> memref<10240x64xf32, #tpu.memory_space<vmem_shared>>
    tpu.enqueue_indirect_dma source(%arg19 : memref<200x64xf32, #tpu.memory_space<vmem>>) target(%dma_start3A_170 : memref<10240x64xf32, #tpu.memory_space<vmem_shared>>) offsets(%arg14 : memref<200xi32, #tpu.memory_space<vmem>>) semaphore(%arg34 : memref<!tpu.dma_semaphore, #tpu.memory_space<semaphore_mem>>) {add = true}
    %dma_wait3A_171 = arith.constant 0 : i32
    %dma_wait3A_172 = arith.constant 0 : i32
    %dma_wait3A_173 = tpu.memref_slice %arg6[%dma_wait3A_171, %dma_wait3A_172] : memref<10240x64xf32, #tpu.memory_space<vmem_shared>> -> memref<10240x64xf32, #tpu.memory_space<vmem_shared>>
    tpu.wait_indirect_dma semaphore(%arg32 : memref<!tpu.dma_semaphore, #tpu.memory_space<semaphore_mem>>) src(%arg17 : memref<200x64xf32, #tpu.memory_space<vmem>>) dst(%dma_wait3A_173 : memref<10240x64xf32, #tpu.memory_space<vmem_shared>>)
    %add3A_174 = arith.constant 1000 : i32
    %add3A_175 = arith.addi %mul3A_70, %add3A_174 : i32
    %dma_start3A_176 = tpu.memref_slice %arg3[%add3A_175] : memref<320000xi32, #tpu.memory_space<hbm>> -> memref<200xi32, #tpu.memory_space<hbm>>
    %dma_start3A_177 = tpu.memref_slice %arg3[%add3A_175] : memref<320000xi32, #tpu.memory_space<hbm>> -> memref<200xi32, #tpu.memory_space<hbm>>
    tpu.enqueue_dma source(%dma_start3A_177 : memref<200xi32, #tpu.memory_space<hbm>>) target(%arg7 : memref<200xi32, #tpu.memory_space<vmem>>) target_semaphore(%arg22 : memref<!tpu.dma_semaphore, #tpu.memory_space<semaphore_mem>>)
    %add3A_178 = arith.constant 1000 : i32
    %add3A_179 = arith.addi %mul3A_70, %add3A_178 : i32
    %dma_start3A_180 = tpu.memref_slice %arg4[%add3A_179] : memref<320000xi32, #tpu.memory_space<hbm>> -> memref<200xi32, #tpu.memory_space<hbm>>
    %dma_start3A_181 = tpu.memref_slice %arg4[%add3A_179] : memref<320000xi32, #tpu.memory_space<hbm>> -> memref<200xi32, #tpu.memory_space<hbm>>
    tpu.enqueue_dma source(%dma_start3A_181 : memref<200xi32, #tpu.memory_space<hbm>>) target(%arg12 : memref<200xi32, #tpu.memory_space<vmem>>) target_semaphore(%arg22 : memref<!tpu.dma_semaphore, #tpu.memory_space<semaphore_mem>>)
    %dma_wait3A_182 = arith.constant 0 : i32
    %dma_wait3A_183 = tpu.memref_slice %arg3[%dma_wait3A_182] : memref<320000xi32, #tpu.memory_space<hbm>> -> memref<200xi32, #tpu.memory_space<hbm>>
    %dma_wait3A_184 = arith.constant 0 : i32
    %dma_wait3A_185 = tpu.memref_slice %arg3[%dma_wait3A_184] : memref<320000xi32, #tpu.memory_space<hbm>> -> memref<200xi32, #tpu.memory_space<hbm>>
    tpu.wait_dma2 semaphore(%arg26 : memref<!tpu.dma_semaphore, #tpu.memory_space<semaphore_mem>>) src(%dma_wait3A_185 : memref<200xi32, #tpu.memory_space<hbm>>) dst(%arg11 : memref<200xi32, #tpu.memory_space<vmem>>)
    %dma_wait3A_186 = arith.constant 0 : i32
    %dma_wait3A_187 = tpu.memref_slice %arg3[%dma_wait3A_186] : memref<320000xi32, #tpu.memory_space<hbm>> -> memref<200xi32, #tpu.memory_space<hbm>>
    %dma_wait3A_188 = arith.constant 0 : i32
    %dma_wait3A_189 = tpu.memref_slice %arg3[%dma_wait3A_188] : memref<320000xi32, #tpu.memory_space<hbm>> -> memref<200xi32, #tpu.memory_space<hbm>>
    tpu.wait_dma2 semaphore(%arg26 : memref<!tpu.dma_semaphore, #tpu.memory_space<semaphore_mem>>) src(%dma_wait3A_189 : memref<200xi32, #tpu.memory_space<hbm>>) dst(%arg16 : memref<200xi32, #tpu.memory_space<vmem>>)
    %dma_start3A_190 = arith.constant 0 : i32
    %dma_start3A_191 = arith.constant 0 : i32
    %dma_start3A_192 = tpu.memref_slice %arg2[%dma_start3A_190, %dma_start3A_191] : memref<10000x64xf32, #tpu.memory_space<hbm>> -> memref<10000x64xf32, #tpu.memory_space<hbm>>
    tpu.enqueue_indirect_dma source(%dma_start3A_192 : memref<10000x64xf32, #tpu.memory_space<hbm>>) target(%arg21 : memref<200x64xf32, #tpu.memory_space<vmem>>) offsets(%arg11 : memref<200xi32, #tpu.memory_space<vmem>>) semaphore(%arg31 : memref<!tpu.dma_semaphore, #tpu.memory_space<semaphore_mem>>)
    %dma_wait3A_193 = arith.constant 0 : i32
    %dma_wait3A_194 = arith.constant 0 : i32
    %dma_wait3A_195 = tpu.memref_slice %arg2[%dma_wait3A_193, %dma_wait3A_194] : memref<10000x64xf32, #tpu.memory_space<hbm>> -> memref<10000x64xf32, #tpu.memory_space<hbm>>
    tpu.wait_indirect_dma semaphore(%arg30 : memref<!tpu.dma_semaphore, #tpu.memory_space<semaphore_mem>>) src(%dma_wait3A_195 : memref<10000x64xf32, #tpu.memory_space<hbm>>) dst(%arg20 : memref<200x64xf32, #tpu.memory_space<vmem>>)
    %dma_start3A_196 = arith.constant 0 : i32
    %dma_start3A_197 = arith.constant 0 : i32
    %dma_start3A_198 = tpu.memref_slice %arg6[%dma_start3A_196, %dma_start3A_197] : memref<10240x64xf32, #tpu.memory_space<vmem_shared>> -> memref<10240x64xf32, #tpu.memory_space<vmem_shared>>
    tpu.enqueue_indirect_dma source(%arg20 : memref<200x64xf32, #tpu.memory_space<vmem>>) target(%dma_start3A_198 : memref<10240x64xf32, #tpu.memory_space<vmem_shared>>) offsets(%arg15 : memref<200xi32, #tpu.memory_space<vmem>>) semaphore(%arg35 : memref<!tpu.dma_semaphore, #tpu.memory_space<semaphore_mem>>) {add = true}
    %dma_wait3A_199 = arith.constant 0 : i32
    %dma_wait3A_200 = arith.constant 0 : i32
    %dma_wait3A_201 = tpu.memref_slice %arg6[%dma_wait3A_199, %dma_wait3A_200] : memref<10240x64xf32, #tpu.memory_space<vmem_shared>> -> memref<10240x64xf32, #tpu.memory_space<vmem_shared>>
    tpu.wait_indirect_dma semaphore(%arg33 : memref<!tpu.dma_semaphore, #tpu.memory_space<semaphore_mem>>) src(%arg18 : memref<200x64xf32, #tpu.memory_space<vmem>>) dst(%dma_wait3A_201 : memref<10240x64xf32, #tpu.memory_space<vmem_shared>>)
    %add3A_202 = arith.constant 1200 : i32
    %add3A_203 = arith.addi %mul3A_70, %add3A_202 : i32
    %dma_start3A_204 = tpu.memref_slice %arg3[%add3A_203] : memref<320000xi32, #tpu.memory_space<hbm>> -> memref<200xi32, #tpu.memory_space<hbm>>
    %dma_start3A_205 = tpu.memref_slice %arg3[%add3A_203] : memref<320000xi32, #tpu.memory_space<hbm>> -> memref<200xi32, #tpu.memory_space<hbm>>
    tpu.enqueue_dma source(%dma_start3A_205 : memref<200xi32, #tpu.memory_space<hbm>>) target(%arg8 : memref<200xi32, #tpu.memory_space<vmem>>) target_semaphore(%arg23 : memref<!tpu.dma_semaphore, #tpu.memory_space<semaphore_mem>>)
    %add3A_206 = arith.constant 1200 : i32
    %add3A_207 = arith.addi %mul3A_70, %add3A_206 : i32
    %dma_start3A_208 = tpu.memref_slice %arg4[%add3A_207] : memref<320000xi32, #tpu.memory_space<hbm>> -> memref<200xi32, #tpu.memory_space<hbm>>
    %dma_start3A_209 = tpu.memref_slice %arg4[%add3A_207] : memref<320000xi32, #tpu.memory_space<hbm>> -> memref<200xi32, #tpu.memory_space<hbm>>
    tpu.enqueue_dma source(%dma_start3A_209 : memref<200xi32, #tpu.memory_space<hbm>>) target(%arg13 : memref<200xi32, #tpu.memory_space<vmem>>) target_semaphore(%arg23 : memref<!tpu.dma_semaphore, #tpu.memory_space<semaphore_mem>>)
    %dma_wait3A_210 = arith.constant 0 : i32
    %dma_wait3A_211 = tpu.memref_slice %arg3[%dma_wait3A_210] : memref<320000xi32, #tpu.memory_space<hbm>> -> memref<200xi32, #tpu.memory_space<hbm>>
    %dma_wait3A_212 = arith.constant 0 : i32
    %dma_wait3A_213 = tpu.memref_slice %arg3[%dma_wait3A_212] : memref<320000xi32, #tpu.memory_space<hbm>> -> memref<200xi32, #tpu.memory_space<hbm>>
    tpu.wait_dma2 semaphore(%arg22 : memref<!tpu.dma_semaphore, #tpu.memory_space<semaphore_mem>>) src(%dma_wait3A_213 : memref<200xi32, #tpu.memory_space<hbm>>) dst(%arg7 : memref<200xi32, #tpu.memory_space<vmem>>)
    %dma_wait3A_214 = arith.constant 0 : i32
    %dma_wait3A_215 = tpu.memref_slice %arg3[%dma_wait3A_214] : memref<320000xi32, #tpu.memory_space<hbm>> -> memref<200xi32, #tpu.memory_space<hbm>>
    %dma_wait3A_216 = arith.constant 0 : i32
    %dma_wait3A_217 = tpu.memref_slice %arg3[%dma_wait3A_216] : memref<320000xi32, #tpu.memory_space<hbm>> -> memref<200xi32, #tpu.memory_space<hbm>>
    tpu.wait_dma2 semaphore(%arg22 : memref<!tpu.dma_semaphore, #tpu.memory_space<semaphore_mem>>) src(%dma_wait3A_217 : memref<200xi32, #tpu.memory_space<hbm>>) dst(%arg12 : memref<200xi32, #tpu.memory_space<vmem>>)
    %dma_start3A_218 = arith.constant 0 : i32
    %dma_start3A_219 = arith.constant 0 : i32
    %dma_start3A_220 = tpu.memref_slice %arg2[%dma_start3A_218, %dma_start3A_219] : memref<10000x64xf32, #tpu.memory_space<hbm>> -> memref<10000x64xf32, #tpu.memory_space<hbm>>
    tpu.enqueue_indirect_dma source(%dma_start3A_220 : memref<10000x64xf32, #tpu.memory_space<hbm>>) target(%arg17 : memref<200x64xf32, #tpu.memory_space<vmem>>) offsets(%arg7 : memref<200xi32, #tpu.memory_space<vmem>>) semaphore(%arg27 : memref<!tpu.dma_semaphore, #tpu.memory_space<semaphore_mem>>)
    %dma_wait3A_221 = arith.constant 0 : i32
    %dma_wait3A_222 = arith.constant 0 : i32
    %dma_wait3A_223 = tpu.memref_slice %arg2[%dma_wait3A_221, %dma_wait3A_222] : memref<10000x64xf32, #tpu.memory_space<hbm>> -> memref<10000x64xf32, #tpu.memory_space<hbm>>
    tpu.wait_indirect_dma semaphore(%arg31 : memref<!tpu.dma_semaphore, #tpu.memory_space<semaphore_mem>>) src(%dma_wait3A_223 : memref<10000x64xf32, #tpu.memory_space<hbm>>) dst(%arg21 : memref<200x64xf32, #tpu.memory_space<vmem>>)
    %dma_start3A_224 = arith.constant 0 : i32
    %dma_start3A_225 = arith.constant 0 : i32
    %dma_start3A_226 = tpu.memref_slice %arg6[%dma_start3A_224, %dma_start3A_225] : memref<10240x64xf32, #tpu.memory_space<vmem_shared>> -> memref<10240x64xf32, #tpu.memory_space<vmem_shared>>
    tpu.enqueue_indirect_dma source(%arg21 : memref<200x64xf32, #tpu.memory_space<vmem>>) target(%dma_start3A_226 : memref<10240x64xf32, #tpu.memory_space<vmem_shared>>) offsets(%arg16 : memref<200xi32, #tpu.memory_space<vmem>>) semaphore(%arg36 : memref<!tpu.dma_semaphore, #tpu.memory_space<semaphore_mem>>) {add = true}
    %scan3A_227 = arith.constant 1 : i32
    %scan3A_228 = arith.constant 8 : i32
    %scan3A_229 = arith.addi %scan3A_227, %scan3A_228 : i32
    %scan3A_230 = arith.constant 1 : i32
    scf.for %scan3A_359 = %scan3A_227 to %scan3A_229 step %scan3A_230  : i32 {
      %mul3A_360 = arith.constant 5 : i32
      %mul3A_361 = arith.muli %scan3A_359, %mul3A_360 : i32
      %add3A_362 = arith.constant 0 : i32
      %add3A_363 = arith.addi %mul3A_361, %add3A_362 : i32
      %dma_wait3A_364 = arith.constant 0 : i32
      %dma_wait3A_365 = arith.constant 0 : i32
      %dma_wait3A_366 = tpu.memref_slice %arg6[%dma_wait3A_364, %dma_wait3A_365] : memref<10240x64xf32, #tpu.memory_space<vmem_shared>> -> memref<10240x64xf32, #tpu.memory_space<vmem_shared>>
      tpu.wait_indirect_dma semaphore(%arg34 : memref<!tpu.dma_semaphore, #tpu.memory_space<semaphore_mem>>) src(%arg19 : memref<200x64xf32, #tpu.memory_space<vmem>>) dst(%dma_wait3A_366 : memref<10240x64xf32, #tpu.memory_space<vmem_shared>>)
      %add3A_367 = arith.constant 2 : i32
      %add3A_368 = arith.addi %add3A_363, %add3A_367 : i32
      %mul3A_369 = arith.constant 200 : i32
      %mul3A_370 = arith.muli %add3A_368, %mul3A_369 : i32
      %add3A_371 = arith.addi %mul3A_70, %mul3A_370 : i32
      %dma_start3A_372 = tpu.memref_slice %arg3[%add3A_371] : memref<320000xi32, #tpu.memory_space<hbm>> -> memref<200xi32, #tpu.memory_space<hbm>>
      %dma_start3A_373 = tpu.memref_slice %arg3[%add3A_371] : memref<320000xi32, #tpu.memory_space<hbm>> -> memref<200xi32, #tpu.memory_space<hbm>>
      tpu.enqueue_dma source(%dma_start3A_373 : memref<200xi32, #tpu.memory_space<hbm>>) target(%arg9 : memref<200xi32, #tpu.memory_space<vmem>>) target_semaphore(%arg24 : memref<!tpu.dma_semaphore, #tpu.memory_space<semaphore_mem>>)
      %mul3A_374 = arith.constant 200 : i32
      %mul3A_375 = arith.muli %add3A_368, %mul3A_374 : i32
      %add3A_376 = arith.addi %mul3A_70, %mul3A_375 : i32
      %dma_start3A_377 = tpu.memref_slice %arg4[%add3A_376] : memref<320000xi32, #tpu.memory_space<hbm>> -> memref<200xi32, #tpu.memory_space<hbm>>
      %dma_start3A_378 = tpu.memref_slice %arg4[%add3A_376] : memref<320000xi32, #tpu.memory_space<hbm>> -> memref<200xi32, #tpu.memory_space<hbm>>
      tpu.enqueue_dma source(%dma_start3A_378 : memref<200xi32, #tpu.memory_space<hbm>>) target(%arg14 : memref<200xi32, #tpu.memory_space<vmem>>) target_semaphore(%arg24 : memref<!tpu.dma_semaphore, #tpu.memory_space<semaphore_mem>>)
      %dma_wait3A_379 = arith.constant 0 : i32
      %dma_wait3A_380 = tpu.memref_slice %arg3[%dma_wait3A_379] : memref<320000xi32, #tpu.memory_space<hbm>> -> memref<200xi32, #tpu.memory_space<hbm>>
      %dma_wait3A_381 = arith.constant 0 : i32
      %dma_wait3A_382 = tpu.memref_slice %arg3[%dma_wait3A_381] : memref<320000xi32, #tpu.memory_space<hbm>> -> memref<200xi32, #tpu.memory_space<hbm>>
      tpu.wait_dma2 semaphore(%arg23 : memref<!tpu.dma_semaphore, #tpu.memory_space<semaphore_mem>>) src(%dma_wait3A_382 : memref<200xi32, #tpu.memory_space<hbm>>) dst(%arg8 : memref<200xi32, #tpu.memory_space<vmem>>)
      %dma_wait3A_383 = arith.constant 0 : i32
      %dma_wait3A_384 = tpu.memref_slice %arg3[%dma_wait3A_383] : memref<320000xi32, #tpu.memory_space<hbm>> -> memref<200xi32, #tpu.memory_space<hbm>>
      %dma_wait3A_385 = arith.constant 0 : i32
      %dma_wait3A_386 = tpu.memref_slice %arg3[%dma_wait3A_385] : memref<320000xi32, #tpu.memory_space<hbm>> -> memref<200xi32, #tpu.memory_space<hbm>>
      tpu.wait_dma2 semaphore(%arg23 : memref<!tpu.dma_semaphore, #tpu.memory_space<semaphore_mem>>) src(%dma_wait3A_386 : memref<200xi32, #tpu.memory_space<hbm>>) dst(%arg13 : memref<200xi32, #tpu.memory_space<vmem>>)
      %dma_start3A_387 = arith.constant 0 : i32
      %dma_start3A_388 = arith.constant 0 : i32
      %dma_start3A_389 = tpu.memref_slice %arg2[%dma_start3A_387, %dma_start3A_388] : memref<10000x64xf32, #tpu.memory_space<hbm>> -> memref<10000x64xf32, #tpu.memory_space<hbm>>
      tpu.enqueue_indirect_dma source(%dma_start3A_389 : memref<10000x64xf32, #tpu.memory_space<hbm>>) target(%arg18 : memref<200x64xf32, #tpu.memory_space<vmem>>) offsets(%arg8 : memref<200xi32, #tpu.memory_space<vmem>>) semaphore(%arg28 : memref<!tpu.dma_semaphore, #tpu.memory_space<semaphore_mem>>)
      %dma_wait3A_390 = arith.constant 0 : i32
      %dma_wait3A_391 = arith.constant 0 : i32
      %dma_wait3A_392 = tpu.memref_slice %arg2[%dma_wait3A_390, %dma_wait3A_391] : memref<10000x64xf32, #tpu.memory_space<hbm>> -> memref<10000x64xf32, #tpu.memory_space<hbm>>
      tpu.wait_indirect_dma semaphore(%arg27 : memref<!tpu.dma_semaphore, #tpu.memory_space<semaphore_mem>>) src(%dma_wait3A_392 : memref<10000x64xf32, #tpu.memory_space<hbm>>) dst(%arg17 : memref<200x64xf32, #tpu.memory_space<vmem>>)
      %dma_start3A_393 = arith.constant 0 : i32
      %dma_start3A_394 = arith.constant 0 : i32
      %dma_start3A_395 = tpu.memref_slice %arg6[%dma_start3A_393, %dma_start3A_394] : memref<10240x64xf32, #tpu.memory_space<vmem_shared>> -> memref<10240x64xf32, #tpu.memory_space<vmem_shared>>
      tpu.enqueue_indirect_dma source(%arg17 : memref<200x64xf32, #tpu.memory_space<vmem>>) target(%dma_start3A_395 : memref<10240x64xf32, #tpu.memory_space<vmem_shared>>) offsets(%arg12 : memref<200xi32, #tpu.memory_space<vmem>>) semaphore(%arg32 : memref<!tpu.dma_semaphore, #tpu.memory_space<semaphore_mem>>) {add = true}
      %mul3A_396 = arith.constant 5 : i32
      %mul3A_397 = arith.muli %scan3A_359, %mul3A_396 : i32
      %add3A_398 = arith.constant 1 : i32
      %add3A_399 = arith.addi %mul3A_397, %add3A_398 : i32
      %dma_wait3A_400 = arith.constant 0 : i32
      %dma_wait3A_401 = arith.constant 0 : i32
      %dma_wait3A_402 = tpu.memref_slice %arg6[%dma_wait3A_400, %dma_wait3A_401] : memref<10240x64xf32, #tpu.memory_space<vmem_shared>> -> memref<10240x64xf32, #tpu.memory_space<vmem_shared>>
      tpu.wait_indirect_dma semaphore(%arg35 : memref<!tpu.dma_semaphore, #tpu.memory_space<semaphore_mem>>) src(%arg20 : memref<200x64xf32, #tpu.memory_space<vmem>>) dst(%dma_wait3A_402 : memref<10240x64xf32, #tpu.memory_space<vmem_shared>>)
      %add3A_403 = arith.constant 2 : i32
      %add3A_404 = arith.addi %add3A_399, %add3A_403 : i32
      %mul3A_405 = arith.constant 200 : i32
      %mul3A_406 = arith.muli %add3A_404, %mul3A_405 : i32
      %add3A_407 = arith.addi %mul3A_70, %mul3A_406 : i32
      %dma_start3A_408 = tpu.memref_slice %arg3[%add3A_407] : memref<320000xi32, #tpu.memory_space<hbm>> -> memref<200xi32, #tpu.memory_space<hbm>>
      %dma_start3A_409 = tpu.memref_slice %arg3[%add3A_407] : memref<320000xi32, #tpu.memory_space<hbm>> -> memref<200xi32, #tpu.memory_space<hbm>>
      tpu.enqueue_dma source(%dma_start3A_409 : memref<200xi32, #tpu.memory_space<hbm>>) target(%arg10 : memref<200xi32, #tpu.memory_space<vmem>>) target_semaphore(%arg25 : memref<!tpu.dma_semaphore, #tpu.memory_space<semaphore_mem>>)
      %mul3A_410 = arith.constant 200 : i32
      %mul3A_411 = arith.muli %add3A_404, %mul3A_410 : i32
      %add3A_412 = arith.addi %mul3A_70, %mul3A_411 : i32
      %dma_start3A_413 = tpu.memref_slice %arg4[%add3A_412] : memref<320000xi32, #tpu.memory_space<hbm>> -> memref<200xi32, #tpu.memory_space<hbm>>
      %dma_start3A_414 = tpu.memref_slice %arg4[%add3A_412] : memref<320000xi32, #tpu.memory_space<hbm>> -> memref<200xi32, #tpu.memory_space<hbm>>
      tpu.enqueue_dma source(%dma_start3A_414 : memref<200xi32, #tpu.memory_space<hbm>>) target(%arg15 : memref<200xi32, #tpu.memory_space<vmem>>) target_semaphore(%arg25 : memref<!tpu.dma_semaphore, #tpu.memory_space<semaphore_mem>>)
      %dma_wait3A_415 = arith.constant 0 : i32
      %dma_wait3A_416 = tpu.memref_slice %arg3[%dma_wait3A_415] : memref<320000xi32, #tpu.memory_space<hbm>> -> memref<200xi32, #tpu.memory_space<hbm>>
      %dma_wait3A_417 = arith.constant 0 : i32
      %dma_wait3A_418 = tpu.memref_slice %arg3[%dma_wait3A_417] : memref<320000xi32, #tpu.memory_space<hbm>> -> memref<200xi32, #tpu.memory_space<hbm>>
      tpu.wait_dma2 semaphore(%arg24 : memref<!tpu.dma_semaphore, #tpu.memory_space<semaphore_mem>>) src(%dma_wait3A_418 : memref<200xi32, #tpu.memory_space<hbm>>) dst(%arg9 : memref<200xi32, #tpu.memory_space<vmem>>)
      %dma_wait3A_419 = arith.constant 0 : i32
      %dma_wait3A_420 = tpu.memref_slice %arg3[%dma_wait3A_419] : memref<320000xi32, #tpu.memory_space<hbm>> -> memref<200xi32, #tpu.memory_space<hbm>>
      %dma_wait3A_421 = arith.constant 0 : i32
      %dma_wait3A_422 = tpu.memref_slice %arg3[%dma_wait3A_421] : memref<320000xi32, #tpu.memory_space<hbm>> -> memref<200xi32, #tpu.memory_space<hbm>>
      tpu.wait_dma2 semaphore(%arg24 : memref<!tpu.dma_semaphore, #tpu.memory_space<semaphore_mem>>) src(%dma_wait3A_422 : memref<200xi32, #tpu.memory_space<hbm>>) dst(%arg14 : memref<200xi32, #tpu.memory_space<vmem>>)
      %dma_start3A_423 = arith.constant 0 : i32
      %dma_start3A_424 = arith.constant 0 : i32
      %dma_start3A_425 = tpu.memref_slice %arg2[%dma_start3A_423, %dma_start3A_424] : memref<10000x64xf32, #tpu.memory_space<hbm>> -> memref<10000x64xf32, #tpu.memory_space<hbm>>
      tpu.enqueue_indirect_dma source(%dma_start3A_425 : memref<10000x64xf32, #tpu.memory_space<hbm>>) target(%arg19 : memref<200x64xf32, #tpu.memory_space<vmem>>) offsets(%arg9 : memref<200xi32, #tpu.memory_space<vmem>>) semaphore(%arg29 : memref<!tpu.dma_semaphore, #tpu.memory_space<semaphore_mem>>)
      %dma_wait3A_426 = arith.constant 0 : i32
      %dma_wait3A_427 = arith.constant 0 : i32
      %dma_wait3A_428 = tpu.memref_slice %arg2[%dma_wait3A_426, %dma_wait3A_427] : memref<10000x64xf32, #tpu.memory_space<hbm>> -> memref<10000x64xf32, #tpu.memory_space<hbm>>
      tpu.wait_indirect_dma semaphore(%arg28 : memref<!tpu.dma_semaphore, #tpu.memory_space<semaphore_mem>>) src(%dma_wait3A_428 : memref<10000x64xf32, #tpu.memory_space<hbm>>) dst(%arg18 : memref<200x64xf32, #tpu.memory_space<vmem>>)
      %dma_start3A_429 = arith.constant 0 : i32
      %dma_start3A_430 = arith.constant 0 : i32
      %dma_start3A_431 = tpu.memref_slice %arg6[%dma_start3A_429, %dma_start3A_430] : memref<10240x64xf32, #tpu.memory_space<vmem_shared>> -> memref<10240x64xf32, #tpu.memory_space<vmem_shared>>
      tpu.enqueue_indirect_dma source(%arg18 : memref<200x64xf32, #tpu.memory_space<vmem>>) target(%dma_start3A_431 : memref<10240x64xf32, #tpu.memory_space<vmem_shared>>) offsets(%arg13 : memref<200xi32, #tpu.memory_space<vmem>>) semaphore(%arg33 : memref<!tpu.dma_semaphore, #tpu.memory_space<semaphore_mem>>) {add = true}
      %mul3A_432 = arith.constant 5 : i32
      %mul3A_433 = arith.muli %scan3A_359, %mul3A_432 : i32
      %add3A_434 = arith.constant 2 : i32
      %add3A_435 = arith.addi %mul3A_433, %add3A_434 : i32
      %dma_wait3A_436 = arith.constant 0 : i32
      %dma_wait3A_437 = arith.constant 0 : i32
      %dma_wait3A_438 = tpu.memref_slice %arg6[%dma_wait3A_436, %dma_wait3A_437] : memref<10240x64xf32, #tpu.memory_space<vmem_shared>> -> memref<10240x64xf32, #tpu.memory_space<vmem_shared>>
      tpu.wait_indirect_dma semaphore(%arg36 : memref<!tpu.dma_semaphore, #tpu.memory_space<semaphore_mem>>) src(%arg21 : memref<200x64xf32, #tpu.memory_space<vmem>>) dst(%dma_wait3A_438 : memref<10240x64xf32, #tpu.memory_space<vmem_shared>>)
      %add3A_439 = arith.constant 2 : i32
      %add3A_440 = arith.addi %add3A_435, %add3A_439 : i32
      %mul3A_441 = arith.constant 200 : i32
      %mul3A_442 = arith.muli %add3A_440, %mul3A_441 : i32
      %add3A_443 = arith.addi %mul3A_70, %mul3A_442 : i32
      %dma_start3A_444 = tpu.memref_slice %arg3[%add3A_443] : memref<320000xi32, #tpu.memory_space<hbm>> -> memref<200xi32, #tpu.memory_space<hbm>>
      %dma_start3A_445 = tpu.memref_slice %arg3[%add3A_443] : memref<320000xi32, #tpu.memory_space<hbm>> -> memref<200xi32, #tpu.memory_space<hbm>>
      tpu.enqueue_dma source(%dma_start3A_445 : memref<200xi32, #tpu.memory_space<hbm>>) target(%arg11 : memref<200xi32, #tpu.memory_space<vmem>>) target_semaphore(%arg26 : memref<!tpu.dma_semaphore, #tpu.memory_space<semaphore_mem>>)
      %mul3A_446 = arith.constant 200 : i32
      %mul3A_447 = arith.muli %add3A_440, %mul3A_446 : i32
      %add3A_448 = arith.addi %mul3A_70, %mul3A_447 : i32
      %dma_start3A_449 = tpu.memref_slice %arg4[%add3A_448] : memref<320000xi32, #tpu.memory_space<hbm>> -> memref<200xi32, #tpu.memory_space<hbm>>
      %dma_start3A_450 = tpu.memref_slice %arg4[%add3A_448] : memref<320000xi32, #tpu.memory_space<hbm>> -> memref<200xi32, #tpu.memory_space<hbm>>
      tpu.enqueue_dma source(%dma_start3A_450 : memref<200xi32, #tpu.memory_space<hbm>>) target(%arg16 : memref<200xi32, #tpu.memory_space<vmem>>) target_semaphore(%arg26 : memref<!tpu.dma_semaphore, #tpu.memory_space<semaphore_mem>>)
      %dma_wait3A_451 = arith.constant 0 : i32
      %dma_wait3A_452 = tpu.memref_slice %arg3[%dma_wait3A_451] : memref<320000xi32, #tpu.memory_space<hbm>> -> memref<200xi32, #tpu.memory_space<hbm>>
      %dma_wait3A_453 = arith.constant 0 : i32
      %dma_wait3A_454 = tpu.memref_slice %arg3[%dma_wait3A_453] : memref<320000xi32, #tpu.memory_space<hbm>> -> memref<200xi32, #tpu.memory_space<hbm>>
      tpu.wait_dma2 semaphore(%arg25 : memref<!tpu.dma_semaphore, #tpu.memory_space<semaphore_mem>>) src(%dma_wait3A_454 : memref<200xi32, #tpu.memory_space<hbm>>) dst(%arg10 : memref<200xi32, #tpu.memory_space<vmem>>)
      %dma_wait3A_455 = arith.constant 0 : i32
      %dma_wait3A_456 = tpu.memref_slice %arg3[%dma_wait3A_455] : memref<320000xi32, #tpu.memory_space<hbm>> -> memref<200xi32, #tpu.memory_space<hbm>>
      %dma_wait3A_457 = arith.constant 0 : i32
      %dma_wait3A_458 = tpu.memref_slice %arg3[%dma_wait3A_457] : memref<320000xi32, #tpu.memory_space<hbm>> -> memref<200xi32, #tpu.memory_space<hbm>>
      tpu.wait_dma2 semaphore(%arg25 : memref<!tpu.dma_semaphore, #tpu.memory_space<semaphore_mem>>) src(%dma_wait3A_458 : memref<200xi32, #tpu.memory_space<hbm>>) dst(%arg15 : memref<200xi32, #tpu.memory_space<vmem>>)
      %dma_start3A_459 = arith.constant 0 : i32
      %dma_start3A_460 = arith.constant 0 : i32
      %dma_start3A_461 = tpu.memref_slice %arg2[%dma_start3A_459, %dma_start3A_460] : memref<10000x64xf32, #tpu.memory_space<hbm>> -> memref<10000x64xf32, #tpu.memory_space<hbm>>
      tpu.enqueue_indirect_dma source(%dma_start3A_461 : memref<10000x64xf32, #tpu.memory_space<hbm>>) target(%arg20 : memref<200x64xf32, #tpu.memory_space<vmem>>) offsets(%arg10 : memref<200xi32, #tpu.memory_space<vmem>>) semaphore(%arg30 : memref<!tpu.dma_semaphore, #tpu.memory_space<semaphore_mem>>)
      %dma_wait3A_462 = arith.constant 0 : i32
      %dma_wait3A_463 = arith.constant 0 : i32
      %dma_wait3A_464 = tpu.memref_slice %arg2[%dma_wait3A_462, %dma_wait3A_463] : memref<10000x64xf32, #tpu.memory_space<hbm>> -> memref<10000x64xf32, #tpu.memory_space<hbm>>
      tpu.wait_indirect_dma semaphore(%arg29 : memref<!tpu.dma_semaphore, #tpu.memory_space<semaphore_mem>>) src(%dma_wait3A_464 : memref<10000x64xf32, #tpu.memory_space<hbm>>) dst(%arg19 : memref<200x64xf32, #tpu.memory_space<vmem>>)
      %dma_start3A_465 = arith.constant 0 : i32
      %dma_start3A_466 = arith.constant 0 : i32
      %dma_start3A_467 = tpu.memref_slice %arg6[%dma_start3A_465, %dma_start3A_466] : memref<10240x64xf32, #tpu.memory_space<vmem_shared>> -> memref<10240x64xf32, #tpu.memory_space<vmem_shared>>
      tpu.enqueue_indirect_dma source(%arg19 : memref<200x64xf32, #tpu.memory_space<vmem>>) target(%dma_start3A_467 : memref<10240x64xf32, #tpu.memory_space<vmem_shared>>) offsets(%arg14 : memref<200xi32, #tpu.memory_space<vmem>>) semaphore(%arg34 : memref<!tpu.dma_semaphore, #tpu.memory_space<semaphore_mem>>) {add = true}
      %mul3A_468 = arith.constant 5 : i32
      %mul3A_469 = arith.muli %scan3A_359, %mul3A_468 : i32
      %add3A_470 = arith.constant 3 : i32
      %add3A_471 = arith.addi %mul3A_469, %add3A_470 : i32
      %dma_wait3A_472 = arith.constant 0 : i32
      %dma_wait3A_473 = arith.constant 0 : i32
      %dma_wait3A_474 = tpu.memref_slice %arg6[%dma_wait3A_472, %dma_wait3A_473] : memref<10240x64xf32, #tpu.memory_space<vmem_shared>> -> memref<10240x64xf32, #tpu.memory_space<vmem_shared>>
      tpu.wait_indirect_dma semaphore(%arg32 : memref<!tpu.dma_semaphore, #tpu.memory_space<semaphore_mem>>) src(%arg17 : memref<200x64xf32, #tpu.memory_space<vmem>>) dst(%dma_wait3A_474 : memref<10240x64xf32, #tpu.memory_space<vmem_shared>>)
      %add3A_475 = arith.constant 2 : i32
      %add3A_476 = arith.addi %add3A_471, %add3A_475 : i32
      %mul3A_477 = arith.constant 200 : i32
      %mul3A_478 = arith.muli %add3A_476, %mul3A_477 : i32
      %add3A_479 = arith.addi %mul3A_70, %mul3A_478 : i32
      %dma_start3A_480 = tpu.memref_slice %arg3[%add3A_479] : memref<320000xi32, #tpu.memory_space<hbm>> -> memref<200xi32, #tpu.memory_space<hbm>>
      %dma_start3A_481 = tpu.memref_slice %arg3[%add3A_479] : memref<320000xi32, #tpu.memory_space<hbm>> -> memref<200xi32, #tpu.memory_space<hbm>>
      tpu.enqueue_dma source(%dma_start3A_481 : memref<200xi32, #tpu.memory_space<hbm>>) target(%arg7 : memref<200xi32, #tpu.memory_space<vmem>>) target_semaphore(%arg22 : memref<!tpu.dma_semaphore, #tpu.memory_space<semaphore_mem>>)
      %mul3A_482 = arith.constant 200 : i32
      %mul3A_483 = arith.muli %add3A_476, %mul3A_482 : i32
      %add3A_484 = arith.addi %mul3A_70, %mul3A_483 : i32
      %dma_start3A_485 = tpu.memref_slice %arg4[%add3A_484] : memref<320000xi32, #tpu.memory_space<hbm>> -> memref<200xi32, #tpu.memory_space<hbm>>
      %dma_start3A_486 = tpu.memref_slice %arg4[%add3A_484] : memref<320000xi32, #tpu.memory_space<hbm>> -> memref<200xi32, #tpu.memory_space<hbm>>
      tpu.enqueue_dma source(%dma_start3A_486 : memref<200xi32, #tpu.memory_space<hbm>>) target(%arg12 : memref<200xi32, #tpu.memory_space<vmem>>) target_semaphore(%arg22 : memref<!tpu.dma_semaphore, #tpu.memory_space<semaphore_mem>>)
      %dma_wait3A_487 = arith.constant 0 : i32
      %dma_wait3A_488 = tpu.memref_slice %arg3[%dma_wait3A_487] : memref<320000xi32, #tpu.memory_space<hbm>> -> memref<200xi32, #tpu.memory_space<hbm>>
      %dma_wait3A_489 = arith.constant 0 : i32
      %dma_wait3A_490 = tpu.memref_slice %arg3[%dma_wait3A_489] : memref<320000xi32, #tpu.memory_space<hbm>> -> memref<200xi32, #tpu.memory_space<hbm>>
      tpu.wait_dma2 semaphore(%arg26 : memref<!tpu.dma_semaphore, #tpu.memory_space<semaphore_mem>>) src(%dma_wait3A_490 : memref<200xi32, #tpu.memory_space<hbm>>) dst(%arg11 : memref<200xi32, #tpu.memory_space<vmem>>)
      %dma_wait3A_491 = arith.constant 0 : i32
      %dma_wait3A_492 = tpu.memref_slice %arg3[%dma_wait3A_491] : memref<320000xi32, #tpu.memory_space<hbm>> -> memref<200xi32, #tpu.memory_space<hbm>>
      %dma_wait3A_493 = arith.constant 0 : i32
      %dma_wait3A_494 = tpu.memref_slice %arg3[%dma_wait3A_493] : memref<320000xi32, #tpu.memory_space<hbm>> -> memref<200xi32, #tpu.memory_space<hbm>>
      tpu.wait_dma2 semaphore(%arg26 : memref<!tpu.dma_semaphore, #tpu.memory_space<semaphore_mem>>) src(%dma_wait3A_494 : memref<200xi32, #tpu.memory_space<hbm>>) dst(%arg16 : memref<200xi32, #tpu.memory_space<vmem>>)
      %dma_start3A_495 = arith.constant 0 : i32
      %dma_start3A_496 = arith.constant 0 : i32
      %dma_start3A_497 = tpu.memref_slice %arg2[%dma_start3A_495, %dma_start3A_496] : memref<10000x64xf32, #tpu.memory_space<hbm>> -> memref<10000x64xf32, #tpu.memory_space<hbm>>
      tpu.enqueue_indirect_dma source(%dma_start3A_497 : memref<10000x64xf32, #tpu.memory_space<hbm>>) target(%arg21 : memref<200x64xf32, #tpu.memory_space<vmem>>) offsets(%arg11 : memref<200xi32, #tpu.memory_space<vmem>>) semaphore(%arg31 : memref<!tpu.dma_semaphore, #tpu.memory_space<semaphore_mem>>)
      %dma_wait3A_498 = arith.constant 0 : i32
      %dma_wait3A_499 = arith.constant 0 : i32
      %dma_wait3A_500 = tpu.memref_slice %arg2[%dma_wait3A_498, %dma_wait3A_499] : memref<10000x64xf32, #tpu.memory_space<hbm>> -> memref<10000x64xf32, #tpu.memory_space<hbm>>
      tpu.wait_indirect_dma semaphore(%arg30 : memref<!tpu.dma_semaphore, #tpu.memory_space<semaphore_mem>>) src(%dma_wait3A_500 : memref<10000x64xf32, #tpu.memory_space<hbm>>) dst(%arg20 : memref<200x64xf32, #tpu.memory_space<vmem>>)
      %dma_start3A_501 = arith.constant 0 : i32
      %dma_start3A_502 = arith.constant 0 : i32
      %dma_start3A_503 = tpu.memref_slice %arg6[%dma_start3A_501, %dma_start3A_502] : memref<10240x64xf32, #tpu.memory_space<vmem_shared>> -> memref<10240x64xf32, #tpu.memory_space<vmem_shared>>
      tpu.enqueue_indirect_dma source(%arg20 : memref<200x64xf32, #tpu.memory_space<vmem>>) target(%dma_start3A_503 : memref<10240x64xf32, #tpu.memory_space<vmem_shared>>) offsets(%arg15 : memref<200xi32, #tpu.memory_space<vmem>>) semaphore(%arg35 : memref<!tpu.dma_semaphore, #tpu.memory_space<semaphore_mem>>) {add = true}
      %mul3A_504 = arith.constant 5 : i32
      %mul3A_505 = arith.muli %scan3A_359, %mul3A_504 : i32
      %add3A_506 = arith.constant 4 : i32
      %add3A_507 = arith.addi %mul3A_505, %add3A_506 : i32
      %dma_wait3A_508 = arith.constant 0 : i32
      %dma_wait3A_509 = arith.constant 0 : i32
      %dma_wait3A_510 = tpu.memref_slice %arg6[%dma_wait3A_508, %dma_wait3A_509] : memref<10240x64xf32, #tpu.memory_space<vmem_shared>> -> memref<10240x64xf32, #tpu.memory_space<vmem_shared>>
      tpu.wait_indirect_dma semaphore(%arg33 : memref<!tpu.dma_semaphore, #tpu.memory_space<semaphore_mem>>) src(%arg18 : memref<200x64xf32, #tpu.memory_space<vmem>>) dst(%dma_wait3A_510 : memref<10240x64xf32, #tpu.memory_space<vmem_shared>>)
      %add3A_511 = arith.constant 2 : i32
      %add3A_512 = arith.addi %add3A_507, %add3A_511 : i32
      %mul3A_513 = arith.constant 200 : i32
      %mul3A_514 = arith.muli %add3A_512, %mul3A_513 : i32
      %add3A_515 = arith.addi %mul3A_70, %mul3A_514 : i32
      %dma_start3A_516 = tpu.memref_slice %arg3[%add3A_515] : memref<320000xi32, #tpu.memory_space<hbm>> -> memref<200xi32, #tpu.memory_space<hbm>>
      %dma_start3A_517 = tpu.memref_slice %arg3[%add3A_515] : memref<320000xi32, #tpu.memory_space<hbm>> -> memref<200xi32, #tpu.memory_space<hbm>>
      tpu.enqueue_dma source(%dma_start3A_517 : memref<200xi32, #tpu.memory_space<hbm>>) target(%arg8 : memref<200xi32, #tpu.memory_space<vmem>>) target_semaphore(%arg23 : memref<!tpu.dma_semaphore, #tpu.memory_space<semaphore_mem>>)
      %mul3A_518 = arith.constant 200 : i32
      %mul3A_519 = arith.muli %add3A_512, %mul3A_518 : i32
      %add3A_520 = arith.addi %mul3A_70, %mul3A_519 : i32
      %dma_start3A_521 = tpu.memref_slice %arg4[%add3A_520] : memref<320000xi32, #tpu.memory_space<hbm>> -> memref<200xi32, #tpu.memory_space<hbm>>
      %dma_start3A_522 = tpu.memref_slice %arg4[%add3A_520] : memref<320000xi32, #tpu.memory_space<hbm>> -> memref<200xi32, #tpu.memory_space<hbm>>
      tpu.enqueue_dma source(%dma_start3A_522 : memref<200xi32, #tpu.memory_space<hbm>>) target(%arg13 : memref<200xi32, #tpu.memory_space<vmem>>) target_semaphore(%arg23 : memref<!tpu.dma_semaphore, #tpu.memory_space<semaphore_mem>>)
      %dma_wait3A_523 = arith.constant 0 : i32
      %dma_wait3A_524 = tpu.memref_slice %arg3[%dma_wait3A_523] : memref<320000xi32, #tpu.memory_space<hbm>> -> memref<200xi32, #tpu.memory_space<hbm>>
      %dma_wait3A_525 = arith.constant 0 : i32
      %dma_wait3A_526 = tpu.memref_slice %arg3[%dma_wait3A_525] : memref<320000xi32, #tpu.memory_space<hbm>> -> memref<200xi32, #tpu.memory_space<hbm>>
      tpu.wait_dma2 semaphore(%arg22 : memref<!tpu.dma_semaphore, #tpu.memory_space<semaphore_mem>>) src(%dma_wait3A_526 : memref<200xi32, #tpu.memory_space<hbm>>) dst(%arg7 : memref<200xi32, #tpu.memory_space<vmem>>)
      %dma_wait3A_527 = arith.constant 0 : i32
      %dma_wait3A_528 = tpu.memref_slice %arg3[%dma_wait3A_527] : memref<320000xi32, #tpu.memory_space<hbm>> -> memref<200xi32, #tpu.memory_space<hbm>>
      %dma_wait3A_529 = arith.constant 0 : i32
      %dma_wait3A_530 = tpu.memref_slice %arg3[%dma_wait3A_529] : memref<320000xi32, #tpu.memory_space<hbm>> -> memref<200xi32, #tpu.memory_space<hbm>>
      tpu.wait_dma2 semaphore(%arg22 : memref<!tpu.dma_semaphore, #tpu.memory_space<semaphore_mem>>) src(%dma_wait3A_530 : memref<200xi32, #tpu.memory_space<hbm>>) dst(%arg12 : memref<200xi32, #tpu.memory_space<vmem>>)
      %dma_start3A_531 = arith.constant 0 : i32
      %dma_start3A_532 = arith.constant 0 : i32
      %dma_start3A_533 = tpu.memref_slice %arg2[%dma_start3A_531, %dma_start3A_532] : memref<10000x64xf32, #tpu.memory_space<hbm>> -> memref<10000x64xf32, #tpu.memory_space<hbm>>
      tpu.enqueue_indirect_dma source(%dma_start3A_533 : memref<10000x64xf32, #tpu.memory_space<hbm>>) target(%arg17 : memref<200x64xf32, #tpu.memory_space<vmem>>) offsets(%arg7 : memref<200xi32, #tpu.memory_space<vmem>>) semaphore(%arg27 : memref<!tpu.dma_semaphore, #tpu.memory_space<semaphore_mem>>)
      %dma_wait3A_534 = arith.constant 0 : i32
      %dma_wait3A_535 = arith.constant 0 : i32
      %dma_wait3A_536 = tpu.memref_slice %arg2[%dma_wait3A_534, %dma_wait3A_535] : memref<10000x64xf32, #tpu.memory_space<hbm>> -> memref<10000x64xf32, #tpu.memory_space<hbm>>
      tpu.wait_indirect_dma semaphore(%arg31 : memref<!tpu.dma_semaphore, #tpu.memory_space<semaphore_mem>>) src(%dma_wait3A_536 : memref<10000x64xf32, #tpu.memory_space<hbm>>) dst(%arg21 : memref<200x64xf32, #tpu.memory_space<vmem>>)
      %dma_start3A_537 = arith.constant 0 : i32
      %dma_start3A_538 = arith.constant 0 : i32
      %dma_start3A_539 = tpu.memref_slice %arg6[%dma_start3A_537, %dma_start3A_538] : memref<10240x64xf32, #tpu.memory_space<vmem_shared>> -> memref<10240x64xf32, #tpu.memory_space<vmem_shared>>
      tpu.enqueue_indirect_dma source(%arg21 : memref<200x64xf32, #tpu.memory_space<vmem>>) target(%dma_start3A_539 : memref<10240x64xf32, #tpu.memory_space<vmem_shared>>) offsets(%arg16 : memref<200xi32, #tpu.memory_space<vmem>>) semaphore(%arg36 : memref<!tpu.dma_semaphore, #tpu.memory_space<semaphore_mem>>) {add = true}
    }
    %scan3A_231 = arith.constant 8 : i32
    %dma_wait3A_232 = arith.constant 0 : i32
    %dma_wait3A_233 = arith.constant 0 : i32
    %dma_wait3A_234 = tpu.memref_slice %arg6[%dma_wait3A_232, %dma_wait3A_233] : memref<10240x64xf32, #tpu.memory_space<vmem_shared>> -> memref<10240x64xf32, #tpu.memory_space<vmem_shared>>
    tpu.wait_indirect_dma semaphore(%arg34 : memref<!tpu.dma_semaphore, #tpu.memory_space<semaphore_mem>>) src(%arg19 : memref<200x64xf32, #tpu.memory_space<vmem>>) dst(%dma_wait3A_234 : memref<10240x64xf32, #tpu.memory_space<vmem_shared>>)
    %add3A_235 = arith.constant 9400 : i32
    %add3A_236 = arith.addi %mul3A_70, %add3A_235 : i32
    %dma_start3A_237 = tpu.memref_slice %arg3[%add3A_236] : memref<320000xi32, #tpu.memory_space<hbm>> -> memref<200xi32, #tpu.memory_space<hbm>>
    %dma_start3A_238 = tpu.memref_slice %arg3[%add3A_236] : memref<320000xi32, #tpu.memory_space<hbm>> -> memref<200xi32, #tpu.memory_space<hbm>>
    tpu.enqueue_dma source(%dma_start3A_238 : memref<200xi32, #tpu.memory_space<hbm>>) target(%arg9 : memref<200xi32, #tpu.memory_space<vmem>>) target_semaphore(%arg24 : memref<!tpu.dma_semaphore, #tpu.memory_space<semaphore_mem>>)
    %add3A_239 = arith.constant 9400 : i32
    %add3A_240 = arith.addi %mul3A_70, %add3A_239 : i32
    %dma_start3A_241 = tpu.memref_slice %arg4[%add3A_240] : memref<320000xi32, #tpu.memory_space<hbm>> -> memref<200xi32, #tpu.memory_space<hbm>>
    %dma_start3A_242 = tpu.memref_slice %arg4[%add3A_240] : memref<320000xi32, #tpu.memory_space<hbm>> -> memref<200xi32, #tpu.memory_space<hbm>>
    tpu.enqueue_dma source(%dma_start3A_242 : memref<200xi32, #tpu.memory_space<hbm>>) target(%arg14 : memref<200xi32, #tpu.memory_space<vmem>>) target_semaphore(%arg24 : memref<!tpu.dma_semaphore, #tpu.memory_space<semaphore_mem>>)
    %dma_wait3A_243 = arith.constant 0 : i32
    %dma_wait3A_244 = tpu.memref_slice %arg3[%dma_wait3A_243] : memref<320000xi32, #tpu.memory_space<hbm>> -> memref<200xi32, #tpu.memory_space<hbm>>
    %dma_wait3A_245 = arith.constant 0 : i32
    %dma_wait3A_246 = tpu.memref_slice %arg3[%dma_wait3A_245] : memref<320000xi32, #tpu.memory_space<hbm>> -> memref<200xi32, #tpu.memory_space<hbm>>
    tpu.wait_dma2 semaphore(%arg23 : memref<!tpu.dma_semaphore, #tpu.memory_space<semaphore_mem>>) src(%dma_wait3A_246 : memref<200xi32, #tpu.memory_space<hbm>>) dst(%arg8 : memref<200xi32, #tpu.memory_space<vmem>>)
    %dma_wait3A_247 = arith.constant 0 : i32
    %dma_wait3A_248 = tpu.memref_slice %arg3[%dma_wait3A_247] : memref<320000xi32, #tpu.memory_space<hbm>> -> memref<200xi32, #tpu.memory_space<hbm>>
    %dma_wait3A_249 = arith.constant 0 : i32
    %dma_wait3A_250 = tpu.memref_slice %arg3[%dma_wait3A_249] : memref<320000xi32, #tpu.memory_space<hbm>> -> memref<200xi32, #tpu.memory_space<hbm>>
    tpu.wait_dma2 semaphore(%arg23 : memref<!tpu.dma_semaphore, #tpu.memory_space<semaphore_mem>>) src(%dma_wait3A_250 : memref<200xi32, #tpu.memory_space<hbm>>) dst(%arg13 : memref<200xi32, #tpu.memory_space<vmem>>)
    %dma_start3A_251 = arith.constant 0 : i32
    %dma_start3A_252 = arith.constant 0 : i32
    %dma_start3A_253 = tpu.memref_slice %arg2[%dma_start3A_251, %dma_start3A_252] : memref<10000x64xf32, #tpu.memory_space<hbm>> -> memref<10000x64xf32, #tpu.memory_space<hbm>>
    tpu.enqueue_indirect_dma source(%dma_start3A_253 : memref<10000x64xf32, #tpu.memory_space<hbm>>) target(%arg18 : memref<200x64xf32, #tpu.memory_space<vmem>>) offsets(%arg8 : memref<200xi32, #tpu.memory_space<vmem>>) semaphore(%arg28 : memref<!tpu.dma_semaphore, #tpu.memory_space<semaphore_mem>>)
    %dma_wait3A_254 = arith.constant 0 : i32
    %dma_wait3A_255 = arith.constant 0 : i32
    %dma_wait3A_256 = tpu.memref_slice %arg2[%dma_wait3A_254, %dma_wait3A_255] : memref<10000x64xf32, #tpu.memory_space<hbm>> -> memref<10000x64xf32, #tpu.memory_space<hbm>>
    tpu.wait_indirect_dma semaphore(%arg27 : memref<!tpu.dma_semaphore, #tpu.memory_space<semaphore_mem>>) src(%dma_wait3A_256 : memref<10000x64xf32, #tpu.memory_space<hbm>>) dst(%arg17 : memref<200x64xf32, #tpu.memory_space<vmem>>)
    %dma_start3A_257 = arith.constant 0 : i32
    %dma_start3A_258 = arith.constant 0 : i32
    %dma_start3A_259 = tpu.memref_slice %arg6[%dma_start3A_257, %dma_start3A_258] : memref<10240x64xf32, #tpu.memory_space<vmem_shared>> -> memref<10240x64xf32, #tpu.memory_space<vmem_shared>>
    tpu.enqueue_indirect_dma source(%arg17 : memref<200x64xf32, #tpu.memory_space<vmem>>) target(%dma_start3A_259 : memref<10240x64xf32, #tpu.memory_space<vmem_shared>>) offsets(%arg12 : memref<200xi32, #tpu.memory_space<vmem>>) semaphore(%arg32 : memref<!tpu.dma_semaphore, #tpu.memory_space<semaphore_mem>>) {add = true}
    %dma_wait3A_260 = arith.constant 0 : i32
    %dma_wait3A_261 = arith.constant 0 : i32
    %dma_wait3A_262 = tpu.memref_slice %arg6[%dma_wait3A_260, %dma_wait3A_261] : memref<10240x64xf32, #tpu.memory_space<vmem_shared>> -> memref<10240x64xf32, #tpu.memory_space<vmem_shared>>
    tpu.wait_indirect_dma semaphore(%arg35 : memref<!tpu.dma_semaphore, #tpu.memory_space<semaphore_mem>>) src(%arg20 : memref<200x64xf32, #tpu.memory_space<vmem>>) dst(%dma_wait3A_262 : memref<10240x64xf32, #tpu.memory_space<vmem_shared>>)
    %add3A_263 = arith.constant 9600 : i32
    %add3A_264 = arith.addi %mul3A_70, %add3A_263 : i32
    %dma_start3A_265 = tpu.memref_slice %arg3[%add3A_264] : memref<320000xi32, #tpu.memory_space<hbm>> -> memref<200xi32, #tpu.memory_space<hbm>>
    %dma_start3A_266 = tpu.memref_slice %arg3[%add3A_264] : memref<320000xi32, #tpu.memory_space<hbm>> -> memref<200xi32, #tpu.memory_space<hbm>>
    tpu.enqueue_dma source(%dma_start3A_266 : memref<200xi32, #tpu.memory_space<hbm>>) target(%arg10 : memref<200xi32, #tpu.memory_space<vmem>>) target_semaphore(%arg25 : memref<!tpu.dma_semaphore, #tpu.memory_space<semaphore_mem>>)
    %add3A_267 = arith.constant 9600 : i32
    %add3A_268 = arith.addi %mul3A_70, %add3A_267 : i32
    %dma_start3A_269 = tpu.memref_slice %arg4[%add3A_268] : memref<320000xi32, #tpu.memory_space<hbm>> -> memref<200xi32, #tpu.memory_space<hbm>>
    %dma_start3A_270 = tpu.memref_slice %arg4[%add3A_268] : memref<320000xi32, #tpu.memory_space<hbm>> -> memref<200xi32, #tpu.memory_space<hbm>>
    tpu.enqueue_dma source(%dma_start3A_270 : memref<200xi32, #tpu.memory_space<hbm>>) target(%arg15 : memref<200xi32, #tpu.memory_space<vmem>>) target_semaphore(%arg25 : memref<!tpu.dma_semaphore, #tpu.memory_space<semaphore_mem>>)
    %dma_wait3A_271 = arith.constant 0 : i32
    %dma_wait3A_272 = tpu.memref_slice %arg3[%dma_wait3A_271] : memref<320000xi32, #tpu.memory_space<hbm>> -> memref<200xi32, #tpu.memory_space<hbm>>
    %dma_wait3A_273 = arith.constant 0 : i32
    %dma_wait3A_274 = tpu.memref_slice %arg3[%dma_wait3A_273] : memref<320000xi32, #tpu.memory_space<hbm>> -> memref<200xi32, #tpu.memory_space<hbm>>
    tpu.wait_dma2 semaphore(%arg24 : memref<!tpu.dma_semaphore, #tpu.memory_space<semaphore_mem>>) src(%dma_wait3A_274 : memref<200xi32, #tpu.memory_space<hbm>>) dst(%arg9 : memref<200xi32, #tpu.memory_space<vmem>>)
    %dma_wait3A_275 = arith.constant 0 : i32
    %dma_wait3A_276 = tpu.memref_slice %arg3[%dma_wait3A_275] : memref<320000xi32, #tpu.memory_space<hbm>> -> memref<200xi32, #tpu.memory_space<hbm>>
    %dma_wait3A_277 = arith.constant 0 : i32
    %dma_wait3A_278 = tpu.memref_slice %arg3[%dma_wait3A_277] : memref<320000xi32, #tpu.memory_space<hbm>> -> memref<200xi32, #tpu.memory_space<hbm>>
    tpu.wait_dma2 semaphore(%arg24 : memref<!tpu.dma_semaphore, #tpu.memory_space<semaphore_mem>>) src(%dma_wait3A_278 : memref<200xi32, #tpu.memory_space<hbm>>) dst(%arg14 : memref<200xi32, #tpu.memory_space<vmem>>)
    %dma_start3A_279 = arith.constant 0 : i32
    %dma_start3A_280 = arith.constant 0 : i32
    %dma_start3A_281 = tpu.memref_slice %arg2[%dma_start3A_279, %dma_start3A_280] : memref<10000x64xf32, #tpu.memory_space<hbm>> -> memref<10000x64xf32, #tpu.memory_space<hbm>>
    tpu.enqueue_indirect_dma source(%dma_start3A_281 : memref<10000x64xf32, #tpu.memory_space<hbm>>) target(%arg19 : memref<200x64xf32, #tpu.memory_space<vmem>>) offsets(%arg9 : memref<200xi32, #tpu.memory_space<vmem>>) semaphore(%arg29 : memref<!tpu.dma_semaphore, #tpu.memory_space<semaphore_mem>>)
    %dma_wait3A_282 = arith.constant 0 : i32
    %dma_wait3A_283 = arith.constant 0 : i32
    %dma_wait3A_284 = tpu.memref_slice %arg2[%dma_wait3A_282, %dma_wait3A_283] : memref<10000x64xf32, #tpu.memory_space<hbm>> -> memref<10000x64xf32, #tpu.memory_space<hbm>>
    tpu.wait_indirect_dma semaphore(%arg28 : memref<!tpu.dma_semaphore, #tpu.memory_space<semaphore_mem>>) src(%dma_wait3A_284 : memref<10000x64xf32, #tpu.memory_space<hbm>>) dst(%arg18 : memref<200x64xf32, #tpu.memory_space<vmem>>)
    %dma_start3A_285 = arith.constant 0 : i32
    %dma_start3A_286 = arith.constant 0 : i32
    %dma_start3A_287 = tpu.memref_slice %arg6[%dma_start3A_285, %dma_start3A_286] : memref<10240x64xf32, #tpu.memory_space<vmem_shared>> -> memref<10240x64xf32, #tpu.memory_space<vmem_shared>>
    tpu.enqueue_indirect_dma source(%arg18 : memref<200x64xf32, #tpu.memory_space<vmem>>) target(%dma_start3A_287 : memref<10240x64xf32, #tpu.memory_space<vmem_shared>>) offsets(%arg13 : memref<200xi32, #tpu.memory_space<vmem>>) semaphore(%arg33 : memref<!tpu.dma_semaphore, #tpu.memory_space<semaphore_mem>>) {add = true}
    %dma_wait3A_288 = arith.constant 0 : i32
    %dma_wait3A_289 = arith.constant 0 : i32
    %dma_wait3A_290 = tpu.memref_slice %arg6[%dma_wait3A_288, %dma_wait3A_289] : memref<10240x64xf32, #tpu.memory_space<vmem_shared>> -> memref<10240x64xf32, #tpu.memory_space<vmem_shared>>
    tpu.wait_indirect_dma semaphore(%arg36 : memref<!tpu.dma_semaphore, #tpu.memory_space<semaphore_mem>>) src(%arg21 : memref<200x64xf32, #tpu.memory_space<vmem>>) dst(%dma_wait3A_290 : memref<10240x64xf32, #tpu.memory_space<vmem_shared>>)
    %add3A_291 = arith.constant 9800 : i32
    %add3A_292 = arith.addi %mul3A_70, %add3A_291 : i32
    %dma_start3A_293 = tpu.memref_slice %arg3[%add3A_292] : memref<320000xi32, #tpu.memory_space<hbm>> -> memref<200xi32, #tpu.memory_space<hbm>>
    %dma_start3A_294 = tpu.memref_slice %arg3[%add3A_292] : memref<320000xi32, #tpu.memory_space<hbm>> -> memref<200xi32, #tpu.memory_space<hbm>>
    tpu.enqueue_dma source(%dma_start3A_294 : memref<200xi32, #tpu.memory_space<hbm>>) target(%arg11 : memref<200xi32, #tpu.memory_space<vmem>>) target_semaphore(%arg26 : memref<!tpu.dma_semaphore, #tpu.memory_space<semaphore_mem>>)
    %add3A_295 = arith.constant 9800 : i32
    %add3A_296 = arith.addi %mul3A_70, %add3A_295 : i32
    %dma_start3A_297 = tpu.memref_slice %arg4[%add3A_296] : memref<320000xi32, #tpu.memory_space<hbm>> -> memref<200xi32, #tpu.memory_space<hbm>>
    %dma_start3A_298 = tpu.memref_slice %arg4[%add3A_296] : memref<320000xi32, #tpu.memory_space<hbm>> -> memref<200xi32, #tpu.memory_space<hbm>>
    tpu.enqueue_dma source(%dma_start3A_298 : memref<200xi32, #tpu.memory_space<hbm>>) target(%arg16 : memref<200xi32, #tpu.memory_space<vmem>>) target_semaphore(%arg26 : memref<!tpu.dma_semaphore, #tpu.memory_space<semaphore_mem>>)
    %dma_wait3A_299 = arith.constant 0 : i32
    %dma_wait3A_300 = tpu.memref_slice %arg3[%dma_wait3A_299] : memref<320000xi32, #tpu.memory_space<hbm>> -> memref<200xi32, #tpu.memory_space<hbm>>
    %dma_wait3A_301 = arith.constant 0 : i32
    %dma_wait3A_302 = tpu.memref_slice %arg3[%dma_wait3A_301] : memref<320000xi32, #tpu.memory_space<hbm>> -> memref<200xi32, #tpu.memory_space<hbm>>
    tpu.wait_dma2 semaphore(%arg25 : memref<!tpu.dma_semaphore, #tpu.memory_space<semaphore_mem>>) src(%dma_wait3A_302 : memref<200xi32, #tpu.memory_space<hbm>>) dst(%arg10 : memref<200xi32, #tpu.memory_space<vmem>>)
    %dma_wait3A_303 = arith.constant 0 : i32
    %dma_wait3A_304 = tpu.memref_slice %arg3[%dma_wait3A_303] : memref<320000xi32, #tpu.memory_space<hbm>> -> memref<200xi32, #tpu.memory_space<hbm>>
    %dma_wait3A_305 = arith.constant 0 : i32
    %dma_wait3A_306 = tpu.memref_slice %arg3[%dma_wait3A_305] : memref<320000xi32, #tpu.memory_space<hbm>> -> memref<200xi32, #tpu.memory_space<hbm>>
    tpu.wait_dma2 semaphore(%arg25 : memref<!tpu.dma_semaphore, #tpu.memory_space<semaphore_mem>>) src(%dma_wait3A_306 : memref<200xi32, #tpu.memory_space<hbm>>) dst(%arg15 : memref<200xi32, #tpu.memory_space<vmem>>)
    %dma_start3A_307 = arith.constant 0 : i32
    %dma_start3A_308 = arith.constant 0 : i32
    %dma_start3A_309 = tpu.memref_slice %arg2[%dma_start3A_307, %dma_start3A_308] : memref<10000x64xf32, #tpu.memory_space<hbm>> -> memref<10000x64xf32, #tpu.memory_space<hbm>>
    tpu.enqueue_indirect_dma source(%dma_start3A_309 : memref<10000x64xf32, #tpu.memory_space<hbm>>) target(%arg20 : memref<200x64xf32, #tpu.memory_space<vmem>>) offsets(%arg10 : memref<200xi32, #tpu.memory_space<vmem>>) semaphore(%arg30 : memref<!tpu.dma_semaphore, #tpu.memory_space<semaphore_mem>>)
    %dma_wait3A_310 = arith.constant 0 : i32
    %dma_wait3A_311 = arith.constant 0 : i32
    %dma_wait3A_312 = tpu.memref_slice %arg2[%dma_wait3A_310, %dma_wait3A_311] : memref<10000x64xf32, #tpu.memory_space<hbm>> -> memref<10000x64xf32, #tpu.memory_space<hbm>>
    tpu.wait_indirect_dma semaphore(%arg29 : memref<!tpu.dma_semaphore, #tpu.memory_space<semaphore_mem>>) src(%dma_wait3A_312 : memref<10000x64xf32, #tpu.memory_space<hbm>>) dst(%arg19 : memref<200x64xf32, #tpu.memory_space<vmem>>)
    %dma_start3A_313 = arith.constant 0 : i32
    %dma_start3A_314 = arith.constant 0 : i32
    %dma_start3A_315 = tpu.memref_slice %arg6[%dma_start3A_313, %dma_start3A_314] : memref<10240x64xf32, #tpu.memory_space<vmem_shared>> -> memref<10240x64xf32, #tpu.memory_space<vmem_shared>>
    tpu.enqueue_indirect_dma source(%arg19 : memref<200x64xf32, #tpu.memory_space<vmem>>) target(%dma_start3A_315 : memref<10240x64xf32, #tpu.memory_space<vmem_shared>>) offsets(%arg14 : memref<200xi32, #tpu.memory_space<vmem>>) semaphore(%arg34 : memref<!tpu.dma_semaphore, #tpu.memory_space<semaphore_mem>>) {add = true}
    %dma_wait3A_316 = arith.constant 0 : i32
    %dma_wait3A_317 = arith.constant 0 : i32
    %dma_wait3A_318 = tpu.memref_slice %arg6[%dma_wait3A_316, %dma_wait3A_317] : memref<10240x64xf32, #tpu.memory_space<vmem_shared>> -> memref<10240x64xf32, #tpu.memory_space<vmem_shared>>
    tpu.wait_indirect_dma semaphore(%arg32 : memref<!tpu.dma_semaphore, #tpu.memory_space<semaphore_mem>>) src(%arg17 : memref<200x64xf32, #tpu.memory_space<vmem>>) dst(%dma_wait3A_318 : memref<10240x64xf32, #tpu.memory_space<vmem_shared>>)
    %dma_wait3A_319 = arith.constant 0 : i32
    %dma_wait3A_320 = tpu.memref_slice %arg3[%dma_wait3A_319] : memref<320000xi32, #tpu.memory_space<hbm>> -> memref<200xi32, #tpu.memory_space<hbm>>
    %dma_wait3A_321 = arith.constant 0 : i32
    %dma_wait3A_322 = tpu.memref_slice %arg3[%dma_wait3A_321] : memref<320000xi32, #tpu.memory_space<hbm>> -> memref<200xi32, #tpu.memory_space<hbm>>
    tpu.wait_dma2 semaphore(%arg26 : memref<!tpu.dma_semaphore, #tpu.memory_space<semaphore_mem>>) src(%dma_wait3A_322 : memref<200xi32, #tpu.memory_space<hbm>>) dst(%arg11 : memref<200xi32, #tpu.memory_space<vmem>>)
    %dma_wait3A_323 = arith.constant 0 : i32
    %dma_wait3A_324 = tpu.memref_slice %arg3[%dma_wait3A_323] : memref<320000xi32, #tpu.memory_space<hbm>> -> memref<200xi32, #tpu.memory_space<hbm>>
    %dma_wait3A_325 = arith.constant 0 : i32
    %dma_wait3A_326 = tpu.memref_slice %arg3[%dma_wait3A_325] : memref<320000xi32, #tpu.memory_space<hbm>> -> memref<200xi32, #tpu.memory_space<hbm>>
    tpu.wait_dma2 semaphore(%arg26 : memref<!tpu.dma_semaphore, #tpu.memory_space<semaphore_mem>>) src(%dma_wait3A_326 : memref<200xi32, #tpu.memory_space<hbm>>) dst(%arg16 : memref<200xi32, #tpu.memory_space<vmem>>)
    %dma_start3A_327 = arith.constant 0 : i32
    %dma_start3A_328 = arith.constant 0 : i32
    %dma_start3A_329 = tpu.memref_slice %arg2[%dma_start3A_327, %dma_start3A_328] : memref<10000x64xf32, #tpu.memory_space<hbm>> -> memref<10000x64xf32, #tpu.memory_space<hbm>>
    tpu.enqueue_indirect_dma source(%dma_start3A_329 : memref<10000x64xf32, #tpu.memory_space<hbm>>) target(%arg21 : memref<200x64xf32, #tpu.memory_space<vmem>>) offsets(%arg11 : memref<200xi32, #tpu.memory_space<vmem>>) semaphore(%arg31 : memref<!tpu.dma_semaphore, #tpu.memory_space<semaphore_mem>>)
    %dma_wait3A_330 = arith.constant 0 : i32
    %dma_wait3A_331 = arith.constant 0 : i32
    %dma_wait3A_332 = tpu.memref_slice %arg2[%dma_wait3A_330, %dma_wait3A_331] : memref<10000x64xf32, #tpu.memory_space<hbm>> -> memref<10000x64xf32, #tpu.memory_space<hbm>>
    tpu.wait_indirect_dma semaphore(%arg30 : memref<!tpu.dma_semaphore, #tpu.memory_space<semaphore_mem>>) src(%dma_wait3A_332 : memref<10000x64xf32, #tpu.memory_space<hbm>>) dst(%arg20 : memref<200x64xf32, #tpu.memory_space<vmem>>)
    %dma_start3A_333 = arith.constant 0 : i32
    %dma_start3A_334 = arith.constant 0 : i32
    %dma_start3A_335 = tpu.memref_slice %arg6[%dma_start3A_333, %dma_start3A_334] : memref<10240x64xf32, #tpu.memory_space<vmem_shared>> -> memref<10240x64xf32, #tpu.memory_space<vmem_shared>>
    tpu.enqueue_indirect_dma source(%arg20 : memref<200x64xf32, #tpu.memory_space<vmem>>) target(%dma_start3A_335 : memref<10240x64xf32, #tpu.memory_space<vmem_shared>>) offsets(%arg15 : memref<200xi32, #tpu.memory_space<vmem>>) semaphore(%arg35 : memref<!tpu.dma_semaphore, #tpu.memory_space<semaphore_mem>>) {add = true}
    %dma_wait3A_336 = arith.constant 0 : i32
    %dma_wait3A_337 = arith.constant 0 : i32
    %dma_wait3A_338 = tpu.memref_slice %arg6[%dma_wait3A_336, %dma_wait3A_337] : memref<10240x64xf32, #tpu.memory_space<vmem_shared>> -> memref<10240x64xf32, #tpu.memory_space<vmem_shared>>
    tpu.wait_indirect_dma semaphore(%arg33 : memref<!tpu.dma_semaphore, #tpu.memory_space<semaphore_mem>>) src(%arg18 : memref<200x64xf32, #tpu.memory_space<vmem>>) dst(%dma_wait3A_338 : memref<10240x64xf32, #tpu.memory_space<vmem_shared>>)
    %dma_wait3A_339 = arith.constant 0 : i32
    %dma_wait3A_340 = arith.constant 0 : i32
    %dma_wait3A_341 = tpu.memref_slice %arg2[%dma_wait3A_339, %dma_wait3A_340] : memref<10000x64xf32, #tpu.memory_space<hbm>> -> memref<10000x64xf32, #tpu.memory_space<hbm>>
    tpu.wait_indirect_dma semaphore(%arg31 : memref<!tpu.dma_semaphore, #tpu.memory_space<semaphore_mem>>) src(%dma_wait3A_341 : memref<10000x64xf32, #tpu.memory_space<hbm>>) dst(%arg21 : memref<200x64xf32, #tpu.memory_space<vmem>>)
    %dma_start3A_342 = arith.constant 0 : i32
    %dma_start3A_343 = arith.constant 0 : i32
    %dma_start3A_344 = tpu.memref_slice %arg6[%dma_start3A_342, %dma_start3A_343] : memref<10240x64xf32, #tpu.memory_space<vmem_shared>> -> memref<10240x64xf32, #tpu.memory_space<vmem_shared>>
    tpu.enqueue_indirect_dma source(%arg21 : memref<200x64xf32, #tpu.memory_space<vmem>>) target(%dma_start3A_344 : memref<10240x64xf32, #tpu.memory_space<vmem_shared>>) offsets(%arg16 : memref<200xi32, #tpu.memory_space<vmem>>) semaphore(%arg36 : memref<!tpu.dma_semaphore, #tpu.memory_space<semaphore_mem>>) {add = true}
    %dma_wait3A_345 = arith.constant 0 : i32
    %dma_wait3A_346 = arith.constant 0 : i32
    %dma_wait3A_347 = tpu.memref_slice %arg6[%dma_wait3A_345, %dma_wait3A_346] : memref<10240x64xf32, #tpu.memory_space<vmem_shared>> -> memref<10240x64xf32, #tpu.memory_space<vmem_shared>>
    tpu.wait_indirect_dma semaphore(%arg34 : memref<!tpu.dma_semaphore, #tpu.memory_space<semaphore_mem>>) src(%arg19 : memref<200x64xf32, #tpu.memory_space<vmem>>) dst(%dma_wait3A_347 : memref<10240x64xf32, #tpu.memory_space<vmem_shared>>)
    %dma_wait3A_348 = arith.constant 0 : i32
    %dma_wait3A_349 = arith.constant 0 : i32
    %dma_wait3A_350 = tpu.memref_slice %arg6[%dma_wait3A_348, %dma_wait3A_349] : memref<10240x64xf32, #tpu.memory_space<vmem_shared>> -> memref<10240x64xf32, #tpu.memory_space<vmem_shared>>
    tpu.wait_indirect_dma semaphore(%arg35 : memref<!tpu.dma_semaphore, #tpu.memory_space<semaphore_mem>>) src(%arg20 : memref<200x64xf32, #tpu.memory_space<vmem>>) dst(%dma_wait3A_350 : memref<10240x64xf32, #tpu.memory_space<vmem_shared>>)
    %dma_wait3A_351 = arith.constant 0 : i32
    %dma_wait3A_352 = arith.constant 0 : i32
    %dma_wait3A_353 = tpu.memref_slice %arg6[%dma_wait3A_351, %dma_wait3A_352] : memref<10240x64xf32, #tpu.memory_space<vmem_shared>> -> memref<10240x64xf32, #tpu.memory_space<vmem_shared>>
    tpu.wait_indirect_dma semaphore(%arg36 : memref<!tpu.dma_semaphore, #tpu.memory_space<semaphore_mem>>) src(%arg21 : memref<200x64xf32, #tpu.memory_space<vmem>>) dst(%dma_wait3A_353 : memref<10240x64xf32, #tpu.memory_space<vmem_shared>>)
    %barrier3A_354 = arith.constant 0 : index
    tpu.barrier barrier_id(%barrier3A_354)
    %mul3A_355 = arith.constant 640 : i32
    %mul3A_356 = arith.muli %arg1, %mul3A_355 : i32
    %mul3A_357 = arith.constant 640 : i32
    %mul3A_358 = arith.muli %arg1, %mul3A_357 : i32
    "tpu.region"() ({
      %run_scoped3A = tpu.sem_alloc : memref<!tpu.dma_semaphore, #tpu.memory_space<semaphore_mem>>
      %dma_start3A_359 = arith.constant 0 : i32
      %dma_start3A_360 = tpu.memref_slice %arg5[%arg0, %mul3A_358, %dma_start3A_359] : memref<2x10240x64xf32, #tpu.memory_space<hbm>> -> memref<1x640x64xf32, #tpu.memory_space<hbm>>
      %dma_start3A_361 = tpu.memref_squeeze %dma_start3A_360 : memref<1x640x64xf32, #tpu.memory_space<hbm>> -> memref<640x64xf32, #tpu.memory_space<hbm>>
      %dma_start3A_362 = arith.constant 0 : i32
      %dma_start3A_363 = tpu.memref_slice %arg6[%mul3A_356, %dma_start3A_362] : memref<10240x64xf32, #tpu.memory_space<vmem_shared>> -> memref<640x64xf32, #tpu.memory_space<vmem_shared>>
      tpu.enqueue_dma source(%dma_start3A_363 : memref<640x64xf32, #tpu.memory_space<vmem_shared>>) target(%dma_start3A_361 : memref<640x64xf32, #tpu.memory_space<hbm>>) target_semaphore(%run_scoped3A : memref<!tpu.dma_semaphore, #tpu.memory_space<semaphore_mem>>)
      %dma_wait3A_364 = arith.constant 0 : i32
      %dma_wait3A_365 = tpu.memref_slice %arg5[%arg0, %mul3A_358, %dma_wait3A_364] : memref<2x10240x64xf32, #tpu.memory_space<hbm>> -> memref<1x640x64xf32, #tpu.memory_space<hbm>>
      %dma_wait3A_366 = tpu.memref_squeeze %dma_wait3A_365 : memref<1x640x64xf32, #tpu.memory_space<hbm>> -> memref<640x64xf32, #tpu.memory_space<hbm>>
      %dma_wait3A_367 = arith.constant 0 : i32
      %dma_wait3A_368 = tpu.memref_slice %arg6[%mul3A_356, %dma_wait3A_367] : memref<10240x64xf32, #tpu.memory_space<vmem_shared>> -> memref<640x64xf32, #tpu.memory_space<vmem_shared>>
      tpu.wait_dma2 semaphore(%run_scoped3A : memref<!tpu.dma_semaphore, #tpu.memory_space<semaphore_mem>>) src(%dma_wait3A_368 : memref<640x64xf32, #tpu.memory_space<vmem_shared>>) dst(%dma_wait3A_366 : memref<640x64xf32, #tpu.memory_space<hbm>>)
      tpu.yield
    }) : () -> ()
    return
  }
}

#map = affine_map<(d0, d1) -> (0, 0, 0)>
#map1 = affine_map<(d0, d1) -> (0)>
#map2 = affine_map<(d0, d1) -> (0, 0)>
module attributes {stable_mosaic.version = 14 : i64} {
  func.func @body(%arg0: i32, %arg1: i32, %arg2: memref<2x10000x64xf32, #tpu.memory_space<hbm>>, %arg3: memref<320000xi32, #tpu.memory_space<hbm>>, %arg4: memref<320000xi32, #tpu.memory_space<hbm>>, %arg5: memref<2x10240x64xf32, #tpu.memory_space<hbm>>, %arg6: memref<2x10240xf32, #tpu.memory_space<hbm>>, %arg7: memref<10240x64xf32, #tpu.memory_space<vmem_shared>>, %arg8: memref<200xi32, #tpu.memory_space<vmem>>, %arg9: memref<200xi32, #tpu.memory_space<vmem>>, %arg10: memref<200xi32, #tpu.memory_space<vmem>>, %arg11: memref<200xi32, #tpu.memory_space<vmem>>, %arg12: memref<200xi32, #tpu.memory_space<vmem>>, %arg13: memref<200xi32, #tpu.memory_space<vmem>>, %arg14: memref<200xi32, #tpu.memory_space<vmem>>, %arg15: memref<200xi32, #tpu.memory_space<vmem>>, %arg16: memref<200xi32, #tpu.memory_space<vmem>>, %arg17: memref<200xi32, #tpu.memory_space<vmem>>, %arg18: memref<200x64xf32, #tpu.memory_space<vmem>>, %arg19: memref<200x64xf32, #tpu.memory_space<vmem>>, %arg20: memref<200x64xf32, #tpu.memory_space<vmem>>, %arg21: memref<200x64xf32, #tpu.memory_space<vmem>>, %arg22: memref<200x64xf32, #tpu.memory_space<vmem>>, %arg23: memref<!tpu.dma_semaphore, #tpu.memory_space<semaphore_mem>>, %arg24: memref<!tpu.dma_semaphore, #tpu.memory_space<semaphore_mem>>, %arg25: memref<!tpu.dma_semaphore, #tpu.memory_space<semaphore_mem>>, %arg26: memref<!tpu.dma_semaphore, #tpu.memory_space<semaphore_mem>>, %arg27: memref<!tpu.dma_semaphore, #tpu.memory_space<semaphore_mem>>, %arg28: memref<!tpu.dma_semaphore, #tpu.memory_space<semaphore_mem>>, %arg29: memref<!tpu.dma_semaphore, #tpu.memory_space<semaphore_mem>>, %arg30: memref<!tpu.dma_semaphore, #tpu.memory_space<semaphore_mem>>, %arg31: memref<!tpu.dma_semaphore, #tpu.memory_space<semaphore_mem>>, %arg32: memref<!tpu.dma_semaphore, #tpu.memory_space<semaphore_mem>>, %arg33: memref<!tpu.dma_semaphore, #tpu.memory_space<semaphore_mem>>, %arg34: memref<!tpu.dma_semaphore, #tpu.memory_space<semaphore_mem>>, %arg35: memref<!tpu.dma_semaphore, #tpu.memory_space<semaphore_mem>>, %arg36: memref<!tpu.dma_semaphore, #tpu.memory_space<semaphore_mem>>, %arg37: memref<!tpu.dma_semaphore, #tpu.memory_space<semaphore_mem>>, %arg38: memref<10240xf32, #tpu.memory_space<vmem_shared>>, %arg39: memref<640xf32, #tpu.memory_space<vmem>>, %arg40: memref<200xf32, #tpu.memory_space<vmem>>) attributes {dimension_semantics = [#tpu.dimension_semantics<core_parallel>, #tpu.dimension_semantics<subcore_parallel>], iteration_bounds = array<i64: 2, 16>, scalar_prefetch = 0 : i64, scratch_operands = 34 : i64, tpu.core_type = #tpu.core_type<sc_vector_subcore>, window_params = [{transform_indices = #map}, {transform_indices = #map1}, {transform_indices = #map1}, {transform_indices = #map}, {transform_indices = #map2}]} {
    %scan3A = arith.constant 0 : i32
    %scan3A_0 = arith.constant 160 : i32
    %scan3A_1 = arith.addi %scan3A, %scan3A_0 : i32
    %scan3A_2 = arith.constant 1 : i32
    scf.for %scan3A_563 = %scan3A to %scan3A_1 step %scan3A_2  : i32 {
      %jit3A = arith.constant 4 : i32
      %div3A = arith.divsi %scan3A_563, %jit3A : i32
      %sign3A = arith.constant 0 : i32
      %sign3A_564 = arith.cmpi sgt, %scan3A_563, %sign3A : i32
      %sign3A_565 = arith.extui %sign3A_564 : i1 to i32
      %sign3A_566 = arith.constant 0 : i32
      %sign3A_567 = arith.cmpi slt, %scan3A_563, %sign3A_566 : i32
      %sign3A_568 = arith.extui %sign3A_567 : i1 to i32
      %sign3A_569 = arith.subi %sign3A_565, %sign3A_568 : i32
      %sign3A_570 = arith.constant 0 : i32
      %sign3A_571 = arith.cmpi sgt, %jit3A, %sign3A_570 : i32
      %sign3A_572 = arith.extui %sign3A_571 : i1 to i32
      %sign3A_573 = arith.constant 0 : i32
      %sign3A_574 = arith.cmpi slt, %jit3A, %sign3A_573 : i32
      %sign3A_575 = arith.extui %sign3A_574 : i1 to i32
      %sign3A_576 = arith.subi %sign3A_572, %sign3A_575 : i32
      %ne3A = arith.cmpi ne, %sign3A_569, %sign3A_576 : i32
      %rem3A = arith.remsi %scan3A_563, %jit3A : i32
      %ne3A_577 = arith.constant 0 : i32
      %ne3A_578 = arith.cmpi ne, %rem3A, %ne3A_577 : i32
      %and3A = arith.andi %ne3A, %ne3A_578 : i1
      %sub3A = arith.constant 1 : i32
      %sub3A_579 = arith.subi %div3A, %sub3A : i32
      %select_n3A = arith.select %and3A, %sub3A_579, %div3A : i32
      %jit3A_580 = arith.constant 4 : i32
      %eq3A = arith.constant 0 : i32
      %eq3A_581 = arith.cmpi eq, %jit3A_580, %eq3A : i32
      %jit3A_582 = arith.constant 1 : i32
      %select_n3A_583 = arith.select %eq3A_581, %jit3A_582, %jit3A_580 : i32
      %rem3A_584 = arith.remsi %scan3A_563, %select_n3A_583 : i32
      %ne3A_585 = arith.constant 0 : i32
      %ne3A_586 = arith.cmpi ne, %rem3A_584, %ne3A_585 : i32
      %lt3A = arith.constant 0 : i32
      %lt3A_587 = arith.cmpi slt, %rem3A_584, %lt3A : i32
      %lt3A_588 = arith.constant 0 : i32
      %lt3A_589 = arith.cmpi slt, %select_n3A_583, %lt3A_588 : i32
      %ne3A_590 = arith.xori %lt3A_587, %lt3A_589 : i1
      %and3A_591 = arith.andi %ne3A_590, %ne3A_586 : i1
      %add3A_592 = arith.addi %rem3A_584, %select_n3A_583 : i32
      %select_n3A_593 = arith.select %and3A_591, %add3A_592, %rem3A_584 : i32
      %mul3A_594 = arith.constant 16 : i32
      %mul3A_595 = arith.muli %select_n3A_593, %mul3A_594 : i32
      %broadcast_in_dim3A_596 = arith.constant 0.000000e+00 : f32
      %broadcast_in_dim3A_597 = vector.broadcast %broadcast_in_dim3A_596 : f32 to vector<16xf32>
      %swap3A_598 = arith.index_cast %select_n3A : i32 to index
      %swap3A_599 = arith.index_cast %mul3A_595 : i32 to index
      %swap3A_600 = tpu.vector_load %arg18[%swap3A_598, %swap3A_599] {strides = array<i32>} : memref<200x64xf32, #tpu.memory_space<vmem>>, vector<1x16xf32>,
      %swap3A_601 = vector.shape_cast %swap3A_600 : vector<1x16xf32> to vector<16xf32>
      %swap3A_602 = vector.shape_cast %broadcast_in_dim3A_597 : vector<16xf32> to vector<1x16xf32>
      tpu.vector_store %arg18[%swap3A_598, %swap3A_599], %swap3A_602 {strides = array<i32>} : memref<200x64xf32, #tpu.memory_space<vmem>>, vector<1x16xf32>,
    }
    %scan3A_3 = arith.constant 160 : i32
    %mul3A = arith.constant 640 : i32
    %mul3A_4 = arith.muli %arg1, %mul3A : i32
    %add3A = arith.constant 0 : i32
    %add3A_5 = arith.addi %mul3A_4, %add3A : i32
    "tpu.region"() ({
      %run_scoped3A = tpu.sem_alloc : memref<!tpu.dma_semaphore, #tpu.memory_space<semaphore_mem>>
      %dma_start3A_563 = arith.constant 0 : i32
      %dma_start3A_564 = arith.constant 0 : i32
      %dma_start3A_565 = tpu.memref_slice %arg18[%dma_start3A_563, %dma_start3A_564] : memref<200x64xf32, #tpu.memory_space<vmem>> -> memref<40x64xf32, #tpu.memory_space<vmem>>
      %dma_start3A_566 = arith.constant 0 : i32
      %dma_start3A_567 = tpu.memref_slice %arg7[%add3A_5, %dma_start3A_566] : memref<10240x64xf32, #tpu.memory_space<vmem_shared>> -> memref<40x64xf32, #tpu.memory_space<vmem_shared>>
      %dma_start3A_568 = arith.constant 0 : i32
      %dma_start3A_569 = tpu.memref_slice %arg7[%add3A_5, %dma_start3A_568] : memref<10240x64xf32, #tpu.memory_space<vmem_shared>> -> memref<40x64xf32, #tpu.memory_space<vmem_shared>>
      %dma_start3A_570 = arith.constant 0 : i32
      %dma_start3A_571 = arith.constant 0 : i32
      %dma_start3A_572 = tpu.memref_slice %arg18[%dma_start3A_570, %dma_start3A_571] : memref<200x64xf32, #tpu.memory_space<vmem>> -> memref<40x64xf32, #tpu.memory_space<vmem>>
      tpu.enqueue_dma source(%dma_start3A_572 : memref<40x64xf32, #tpu.memory_space<vmem>>) target(%dma_start3A_569 : memref<40x64xf32, #tpu.memory_space<vmem_shared>>) target_semaphore(%run_scoped3A : memref<!tpu.dma_semaphore, #tpu.memory_space<semaphore_mem>>)
      %dma_wait3A_573 = arith.constant 0 : i32
      %dma_wait3A_574 = arith.constant 0 : i32
      %dma_wait3A_575 = tpu.memref_slice %arg18[%dma_wait3A_573, %dma_wait3A_574] : memref<200x64xf32, #tpu.memory_space<vmem>> -> memref<40x64xf32, #tpu.memory_space<vmem>>
      %dma_wait3A_576 = arith.constant 0 : i32
      %dma_wait3A_577 = tpu.memref_slice %arg7[%add3A_5, %dma_wait3A_576] : memref<10240x64xf32, #tpu.memory_space<vmem_shared>> -> memref<40x64xf32, #tpu.memory_space<vmem_shared>>
      %dma_wait3A_578 = arith.constant 0 : i32
      %dma_wait3A_579 = tpu.memref_slice %arg7[%add3A_5, %dma_wait3A_578] : memref<10240x64xf32, #tpu.memory_space<vmem_shared>> -> memref<40x64xf32, #tpu.memory_space<vmem_shared>>
      %dma_wait3A_580 = arith.constant 0 : i32
      %dma_wait3A_581 = arith.constant 0 : i32
      %dma_wait3A_582 = tpu.memref_slice %arg18[%dma_wait3A_580, %dma_wait3A_581] : memref<200x64xf32, #tpu.memory_space<vmem>> -> memref<40x64xf32, #tpu.memory_space<vmem>>
      tpu.wait_dma2 semaphore(%run_scoped3A : memref<!tpu.dma_semaphore, #tpu.memory_space<semaphore_mem>>) src(%dma_wait3A_582 : memref<40x64xf32, #tpu.memory_space<vmem>>) dst(%dma_wait3A_579 : memref<40x64xf32, #tpu.memory_space<vmem_shared>>)
      tpu.yield
    }) : () -> ()
    %mul3A_6 = arith.constant 640 : i32
    %mul3A_7 = arith.muli %arg1, %mul3A_6 : i32
    %add3A_8 = arith.constant 40 : i32
    %add3A_9 = arith.addi %mul3A_7, %add3A_8 : i32
    "tpu.region"() ({
      %run_scoped3A = tpu.sem_alloc : memref<!tpu.dma_semaphore, #tpu.memory_space<semaphore_mem>>
      %dma_start3A_563 = arith.constant 0 : i32
      %dma_start3A_564 = arith.constant 0 : i32
      %dma_start3A_565 = tpu.memref_slice %arg18[%dma_start3A_563, %dma_start3A_564] : memref<200x64xf32, #tpu.memory_space<vmem>> -> memref<40x64xf32, #tpu.memory_space<vmem>>
      %dma_start3A_566 = arith.constant 0 : i32
      %dma_start3A_567 = tpu.memref_slice %arg7[%add3A_9, %dma_start3A_566] : memref<10240x64xf32, #tpu.memory_space<vmem_shared>> -> memref<40x64xf32, #tpu.memory_space<vmem_shared>>
      %dma_start3A_568 = arith.constant 0 : i32
      %dma_start3A_569 = tpu.memref_slice %arg7[%add3A_9, %dma_start3A_568] : memref<10240x64xf32, #tpu.memory_space<vmem_shared>> -> memref<40x64xf32, #tpu.memory_space<vmem_shared>>
      %dma_start3A_570 = arith.constant 0 : i32
      %dma_start3A_571 = arith.constant 0 : i32
      %dma_start3A_572 = tpu.memref_slice %arg18[%dma_start3A_570, %dma_start3A_571] : memref<200x64xf32, #tpu.memory_space<vmem>> -> memref<40x64xf32, #tpu.memory_space<vmem>>
      tpu.enqueue_dma source(%dma_start3A_572 : memref<40x64xf32, #tpu.memory_space<vmem>>) target(%dma_start3A_569 : memref<40x64xf32, #tpu.memory_space<vmem_shared>>) target_semaphore(%run_scoped3A : memref<!tpu.dma_semaphore, #tpu.memory_space<semaphore_mem>>)
      %dma_wait3A_573 = arith.constant 0 : i32
      %dma_wait3A_574 = arith.constant 0 : i32
      %dma_wait3A_575 = tpu.memref_slice %arg18[%dma_wait3A_573, %dma_wait3A_574] : memref<200x64xf32, #tpu.memory_space<vmem>> -> memref<40x64xf32, #tpu.memory_space<vmem>>
      %dma_wait3A_576 = arith.constant 0 : i32
      %dma_wait3A_577 = tpu.memref_slice %arg7[%add3A_9, %dma_wait3A_576] : memref<10240x64xf32, #tpu.memory_space<vmem_shared>> -> memref<40x64xf32, #tpu.memory_space<vmem_shared>>
      %dma_wait3A_578 = arith.constant 0 : i32
      %dma_wait3A_579 = tpu.memref_slice %arg7[%add3A_9, %dma_wait3A_578] : memref<10240x64xf32, #tpu.memory_space<vmem_shared>> -> memref<40x64xf32, #tpu.memory_space<vmem_shared>>
      %dma_wait3A_580 = arith.constant 0 : i32
      %dma_wait3A_581 = arith.constant 0 : i32
      %dma_wait3A_582 = tpu.memref_slice %arg18[%dma_wait3A_580, %dma_wait3A_581] : memref<200x64xf32, #tpu.memory_space<vmem>> -> memref<40x64xf32, #tpu.memory_space<vmem>>
      tpu.wait_dma2 semaphore(%run_scoped3A : memref<!tpu.dma_semaphore, #tpu.memory_space<semaphore_mem>>) src(%dma_wait3A_582 : memref<40x64xf32, #tpu.memory_space<vmem>>) dst(%dma_wait3A_579 : memref<40x64xf32, #tpu.memory_space<vmem_shared>>)
      tpu.yield
    }) : () -> ()
    %mul3A_10 = arith.constant 640 : i32
    %mul3A_11 = arith.muli %arg1, %mul3A_10 : i32
    %add3A_12 = arith.constant 80 : i32
    %add3A_13 = arith.addi %mul3A_11, %add3A_12 : i32
    "tpu.region"() ({
      %run_scoped3A = tpu.sem_alloc : memref<!tpu.dma_semaphore, #tpu.memory_space<semaphore_mem>>
      %dma_start3A_563 = arith.constant 0 : i32
      %dma_start3A_564 = arith.constant 0 : i32
      %dma_start3A_565 = tpu.memref_slice %arg18[%dma_start3A_563, %dma_start3A_564] : memref<200x64xf32, #tpu.memory_space<vmem>> -> memref<40x64xf32, #tpu.memory_space<vmem>>
      %dma_start3A_566 = arith.constant 0 : i32
      %dma_start3A_567 = tpu.memref_slice %arg7[%add3A_13, %dma_start3A_566] : memref<10240x64xf32, #tpu.memory_space<vmem_shared>> -> memref<40x64xf32, #tpu.memory_space<vmem_shared>>
      %dma_start3A_568 = arith.constant 0 : i32
      %dma_start3A_569 = tpu.memref_slice %arg7[%add3A_13, %dma_start3A_568] : memref<10240x64xf32, #tpu.memory_space<vmem_shared>> -> memref<40x64xf32, #tpu.memory_space<vmem_shared>>
      %dma_start3A_570 = arith.constant 0 : i32
      %dma_start3A_571 = arith.constant 0 : i32
      %dma_start3A_572 = tpu.memref_slice %arg18[%dma_start3A_570, %dma_start3A_571] : memref<200x64xf32, #tpu.memory_space<vmem>> -> memref<40x64xf32, #tpu.memory_space<vmem>>
      tpu.enqueue_dma source(%dma_start3A_572 : memref<40x64xf32, #tpu.memory_space<vmem>>) target(%dma_start3A_569 : memref<40x64xf32, #tpu.memory_space<vmem_shared>>) target_semaphore(%run_scoped3A : memref<!tpu.dma_semaphore, #tpu.memory_space<semaphore_mem>>)
      %dma_wait3A_573 = arith.constant 0 : i32
      %dma_wait3A_574 = arith.constant 0 : i32
      %dma_wait3A_575 = tpu.memref_slice %arg18[%dma_wait3A_573, %dma_wait3A_574] : memref<200x64xf32, #tpu.memory_space<vmem>> -> memref<40x64xf32, #tpu.memory_space<vmem>>
      %dma_wait3A_576 = arith.constant 0 : i32
      %dma_wait3A_577 = tpu.memref_slice %arg7[%add3A_13, %dma_wait3A_576] : memref<10240x64xf32, #tpu.memory_space<vmem_shared>> -> memref<40x64xf32, #tpu.memory_space<vmem_shared>>
      %dma_wait3A_578 = arith.constant 0 : i32
      %dma_wait3A_579 = tpu.memref_slice %arg7[%add3A_13, %dma_wait3A_578] : memref<10240x64xf32, #tpu.memory_space<vmem_shared>> -> memref<40x64xf32, #tpu.memory_space<vmem_shared>>
      %dma_wait3A_580 = arith.constant 0 : i32
      %dma_wait3A_581 = arith.constant 0 : i32
      %dma_wait3A_582 = tpu.memref_slice %arg18[%dma_wait3A_580, %dma_wait3A_581] : memref<200x64xf32, #tpu.memory_space<vmem>> -> memref<40x64xf32, #tpu.memory_space<vmem>>
      tpu.wait_dma2 semaphore(%run_scoped3A : memref<!tpu.dma_semaphore, #tpu.memory_space<semaphore_mem>>) src(%dma_wait3A_582 : memref<40x64xf32, #tpu.memory_space<vmem>>) dst(%dma_wait3A_579 : memref<40x64xf32, #tpu.memory_space<vmem_shared>>)
      tpu.yield
    }) : () -> ()
    %mul3A_14 = arith.constant 640 : i32
    %mul3A_15 = arith.muli %arg1, %mul3A_14 : i32
    %add3A_16 = arith.constant 120 : i32
    %add3A_17 = arith.addi %mul3A_15, %add3A_16 : i32
    "tpu.region"() ({
      %run_scoped3A = tpu.sem_alloc : memref<!tpu.dma_semaphore, #tpu.memory_space<semaphore_mem>>
      %dma_start3A_563 = arith.constant 0 : i32
      %dma_start3A_564 = arith.constant 0 : i32
      %dma_start3A_565 = tpu.memref_slice %arg18[%dma_start3A_563, %dma_start3A_564] : memref<200x64xf32, #tpu.memory_space<vmem>> -> memref<40x64xf32, #tpu.memory_space<vmem>>
      %dma_start3A_566 = arith.constant 0 : i32
      %dma_start3A_567 = tpu.memref_slice %arg7[%add3A_17, %dma_start3A_566] : memref<10240x64xf32, #tpu.memory_space<vmem_shared>> -> memref<40x64xf32, #tpu.memory_space<vmem_shared>>
      %dma_start3A_568 = arith.constant 0 : i32
      %dma_start3A_569 = tpu.memref_slice %arg7[%add3A_17, %dma_start3A_568] : memref<10240x64xf32, #tpu.memory_space<vmem_shared>> -> memref<40x64xf32, #tpu.memory_space<vmem_shared>>
      %dma_start3A_570 = arith.constant 0 : i32
      %dma_start3A_571 = arith.constant 0 : i32
      %dma_start3A_572 = tpu.memref_slice %arg18[%dma_start3A_570, %dma_start3A_571] : memref<200x64xf32, #tpu.memory_space<vmem>> -> memref<40x64xf32, #tpu.memory_space<vmem>>
      tpu.enqueue_dma source(%dma_start3A_572 : memref<40x64xf32, #tpu.memory_space<vmem>>) target(%dma_start3A_569 : memref<40x64xf32, #tpu.memory_space<vmem_shared>>) target_semaphore(%run_scoped3A : memref<!tpu.dma_semaphore, #tpu.memory_space<semaphore_mem>>)
      %dma_wait3A_573 = arith.constant 0 : i32
      %dma_wait3A_574 = arith.constant 0 : i32
      %dma_wait3A_575 = tpu.memref_slice %arg18[%dma_wait3A_573, %dma_wait3A_574] : memref<200x64xf32, #tpu.memory_space<vmem>> -> memref<40x64xf32, #tpu.memory_space<vmem>>
      %dma_wait3A_576 = arith.constant 0 : i32
      %dma_wait3A_577 = tpu.memref_slice %arg7[%add3A_17, %dma_wait3A_576] : memref<10240x64xf32, #tpu.memory_space<vmem_shared>> -> memref<40x64xf32, #tpu.memory_space<vmem_shared>>
      %dma_wait3A_578 = arith.constant 0 : i32
      %dma_wait3A_579 = tpu.memref_slice %arg7[%add3A_17, %dma_wait3A_578] : memref<10240x64xf32, #tpu.memory_space<vmem_shared>> -> memref<40x64xf32, #tpu.memory_space<vmem_shared>>
      %dma_wait3A_580 = arith.constant 0 : i32
      %dma_wait3A_581 = arith.constant 0 : i32
      %dma_wait3A_582 = tpu.memref_slice %arg18[%dma_wait3A_580, %dma_wait3A_581] : memref<200x64xf32, #tpu.memory_space<vmem>> -> memref<40x64xf32, #tpu.memory_space<vmem>>
      tpu.wait_dma2 semaphore(%run_scoped3A : memref<!tpu.dma_semaphore, #tpu.memory_space<semaphore_mem>>) src(%dma_wait3A_582 : memref<40x64xf32, #tpu.memory_space<vmem>>) dst(%dma_wait3A_579 : memref<40x64xf32, #tpu.memory_space<vmem_shared>>)
      tpu.yield
    }) : () -> ()
    %mul3A_18 = arith.constant 640 : i32
    %mul3A_19 = arith.muli %arg1, %mul3A_18 : i32
    %add3A_20 = arith.constant 160 : i32
    %add3A_21 = arith.addi %mul3A_19, %add3A_20 : i32
    "tpu.region"() ({
      %run_scoped3A = tpu.sem_alloc : memref<!tpu.dma_semaphore, #tpu.memory_space<semaphore_mem>>
      %dma_start3A_563 = arith.constant 0 : i32
      %dma_start3A_564 = arith.constant 0 : i32
      %dma_start3A_565 = tpu.memref_slice %arg18[%dma_start3A_563, %dma_start3A_564] : memref<200x64xf32, #tpu.memory_space<vmem>> -> memref<40x64xf32, #tpu.memory_space<vmem>>
      %dma_start3A_566 = arith.constant 0 : i32
      %dma_start3A_567 = tpu.memref_slice %arg7[%add3A_21, %dma_start3A_566] : memref<10240x64xf32, #tpu.memory_space<vmem_shared>> -> memref<40x64xf32, #tpu.memory_space<vmem_shared>>
      %dma_start3A_568 = arith.constant 0 : i32
      %dma_start3A_569 = tpu.memref_slice %arg7[%add3A_21, %dma_start3A_568] : memref<10240x64xf32, #tpu.memory_space<vmem_shared>> -> memref<40x64xf32, #tpu.memory_space<vmem_shared>>
      %dma_start3A_570 = arith.constant 0 : i32
      %dma_start3A_571 = arith.constant 0 : i32
      %dma_start3A_572 = tpu.memref_slice %arg18[%dma_start3A_570, %dma_start3A_571] : memref<200x64xf32, #tpu.memory_space<vmem>> -> memref<40x64xf32, #tpu.memory_space<vmem>>
      tpu.enqueue_dma source(%dma_start3A_572 : memref<40x64xf32, #tpu.memory_space<vmem>>) target(%dma_start3A_569 : memref<40x64xf32, #tpu.memory_space<vmem_shared>>) target_semaphore(%run_scoped3A : memref<!tpu.dma_semaphore, #tpu.memory_space<semaphore_mem>>)
      %dma_wait3A_573 = arith.constant 0 : i32
      %dma_wait3A_574 = arith.constant 0 : i32
      %dma_wait3A_575 = tpu.memref_slice %arg18[%dma_wait3A_573, %dma_wait3A_574] : memref<200x64xf32, #tpu.memory_space<vmem>> -> memref<40x64xf32, #tpu.memory_space<vmem>>
      %dma_wait3A_576 = arith.constant 0 : i32
      %dma_wait3A_577 = tpu.memref_slice %arg7[%add3A_21, %dma_wait3A_576] : memref<10240x64xf32, #tpu.memory_space<vmem_shared>> -> memref<40x64xf32, #tpu.memory_space<vmem_shared>>
      %dma_wait3A_578 = arith.constant 0 : i32
      %dma_wait3A_579 = tpu.memref_slice %arg7[%add3A_21, %dma_wait3A_578] : memref<10240x64xf32, #tpu.memory_space<vmem_shared>> -> memref<40x64xf32, #tpu.memory_space<vmem_shared>>
      %dma_wait3A_580 = arith.constant 0 : i32
      %dma_wait3A_581 = arith.constant 0 : i32
      %dma_wait3A_582 = tpu.memref_slice %arg18[%dma_wait3A_580, %dma_wait3A_581] : memref<200x64xf32, #tpu.memory_space<vmem>> -> memref<40x64xf32, #tpu.memory_space<vmem>>
      tpu.wait_dma2 semaphore(%run_scoped3A : memref<!tpu.dma_semaphore, #tpu.memory_space<semaphore_mem>>) src(%dma_wait3A_582 : memref<40x64xf32, #tpu.memory_space<vmem>>) dst(%dma_wait3A_579 : memref<40x64xf32, #tpu.memory_space<vmem_shared>>)
      tpu.yield
    }) : () -> ()
    %mul3A_22 = arith.constant 640 : i32
    %mul3A_23 = arith.muli %arg1, %mul3A_22 : i32
    %add3A_24 = arith.constant 200 : i32
    %add3A_25 = arith.addi %mul3A_23, %add3A_24 : i32
    "tpu.region"() ({
      %run_scoped3A = tpu.sem_alloc : memref<!tpu.dma_semaphore, #tpu.memory_space<semaphore_mem>>
      %dma_start3A_563 = arith.constant 0 : i32
      %dma_start3A_564 = arith.constant 0 : i32
      %dma_start3A_565 = tpu.memref_slice %arg18[%dma_start3A_563, %dma_start3A_564] : memref<200x64xf32, #tpu.memory_space<vmem>> -> memref<40x64xf32, #tpu.memory_space<vmem>>
      %dma_start3A_566 = arith.constant 0 : i32
      %dma_start3A_567 = tpu.memref_slice %arg7[%add3A_25, %dma_start3A_566] : memref<10240x64xf32, #tpu.memory_space<vmem_shared>> -> memref<40x64xf32, #tpu.memory_space<vmem_shared>>
      %dma_start3A_568 = arith.constant 0 : i32
      %dma_start3A_569 = tpu.memref_slice %arg7[%add3A_25, %dma_start3A_568] : memref<10240x64xf32, #tpu.memory_space<vmem_shared>> -> memref<40x64xf32, #tpu.memory_space<vmem_shared>>
      %dma_start3A_570 = arith.constant 0 : i32
      %dma_start3A_571 = arith.constant 0 : i32
      %dma_start3A_572 = tpu.memref_slice %arg18[%dma_start3A_570, %dma_start3A_571] : memref<200x64xf32, #tpu.memory_space<vmem>> -> memref<40x64xf32, #tpu.memory_space<vmem>>
      tpu.enqueue_dma source(%dma_start3A_572 : memref<40x64xf32, #tpu.memory_space<vmem>>) target(%dma_start3A_569 : memref<40x64xf32, #tpu.memory_space<vmem_shared>>) target_semaphore(%run_scoped3A : memref<!tpu.dma_semaphore, #tpu.memory_space<semaphore_mem>>)
      %dma_wait3A_573 = arith.constant 0 : i32
      %dma_wait3A_574 = arith.constant 0 : i32
      %dma_wait3A_575 = tpu.memref_slice %arg18[%dma_wait3A_573, %dma_wait3A_574] : memref<200x64xf32, #tpu.memory_space<vmem>> -> memref<40x64xf32, #tpu.memory_space<vmem>>
      %dma_wait3A_576 = arith.constant 0 : i32
      %dma_wait3A_577 = tpu.memref_slice %arg7[%add3A_25, %dma_wait3A_576] : memref<10240x64xf32, #tpu.memory_space<vmem_shared>> -> memref<40x64xf32, #tpu.memory_space<vmem_shared>>
      %dma_wait3A_578 = arith.constant 0 : i32
      %dma_wait3A_579 = tpu.memref_slice %arg7[%add3A_25, %dma_wait3A_578] : memref<10240x64xf32, #tpu.memory_space<vmem_shared>> -> memref<40x64xf32, #tpu.memory_space<vmem_shared>>
      %dma_wait3A_580 = arith.constant 0 : i32
      %dma_wait3A_581 = arith.constant 0 : i32
      %dma_wait3A_582 = tpu.memref_slice %arg18[%dma_wait3A_580, %dma_wait3A_581] : memref<200x64xf32, #tpu.memory_space<vmem>> -> memref<40x64xf32, #tpu.memory_space<vmem>>
      tpu.wait_dma2 semaphore(%run_scoped3A : memref<!tpu.dma_semaphore, #tpu.memory_space<semaphore_mem>>) src(%dma_wait3A_582 : memref<40x64xf32, #tpu.memory_space<vmem>>) dst(%dma_wait3A_579 : memref<40x64xf32, #tpu.memory_space<vmem_shared>>)
      tpu.yield
    }) : () -> ()
    %mul3A_26 = arith.constant 640 : i32
    %mul3A_27 = arith.muli %arg1, %mul3A_26 : i32
    %add3A_28 = arith.constant 240 : i32
    %add3A_29 = arith.addi %mul3A_27, %add3A_28 : i32
    "tpu.region"() ({
      %run_scoped3A = tpu.sem_alloc : memref<!tpu.dma_semaphore, #tpu.memory_space<semaphore_mem>>
      %dma_start3A_563 = arith.constant 0 : i32
      %dma_start3A_564 = arith.constant 0 : i32
      %dma_start3A_565 = tpu.memref_slice %arg18[%dma_start3A_563, %dma_start3A_564] : memref<200x64xf32, #tpu.memory_space<vmem>> -> memref<40x64xf32, #tpu.memory_space<vmem>>
      %dma_start3A_566 = arith.constant 0 : i32
      %dma_start3A_567 = tpu.memref_slice %arg7[%add3A_29, %dma_start3A_566] : memref<10240x64xf32, #tpu.memory_space<vmem_shared>> -> memref<40x64xf32, #tpu.memory_space<vmem_shared>>
      %dma_start3A_568 = arith.constant 0 : i32
      %dma_start3A_569 = tpu.memref_slice %arg7[%add3A_29, %dma_start3A_568] : memref<10240x64xf32, #tpu.memory_space<vmem_shared>> -> memref<40x64xf32, #tpu.memory_space<vmem_shared>>
      %dma_start3A_570 = arith.constant 0 : i32
      %dma_start3A_571 = arith.constant 0 : i32
      %dma_start3A_572 = tpu.memref_slice %arg18[%dma_start3A_570, %dma_start3A_571] : memref<200x64xf32, #tpu.memory_space<vmem>> -> memref<40x64xf32, #tpu.memory_space<vmem>>
      tpu.enqueue_dma source(%dma_start3A_572 : memref<40x64xf32, #tpu.memory_space<vmem>>) target(%dma_start3A_569 : memref<40x64xf32, #tpu.memory_space<vmem_shared>>) target_semaphore(%run_scoped3A : memref<!tpu.dma_semaphore, #tpu.memory_space<semaphore_mem>>)
      %dma_wait3A_573 = arith.constant 0 : i32
      %dma_wait3A_574 = arith.constant 0 : i32
      %dma_wait3A_575 = tpu.memref_slice %arg18[%dma_wait3A_573, %dma_wait3A_574] : memref<200x64xf32, #tpu.memory_space<vmem>> -> memref<40x64xf32, #tpu.memory_space<vmem>>
      %dma_wait3A_576 = arith.constant 0 : i32
      %dma_wait3A_577 = tpu.memref_slice %arg7[%add3A_29, %dma_wait3A_576] : memref<10240x64xf32, #tpu.memory_space<vmem_shared>> -> memref<40x64xf32, #tpu.memory_space<vmem_shared>>
      %dma_wait3A_578 = arith.constant 0 : i32
      %dma_wait3A_579 = tpu.memref_slice %arg7[%add3A_29, %dma_wait3A_578] : memref<10240x64xf32, #tpu.memory_space<vmem_shared>> -> memref<40x64xf32, #tpu.memory_space<vmem_shared>>
      %dma_wait3A_580 = arith.constant 0 : i32
      %dma_wait3A_581 = arith.constant 0 : i32
      %dma_wait3A_582 = tpu.memref_slice %arg18[%dma_wait3A_580, %dma_wait3A_581] : memref<200x64xf32, #tpu.memory_space<vmem>> -> memref<40x64xf32, #tpu.memory_space<vmem>>
      tpu.wait_dma2 semaphore(%run_scoped3A : memref<!tpu.dma_semaphore, #tpu.memory_space<semaphore_mem>>) src(%dma_wait3A_582 : memref<40x64xf32, #tpu.memory_space<vmem>>) dst(%dma_wait3A_579 : memref<40x64xf32, #tpu.memory_space<vmem_shared>>)
      tpu.yield
    }) : () -> ()
    %mul3A_30 = arith.constant 640 : i32
    %mul3A_31 = arith.muli %arg1, %mul3A_30 : i32
    %add3A_32 = arith.constant 280 : i32
    %add3A_33 = arith.addi %mul3A_31, %add3A_32 : i32
    "tpu.region"() ({
      %run_scoped3A = tpu.sem_alloc : memref<!tpu.dma_semaphore, #tpu.memory_space<semaphore_mem>>
      %dma_start3A_563 = arith.constant 0 : i32
      %dma_start3A_564 = arith.constant 0 : i32
      %dma_start3A_565 = tpu.memref_slice %arg18[%dma_start3A_563, %dma_start3A_564] : memref<200x64xf32, #tpu.memory_space<vmem>> -> memref<40x64xf32, #tpu.memory_space<vmem>>
      %dma_start3A_566 = arith.constant 0 : i32
      %dma_start3A_567 = tpu.memref_slice %arg7[%add3A_33, %dma_start3A_566] : memref<10240x64xf32, #tpu.memory_space<vmem_shared>> -> memref<40x64xf32, #tpu.memory_space<vmem_shared>>
      %dma_start3A_568 = arith.constant 0 : i32
      %dma_start3A_569 = tpu.memref_slice %arg7[%add3A_33, %dma_start3A_568] : memref<10240x64xf32, #tpu.memory_space<vmem_shared>> -> memref<40x64xf32, #tpu.memory_space<vmem_shared>>
      %dma_start3A_570 = arith.constant 0 : i32
      %dma_start3A_571 = arith.constant 0 : i32
      %dma_start3A_572 = tpu.memref_slice %arg18[%dma_start3A_570, %dma_start3A_571] : memref<200x64xf32, #tpu.memory_space<vmem>> -> memref<40x64xf32, #tpu.memory_space<vmem>>
      tpu.enqueue_dma source(%dma_start3A_572 : memref<40x64xf32, #tpu.memory_space<vmem>>) target(%dma_start3A_569 : memref<40x64xf32, #tpu.memory_space<vmem_shared>>) target_semaphore(%run_scoped3A : memref<!tpu.dma_semaphore, #tpu.memory_space<semaphore_mem>>)
      %dma_wait3A_573 = arith.constant 0 : i32
      %dma_wait3A_574 = arith.constant 0 : i32
      %dma_wait3A_575 = tpu.memref_slice %arg18[%dma_wait3A_573, %dma_wait3A_574] : memref<200x64xf32, #tpu.memory_space<vmem>> -> memref<40x64xf32, #tpu.memory_space<vmem>>
      %dma_wait3A_576 = arith.constant 0 : i32
      %dma_wait3A_577 = tpu.memref_slice %arg7[%add3A_33, %dma_wait3A_576] : memref<10240x64xf32, #tpu.memory_space<vmem_shared>> -> memref<40x64xf32, #tpu.memory_space<vmem_shared>>
      %dma_wait3A_578 = arith.constant 0 : i32
      %dma_wait3A_579 = tpu.memref_slice %arg7[%add3A_33, %dma_wait3A_578] : memref<10240x64xf32, #tpu.memory_space<vmem_shared>> -> memref<40x64xf32, #tpu.memory_space<vmem_shared>>
      %dma_wait3A_580 = arith.constant 0 : i32
      %dma_wait3A_581 = arith.constant 0 : i32
      %dma_wait3A_582 = tpu.memref_slice %arg18[%dma_wait3A_580, %dma_wait3A_581] : memref<200x64xf32, #tpu.memory_space<vmem>> -> memref<40x64xf32, #tpu.memory_space<vmem>>
      tpu.wait_dma2 semaphore(%run_scoped3A : memref<!tpu.dma_semaphore, #tpu.memory_space<semaphore_mem>>) src(%dma_wait3A_582 : memref<40x64xf32, #tpu.memory_space<vmem>>) dst(%dma_wait3A_579 : memref<40x64xf32, #tpu.memory_space<vmem_shared>>)
      tpu.yield
    }) : () -> ()
    %mul3A_34 = arith.constant 640 : i32
    %mul3A_35 = arith.muli %arg1, %mul3A_34 : i32
    %add3A_36 = arith.constant 320 : i32
    %add3A_37 = arith.addi %mul3A_35, %add3A_36 : i32
    "tpu.region"() ({
      %run_scoped3A = tpu.sem_alloc : memref<!tpu.dma_semaphore, #tpu.memory_space<semaphore_mem>>
      %dma_start3A_563 = arith.constant 0 : i32
      %dma_start3A_564 = arith.constant 0 : i32
      %dma_start3A_565 = tpu.memref_slice %arg18[%dma_start3A_563, %dma_start3A_564] : memref<200x64xf32, #tpu.memory_space<vmem>> -> memref<40x64xf32, #tpu.memory_space<vmem>>
      %dma_start3A_566 = arith.constant 0 : i32
      %dma_start3A_567 = tpu.memref_slice %arg7[%add3A_37, %dma_start3A_566] : memref<10240x64xf32, #tpu.memory_space<vmem_shared>> -> memref<40x64xf32, #tpu.memory_space<vmem_shared>>
      %dma_start3A_568 = arith.constant 0 : i32
      %dma_start3A_569 = tpu.memref_slice %arg7[%add3A_37, %dma_start3A_568] : memref<10240x64xf32, #tpu.memory_space<vmem_shared>> -> memref<40x64xf32, #tpu.memory_space<vmem_shared>>
      %dma_start3A_570 = arith.constant 0 : i32
      %dma_start3A_571 = arith.constant 0 : i32
      %dma_start3A_572 = tpu.memref_slice %arg18[%dma_start3A_570, %dma_start3A_571] : memref<200x64xf32, #tpu.memory_space<vmem>> -> memref<40x64xf32, #tpu.memory_space<vmem>>
      tpu.enqueue_dma source(%dma_start3A_572 : memref<40x64xf32, #tpu.memory_space<vmem>>) target(%dma_start3A_569 : memref<40x64xf32, #tpu.memory_space<vmem_shared>>) target_semaphore(%run_scoped3A : memref<!tpu.dma_semaphore, #tpu.memory_space<semaphore_mem>>)
      %dma_wait3A_573 = arith.constant 0 : i32
      %dma_wait3A_574 = arith.constant 0 : i32
      %dma_wait3A_575 = tpu.memref_slice %arg18[%dma_wait3A_573, %dma_wait3A_574] : memref<200x64xf32, #tpu.memory_space<vmem>> -> memref<40x64xf32, #tpu.memory_space<vmem>>
      %dma_wait3A_576 = arith.constant 0 : i32
      %dma_wait3A_577 = tpu.memref_slice %arg7[%add3A_37, %dma_wait3A_576] : memref<10240x64xf32, #tpu.memory_space<vmem_shared>> -> memref<40x64xf32, #tpu.memory_space<vmem_shared>>
      %dma_wait3A_578 = arith.constant 0 : i32
      %dma_wait3A_579 = tpu.memref_slice %arg7[%add3A_37, %dma_wait3A_578] : memref<10240x64xf32, #tpu.memory_space<vmem_shared>> -> memref<40x64xf32, #tpu.memory_space<vmem_shared>>
      %dma_wait3A_580 = arith.constant 0 : i32
      %dma_wait3A_581 = arith.constant 0 : i32
      %dma_wait3A_582 = tpu.memref_slice %arg18[%dma_wait3A_580, %dma_wait3A_581] : memref<200x64xf32, #tpu.memory_space<vmem>> -> memref<40x64xf32, #tpu.memory_space<vmem>>
      tpu.wait_dma2 semaphore(%run_scoped3A : memref<!tpu.dma_semaphore, #tpu.memory_space<semaphore_mem>>) src(%dma_wait3A_582 : memref<40x64xf32, #tpu.memory_space<vmem>>) dst(%dma_wait3A_579 : memref<40x64xf32, #tpu.memory_space<vmem_shared>>)
      tpu.yield
    }) : () -> ()
    %mul3A_38 = arith.constant 640 : i32
    %mul3A_39 = arith.muli %arg1, %mul3A_38 : i32
    %add3A_40 = arith.constant 360 : i32
    %add3A_41 = arith.addi %mul3A_39, %add3A_40 : i32
    "tpu.region"() ({
      %run_scoped3A = tpu.sem_alloc : memref<!tpu.dma_semaphore, #tpu.memory_space<semaphore_mem>>
      %dma_start3A_563 = arith.constant 0 : i32
      %dma_start3A_564 = arith.constant 0 : i32
      %dma_start3A_565 = tpu.memref_slice %arg18[%dma_start3A_563, %dma_start3A_564] : memref<200x64xf32, #tpu.memory_space<vmem>> -> memref<40x64xf32, #tpu.memory_space<vmem>>
      %dma_start3A_566 = arith.constant 0 : i32
      %dma_start3A_567 = tpu.memref_slice %arg7[%add3A_41, %dma_start3A_566] : memref<10240x64xf32, #tpu.memory_space<vmem_shared>> -> memref<40x64xf32, #tpu.memory_space<vmem_shared>>
      %dma_start3A_568 = arith.constant 0 : i32
      %dma_start3A_569 = tpu.memref_slice %arg7[%add3A_41, %dma_start3A_568] : memref<10240x64xf32, #tpu.memory_space<vmem_shared>> -> memref<40x64xf32, #tpu.memory_space<vmem_shared>>
      %dma_start3A_570 = arith.constant 0 : i32
      %dma_start3A_571 = arith.constant 0 : i32
      %dma_start3A_572 = tpu.memref_slice %arg18[%dma_start3A_570, %dma_start3A_571] : memref<200x64xf32, #tpu.memory_space<vmem>> -> memref<40x64xf32, #tpu.memory_space<vmem>>
      tpu.enqueue_dma source(%dma_start3A_572 : memref<40x64xf32, #tpu.memory_space<vmem>>) target(%dma_start3A_569 : memref<40x64xf32, #tpu.memory_space<vmem_shared>>) target_semaphore(%run_scoped3A : memref<!tpu.dma_semaphore, #tpu.memory_space<semaphore_mem>>)
      %dma_wait3A_573 = arith.constant 0 : i32
      %dma_wait3A_574 = arith.constant 0 : i32
      %dma_wait3A_575 = tpu.memref_slice %arg18[%dma_wait3A_573, %dma_wait3A_574] : memref<200x64xf32, #tpu.memory_space<vmem>> -> memref<40x64xf32, #tpu.memory_space<vmem>>
      %dma_wait3A_576 = arith.constant 0 : i32
      %dma_wait3A_577 = tpu.memref_slice %arg7[%add3A_41, %dma_wait3A_576] : memref<10240x64xf32, #tpu.memory_space<vmem_shared>> -> memref<40x64xf32, #tpu.memory_space<vmem_shared>>
      %dma_wait3A_578 = arith.constant 0 : i32
      %dma_wait3A_579 = tpu.memref_slice %arg7[%add3A_41, %dma_wait3A_578] : memref<10240x64xf32, #tpu.memory_space<vmem_shared>> -> memref<40x64xf32, #tpu.memory_space<vmem_shared>>
      %dma_wait3A_580 = arith.constant 0 : i32
      %dma_wait3A_581 = arith.constant 0 : i32
      %dma_wait3A_582 = tpu.memref_slice %arg18[%dma_wait3A_580, %dma_wait3A_581] : memref<200x64xf32, #tpu.memory_space<vmem>> -> memref<40x64xf32, #tpu.memory_space<vmem>>
      tpu.wait_dma2 semaphore(%run_scoped3A : memref<!tpu.dma_semaphore, #tpu.memory_space<semaphore_mem>>) src(%dma_wait3A_582 : memref<40x64xf32, #tpu.memory_space<vmem>>) dst(%dma_wait3A_579 : memref<40x64xf32, #tpu.memory_space<vmem_shared>>)
      tpu.yield
    }) : () -> ()
    %mul3A_42 = arith.constant 640 : i32
    %mul3A_43 = arith.muli %arg1, %mul3A_42 : i32
    %add3A_44 = arith.constant 400 : i32
    %add3A_45 = arith.addi %mul3A_43, %add3A_44 : i32
    "tpu.region"() ({
      %run_scoped3A = tpu.sem_alloc : memref<!tpu.dma_semaphore, #tpu.memory_space<semaphore_mem>>
      %dma_start3A_563 = arith.constant 0 : i32
      %dma_start3A_564 = arith.constant 0 : i32
      %dma_start3A_565 = tpu.memref_slice %arg18[%dma_start3A_563, %dma_start3A_564] : memref<200x64xf32, #tpu.memory_space<vmem>> -> memref<40x64xf32, #tpu.memory_space<vmem>>
      %dma_start3A_566 = arith.constant 0 : i32
      %dma_start3A_567 = tpu.memref_slice %arg7[%add3A_45, %dma_start3A_566] : memref<10240x64xf32, #tpu.memory_space<vmem_shared>> -> memref<40x64xf32, #tpu.memory_space<vmem_shared>>
      %dma_start3A_568 = arith.constant 0 : i32
      %dma_start3A_569 = tpu.memref_slice %arg7[%add3A_45, %dma_start3A_568] : memref<10240x64xf32, #tpu.memory_space<vmem_shared>> -> memref<40x64xf32, #tpu.memory_space<vmem_shared>>
      %dma_start3A_570 = arith.constant 0 : i32
      %dma_start3A_571 = arith.constant 0 : i32
      %dma_start3A_572 = tpu.memref_slice %arg18[%dma_start3A_570, %dma_start3A_571] : memref<200x64xf32, #tpu.memory_space<vmem>> -> memref<40x64xf32, #tpu.memory_space<vmem>>
      tpu.enqueue_dma source(%dma_start3A_572 : memref<40x64xf32, #tpu.memory_space<vmem>>) target(%dma_start3A_569 : memref<40x64xf32, #tpu.memory_space<vmem_shared>>) target_semaphore(%run_scoped3A : memref<!tpu.dma_semaphore, #tpu.memory_space<semaphore_mem>>)
      %dma_wait3A_573 = arith.constant 0 : i32
      %dma_wait3A_574 = arith.constant 0 : i32
      %dma_wait3A_575 = tpu.memref_slice %arg18[%dma_wait3A_573, %dma_wait3A_574] : memref<200x64xf32, #tpu.memory_space<vmem>> -> memref<40x64xf32, #tpu.memory_space<vmem>>
      %dma_wait3A_576 = arith.constant 0 : i32
      %dma_wait3A_577 = tpu.memref_slice %arg7[%add3A_45, %dma_wait3A_576] : memref<10240x64xf32, #tpu.memory_space<vmem_shared>> -> memref<40x64xf32, #tpu.memory_space<vmem_shared>>
      %dma_wait3A_578 = arith.constant 0 : i32
      %dma_wait3A_579 = tpu.memref_slice %arg7[%add3A_45, %dma_wait3A_578] : memref<10240x64xf32, #tpu.memory_space<vmem_shared>> -> memref<40x64xf32, #tpu.memory_space<vmem_shared>>
      %dma_wait3A_580 = arith.constant 0 : i32
      %dma_wait3A_581 = arith.constant 0 : i32
      %dma_wait3A_582 = tpu.memref_slice %arg18[%dma_wait3A_580, %dma_wait3A_581] : memref<200x64xf32, #tpu.memory_space<vmem>> -> memref<40x64xf32, #tpu.memory_space<vmem>>
      tpu.wait_dma2 semaphore(%run_scoped3A : memref<!tpu.dma_semaphore, #tpu.memory_space<semaphore_mem>>) src(%dma_wait3A_582 : memref<40x64xf32, #tpu.memory_space<vmem>>) dst(%dma_wait3A_579 : memref<40x64xf32, #tpu.memory_space<vmem_shared>>)
      tpu.yield
    }) : () -> ()
    %mul3A_46 = arith.constant 640 : i32
    %mul3A_47 = arith.muli %arg1, %mul3A_46 : i32
    %add3A_48 = arith.constant 440 : i32
    %add3A_49 = arith.addi %mul3A_47, %add3A_48 : i32
    "tpu.region"() ({
      %run_scoped3A = tpu.sem_alloc : memref<!tpu.dma_semaphore, #tpu.memory_space<semaphore_mem>>
      %dma_start3A_563 = arith.constant 0 : i32
      %dma_start3A_564 = arith.constant 0 : i32
      %dma_start3A_565 = tpu.memref_slice %arg18[%dma_start3A_563, %dma_start3A_564] : memref<200x64xf32, #tpu.memory_space<vmem>> -> memref<40x64xf32, #tpu.memory_space<vmem>>
      %dma_start3A_566 = arith.constant 0 : i32
      %dma_start3A_567 = tpu.memref_slice %arg7[%add3A_49, %dma_start3A_566] : memref<10240x64xf32, #tpu.memory_space<vmem_shared>> -> memref<40x64xf32, #tpu.memory_space<vmem_shared>>
      %dma_start3A_568 = arith.constant 0 : i32
      %dma_start3A_569 = tpu.memref_slice %arg7[%add3A_49, %dma_start3A_568] : memref<10240x64xf32, #tpu.memory_space<vmem_shared>> -> memref<40x64xf32, #tpu.memory_space<vmem_shared>>
      %dma_start3A_570 = arith.constant 0 : i32
      %dma_start3A_571 = arith.constant 0 : i32
      %dma_start3A_572 = tpu.memref_slice %arg18[%dma_start3A_570, %dma_start3A_571] : memref<200x64xf32, #tpu.memory_space<vmem>> -> memref<40x64xf32, #tpu.memory_space<vmem>>
      tpu.enqueue_dma source(%dma_start3A_572 : memref<40x64xf32, #tpu.memory_space<vmem>>) target(%dma_start3A_569 : memref<40x64xf32, #tpu.memory_space<vmem_shared>>) target_semaphore(%run_scoped3A : memref<!tpu.dma_semaphore, #tpu.memory_space<semaphore_mem>>)
      %dma_wait3A_573 = arith.constant 0 : i32
      %dma_wait3A_574 = arith.constant 0 : i32
      %dma_wait3A_575 = tpu.memref_slice %arg18[%dma_wait3A_573, %dma_wait3A_574] : memref<200x64xf32, #tpu.memory_space<vmem>> -> memref<40x64xf32, #tpu.memory_space<vmem>>
      %dma_wait3A_576 = arith.constant 0 : i32
      %dma_wait3A_577 = tpu.memref_slice %arg7[%add3A_49, %dma_wait3A_576] : memref<10240x64xf32, #tpu.memory_space<vmem_shared>> -> memref<40x64xf32, #tpu.memory_space<vmem_shared>>
      %dma_wait3A_578 = arith.constant 0 : i32
      %dma_wait3A_579 = tpu.memref_slice %arg7[%add3A_49, %dma_wait3A_578] : memref<10240x64xf32, #tpu.memory_space<vmem_shared>> -> memref<40x64xf32, #tpu.memory_space<vmem_shared>>
      %dma_wait3A_580 = arith.constant 0 : i32
      %dma_wait3A_581 = arith.constant 0 : i32
      %dma_wait3A_582 = tpu.memref_slice %arg18[%dma_wait3A_580, %dma_wait3A_581] : memref<200x64xf32, #tpu.memory_space<vmem>> -> memref<40x64xf32, #tpu.memory_space<vmem>>
      tpu.wait_dma2 semaphore(%run_scoped3A : memref<!tpu.dma_semaphore, #tpu.memory_space<semaphore_mem>>) src(%dma_wait3A_582 : memref<40x64xf32, #tpu.memory_space<vmem>>) dst(%dma_wait3A_579 : memref<40x64xf32, #tpu.memory_space<vmem_shared>>)
      tpu.yield
    }) : () -> ()
    %mul3A_50 = arith.constant 640 : i32
    %mul3A_51 = arith.muli %arg1, %mul3A_50 : i32
    %add3A_52 = arith.constant 480 : i32
    %add3A_53 = arith.addi %mul3A_51, %add3A_52 : i32
    "tpu.region"() ({
      %run_scoped3A = tpu.sem_alloc : memref<!tpu.dma_semaphore, #tpu.memory_space<semaphore_mem>>
      %dma_start3A_563 = arith.constant 0 : i32
      %dma_start3A_564 = arith.constant 0 : i32
      %dma_start3A_565 = tpu.memref_slice %arg18[%dma_start3A_563, %dma_start3A_564] : memref<200x64xf32, #tpu.memory_space<vmem>> -> memref<40x64xf32, #tpu.memory_space<vmem>>
      %dma_start3A_566 = arith.constant 0 : i32
      %dma_start3A_567 = tpu.memref_slice %arg7[%add3A_53, %dma_start3A_566] : memref<10240x64xf32, #tpu.memory_space<vmem_shared>> -> memref<40x64xf32, #tpu.memory_space<vmem_shared>>
      %dma_start3A_568 = arith.constant 0 : i32
      %dma_start3A_569 = tpu.memref_slice %arg7[%add3A_53, %dma_start3A_568] : memref<10240x64xf32, #tpu.memory_space<vmem_shared>> -> memref<40x64xf32, #tpu.memory_space<vmem_shared>>
      %dma_start3A_570 = arith.constant 0 : i32
      %dma_start3A_571 = arith.constant 0 : i32
      %dma_start3A_572 = tpu.memref_slice %arg18[%dma_start3A_570, %dma_start3A_571] : memref<200x64xf32, #tpu.memory_space<vmem>> -> memref<40x64xf32, #tpu.memory_space<vmem>>
      tpu.enqueue_dma source(%dma_start3A_572 : memref<40x64xf32, #tpu.memory_space<vmem>>) target(%dma_start3A_569 : memref<40x64xf32, #tpu.memory_space<vmem_shared>>) target_semaphore(%run_scoped3A : memref<!tpu.dma_semaphore, #tpu.memory_space<semaphore_mem>>)
      %dma_wait3A_573 = arith.constant 0 : i32
      %dma_wait3A_574 = arith.constant 0 : i32
      %dma_wait3A_575 = tpu.memref_slice %arg18[%dma_wait3A_573, %dma_wait3A_574] : memref<200x64xf32, #tpu.memory_space<vmem>> -> memref<40x64xf32, #tpu.memory_space<vmem>>
      %dma_wait3A_576 = arith.constant 0 : i32
      %dma_wait3A_577 = tpu.memref_slice %arg7[%add3A_53, %dma_wait3A_576] : memref<10240x64xf32, #tpu.memory_space<vmem_shared>> -> memref<40x64xf32, #tpu.memory_space<vmem_shared>>
      %dma_wait3A_578 = arith.constant 0 : i32
      %dma_wait3A_579 = tpu.memref_slice %arg7[%add3A_53, %dma_wait3A_578] : memref<10240x64xf32, #tpu.memory_space<vmem_shared>> -> memref<40x64xf32, #tpu.memory_space<vmem_shared>>
      %dma_wait3A_580 = arith.constant 0 : i32
      %dma_wait3A_581 = arith.constant 0 : i32
      %dma_wait3A_582 = tpu.memref_slice %arg18[%dma_wait3A_580, %dma_wait3A_581] : memref<200x64xf32, #tpu.memory_space<vmem>> -> memref<40x64xf32, #tpu.memory_space<vmem>>
      tpu.wait_dma2 semaphore(%run_scoped3A : memref<!tpu.dma_semaphore, #tpu.memory_space<semaphore_mem>>) src(%dma_wait3A_582 : memref<40x64xf32, #tpu.memory_space<vmem>>) dst(%dma_wait3A_579 : memref<40x64xf32, #tpu.memory_space<vmem_shared>>)
      tpu.yield
    }) : () -> ()
    %mul3A_54 = arith.constant 640 : i32
    %mul3A_55 = arith.muli %arg1, %mul3A_54 : i32
    %add3A_56 = arith.constant 520 : i32
    %add3A_57 = arith.addi %mul3A_55, %add3A_56 : i32
    "tpu.region"() ({
      %run_scoped3A = tpu.sem_alloc : memref<!tpu.dma_semaphore, #tpu.memory_space<semaphore_mem>>
      %dma_start3A_563 = arith.constant 0 : i32
      %dma_start3A_564 = arith.constant 0 : i32
      %dma_start3A_565 = tpu.memref_slice %arg18[%dma_start3A_563, %dma_start3A_564] : memref<200x64xf32, #tpu.memory_space<vmem>> -> memref<40x64xf32, #tpu.memory_space<vmem>>
      %dma_start3A_566 = arith.constant 0 : i32
      %dma_start3A_567 = tpu.memref_slice %arg7[%add3A_57, %dma_start3A_566] : memref<10240x64xf32, #tpu.memory_space<vmem_shared>> -> memref<40x64xf32, #tpu.memory_space<vmem_shared>>
      %dma_start3A_568 = arith.constant 0 : i32
      %dma_start3A_569 = tpu.memref_slice %arg7[%add3A_57, %dma_start3A_568] : memref<10240x64xf32, #tpu.memory_space<vmem_shared>> -> memref<40x64xf32, #tpu.memory_space<vmem_shared>>
      %dma_start3A_570 = arith.constant 0 : i32
      %dma_start3A_571 = arith.constant 0 : i32
      %dma_start3A_572 = tpu.memref_slice %arg18[%dma_start3A_570, %dma_start3A_571] : memref<200x64xf32, #tpu.memory_space<vmem>> -> memref<40x64xf32, #tpu.memory_space<vmem>>
      tpu.enqueue_dma source(%dma_start3A_572 : memref<40x64xf32, #tpu.memory_space<vmem>>) target(%dma_start3A_569 : memref<40x64xf32, #tpu.memory_space<vmem_shared>>) target_semaphore(%run_scoped3A : memref<!tpu.dma_semaphore, #tpu.memory_space<semaphore_mem>>)
      %dma_wait3A_573 = arith.constant 0 : i32
      %dma_wait3A_574 = arith.constant 0 : i32
      %dma_wait3A_575 = tpu.memref_slice %arg18[%dma_wait3A_573, %dma_wait3A_574] : memref<200x64xf32, #tpu.memory_space<vmem>> -> memref<40x64xf32, #tpu.memory_space<vmem>>
      %dma_wait3A_576 = arith.constant 0 : i32
      %dma_wait3A_577 = tpu.memref_slice %arg7[%add3A_57, %dma_wait3A_576] : memref<10240x64xf32, #tpu.memory_space<vmem_shared>> -> memref<40x64xf32, #tpu.memory_space<vmem_shared>>
      %dma_wait3A_578 = arith.constant 0 : i32
      %dma_wait3A_579 = tpu.memref_slice %arg7[%add3A_57, %dma_wait3A_578] : memref<10240x64xf32, #tpu.memory_space<vmem_shared>> -> memref<40x64xf32, #tpu.memory_space<vmem_shared>>
      %dma_wait3A_580 = arith.constant 0 : i32
      %dma_wait3A_581 = arith.constant 0 : i32
      %dma_wait3A_582 = tpu.memref_slice %arg18[%dma_wait3A_580, %dma_wait3A_581] : memref<200x64xf32, #tpu.memory_space<vmem>> -> memref<40x64xf32, #tpu.memory_space<vmem>>
      tpu.wait_dma2 semaphore(%run_scoped3A : memref<!tpu.dma_semaphore, #tpu.memory_space<semaphore_mem>>) src(%dma_wait3A_582 : memref<40x64xf32, #tpu.memory_space<vmem>>) dst(%dma_wait3A_579 : memref<40x64xf32, #tpu.memory_space<vmem_shared>>)
      tpu.yield
    }) : () -> ()
    %mul3A_58 = arith.constant 640 : i32
    %mul3A_59 = arith.muli %arg1, %mul3A_58 : i32
    %add3A_60 = arith.constant 560 : i32
    %add3A_61 = arith.addi %mul3A_59, %add3A_60 : i32
    "tpu.region"() ({
      %run_scoped3A = tpu.sem_alloc : memref<!tpu.dma_semaphore, #tpu.memory_space<semaphore_mem>>
      %dma_start3A_563 = arith.constant 0 : i32
      %dma_start3A_564 = arith.constant 0 : i32
      %dma_start3A_565 = tpu.memref_slice %arg18[%dma_start3A_563, %dma_start3A_564] : memref<200x64xf32, #tpu.memory_space<vmem>> -> memref<40x64xf32, #tpu.memory_space<vmem>>
      %dma_start3A_566 = arith.constant 0 : i32
      %dma_start3A_567 = tpu.memref_slice %arg7[%add3A_61, %dma_start3A_566] : memref<10240x64xf32, #tpu.memory_space<vmem_shared>> -> memref<40x64xf32, #tpu.memory_space<vmem_shared>>
      %dma_start3A_568 = arith.constant 0 : i32
      %dma_start3A_569 = tpu.memref_slice %arg7[%add3A_61, %dma_start3A_568] : memref<10240x64xf32, #tpu.memory_space<vmem_shared>> -> memref<40x64xf32, #tpu.memory_space<vmem_shared>>
      %dma_start3A_570 = arith.constant 0 : i32
      %dma_start3A_571 = arith.constant 0 : i32
      %dma_start3A_572 = tpu.memref_slice %arg18[%dma_start3A_570, %dma_start3A_571] : memref<200x64xf32, #tpu.memory_space<vmem>> -> memref<40x64xf32, #tpu.memory_space<vmem>>
      tpu.enqueue_dma source(%dma_start3A_572 : memref<40x64xf32, #tpu.memory_space<vmem>>) target(%dma_start3A_569 : memref<40x64xf32, #tpu.memory_space<vmem_shared>>) target_semaphore(%run_scoped3A : memref<!tpu.dma_semaphore, #tpu.memory_space<semaphore_mem>>)
      %dma_wait3A_573 = arith.constant 0 : i32
      %dma_wait3A_574 = arith.constant 0 : i32
      %dma_wait3A_575 = tpu.memref_slice %arg18[%dma_wait3A_573, %dma_wait3A_574] : memref<200x64xf32, #tpu.memory_space<vmem>> -> memref<40x64xf32, #tpu.memory_space<vmem>>
      %dma_wait3A_576 = arith.constant 0 : i32
      %dma_wait3A_577 = tpu.memref_slice %arg7[%add3A_61, %dma_wait3A_576] : memref<10240x64xf32, #tpu.memory_space<vmem_shared>> -> memref<40x64xf32, #tpu.memory_space<vmem_shared>>
      %dma_wait3A_578 = arith.constant 0 : i32
      %dma_wait3A_579 = tpu.memref_slice %arg7[%add3A_61, %dma_wait3A_578] : memref<10240x64xf32, #tpu.memory_space<vmem_shared>> -> memref<40x64xf32, #tpu.memory_space<vmem_shared>>
      %dma_wait3A_580 = arith.constant 0 : i32
      %dma_wait3A_581 = arith.constant 0 : i32
      %dma_wait3A_582 = tpu.memref_slice %arg18[%dma_wait3A_580, %dma_wait3A_581] : memref<200x64xf32, #tpu.memory_space<vmem>> -> memref<40x64xf32, #tpu.memory_space<vmem>>
      tpu.wait_dma2 semaphore(%run_scoped3A : memref<!tpu.dma_semaphore, #tpu.memory_space<semaphore_mem>>) src(%dma_wait3A_582 : memref<40x64xf32, #tpu.memory_space<vmem>>) dst(%dma_wait3A_579 : memref<40x64xf32, #tpu.memory_space<vmem_shared>>)
      tpu.yield
    }) : () -> ()
    %mul3A_62 = arith.constant 640 : i32
    %mul3A_63 = arith.muli %arg1, %mul3A_62 : i32
    %add3A_64 = arith.constant 600 : i32
    %add3A_65 = arith.addi %mul3A_63, %add3A_64 : i32
    "tpu.region"() ({
      %run_scoped3A = tpu.sem_alloc : memref<!tpu.dma_semaphore, #tpu.memory_space<semaphore_mem>>
      %dma_start3A_563 = arith.constant 0 : i32
      %dma_start3A_564 = arith.constant 0 : i32
      %dma_start3A_565 = tpu.memref_slice %arg18[%dma_start3A_563, %dma_start3A_564] : memref<200x64xf32, #tpu.memory_space<vmem>> -> memref<40x64xf32, #tpu.memory_space<vmem>>
      %dma_start3A_566 = arith.constant 0 : i32
      %dma_start3A_567 = tpu.memref_slice %arg7[%add3A_65, %dma_start3A_566] : memref<10240x64xf32, #tpu.memory_space<vmem_shared>> -> memref<40x64xf32, #tpu.memory_space<vmem_shared>>
      %dma_start3A_568 = arith.constant 0 : i32
      %dma_start3A_569 = tpu.memref_slice %arg7[%add3A_65, %dma_start3A_568] : memref<10240x64xf32, #tpu.memory_space<vmem_shared>> -> memref<40x64xf32, #tpu.memory_space<vmem_shared>>
      %dma_start3A_570 = arith.constant 0 : i32
      %dma_start3A_571 = arith.constant 0 : i32
      %dma_start3A_572 = tpu.memref_slice %arg18[%dma_start3A_570, %dma_start3A_571] : memref<200x64xf32, #tpu.memory_space<vmem>> -> memref<40x64xf32, #tpu.memory_space<vmem>>
      tpu.enqueue_dma source(%dma_start3A_572 : memref<40x64xf32, #tpu.memory_space<vmem>>) target(%dma_start3A_569 : memref<40x64xf32, #tpu.memory_space<vmem_shared>>) target_semaphore(%run_scoped3A : memref<!tpu.dma_semaphore, #tpu.memory_space<semaphore_mem>>)
      %dma_wait3A_573 = arith.constant 0 : i32
      %dma_wait3A_574 = arith.constant 0 : i32
      %dma_wait3A_575 = tpu.memref_slice %arg18[%dma_wait3A_573, %dma_wait3A_574] : memref<200x64xf32, #tpu.memory_space<vmem>> -> memref<40x64xf32, #tpu.memory_space<vmem>>
      %dma_wait3A_576 = arith.constant 0 : i32
      %dma_wait3A_577 = tpu.memref_slice %arg7[%add3A_65, %dma_wait3A_576] : memref<10240x64xf32, #tpu.memory_space<vmem_shared>> -> memref<40x64xf32, #tpu.memory_space<vmem_shared>>
      %dma_wait3A_578 = arith.constant 0 : i32
      %dma_wait3A_579 = tpu.memref_slice %arg7[%add3A_65, %dma_wait3A_578] : memref<10240x64xf32, #tpu.memory_space<vmem_shared>> -> memref<40x64xf32, #tpu.memory_space<vmem_shared>>
      %dma_wait3A_580 = arith.constant 0 : i32
      %dma_wait3A_581 = arith.constant 0 : i32
      %dma_wait3A_582 = tpu.memref_slice %arg18[%dma_wait3A_580, %dma_wait3A_581] : memref<200x64xf32, #tpu.memory_space<vmem>> -> memref<40x64xf32, #tpu.memory_space<vmem>>
      tpu.wait_dma2 semaphore(%run_scoped3A : memref<!tpu.dma_semaphore, #tpu.memory_space<semaphore_mem>>) src(%dma_wait3A_582 : memref<40x64xf32, #tpu.memory_space<vmem>>) dst(%dma_wait3A_579 : memref<40x64xf32, #tpu.memory_space<vmem_shared>>)
      tpu.yield
    }) : () -> ()
    %scan3A_66 = arith.constant 0 : i32
    %scan3A_67 = arith.constant 40 : i32
    %scan3A_68 = arith.addi %scan3A_66, %scan3A_67 : i32
    %scan3A_69 = arith.constant 1 : i32
    scf.for %scan3A_563 = %scan3A_66 to %scan3A_68 step %scan3A_69  : i32 {
      %broadcast_in_dim3A_564 = arith.constant 0.000000e+00 : f32
      %broadcast_in_dim3A_565 = vector.broadcast %broadcast_in_dim3A_564 : f32 to vector<16xf32>
      %mul3A_566 = arith.constant 16 : i32
      %mul3A_567 = arith.muli %scan3A_563, %mul3A_566 : i32
      %swap3A_568 = arith.index_cast %mul3A_567 : i32 to index
      %swap3A_569 = tpu.vector_load %arg39[%swap3A_568] {strides = array<i32>} : memref<640xf32, #tpu.memory_space<vmem>>, vector<16xf32>,
      %swap3A_570 = vector.shape_cast %swap3A_569 : vector<16xf32> to vector<16xf32>
      %swap3A_571 = vector.shape_cast %broadcast_in_dim3A_565 : vector<16xf32> to vector<16xf32>
      tpu.vector_store %arg39[%swap3A_568], %swap3A_571 {strides = array<i32>} : memref<640xf32, #tpu.memory_space<vmem>>, vector<16xf32>,
    }
    %scan3A_70 = arith.constant 40 : i32
    %mul3A_71 = arith.constant 640 : i32
    %mul3A_72 = arith.muli %arg1, %mul3A_71 : i32
    "tpu.region"() ({
      %run_scoped3A = tpu.sem_alloc : memref<!tpu.dma_semaphore, #tpu.memory_space<semaphore_mem>>
      %dma_start3A_563 = tpu.memref_slice %arg38[%mul3A_72] : memref<10240xf32, #tpu.memory_space<vmem_shared>> -> memref<640xf32, #tpu.memory_space<vmem_shared>>
      %dma_start3A_564 = tpu.memref_slice %arg38[%mul3A_72] : memref<10240xf32, #tpu.memory_space<vmem_shared>> -> memref<640xf32, #tpu.memory_space<vmem_shared>>
      tpu.enqueue_dma source(%arg39 : memref<640xf32, #tpu.memory_space<vmem>>) target(%dma_start3A_564 : memref<640xf32, #tpu.memory_space<vmem_shared>>) target_semaphore(%run_scoped3A : memref<!tpu.dma_semaphore, #tpu.memory_space<semaphore_mem>>)
      %dma_wait3A_565 = tpu.memref_slice %arg38[%mul3A_72] : memref<10240xf32, #tpu.memory_space<vmem_shared>> -> memref<640xf32, #tpu.memory_space<vmem_shared>>
      %dma_wait3A_566 = tpu.memref_slice %arg38[%mul3A_72] : memref<10240xf32, #tpu.memory_space<vmem_shared>> -> memref<640xf32, #tpu.memory_space<vmem_shared>>
      tpu.wait_dma2 semaphore(%run_scoped3A : memref<!tpu.dma_semaphore, #tpu.memory_space<semaphore_mem>>) src(%arg39 : memref<640xf32, #tpu.memory_space<vmem>>) dst(%dma_wait3A_566 : memref<640xf32, #tpu.memory_space<vmem_shared>>)
      tpu.yield
    }) : () -> ()
    %broadcast_in_dim3A = arith.constant 1.000000e+00 : f32
    %broadcast_in_dim3A_73 = vector.broadcast %broadcast_in_dim3A : f32 to vector<16xf32>
    %swap3A = arith.constant 0 : index
    %swap3A_74 = tpu.vector_load %arg40[%swap3A] {strides = array<i32>} : memref<200xf32, #tpu.memory_space<vmem>>, vector<16xf32>,
    %swap3A_75 = vector.shape_cast %swap3A_74 : vector<16xf32> to vector<16xf32>
    %swap3A_76 = vector.shape_cast %broadcast_in_dim3A_73 : vector<16xf32> to vector<16xf32>
    tpu.vector_store %arg40[%swap3A], %swap3A_76 {strides = array<i32>} : memref<200xf32, #tpu.memory_space<vmem>>, vector<16xf32>,
    %broadcast_in_dim3A_77 = arith.constant 1.000000e+00 : f32
    %broadcast_in_dim3A_78 = vector.broadcast %broadcast_in_dim3A_77 : f32 to vector<16xf32>
    %swap3A_79 = arith.constant 16 : index
    %swap3A_80 = tpu.vector_load %arg40[%swap3A_79] {strides = array<i32>} : memref<200xf32, #tpu.memory_space<vmem>>, vector<16xf32>,
    %swap3A_81 = vector.shape_cast %swap3A_80 : vector<16xf32> to vector<16xf32>
    %swap3A_82 = vector.shape_cast %broadcast_in_dim3A_78 : vector<16xf32> to vector<16xf32>
    tpu.vector_store %arg40[%swap3A_79], %swap3A_82 {strides = array<i32>} : memref<200xf32, #tpu.memory_space<vmem>>, vector<16xf32>,
    %broadcast_in_dim3A_83 = arith.constant 1.000000e+00 : f32
    %broadcast_in_dim3A_84 = vector.broadcast %broadcast_in_dim3A_83 : f32 to vector<16xf32>
    %swap3A_85 = arith.constant 32 : index
    %swap3A_86 = tpu.vector_load %arg40[%swap3A_85] {strides = array<i32>} : memref<200xf32, #tpu.memory_space<vmem>>, vector<16xf32>,
    %swap3A_87 = vector.shape_cast %swap3A_86 : vector<16xf32> to vector<16xf32>
    %swap3A_88 = vector.shape_cast %broadcast_in_dim3A_84 : vector<16xf32> to vector<16xf32>
    tpu.vector_store %arg40[%swap3A_85], %swap3A_88 {strides = array<i32>} : memref<200xf32, #tpu.memory_space<vmem>>, vector<16xf32>,
    %broadcast_in_dim3A_89 = arith.constant 1.000000e+00 : f32
    %broadcast_in_dim3A_90 = vector.broadcast %broadcast_in_dim3A_89 : f32 to vector<16xf32>
    %swap3A_91 = arith.constant 48 : index
    %swap3A_92 = tpu.vector_load %arg40[%swap3A_91] {strides = array<i32>} : memref<200xf32, #tpu.memory_space<vmem>>, vector<16xf32>,
    %swap3A_93 = vector.shape_cast %swap3A_92 : vector<16xf32> to vector<16xf32>
    %swap3A_94 = vector.shape_cast %broadcast_in_dim3A_90 : vector<16xf32> to vector<16xf32>
    tpu.vector_store %arg40[%swap3A_91], %swap3A_94 {strides = array<i32>} : memref<200xf32, #tpu.memory_space<vmem>>, vector<16xf32>,
    %broadcast_in_dim3A_95 = arith.constant 1.000000e+00 : f32
    %broadcast_in_dim3A_96 = vector.broadcast %broadcast_in_dim3A_95 : f32 to vector<16xf32>
    %swap3A_97 = arith.constant 64 : index
    %swap3A_98 = tpu.vector_load %arg40[%swap3A_97] {strides = array<i32>} : memref<200xf32, #tpu.memory_space<vmem>>, vector<16xf32>,
    %swap3A_99 = vector.shape_cast %swap3A_98 : vector<16xf32> to vector<16xf32>
    %swap3A_100 = vector.shape_cast %broadcast_in_dim3A_96 : vector<16xf32> to vector<16xf32>
    tpu.vector_store %arg40[%swap3A_97], %swap3A_100 {strides = array<i32>} : memref<200xf32, #tpu.memory_space<vmem>>, vector<16xf32>,
    %broadcast_in_dim3A_101 = arith.constant 1.000000e+00 : f32
    %broadcast_in_dim3A_102 = vector.broadcast %broadcast_in_dim3A_101 : f32 to vector<16xf32>
    %swap3A_103 = arith.constant 80 : index
    %swap3A_104 = tpu.vector_load %arg40[%swap3A_103] {strides = array<i32>} : memref<200xf32, #tpu.memory_space<vmem>>, vector<16xf32>,
    %swap3A_105 = vector.shape_cast %swap3A_104 : vector<16xf32> to vector<16xf32>
    %swap3A_106 = vector.shape_cast %broadcast_in_dim3A_102 : vector<16xf32> to vector<16xf32>
    tpu.vector_store %arg40[%swap3A_103], %swap3A_106 {strides = array<i32>} : memref<200xf32, #tpu.memory_space<vmem>>, vector<16xf32>,
    %broadcast_in_dim3A_107 = arith.constant 1.000000e+00 : f32
    %broadcast_in_dim3A_108 = vector.broadcast %broadcast_in_dim3A_107 : f32 to vector<16xf32>
    %swap3A_109 = arith.constant 96 : index
    %swap3A_110 = tpu.vector_load %arg40[%swap3A_109] {strides = array<i32>} : memref<200xf32, #tpu.memory_space<vmem>>, vector<16xf32>,
    %swap3A_111 = vector.shape_cast %swap3A_110 : vector<16xf32> to vector<16xf32>
    %swap3A_112 = vector.shape_cast %broadcast_in_dim3A_108 : vector<16xf32> to vector<16xf32>
    tpu.vector_store %arg40[%swap3A_109], %swap3A_112 {strides = array<i32>} : memref<200xf32, #tpu.memory_space<vmem>>, vector<16xf32>,
    %broadcast_in_dim3A_113 = arith.constant 1.000000e+00 : f32
    %broadcast_in_dim3A_114 = vector.broadcast %broadcast_in_dim3A_113 : f32 to vector<16xf32>
    %swap3A_115 = arith.constant 112 : index
    %swap3A_116 = tpu.vector_load %arg40[%swap3A_115] {strides = array<i32>} : memref<200xf32, #tpu.memory_space<vmem>>, vector<16xf32>,
    %swap3A_117 = vector.shape_cast %swap3A_116 : vector<16xf32> to vector<16xf32>
    %swap3A_118 = vector.shape_cast %broadcast_in_dim3A_114 : vector<16xf32> to vector<16xf32>
    tpu.vector_store %arg40[%swap3A_115], %swap3A_118 {strides = array<i32>} : memref<200xf32, #tpu.memory_space<vmem>>, vector<16xf32>,
    %broadcast_in_dim3A_119 = arith.constant 1.000000e+00 : f32
    %broadcast_in_dim3A_120 = vector.broadcast %broadcast_in_dim3A_119 : f32 to vector<16xf32>
    %swap3A_121 = arith.constant 128 : index
    %swap3A_122 = tpu.vector_load %arg40[%swap3A_121] {strides = array<i32>} : memref<200xf32, #tpu.memory_space<vmem>>, vector<16xf32>,
    %swap3A_123 = vector.shape_cast %swap3A_122 : vector<16xf32> to vector<16xf32>
    %swap3A_124 = vector.shape_cast %broadcast_in_dim3A_120 : vector<16xf32> to vector<16xf32>
    tpu.vector_store %arg40[%swap3A_121], %swap3A_124 {strides = array<i32>} : memref<200xf32, #tpu.memory_space<vmem>>, vector<16xf32>,
    %broadcast_in_dim3A_125 = arith.constant 1.000000e+00 : f32
    %broadcast_in_dim3A_126 = vector.broadcast %broadcast_in_dim3A_125 : f32 to vector<16xf32>
    %swap3A_127 = arith.constant 144 : index
    %swap3A_128 = tpu.vector_load %arg40[%swap3A_127] {strides = array<i32>} : memref<200xf32, #tpu.memory_space<vmem>>, vector<16xf32>,
    %swap3A_129 = vector.shape_cast %swap3A_128 : vector<16xf32> to vector<16xf32>
    %swap3A_130 = vector.shape_cast %broadcast_in_dim3A_126 : vector<16xf32> to vector<16xf32>
    tpu.vector_store %arg40[%swap3A_127], %swap3A_130 {strides = array<i32>} : memref<200xf32, #tpu.memory_space<vmem>>, vector<16xf32>,
    %broadcast_in_dim3A_131 = arith.constant 1.000000e+00 : f32
    %broadcast_in_dim3A_132 = vector.broadcast %broadcast_in_dim3A_131 : f32 to vector<16xf32>
    %swap3A_133 = arith.constant 160 : index
    %swap3A_134 = tpu.vector_load %arg40[%swap3A_133] {strides = array<i32>} : memref<200xf32, #tpu.memory_space<vmem>>, vector<16xf32>,
    %swap3A_135 = vector.shape_cast %swap3A_134 : vector<16xf32> to vector<16xf32>
    %swap3A_136 = vector.shape_cast %broadcast_in_dim3A_132 : vector<16xf32> to vector<16xf32>
    tpu.vector_store %arg40[%swap3A_133], %swap3A_136 {strides = array<i32>} : memref<200xf32, #tpu.memory_space<vmem>>, vector<16xf32>,
    %broadcast_in_dim3A_137 = arith.constant 1.000000e+00 : f32
    %broadcast_in_dim3A_138 = vector.broadcast %broadcast_in_dim3A_137 : f32 to vector<16xf32>
    %swap3A_139 = arith.constant 176 : index
    %swap3A_140 = tpu.vector_load %arg40[%swap3A_139] {strides = array<i32>} : memref<200xf32, #tpu.memory_space<vmem>>, vector<16xf32>,
    %swap3A_141 = vector.shape_cast %swap3A_140 : vector<16xf32> to vector<16xf32>
    %swap3A_142 = vector.shape_cast %broadcast_in_dim3A_138 : vector<16xf32> to vector<16xf32>
    tpu.vector_store %arg40[%swap3A_139], %swap3A_142 {strides = array<i32>} : memref<200xf32, #tpu.memory_space<vmem>>, vector<16xf32>,
    %broadcast_in_dim3A_143 = arith.constant 1.000000e+00 : f32
    %broadcast_in_dim3A_144 = vector.broadcast %broadcast_in_dim3A_143 : f32 to vector<16xf32>
    %swap3A_145 = arith.constant 184 : index
    %swap3A_146 = tpu.vector_load %arg40[%swap3A_145] {strides = array<i32>} : memref<200xf32, #tpu.memory_space<vmem>>, vector<16xf32>,
    %swap3A_147 = vector.shape_cast %swap3A_146 : vector<16xf32> to vector<16xf32>
    %swap3A_148 = vector.shape_cast %broadcast_in_dim3A_144 : vector<16xf32> to vector<16xf32>
    tpu.vector_store %arg40[%swap3A_145], %swap3A_148 {strides = array<i32>} : memref<200xf32, #tpu.memory_space<vmem>>, vector<16xf32>,
    %barrier3A = arith.constant 0 : index
    tpu.barrier barrier_id(%barrier3A)
    %mul3A_149 = arith.constant 20000 : i32
    %mul3A_150 = arith.muli %arg1, %mul3A_149 : i32
    %add3A_151 = arith.constant 0 : i32
    %add3A_152 = arith.addi %mul3A_150, %add3A_151 : i32
    %dma_start3A = tpu.memref_slice %arg3[%add3A_152] : memref<320000xi32, #tpu.memory_space<hbm>> -> memref<200xi32, #tpu.memory_space<hbm>>
    %dma_start3A_153 = tpu.memref_slice %arg3[%add3A_152] : memref<320000xi32, #tpu.memory_space<hbm>> -> memref<200xi32, #tpu.memory_space<hbm>>
    tpu.enqueue_dma source(%dma_start3A_153 : memref<200xi32, #tpu.memory_space<hbm>>) target(%arg8 : memref<200xi32, #tpu.memory_space<vmem>>) target_semaphore(%arg23 : memref<!tpu.dma_semaphore, #tpu.memory_space<semaphore_mem>>)
    %add3A_154 = arith.constant 0 : i32
    %add3A_155 = arith.addi %mul3A_150, %add3A_154 : i32
    %dma_start3A_156 = tpu.memref_slice %arg4[%add3A_155] : memref<320000xi32, #tpu.memory_space<hbm>> -> memref<200xi32, #tpu.memory_space<hbm>>
    %dma_start3A_157 = tpu.memref_slice %arg4[%add3A_155] : memref<320000xi32, #tpu.memory_space<hbm>> -> memref<200xi32, #tpu.memory_space<hbm>>
    tpu.enqueue_dma source(%dma_start3A_157 : memref<200xi32, #tpu.memory_space<hbm>>) target(%arg13 : memref<200xi32, #tpu.memory_space<vmem>>) target_semaphore(%arg23 : memref<!tpu.dma_semaphore, #tpu.memory_space<semaphore_mem>>)
    %add3A_158 = arith.constant 200 : i32
    %add3A_159 = arith.addi %mul3A_150, %add3A_158 : i32
    %dma_start3A_160 = tpu.memref_slice %arg3[%add3A_159] : memref<320000xi32, #tpu.memory_space<hbm>> -> memref<200xi32, #tpu.memory_space<hbm>>
    %dma_start3A_161 = tpu.memref_slice %arg3[%add3A_159] : memref<320000xi32, #tpu.memory_space<hbm>> -> memref<200xi32, #tpu.memory_space<hbm>>
    tpu.enqueue_dma source(%dma_start3A_161 : memref<200xi32, #tpu.memory_space<hbm>>) target(%arg9 : memref<200xi32, #tpu.memory_space<vmem>>) target_semaphore(%arg24 : memref<!tpu.dma_semaphore, #tpu.memory_space<semaphore_mem>>)
    %add3A_162 = arith.constant 200 : i32
    %add3A_163 = arith.addi %mul3A_150, %add3A_162 : i32
    %dma_start3A_164 = tpu.memref_slice %arg4[%add3A_163] : memref<320000xi32, #tpu.memory_space<hbm>> -> memref<200xi32, #tpu.memory_space<hbm>>
    %dma_start3A_165 = tpu.memref_slice %arg4[%add3A_163] : memref<320000xi32, #tpu.memory_space<hbm>> -> memref<200xi32, #tpu.memory_space<hbm>>
    tpu.enqueue_dma source(%dma_start3A_165 : memref<200xi32, #tpu.memory_space<hbm>>) target(%arg14 : memref<200xi32, #tpu.memory_space<vmem>>) target_semaphore(%arg24 : memref<!tpu.dma_semaphore, #tpu.memory_space<semaphore_mem>>)
    %dma_wait3A = arith.constant 0 : i32
    %dma_wait3A_166 = tpu.memref_slice %arg3[%dma_wait3A] : memref<320000xi32, #tpu.memory_space<hbm>> -> memref<200xi32, #tpu.memory_space<hbm>>
    %dma_wait3A_167 = arith.constant 0 : i32
    %dma_wait3A_168 = tpu.memref_slice %arg3[%dma_wait3A_167] : memref<320000xi32, #tpu.memory_space<hbm>> -> memref<200xi32, #tpu.memory_space<hbm>>
    tpu.wait_dma2 semaphore(%arg23 : memref<!tpu.dma_semaphore, #tpu.memory_space<semaphore_mem>>) src(%dma_wait3A_168 : memref<200xi32, #tpu.memory_space<hbm>>) dst(%arg8 : memref<200xi32, #tpu.memory_space<vmem>>)
    %dma_wait3A_169 = arith.constant 0 : i32
    %dma_wait3A_170 = tpu.memref_slice %arg3[%dma_wait3A_169] : memref<320000xi32, #tpu.memory_space<hbm>> -> memref<200xi32, #tpu.memory_space<hbm>>
    %dma_wait3A_171 = arith.constant 0 : i32
    %dma_wait3A_172 = tpu.memref_slice %arg3[%dma_wait3A_171] : memref<320000xi32, #tpu.memory_space<hbm>> -> memref<200xi32, #tpu.memory_space<hbm>>
    tpu.wait_dma2 semaphore(%arg23 : memref<!tpu.dma_semaphore, #tpu.memory_space<semaphore_mem>>) src(%dma_wait3A_172 : memref<200xi32, #tpu.memory_space<hbm>>) dst(%arg13 : memref<200xi32, #tpu.memory_space<vmem>>)
    %dma_start3A_173 = arith.constant 0 : i32
    %dma_start3A_174 = arith.constant 0 : i32
    %dma_start3A_175 = tpu.memref_slice %arg2[%arg0, %dma_start3A_173, %dma_start3A_174] : memref<2x10000x64xf32, #tpu.memory_space<hbm>> -> memref<1x10000x64xf32, #tpu.memory_space<hbm>>
    %dma_start3A_176 = tpu.memref_squeeze %dma_start3A_175 : memref<1x10000x64xf32, #tpu.memory_space<hbm>> -> memref<10000x64xf32, #tpu.memory_space<hbm>>
    %dma_start3A_177 = arith.constant 0 : i32
    %dma_start3A_178 = arith.constant 0 : i32
    %dma_start3A_179 = tpu.memref_slice %dma_start3A_176[%dma_start3A_177, %dma_start3A_178] : memref<10000x64xf32, #tpu.memory_space<hbm>> -> memref<10000x64xf32, #tpu.memory_space<hbm>>
    tpu.enqueue_indirect_dma source(%dma_start3A_179 : memref<10000x64xf32, #tpu.memory_space<hbm>>) target(%arg18 : memref<200x64xf32, #tpu.memory_space<vmem>>) offsets(%arg8 : memref<200xi32, #tpu.memory_space<vmem>>) semaphore(%arg28 : memref<!tpu.dma_semaphore, #tpu.memory_space<semaphore_mem>>)
    %add3A_180 = arith.constant 400 : i32
    %add3A_181 = arith.addi %mul3A_150, %add3A_180 : i32
    %dma_start3A_182 = tpu.memref_slice %arg3[%add3A_181] : memref<320000xi32, #tpu.memory_space<hbm>> -> memref<200xi32, #tpu.memory_space<hbm>>
    %dma_start3A_183 = tpu.memref_slice %arg3[%add3A_181] : memref<320000xi32, #tpu.memory_space<hbm>> -> memref<200xi32, #tpu.memory_space<hbm>>
    tpu.enqueue_dma source(%dma_start3A_183 : memref<200xi32, #tpu.memory_space<hbm>>) target(%arg10 : memref<200xi32, #tpu.memory_space<vmem>>) target_semaphore(%arg25 : memref<!tpu.dma_semaphore, #tpu.memory_space<semaphore_mem>>)
    %add3A_184 = arith.constant 400 : i32
    %add3A_185 = arith.addi %mul3A_150, %add3A_184 : i32
    %dma_start3A_186 = tpu.memref_slice %arg4[%add3A_185] : memref<320000xi32, #tpu.memory_space<hbm>> -> memref<200xi32, #tpu.memory_space<hbm>>
    %dma_start3A_187 = tpu.memref_slice %arg4[%add3A_185] : memref<320000xi32, #tpu.memory_space<hbm>> -> memref<200xi32, #tpu.memory_space<hbm>>
    tpu.enqueue_dma source(%dma_start3A_187 : memref<200xi32, #tpu.memory_space<hbm>>) target(%arg15 : memref<200xi32, #tpu.memory_space<vmem>>) target_semaphore(%arg25 : memref<!tpu.dma_semaphore, #tpu.memory_space<semaphore_mem>>)
    %dma_wait3A_188 = arith.constant 0 : i32
    %dma_wait3A_189 = tpu.memref_slice %arg3[%dma_wait3A_188] : memref<320000xi32, #tpu.memory_space<hbm>> -> memref<200xi32, #tpu.memory_space<hbm>>
    %dma_wait3A_190 = arith.constant 0 : i32
    %dma_wait3A_191 = tpu.memref_slice %arg3[%dma_wait3A_190] : memref<320000xi32, #tpu.memory_space<hbm>> -> memref<200xi32, #tpu.memory_space<hbm>>
    tpu.wait_dma2 semaphore(%arg24 : memref<!tpu.dma_semaphore, #tpu.memory_space<semaphore_mem>>) src(%dma_wait3A_191 : memref<200xi32, #tpu.memory_space<hbm>>) dst(%arg9 : memref<200xi32, #tpu.memory_space<vmem>>)
    %dma_wait3A_192 = arith.constant 0 : i32
    %dma_wait3A_193 = tpu.memref_slice %arg3[%dma_wait3A_192] : memref<320000xi32, #tpu.memory_space<hbm>> -> memref<200xi32, #tpu.memory_space<hbm>>
    %dma_wait3A_194 = arith.constant 0 : i32
    %dma_wait3A_195 = tpu.memref_slice %arg3[%dma_wait3A_194] : memref<320000xi32, #tpu.memory_space<hbm>> -> memref<200xi32, #tpu.memory_space<hbm>>
    tpu.wait_dma2 semaphore(%arg24 : memref<!tpu.dma_semaphore, #tpu.memory_space<semaphore_mem>>) src(%dma_wait3A_195 : memref<200xi32, #tpu.memory_space<hbm>>) dst(%arg14 : memref<200xi32, #tpu.memory_space<vmem>>)
    %dma_start3A_196 = arith.constant 0 : i32
    %dma_start3A_197 = arith.constant 0 : i32
    %dma_start3A_198 = tpu.memref_slice %arg2[%arg0, %dma_start3A_196, %dma_start3A_197] : memref<2x10000x64xf32, #tpu.memory_space<hbm>> -> memref<1x10000x64xf32, #tpu.memory_space<hbm>>
    %dma_start3A_199 = tpu.memref_squeeze %dma_start3A_198 : memref<1x10000x64xf32, #tpu.memory_space<hbm>> -> memref<10000x64xf32, #tpu.memory_space<hbm>>
    %dma_start3A_200 = arith.constant 0 : i32
    %dma_start3A_201 = arith.constant 0 : i32
    %dma_start3A_202 = tpu.memref_slice %dma_start3A_199[%dma_start3A_200, %dma_start3A_201] : memref<10000x64xf32, #tpu.memory_space<hbm>> -> memref<10000x64xf32, #tpu.memory_space<hbm>>
    tpu.enqueue_indirect_dma source(%dma_start3A_202 : memref<10000x64xf32, #tpu.memory_space<hbm>>) target(%arg19 : memref<200x64xf32, #tpu.memory_space<vmem>>) offsets(%arg9 : memref<200xi32, #tpu.memory_space<vmem>>) semaphore(%arg29 : memref<!tpu.dma_semaphore, #tpu.memory_space<semaphore_mem>>)
    %dma_wait3A_203 = arith.constant 0 : i32
    %dma_wait3A_204 = arith.constant 0 : i32
    %dma_wait3A_205 = tpu.memref_slice %arg2[%arg0, %dma_wait3A_203, %dma_wait3A_204] : memref<2x10000x64xf32, #tpu.memory_space<hbm>> -> memref<1x10000x64xf32, #tpu.memory_space<hbm>>
    %dma_wait3A_206 = tpu.memref_squeeze %dma_wait3A_205 : memref<1x10000x64xf32, #tpu.memory_space<hbm>> -> memref<10000x64xf32, #tpu.memory_space<hbm>>
    %dma_wait3A_207 = arith.constant 0 : i32
    %dma_wait3A_208 = arith.constant 0 : i32
    %dma_wait3A_209 = tpu.memref_slice %dma_wait3A_206[%dma_wait3A_207, %dma_wait3A_208] : memref<10000x64xf32, #tpu.memory_space<hbm>> -> memref<10000x64xf32, #tpu.memory_space<hbm>>
    tpu.wait_indirect_dma semaphore(%arg28 : memref<!tpu.dma_semaphore, #tpu.memory_space<semaphore_mem>>) src(%dma_wait3A_209 : memref<10000x64xf32, #tpu.memory_space<hbm>>) dst(%arg18 : memref<200x64xf32, #tpu.memory_space<vmem>>)
    %dma_start3A_210 = arith.constant 0 : i32
    %dma_start3A_211 = arith.constant 0 : i32
    %dma_start3A_212 = tpu.memref_slice %arg7[%dma_start3A_210, %dma_start3A_211] : memref<10240x64xf32, #tpu.memory_space<vmem_shared>> -> memref<10240x64xf32, #tpu.memory_space<vmem_shared>>
    tpu.enqueue_indirect_dma source(%arg18 : memref<200x64xf32, #tpu.memory_space<vmem>>) target(%dma_start3A_212 : memref<10240x64xf32, #tpu.memory_space<vmem_shared>>) offsets(%arg13 : memref<200xi32, #tpu.memory_space<vmem>>) semaphore(%arg33 : memref<!tpu.dma_semaphore, #tpu.memory_space<semaphore_mem>>) {add = true}
    %dma_start3A_213 = arith.constant 0 : i32
    %dma_start3A_214 = tpu.memref_slice %arg38[%dma_start3A_213] : memref<10240xf32, #tpu.memory_space<vmem_shared>> -> memref<10240xf32, #tpu.memory_space<vmem_shared>>
    tpu.enqueue_indirect_dma source(%arg40 : memref<200xf32, #tpu.memory_space<vmem>>) target(%dma_start3A_214 : memref<10240xf32, #tpu.memory_space<vmem_shared>>) offsets(%arg13 : memref<200xi32, #tpu.memory_space<vmem>>) semaphore(%arg33 : memref<!tpu.dma_semaphore, #tpu.memory_space<semaphore_mem>>) {add = true}
    %add3A_215 = arith.constant 600 : i32
    %add3A_216 = arith.addi %mul3A_150, %add3A_215 : i32
    %dma_start3A_217 = tpu.memref_slice %arg3[%add3A_216] : memref<320000xi32, #tpu.memory_space<hbm>> -> memref<200xi32, #tpu.memory_space<hbm>>
    %dma_start3A_218 = tpu.memref_slice %arg3[%add3A_216] : memref<320000xi32, #tpu.memory_space<hbm>> -> memref<200xi32, #tpu.memory_space<hbm>>
    tpu.enqueue_dma source(%dma_start3A_218 : memref<200xi32, #tpu.memory_space<hbm>>) target(%arg11 : memref<200xi32, #tpu.memory_space<vmem>>) target_semaphore(%arg26 : memref<!tpu.dma_semaphore, #tpu.memory_space<semaphore_mem>>)
    %add3A_219 = arith.constant 600 : i32
    %add3A_220 = arith.addi %mul3A_150, %add3A_219 : i32
    %dma_start3A_221 = tpu.memref_slice %arg4[%add3A_220] : memref<320000xi32, #tpu.memory_space<hbm>> -> memref<200xi32, #tpu.memory_space<hbm>>
    %dma_start3A_222 = tpu.memref_slice %arg4[%add3A_220] : memref<320000xi32, #tpu.memory_space<hbm>> -> memref<200xi32, #tpu.memory_space<hbm>>
    tpu.enqueue_dma source(%dma_start3A_222 : memref<200xi32, #tpu.memory_space<hbm>>) target(%arg16 : memref<200xi32, #tpu.memory_space<vmem>>) target_semaphore(%arg26 : memref<!tpu.dma_semaphore, #tpu.memory_space<semaphore_mem>>)
    %dma_wait3A_223 = arith.constant 0 : i32
    %dma_wait3A_224 = tpu.memref_slice %arg3[%dma_wait3A_223] : memref<320000xi32, #tpu.memory_space<hbm>> -> memref<200xi32, #tpu.memory_space<hbm>>
    %dma_wait3A_225 = arith.constant 0 : i32
    %dma_wait3A_226 = tpu.memref_slice %arg3[%dma_wait3A_225] : memref<320000xi32, #tpu.memory_space<hbm>> -> memref<200xi32, #tpu.memory_space<hbm>>
    tpu.wait_dma2 semaphore(%arg25 : memref<!tpu.dma_semaphore, #tpu.memory_space<semaphore_mem>>) src(%dma_wait3A_226 : memref<200xi32, #tpu.memory_space<hbm>>) dst(%arg10 : memref<200xi32, #tpu.memory_space<vmem>>)
    %dma_wait3A_227 = arith.constant 0 : i32
    %dma_wait3A_228 = tpu.memref_slice %arg3[%dma_wait3A_227] : memref<320000xi32, #tpu.memory_space<hbm>> -> memref<200xi32, #tpu.memory_space<hbm>>
    %dma_wait3A_229 = arith.constant 0 : i32
    %dma_wait3A_230 = tpu.memref_slice %arg3[%dma_wait3A_229] : memref<320000xi32, #tpu.memory_space<hbm>> -> memref<200xi32, #tpu.memory_space<hbm>>
    tpu.wait_dma2 semaphore(%arg25 : memref<!tpu.dma_semaphore, #tpu.memory_space<semaphore_mem>>) src(%dma_wait3A_230 : memref<200xi32, #tpu.memory_space<hbm>>) dst(%arg15 : memref<200xi32, #tpu.memory_space<vmem>>)
    %dma_start3A_231 = arith.constant 0 : i32
    %dma_start3A_232 = arith.constant 0 : i32
    %dma_start3A_233 = tpu.memref_slice %arg2[%arg0, %dma_start3A_231, %dma_start3A_232] : memref<2x10000x64xf32, #tpu.memory_space<hbm>> -> memref<1x10000x64xf32, #tpu.memory_space<hbm>>
    %dma_start3A_234 = tpu.memref_squeeze %dma_start3A_233 : memref<1x10000x64xf32, #tpu.memory_space<hbm>> -> memref<10000x64xf32, #tpu.memory_space<hbm>>
    %dma_start3A_235 = arith.constant 0 : i32
    %dma_start3A_236 = arith.constant 0 : i32
    %dma_start3A_237 = tpu.memref_slice %dma_start3A_234[%dma_start3A_235, %dma_start3A_236] : memref<10000x64xf32, #tpu.memory_space<hbm>> -> memref<10000x64xf32, #tpu.memory_space<hbm>>
    tpu.enqueue_indirect_dma source(%dma_start3A_237 : memref<10000x64xf32, #tpu.memory_space<hbm>>) target(%arg20 : memref<200x64xf32, #tpu.memory_space<vmem>>) offsets(%arg10 : memref<200xi32, #tpu.memory_space<vmem>>) semaphore(%arg30 : memref<!tpu.dma_semaphore, #tpu.memory_space<semaphore_mem>>)
    %dma_wait3A_238 = arith.constant 0 : i32
    %dma_wait3A_239 = arith.constant 0 : i32
    %dma_wait3A_240 = tpu.memref_slice %arg2[%arg0, %dma_wait3A_238, %dma_wait3A_239] : memref<2x10000x64xf32, #tpu.memory_space<hbm>> -> memref<1x10000x64xf32, #tpu.memory_space<hbm>>
    %dma_wait3A_241 = tpu.memref_squeeze %dma_wait3A_240 : memref<1x10000x64xf32, #tpu.memory_space<hbm>> -> memref<10000x64xf32, #tpu.memory_space<hbm>>
    %dma_wait3A_242 = arith.constant 0 : i32
    %dma_wait3A_243 = arith.constant 0 : i32
    %dma_wait3A_244 = tpu.memref_slice %dma_wait3A_241[%dma_wait3A_242, %dma_wait3A_243] : memref<10000x64xf32, #tpu.memory_space<hbm>> -> memref<10000x64xf32, #tpu.memory_space<hbm>>
    tpu.wait_indirect_dma semaphore(%arg29 : memref<!tpu.dma_semaphore, #tpu.memory_space<semaphore_mem>>) src(%dma_wait3A_244 : memref<10000x64xf32, #tpu.memory_space<hbm>>) dst(%arg19 : memref<200x64xf32, #tpu.memory_space<vmem>>)
    %dma_start3A_245 = arith.constant 0 : i32
    %dma_start3A_246 = arith.constant 0 : i32
    %dma_start3A_247 = tpu.memref_slice %arg7[%dma_start3A_245, %dma_start3A_246] : memref<10240x64xf32, #tpu.memory_space<vmem_shared>> -> memref<10240x64xf32, #tpu.memory_space<vmem_shared>>
    tpu.enqueue_indirect_dma source(%arg19 : memref<200x64xf32, #tpu.memory_space<vmem>>) target(%dma_start3A_247 : memref<10240x64xf32, #tpu.memory_space<vmem_shared>>) offsets(%arg14 : memref<200xi32, #tpu.memory_space<vmem>>) semaphore(%arg34 : memref<!tpu.dma_semaphore, #tpu.memory_space<semaphore_mem>>) {add = true}
    %dma_start3A_248 = arith.constant 0 : i32
    %dma_start3A_249 = tpu.memref_slice %arg38[%dma_start3A_248] : memref<10240xf32, #tpu.memory_space<vmem_shared>> -> memref<10240xf32, #tpu.memory_space<vmem_shared>>
    tpu.enqueue_indirect_dma source(%arg40 : memref<200xf32, #tpu.memory_space<vmem>>) target(%dma_start3A_249 : memref<10240xf32, #tpu.memory_space<vmem_shared>>) offsets(%arg14 : memref<200xi32, #tpu.memory_space<vmem>>) semaphore(%arg34 : memref<!tpu.dma_semaphore, #tpu.memory_space<semaphore_mem>>) {add = true}
    %add3A_250 = arith.constant 800 : i32
    %add3A_251 = arith.addi %mul3A_150, %add3A_250 : i32
    %dma_start3A_252 = tpu.memref_slice %arg3[%add3A_251] : memref<320000xi32, #tpu.memory_space<hbm>> -> memref<200xi32, #tpu.memory_space<hbm>>
    %dma_start3A_253 = tpu.memref_slice %arg3[%add3A_251] : memref<320000xi32, #tpu.memory_space<hbm>> -> memref<200xi32, #tpu.memory_space<hbm>>
    tpu.enqueue_dma source(%dma_start3A_253 : memref<200xi32, #tpu.memory_space<hbm>>) target(%arg12 : memref<200xi32, #tpu.memory_space<vmem>>) target_semaphore(%arg27 : memref<!tpu.dma_semaphore, #tpu.memory_space<semaphore_mem>>)
    %add3A_254 = arith.constant 800 : i32
    %add3A_255 = arith.addi %mul3A_150, %add3A_254 : i32
    %dma_start3A_256 = tpu.memref_slice %arg4[%add3A_255] : memref<320000xi32, #tpu.memory_space<hbm>> -> memref<200xi32, #tpu.memory_space<hbm>>
    %dma_start3A_257 = tpu.memref_slice %arg4[%add3A_255] : memref<320000xi32, #tpu.memory_space<hbm>> -> memref<200xi32, #tpu.memory_space<hbm>>
    tpu.enqueue_dma source(%dma_start3A_257 : memref<200xi32, #tpu.memory_space<hbm>>) target(%arg17 : memref<200xi32, #tpu.memory_space<vmem>>) target_semaphore(%arg27 : memref<!tpu.dma_semaphore, #tpu.memory_space<semaphore_mem>>)
    %dma_wait3A_258 = arith.constant 0 : i32
    %dma_wait3A_259 = tpu.memref_slice %arg3[%dma_wait3A_258] : memref<320000xi32, #tpu.memory_space<hbm>> -> memref<200xi32, #tpu.memory_space<hbm>>
    %dma_wait3A_260 = arith.constant 0 : i32
    %dma_wait3A_261 = tpu.memref_slice %arg3[%dma_wait3A_260] : memref<320000xi32, #tpu.memory_space<hbm>> -> memref<200xi32, #tpu.memory_space<hbm>>
    tpu.wait_dma2 semaphore(%arg26 : memref<!tpu.dma_semaphore, #tpu.memory_space<semaphore_mem>>) src(%dma_wait3A_261 : memref<200xi32, #tpu.memory_space<hbm>>) dst(%arg11 : memref<200xi32, #tpu.memory_space<vmem>>)
    %dma_wait3A_262 = arith.constant 0 : i32
    %dma_wait3A_263 = tpu.memref_slice %arg3[%dma_wait3A_262] : memref<320000xi32, #tpu.memory_space<hbm>> -> memref<200xi32, #tpu.memory_space<hbm>>
    %dma_wait3A_264 = arith.constant 0 : i32
    %dma_wait3A_265 = tpu.memref_slice %arg3[%dma_wait3A_264] : memref<320000xi32, #tpu.memory_space<hbm>> -> memref<200xi32, #tpu.memory_space<hbm>>
    tpu.wait_dma2 semaphore(%arg26 : memref<!tpu.dma_semaphore, #tpu.memory_space<semaphore_mem>>) src(%dma_wait3A_265 : memref<200xi32, #tpu.memory_space<hbm>>) dst(%arg16 : memref<200xi32, #tpu.memory_space<vmem>>)
    %dma_start3A_266 = arith.constant 0 : i32
    %dma_start3A_267 = arith.constant 0 : i32
    %dma_start3A_268 = tpu.memref_slice %arg2[%arg0, %dma_start3A_266, %dma_start3A_267] : memref<2x10000x64xf32, #tpu.memory_space<hbm>> -> memref<1x10000x64xf32, #tpu.memory_space<hbm>>
    %dma_start3A_269 = tpu.memref_squeeze %dma_start3A_268 : memref<1x10000x64xf32, #tpu.memory_space<hbm>> -> memref<10000x64xf32, #tpu.memory_space<hbm>>
    %dma_start3A_270 = arith.constant 0 : i32
    %dma_start3A_271 = arith.constant 0 : i32
    %dma_start3A_272 = tpu.memref_slice %dma_start3A_269[%dma_start3A_270, %dma_start3A_271] : memref<10000x64xf32, #tpu.memory_space<hbm>> -> memref<10000x64xf32, #tpu.memory_space<hbm>>
    tpu.enqueue_indirect_dma source(%dma_start3A_272 : memref<10000x64xf32, #tpu.memory_space<hbm>>) target(%arg21 : memref<200x64xf32, #tpu.memory_space<vmem>>) offsets(%arg11 : memref<200xi32, #tpu.memory_space<vmem>>) semaphore(%arg31 : memref<!tpu.dma_semaphore, #tpu.memory_space<semaphore_mem>>)
    %dma_wait3A_273 = arith.constant 0 : i32
    %dma_wait3A_274 = arith.constant 0 : i32
    %dma_wait3A_275 = tpu.memref_slice %arg2[%arg0, %dma_wait3A_273, %dma_wait3A_274] : memref<2x10000x64xf32, #tpu.memory_space<hbm>> -> memref<1x10000x64xf32, #tpu.memory_space<hbm>>
    %dma_wait3A_276 = tpu.memref_squeeze %dma_wait3A_275 : memref<1x10000x64xf32, #tpu.memory_space<hbm>> -> memref<10000x64xf32, #tpu.memory_space<hbm>>
    %dma_wait3A_277 = arith.constant 0 : i32
    %dma_wait3A_278 = arith.constant 0 : i32
    %dma_wait3A_279 = tpu.memref_slice %dma_wait3A_276[%dma_wait3A_277, %dma_wait3A_278] : memref<10000x64xf32, #tpu.memory_space<hbm>> -> memref<10000x64xf32, #tpu.memory_space<hbm>>
    tpu.wait_indirect_dma semaphore(%arg30 : memref<!tpu.dma_semaphore, #tpu.memory_space<semaphore_mem>>) src(%dma_wait3A_279 : memref<10000x64xf32, #tpu.memory_space<hbm>>) dst(%arg20 : memref<200x64xf32, #tpu.memory_space<vmem>>)
    %dma_start3A_280 = arith.constant 0 : i32
    %dma_start3A_281 = arith.constant 0 : i32
    %dma_start3A_282 = tpu.memref_slice %arg7[%dma_start3A_280, %dma_start3A_281] : memref<10240x64xf32, #tpu.memory_space<vmem_shared>> -> memref<10240x64xf32, #tpu.memory_space<vmem_shared>>
    tpu.enqueue_indirect_dma source(%arg20 : memref<200x64xf32, #tpu.memory_space<vmem>>) target(%dma_start3A_282 : memref<10240x64xf32, #tpu.memory_space<vmem_shared>>) offsets(%arg15 : memref<200xi32, #tpu.memory_space<vmem>>) semaphore(%arg35 : memref<!tpu.dma_semaphore, #tpu.memory_space<semaphore_mem>>) {add = true}
    %dma_start3A_283 = arith.constant 0 : i32
    %dma_start3A_284 = tpu.memref_slice %arg38[%dma_start3A_283] : memref<10240xf32, #tpu.memory_space<vmem_shared>> -> memref<10240xf32, #tpu.memory_space<vmem_shared>>
    tpu.enqueue_indirect_dma source(%arg40 : memref<200xf32, #tpu.memory_space<vmem>>) target(%dma_start3A_284 : memref<10240xf32, #tpu.memory_space<vmem_shared>>) offsets(%arg15 : memref<200xi32, #tpu.memory_space<vmem>>) semaphore(%arg35 : memref<!tpu.dma_semaphore, #tpu.memory_space<semaphore_mem>>) {add = true}
    %dma_wait3A_285 = arith.constant 0 : i32
    %dma_wait3A_286 = arith.constant 0 : i32
    %dma_wait3A_287 = tpu.memref_slice %arg7[%dma_wait3A_285, %dma_wait3A_286] : memref<10240x64xf32, #tpu.memory_space<vmem_shared>> -> memref<10240x64xf32, #tpu.memory_space<vmem_shared>>
    tpu.wait_indirect_dma semaphore(%arg33 : memref<!tpu.dma_semaphore, #tpu.memory_space<semaphore_mem>>) src(%arg18 : memref<200x64xf32, #tpu.memory_space<vmem>>) dst(%dma_wait3A_287 : memref<10240x64xf32, #tpu.memory_space<vmem_shared>>)
    %dma_wait3A_288 = arith.constant 0 : i32
    %dma_wait3A_289 = tpu.memref_slice %arg38[%dma_wait3A_288] : memref<10240xf32, #tpu.memory_space<vmem_shared>> -> memref<10240xf32, #tpu.memory_space<vmem_shared>>
    tpu.wait_indirect_dma semaphore(%arg33 : memref<!tpu.dma_semaphore, #tpu.memory_space<semaphore_mem>>) src(%arg40 : memref<200xf32, #tpu.memory_space<vmem>>) dst(%dma_wait3A_289 : memref<10240xf32, #tpu.memory_space<vmem_shared>>)
    %add3A_290 = arith.constant 1000 : i32
    %add3A_291 = arith.addi %mul3A_150, %add3A_290 : i32
    %dma_start3A_292 = tpu.memref_slice %arg3[%add3A_291] : memref<320000xi32, #tpu.memory_space<hbm>> -> memref<200xi32, #tpu.memory_space<hbm>>
    %dma_start3A_293 = tpu.memref_slice %arg3[%add3A_291] : memref<320000xi32, #tpu.memory_space<hbm>> -> memref<200xi32, #tpu.memory_space<hbm>>
    tpu.enqueue_dma source(%dma_start3A_293 : memref<200xi32, #tpu.memory_space<hbm>>) target(%arg8 : memref<200xi32, #tpu.memory_space<vmem>>) target_semaphore(%arg23 : memref<!tpu.dma_semaphore, #tpu.memory_space<semaphore_mem>>)
    %add3A_294 = arith.constant 1000 : i32
    %add3A_295 = arith.addi %mul3A_150, %add3A_294 : i32
    %dma_start3A_296 = tpu.memref_slice %arg4[%add3A_295] : memref<320000xi32, #tpu.memory_space<hbm>> -> memref<200xi32, #tpu.memory_space<hbm>>
    %dma_start3A_297 = tpu.memref_slice %arg4[%add3A_295] : memref<320000xi32, #tpu.memory_space<hbm>> -> memref<200xi32, #tpu.memory_space<hbm>>
    tpu.enqueue_dma source(%dma_start3A_297 : memref<200xi32, #tpu.memory_space<hbm>>) target(%arg13 : memref<200xi32, #tpu.memory_space<vmem>>) target_semaphore(%arg23 : memref<!tpu.dma_semaphore, #tpu.memory_space<semaphore_mem>>)
    %dma_wait3A_298 = arith.constant 0 : i32
    %dma_wait3A_299 = tpu.memref_slice %arg3[%dma_wait3A_298] : memref<320000xi32, #tpu.memory_space<hbm>> -> memref<200xi32, #tpu.memory_space<hbm>>
    %dma_wait3A_300 = arith.constant 0 : i32
    %dma_wait3A_301 = tpu.memref_slice %arg3[%dma_wait3A_300] : memref<320000xi32, #tpu.memory_space<hbm>> -> memref<200xi32, #tpu.memory_space<hbm>>
    tpu.wait_dma2 semaphore(%arg27 : memref<!tpu.dma_semaphore, #tpu.memory_space<semaphore_mem>>) src(%dma_wait3A_301 : memref<200xi32, #tpu.memory_space<hbm>>) dst(%arg12 : memref<200xi32, #tpu.memory_space<vmem>>)
    %dma_wait3A_302 = arith.constant 0 : i32
    %dma_wait3A_303 = tpu.memref_slice %arg3[%dma_wait3A_302] : memref<320000xi32, #tpu.memory_space<hbm>> -> memref<200xi32, #tpu.memory_space<hbm>>
    %dma_wait3A_304 = arith.constant 0 : i32
    %dma_wait3A_305 = tpu.memref_slice %arg3[%dma_wait3A_304] : memref<320000xi32, #tpu.memory_space<hbm>> -> memref<200xi32, #tpu.memory_space<hbm>>
    tpu.wait_dma2 semaphore(%arg27 : memref<!tpu.dma_semaphore, #tpu.memory_space<semaphore_mem>>) src(%dma_wait3A_305 : memref<200xi32, #tpu.memory_space<hbm>>) dst(%arg17 : memref<200xi32, #tpu.memory_space<vmem>>)
    %dma_start3A_306 = arith.constant 0 : i32
    %dma_start3A_307 = arith.constant 0 : i32
    %dma_start3A_308 = tpu.memref_slice %arg2[%arg0, %dma_start3A_306, %dma_start3A_307] : memref<2x10000x64xf32, #tpu.memory_space<hbm>> -> memref<1x10000x64xf32, #tpu.memory_space<hbm>>
    %dma_start3A_309 = tpu.memref_squeeze %dma_start3A_308 : memref<1x10000x64xf32, #tpu.memory_space<hbm>> -> memref<10000x64xf32, #tpu.memory_space<hbm>>
    %dma_start3A_310 = arith.constant 0 : i32
    %dma_start3A_311 = arith.constant 0 : i32
    %dma_start3A_312 = tpu.memref_slice %dma_start3A_309[%dma_start3A_310, %dma_start3A_311] : memref<10000x64xf32, #tpu.memory_space<hbm>> -> memref<10000x64xf32, #tpu.memory_space<hbm>>
    tpu.enqueue_indirect_dma source(%dma_start3A_312 : memref<10000x64xf32, #tpu.memory_space<hbm>>) target(%arg22 : memref<200x64xf32, #tpu.memory_space<vmem>>) offsets(%arg12 : memref<200xi32, #tpu.memory_space<vmem>>) semaphore(%arg32 : memref<!tpu.dma_semaphore, #tpu.memory_space<semaphore_mem>>)
    %dma_wait3A_313 = arith.constant 0 : i32
    %dma_wait3A_314 = arith.constant 0 : i32
    %dma_wait3A_315 = tpu.memref_slice %arg2[%arg0, %dma_wait3A_313, %dma_wait3A_314] : memref<2x10000x64xf32, #tpu.memory_space<hbm>> -> memref<1x10000x64xf32, #tpu.memory_space<hbm>>
    %dma_wait3A_316 = tpu.memref_squeeze %dma_wait3A_315 : memref<1x10000x64xf32, #tpu.memory_space<hbm>> -> memref<10000x64xf32, #tpu.memory_space<hbm>>
    %dma_wait3A_317 = arith.constant 0 : i32
    %dma_wait3A_318 = arith.constant 0 : i32
    %dma_wait3A_319 = tpu.memref_slice %dma_wait3A_316[%dma_wait3A_317, %dma_wait3A_318] : memref<10000x64xf32, #tpu.memory_space<hbm>> -> memref<10000x64xf32, #tpu.memory_space<hbm>>
    tpu.wait_indirect_dma semaphore(%arg31 : memref<!tpu.dma_semaphore, #tpu.memory_space<semaphore_mem>>) src(%dma_wait3A_319 : memref<10000x64xf32, #tpu.memory_space<hbm>>) dst(%arg21 : memref<200x64xf32, #tpu.memory_space<vmem>>)
    %dma_start3A_320 = arith.constant 0 : i32
    %dma_start3A_321 = arith.constant 0 : i32
    %dma_start3A_322 = tpu.memref_slice %arg7[%dma_start3A_320, %dma_start3A_321] : memref<10240x64xf32, #tpu.memory_space<vmem_shared>> -> memref<10240x64xf32, #tpu.memory_space<vmem_shared>>
    tpu.enqueue_indirect_dma source(%arg21 : memref<200x64xf32, #tpu.memory_space<vmem>>) target(%dma_start3A_322 : memref<10240x64xf32, #tpu.memory_space<vmem_shared>>) offsets(%arg16 : memref<200xi32, #tpu.memory_space<vmem>>) semaphore(%arg36 : memref<!tpu.dma_semaphore, #tpu.memory_space<semaphore_mem>>) {add = true}
    %dma_start3A_323 = arith.constant 0 : i32
    %dma_start3A_324 = tpu.memref_slice %arg38[%dma_start3A_323] : memref<10240xf32, #tpu.memory_space<vmem_shared>> -> memref<10240xf32, #tpu.memory_space<vmem_shared>>
    tpu.enqueue_indirect_dma source(%arg40 : memref<200xf32, #tpu.memory_space<vmem>>) target(%dma_start3A_324 : memref<10240xf32, #tpu.memory_space<vmem_shared>>) offsets(%arg16 : memref<200xi32, #tpu.memory_space<vmem>>) semaphore(%arg36 : memref<!tpu.dma_semaphore, #tpu.memory_space<semaphore_mem>>) {add = true}
    %dma_wait3A_325 = arith.constant 0 : i32
    %dma_wait3A_326 = arith.constant 0 : i32
    %dma_wait3A_327 = tpu.memref_slice %arg7[%dma_wait3A_325, %dma_wait3A_326] : memref<10240x64xf32, #tpu.memory_space<vmem_shared>> -> memref<10240x64xf32, #tpu.memory_space<vmem_shared>>
    tpu.wait_indirect_dma semaphore(%arg34 : memref<!tpu.dma_semaphore, #tpu.memory_space<semaphore_mem>>) src(%arg19 : memref<200x64xf32, #tpu.memory_space<vmem>>) dst(%dma_wait3A_327 : memref<10240x64xf32, #tpu.memory_space<vmem_shared>>)
    %dma_wait3A_328 = arith.constant 0 : i32
    %dma_wait3A_329 = tpu.memref_slice %arg38[%dma_wait3A_328] : memref<10240xf32, #tpu.memory_space<vmem_shared>> -> memref<10240xf32, #tpu.memory_space<vmem_shared>>
    tpu.wait_indirect_dma semaphore(%arg34 : memref<!tpu.dma_semaphore, #tpu.memory_space<semaphore_mem>>) src(%arg40 : memref<200xf32, #tpu.memory_space<vmem>>) dst(%dma_wait3A_329 : memref<10240xf32, #tpu.memory_space<vmem_shared>>)
    %add3A_330 = arith.constant 1200 : i32
    %add3A_331 = arith.addi %mul3A_150, %add3A_330 : i32
    %dma_start3A_332 = tpu.memref_slice %arg3[%add3A_331] : memref<320000xi32, #tpu.memory_space<hbm>> -> memref<200xi32, #tpu.memory_space<hbm>>
    %dma_start3A_333 = tpu.memref_slice %arg3[%add3A_331] : memref<320000xi32, #tpu.memory_space<hbm>> -> memref<200xi32, #tpu.memory_space<hbm>>
    tpu.enqueue_dma source(%dma_start3A_333 : memref<200xi32, #tpu.memory_space<hbm>>) target(%arg9 : memref<200xi32, #tpu.memory_space<vmem>>) target_semaphore(%arg24 : memref<!tpu.dma_semaphore, #tpu.memory_space<semaphore_mem>>)
    %add3A_334 = arith.constant 1200 : i32
    %add3A_335 = arith.addi %mul3A_150, %add3A_334 : i32
    %dma_start3A_336 = tpu.memref_slice %arg4[%add3A_335] : memref<320000xi32, #tpu.memory_space<hbm>> -> memref<200xi32, #tpu.memory_space<hbm>>
    %dma_start3A_337 = tpu.memref_slice %arg4[%add3A_335] : memref<320000xi32, #tpu.memory_space<hbm>> -> memref<200xi32, #tpu.memory_space<hbm>>
    tpu.enqueue_dma source(%dma_start3A_337 : memref<200xi32, #tpu.memory_space<hbm>>) target(%arg14 : memref<200xi32, #tpu.memory_space<vmem>>) target_semaphore(%arg24 : memref<!tpu.dma_semaphore, #tpu.memory_space<semaphore_mem>>)
    %dma_wait3A_338 = arith.constant 0 : i32
    %dma_wait3A_339 = tpu.memref_slice %arg3[%dma_wait3A_338] : memref<320000xi32, #tpu.memory_space<hbm>> -> memref<200xi32, #tpu.memory_space<hbm>>
    %dma_wait3A_340 = arith.constant 0 : i32
    %dma_wait3A_341 = tpu.memref_slice %arg3[%dma_wait3A_340] : memref<320000xi32, #tpu.memory_space<hbm>> -> memref<200xi32, #tpu.memory_space<hbm>>
    tpu.wait_dma2 semaphore(%arg23 : memref<!tpu.dma_semaphore, #tpu.memory_space<semaphore_mem>>) src(%dma_wait3A_341 : memref<200xi32, #tpu.memory_space<hbm>>) dst(%arg8 : memref<200xi32, #tpu.memory_space<vmem>>)
    %dma_wait3A_342 = arith.constant 0 : i32
    %dma_wait3A_343 = tpu.memref_slice %arg3[%dma_wait3A_342] : memref<320000xi32, #tpu.memory_space<hbm>> -> memref<200xi32, #tpu.memory_space<hbm>>
    %dma_wait3A_344 = arith.constant 0 : i32
    %dma_wait3A_345 = tpu.memref_slice %arg3[%dma_wait3A_344] : memref<320000xi32, #tpu.memory_space<hbm>> -> memref<200xi32, #tpu.memory_space<hbm>>
    tpu.wait_dma2 semaphore(%arg23 : memref<!tpu.dma_semaphore, #tpu.memory_space<semaphore_mem>>) src(%dma_wait3A_345 : memref<200xi32, #tpu.memory_space<hbm>>) dst(%arg13 : memref<200xi32, #tpu.memory_space<vmem>>)
    %dma_start3A_346 = arith.constant 0 : i32
    %dma_start3A_347 = arith.constant 0 : i32
    %dma_start3A_348 = tpu.memref_slice %arg2[%arg0, %dma_start3A_346, %dma_start3A_347] : memref<2x10000x64xf32, #tpu.memory_space<hbm>> -> memref<1x10000x64xf32, #tpu.memory_space<hbm>>
    %dma_start3A_349 = tpu.memref_squeeze %dma_start3A_348 : memref<1x10000x64xf32, #tpu.memory_space<hbm>> -> memref<10000x64xf32, #tpu.memory_space<hbm>>
    %dma_start3A_350 = arith.constant 0 : i32
    %dma_start3A_351 = arith.constant 0 : i32
    %dma_start3A_352 = tpu.memref_slice %dma_start3A_349[%dma_start3A_350, %dma_start3A_351] : memref<10000x64xf32, #tpu.memory_space<hbm>> -> memref<10000x64xf32, #tpu.memory_space<hbm>>
    tpu.enqueue_indirect_dma source(%dma_start3A_352 : memref<10000x64xf32, #tpu.memory_space<hbm>>) target(%arg18 : memref<200x64xf32, #tpu.memory_space<vmem>>) offsets(%arg8 : memref<200xi32, #tpu.memory_space<vmem>>) semaphore(%arg28 : memref<!tpu.dma_semaphore, #tpu.memory_space<semaphore_mem>>)
    %dma_wait3A_353 = arith.constant 0 : i32
    %dma_wait3A_354 = arith.constant 0 : i32
    %dma_wait3A_355 = tpu.memref_slice %arg2[%arg0, %dma_wait3A_353, %dma_wait3A_354] : memref<2x10000x64xf32, #tpu.memory_space<hbm>> -> memref<1x10000x64xf32, #tpu.memory_space<hbm>>
    %dma_wait3A_356 = tpu.memref_squeeze %dma_wait3A_355 : memref<1x10000x64xf32, #tpu.memory_space<hbm>> -> memref<10000x64xf32, #tpu.memory_space<hbm>>
    %dma_wait3A_357 = arith.constant 0 : i32
    %dma_wait3A_358 = arith.constant 0 : i32
    %dma_wait3A_359 = tpu.memref_slice %dma_wait3A_356[%dma_wait3A_357, %dma_wait3A_358] : memref<10000x64xf32, #tpu.memory_space<hbm>> -> memref<10000x64xf32, #tpu.memory_space<hbm>>
    tpu.wait_indirect_dma semaphore(%arg32 : memref<!tpu.dma_semaphore, #tpu.memory_space<semaphore_mem>>) src(%dma_wait3A_359 : memref<10000x64xf32, #tpu.memory_space<hbm>>) dst(%arg22 : memref<200x64xf32, #tpu.memory_space<vmem>>)
    %dma_start3A_360 = arith.constant 0 : i32
    %dma_start3A_361 = arith.constant 0 : i32
    %dma_start3A_362 = tpu.memref_slice %arg7[%dma_start3A_360, %dma_start3A_361] : memref<10240x64xf32, #tpu.memory_space<vmem_shared>> -> memref<10240x64xf32, #tpu.memory_space<vmem_shared>>
    tpu.enqueue_indirect_dma source(%arg22 : memref<200x64xf32, #tpu.memory_space<vmem>>) target(%dma_start3A_362 : memref<10240x64xf32, #tpu.memory_space<vmem_shared>>) offsets(%arg17 : memref<200xi32, #tpu.memory_space<vmem>>) semaphore(%arg37 : memref<!tpu.dma_semaphore, #tpu.memory_space<semaphore_mem>>) {add = true}
    %dma_start3A_363 = arith.constant 0 : i32
    %dma_start3A_364 = tpu.memref_slice %arg38[%dma_start3A_363] : memref<10240xf32, #tpu.memory_space<vmem_shared>> -> memref<10240xf32, #tpu.memory_space<vmem_shared>>
    tpu.enqueue_indirect_dma source(%arg40 : memref<200xf32, #tpu.memory_space<vmem>>) target(%dma_start3A_364 : memref<10240xf32, #tpu.memory_space<vmem_shared>>) offsets(%arg17 : memref<200xi32, #tpu.memory_space<vmem>>) semaphore(%arg37 : memref<!tpu.dma_semaphore, #tpu.memory_space<semaphore_mem>>) {add = true}
    %scan3A_365 = arith.constant 1 : i32
    %scan3A_366 = arith.constant 18 : i32
    %scan3A_367 = arith.addi %scan3A_365, %scan3A_366 : i32
    %scan3A_368 = arith.constant 1 : i32
    scf.for %scan3A_563 = %scan3A_365 to %scan3A_367 step %scan3A_368  : i32 {
      %mul3A_564 = arith.constant 5 : i32
      %mul3A_565 = arith.muli %scan3A_563, %mul3A_564 : i32
      %add3A_566 = arith.constant 0 : i32
      %add3A_567 = arith.addi %mul3A_565, %add3A_566 : i32
      %dma_wait3A_568 = arith.constant 0 : i32
      %dma_wait3A_569 = arith.constant 0 : i32
      %dma_wait3A_570 = tpu.memref_slice %arg7[%dma_wait3A_568, %dma_wait3A_569] : memref<10240x64xf32, #tpu.memory_space<vmem_shared>> -> memref<10240x64xf32, #tpu.memory_space<vmem_shared>>
      tpu.wait_indirect_dma semaphore(%arg35 : memref<!tpu.dma_semaphore, #tpu.memory_space<semaphore_mem>>) src(%arg20 : memref<200x64xf32, #tpu.memory_space<vmem>>) dst(%dma_wait3A_570 : memref<10240x64xf32, #tpu.memory_space<vmem_shared>>)
      %dma_wait3A_571 = arith.constant 0 : i32
      %dma_wait3A_572 = tpu.memref_slice %arg38[%dma_wait3A_571] : memref<10240xf32, #tpu.memory_space<vmem_shared>> -> memref<10240xf32, #tpu.memory_space<vmem_shared>>
      tpu.wait_indirect_dma semaphore(%arg35 : memref<!tpu.dma_semaphore, #tpu.memory_space<semaphore_mem>>) src(%arg40 : memref<200xf32, #tpu.memory_space<vmem>>) dst(%dma_wait3A_572 : memref<10240xf32, #tpu.memory_space<vmem_shared>>)
      %add3A_573 = arith.constant 2 : i32
      %add3A_574 = arith.addi %add3A_567, %add3A_573 : i32
      %mul3A_575 = arith.constant 200 : i32
      %mul3A_576 = arith.muli %add3A_574, %mul3A_575 : i32
      %add3A_577 = arith.addi %mul3A_150, %mul3A_576 : i32
      %dma_start3A_578 = tpu.memref_slice %arg3[%add3A_577] : memref<320000xi32, #tpu.memory_space<hbm>> -> memref<200xi32, #tpu.memory_space<hbm>>
      %dma_start3A_579 = tpu.memref_slice %arg3[%add3A_577] : memref<320000xi32, #tpu.memory_space<hbm>> -> memref<200xi32, #tpu.memory_space<hbm>>
      tpu.enqueue_dma source(%dma_start3A_579 : memref<200xi32, #tpu.memory_space<hbm>>) target(%arg10 : memref<200xi32, #tpu.memory_space<vmem>>) target_semaphore(%arg25 : memref<!tpu.dma_semaphore, #tpu.memory_space<semaphore_mem>>)
      %mul3A_580 = arith.constant 200 : i32
      %mul3A_581 = arith.muli %add3A_574, %mul3A_580 : i32
      %add3A_582 = arith.addi %mul3A_150, %mul3A_581 : i32
      %dma_start3A_583 = tpu.memref_slice %arg4[%add3A_582] : memref<320000xi32, #tpu.memory_space<hbm>> -> memref<200xi32, #tpu.memory_space<hbm>>
      %dma_start3A_584 = tpu.memref_slice %arg4[%add3A_582] : memref<320000xi32, #tpu.memory_space<hbm>> -> memref<200xi32, #tpu.memory_space<hbm>>
      tpu.enqueue_dma source(%dma_start3A_584 : memref<200xi32, #tpu.memory_space<hbm>>) target(%arg15 : memref<200xi32, #tpu.memory_space<vmem>>) target_semaphore(%arg25 : memref<!tpu.dma_semaphore, #tpu.memory_space<semaphore_mem>>)
      %dma_wait3A_585 = arith.constant 0 : i32
      %dma_wait3A_586 = tpu.memref_slice %arg3[%dma_wait3A_585] : memref<320000xi32, #tpu.memory_space<hbm>> -> memref<200xi32, #tpu.memory_space<hbm>>
      %dma_wait3A_587 = arith.constant 0 : i32
      %dma_wait3A_588 = tpu.memref_slice %arg3[%dma_wait3A_587] : memref<320000xi32, #tpu.memory_space<hbm>> -> memref<200xi32, #tpu.memory_space<hbm>>
      tpu.wait_dma2 semaphore(%arg24 : memref<!tpu.dma_semaphore, #tpu.memory_space<semaphore_mem>>) src(%dma_wait3A_588 : memref<200xi32, #tpu.memory_space<hbm>>) dst(%arg9 : memref<200xi32, #tpu.memory_space<vmem>>)
      %dma_wait3A_589 = arith.constant 0 : i32
      %dma_wait3A_590 = tpu.memref_slice %arg3[%dma_wait3A_589] : memref<320000xi32, #tpu.memory_space<hbm>> -> memref<200xi32, #tpu.memory_space<hbm>>
      %dma_wait3A_591 = arith.constant 0 : i32
      %dma_wait3A_592 = tpu.memref_slice %arg3[%dma_wait3A_591] : memref<320000xi32, #tpu.memory_space<hbm>> -> memref<200xi32, #tpu.memory_space<hbm>>
      tpu.wait_dma2 semaphore(%arg24 : memref<!tpu.dma_semaphore, #tpu.memory_space<semaphore_mem>>) src(%dma_wait3A_592 : memref<200xi32, #tpu.memory_space<hbm>>) dst(%arg14 : memref<200xi32, #tpu.memory_space<vmem>>)
      %dma_start3A_593 = arith.constant 0 : i32
      %dma_start3A_594 = arith.constant 0 : i32
      %dma_start3A_595 = tpu.memref_slice %arg2[%arg0, %dma_start3A_593, %dma_start3A_594] : memref<2x10000x64xf32, #tpu.memory_space<hbm>> -> memref<1x10000x64xf32, #tpu.memory_space<hbm>>
      %dma_start3A_596 = tpu.memref_squeeze %dma_start3A_595 : memref<1x10000x64xf32, #tpu.memory_space<hbm>> -> memref<10000x64xf32, #tpu.memory_space<hbm>>
      %dma_start3A_597 = arith.constant 0 : i32
      %dma_start3A_598 = arith.constant 0 : i32
      %dma_start3A_599 = tpu.memref_slice %dma_start3A_596[%dma_start3A_597, %dma_start3A_598] : memref<10000x64xf32, #tpu.memory_space<hbm>> -> memref<10000x64xf32, #tpu.memory_space<hbm>>
      tpu.enqueue_indirect_dma source(%dma_start3A_599 : memref<10000x64xf32, #tpu.memory_space<hbm>>) target(%arg19 : memref<200x64xf32, #tpu.memory_space<vmem>>) offsets(%arg9 : memref<200xi32, #tpu.memory_space<vmem>>) semaphore(%arg29 : memref<!tpu.dma_semaphore, #tpu.memory_space<semaphore_mem>>)
      %dma_wait3A_600 = arith.constant 0 : i32
      %dma_wait3A_601 = arith.constant 0 : i32
      %dma_wait3A_602 = tpu.memref_slice %arg2[%arg0, %dma_wait3A_600, %dma_wait3A_601] : memref<2x10000x64xf32, #tpu.memory_space<hbm>> -> memref<1x10000x64xf32, #tpu.memory_space<hbm>>
      %dma_wait3A_603 = tpu.memref_squeeze %dma_wait3A_602 : memref<1x10000x64xf32, #tpu.memory_space<hbm>> -> memref<10000x64xf32, #tpu.memory_space<hbm>>
      %dma_wait3A_604 = arith.constant 0 : i32
      %dma_wait3A_605 = arith.constant 0 : i32
      %dma_wait3A_606 = tpu.memref_slice %dma_wait3A_603[%dma_wait3A_604, %dma_wait3A_605] : memref<10000x64xf32, #tpu.memory_space<hbm>> -> memref<10000x64xf32, #tpu.memory_space<hbm>>
      tpu.wait_indirect_dma semaphore(%arg28 : memref<!tpu.dma_semaphore, #tpu.memory_space<semaphore_mem>>) src(%dma_wait3A_606 : memref<10000x64xf32, #tpu.memory_space<hbm>>) dst(%arg18 : memref<200x64xf32, #tpu.memory_space<vmem>>)
      %dma_start3A_607 = arith.constant 0 : i32
      %dma_start3A_608 = arith.constant 0 : i32
      %dma_start3A_609 = tpu.memref_slice %arg7[%dma_start3A_607, %dma_start3A_608] : memref<10240x64xf32, #tpu.memory_space<vmem_shared>> -> memref<10240x64xf32, #tpu.memory_space<vmem_shared>>
      tpu.enqueue_indirect_dma source(%arg18 : memref<200x64xf32, #tpu.memory_space<vmem>>) target(%dma_start3A_609 : memref<10240x64xf32, #tpu.memory_space<vmem_shared>>) offsets(%arg13 : memref<200xi32, #tpu.memory_space<vmem>>) semaphore(%arg33 : memref<!tpu.dma_semaphore, #tpu.memory_space<semaphore_mem>>) {add = true}
      %dma_start3A_610 = arith.constant 0 : i32
      %dma_start3A_611 = tpu.memref_slice %arg38[%dma_start3A_610] : memref<10240xf32, #tpu.memory_space<vmem_shared>> -> memref<10240xf32, #tpu.memory_space<vmem_shared>>
      tpu.enqueue_indirect_dma source(%arg40 : memref<200xf32, #tpu.memory_space<vmem>>) target(%dma_start3A_611 : memref<10240xf32, #tpu.memory_space<vmem_shared>>) offsets(%arg13 : memref<200xi32, #tpu.memory_space<vmem>>) semaphore(%arg33 : memref<!tpu.dma_semaphore, #tpu.memory_space<semaphore_mem>>) {add = true}
      %mul3A_612 = arith.constant 5 : i32
      %mul3A_613 = arith.muli %scan3A_563, %mul3A_612 : i32
      %add3A_614 = arith.constant 1 : i32
      %add3A_615 = arith.addi %mul3A_613, %add3A_614 : i32
      %dma_wait3A_616 = arith.constant 0 : i32
      %dma_wait3A_617 = arith.constant 0 : i32
      %dma_wait3A_618 = tpu.memref_slice %arg7[%dma_wait3A_616, %dma_wait3A_617] : memref<10240x64xf32, #tpu.memory_space<vmem_shared>> -> memref<10240x64xf32, #tpu.memory_space<vmem_shared>>
      tpu.wait_indirect_dma semaphore(%arg36 : memref<!tpu.dma_semaphore, #tpu.memory_space<semaphore_mem>>) src(%arg21 : memref<200x64xf32, #tpu.memory_space<vmem>>) dst(%dma_wait3A_618 : memref<10240x64xf32, #tpu.memory_space<vmem_shared>>)
      %dma_wait3A_619 = arith.constant 0 : i32
      %dma_wait3A_620 = tpu.memref_slice %arg38[%dma_wait3A_619] : memref<10240xf32, #tpu.memory_space<vmem_shared>> -> memref<10240xf32, #tpu.memory_space<vmem_shared>>
      tpu.wait_indirect_dma semaphore(%arg36 : memref<!tpu.dma_semaphore, #tpu.memory_space<semaphore_mem>>) src(%arg40 : memref<200xf32, #tpu.memory_space<vmem>>) dst(%dma_wait3A_620 : memref<10240xf32, #tpu.memory_space<vmem_shared>>)
      %add3A_621 = arith.constant 2 : i32
      %add3A_622 = arith.addi %add3A_615, %add3A_621 : i32
      %mul3A_623 = arith.constant 200 : i32
      %mul3A_624 = arith.muli %add3A_622, %mul3A_623 : i32
      %add3A_625 = arith.addi %mul3A_150, %mul3A_624 : i32
      %dma_start3A_626 = tpu.memref_slice %arg3[%add3A_625] : memref<320000xi32, #tpu.memory_space<hbm>> -> memref<200xi32, #tpu.memory_space<hbm>>
      %dma_start3A_627 = tpu.memref_slice %arg3[%add3A_625] : memref<320000xi32, #tpu.memory_space<hbm>> -> memref<200xi32, #tpu.memory_space<hbm>>
      tpu.enqueue_dma source(%dma_start3A_627 : memref<200xi32, #tpu.memory_space<hbm>>) target(%arg11 : memref<200xi32, #tpu.memory_space<vmem>>) target_semaphore(%arg26 : memref<!tpu.dma_semaphore, #tpu.memory_space<semaphore_mem>>)
      %mul3A_628 = arith.constant 200 : i32
      %mul3A_629 = arith.muli %add3A_622, %mul3A_628 : i32
      %add3A_630 = arith.addi %mul3A_150, %mul3A_629 : i32
      %dma_start3A_631 = tpu.memref_slice %arg4[%add3A_630] : memref<320000xi32, #tpu.memory_space<hbm>> -> memref<200xi32, #tpu.memory_space<hbm>>
      %dma_start3A_632 = tpu.memref_slice %arg4[%add3A_630] : memref<320000xi32, #tpu.memory_space<hbm>> -> memref<200xi32, #tpu.memory_space<hbm>>
      tpu.enqueue_dma source(%dma_start3A_632 : memref<200xi32, #tpu.memory_space<hbm>>) target(%arg16 : memref<200xi32, #tpu.memory_space<vmem>>) target_semaphore(%arg26 : memref<!tpu.dma_semaphore, #tpu.memory_space<semaphore_mem>>)
      %dma_wait3A_633 = arith.constant 0 : i32
      %dma_wait3A_634 = tpu.memref_slice %arg3[%dma_wait3A_633] : memref<320000xi32, #tpu.memory_space<hbm>> -> memref<200xi32, #tpu.memory_space<hbm>>
      %dma_wait3A_635 = arith.constant 0 : i32
      %dma_wait3A_636 = tpu.memref_slice %arg3[%dma_wait3A_635] : memref<320000xi32, #tpu.memory_space<hbm>> -> memref<200xi32, #tpu.memory_space<hbm>>
      tpu.wait_dma2 semaphore(%arg25 : memref<!tpu.dma_semaphore, #tpu.memory_space<semaphore_mem>>) src(%dma_wait3A_636 : memref<200xi32, #tpu.memory_space<hbm>>) dst(%arg10 : memref<200xi32, #tpu.memory_space<vmem>>)
      %dma_wait3A_637 = arith.constant 0 : i32
      %dma_wait3A_638 = tpu.memref_slice %arg3[%dma_wait3A_637] : memref<320000xi32, #tpu.memory_space<hbm>> -> memref<200xi32, #tpu.memory_space<hbm>>
      %dma_wait3A_639 = arith.constant 0 : i32
      %dma_wait3A_640 = tpu.memref_slice %arg3[%dma_wait3A_639] : memref<320000xi32, #tpu.memory_space<hbm>> -> memref<200xi32, #tpu.memory_space<hbm>>
      tpu.wait_dma2 semaphore(%arg25 : memref<!tpu.dma_semaphore, #tpu.memory_space<semaphore_mem>>) src(%dma_wait3A_640 : memref<200xi32, #tpu.memory_space<hbm>>) dst(%arg15 : memref<200xi32, #tpu.memory_space<vmem>>)
      %dma_start3A_641 = arith.constant 0 : i32
      %dma_start3A_642 = arith.constant 0 : i32
      %dma_start3A_643 = tpu.memref_slice %arg2[%arg0, %dma_start3A_641, %dma_start3A_642] : memref<2x10000x64xf32, #tpu.memory_space<hbm>> -> memref<1x10000x64xf32, #tpu.memory_space<hbm>>
      %dma_start3A_644 = tpu.memref_squeeze %dma_start3A_643 : memref<1x10000x64xf32, #tpu.memory_space<hbm>> -> memref<10000x64xf32, #tpu.memory_space<hbm>>
      %dma_start3A_645 = arith.constant 0 : i32
      %dma_start3A_646 = arith.constant 0 : i32
      %dma_start3A_647 = tpu.memref_slice %dma_start3A_644[%dma_start3A_645, %dma_start3A_646] : memref<10000x64xf32, #tpu.memory_space<hbm>> -> memref<10000x64xf32, #tpu.memory_space<hbm>>
      tpu.enqueue_indirect_dma source(%dma_start3A_647 : memref<10000x64xf32, #tpu.memory_space<hbm>>) target(%arg20 : memref<200x64xf32, #tpu.memory_space<vmem>>) offsets(%arg10 : memref<200xi32, #tpu.memory_space<vmem>>) semaphore(%arg30 : memref<!tpu.dma_semaphore, #tpu.memory_space<semaphore_mem>>)
      %dma_wait3A_648 = arith.constant 0 : i32
      %dma_wait3A_649 = arith.constant 0 : i32
      %dma_wait3A_650 = tpu.memref_slice %arg2[%arg0, %dma_wait3A_648, %dma_wait3A_649] : memref<2x10000x64xf32, #tpu.memory_space<hbm>> -> memref<1x10000x64xf32, #tpu.memory_space<hbm>>
      %dma_wait3A_651 = tpu.memref_squeeze %dma_wait3A_650 : memref<1x10000x64xf32, #tpu.memory_space<hbm>> -> memref<10000x64xf32, #tpu.memory_space<hbm>>
      %dma_wait3A_652 = arith.constant 0 : i32
      %dma_wait3A_653 = arith.constant 0 : i32
      %dma_wait3A_654 = tpu.memref_slice %dma_wait3A_651[%dma_wait3A_652, %dma_wait3A_653] : memref<10000x64xf32, #tpu.memory_space<hbm>> -> memref<10000x64xf32, #tpu.memory_space<hbm>>
      tpu.wait_indirect_dma semaphore(%arg29 : memref<!tpu.dma_semaphore, #tpu.memory_space<semaphore_mem>>) src(%dma_wait3A_654 : memref<10000x64xf32, #tpu.memory_space<hbm>>) dst(%arg19 : memref<200x64xf32, #tpu.memory_space<vmem>>)
      %dma_start3A_655 = arith.constant 0 : i32
      %dma_start3A_656 = arith.constant 0 : i32
      %dma_start3A_657 = tpu.memref_slice %arg7[%dma_start3A_655, %dma_start3A_656] : memref<10240x64xf32, #tpu.memory_space<vmem_shared>> -> memref<10240x64xf32, #tpu.memory_space<vmem_shared>>
      tpu.enqueue_indirect_dma source(%arg19 : memref<200x64xf32, #tpu.memory_space<vmem>>) target(%dma_start3A_657 : memref<10240x64xf32, #tpu.memory_space<vmem_shared>>) offsets(%arg14 : memref<200xi32, #tpu.memory_space<vmem>>) semaphore(%arg34 : memref<!tpu.dma_semaphore, #tpu.memory_space<semaphore_mem>>) {add = true}
      %dma_start3A_658 = arith.constant 0 : i32
      %dma_start3A_659 = tpu.memref_slice %arg38[%dma_start3A_658] : memref<10240xf32, #tpu.memory_space<vmem_shared>> -> memref<10240xf32, #tpu.memory_space<vmem_shared>>
      tpu.enqueue_indirect_dma source(%arg40 : memref<200xf32, #tpu.memory_space<vmem>>) target(%dma_start3A_659 : memref<10240xf32, #tpu.memory_space<vmem_shared>>) offsets(%arg14 : memref<200xi32, #tpu.memory_space<vmem>>) semaphore(%arg34 : memref<!tpu.dma_semaphore, #tpu.memory_space<semaphore_mem>>) {add = true}
      %mul3A_660 = arith.constant 5 : i32
      %mul3A_661 = arith.muli %scan3A_563, %mul3A_660 : i32
      %add3A_662 = arith.constant 2 : i32
      %add3A_663 = arith.addi %mul3A_661, %add3A_662 : i32
      %dma_wait3A_664 = arith.constant 0 : i32
      %dma_wait3A_665 = arith.constant 0 : i32
      %dma_wait3A_666 = tpu.memref_slice %arg7[%dma_wait3A_664, %dma_wait3A_665] : memref<10240x64xf32, #tpu.memory_space<vmem_shared>> -> memref<10240x64xf32, #tpu.memory_space<vmem_shared>>
      tpu.wait_indirect_dma semaphore(%arg37 : memref<!tpu.dma_semaphore, #tpu.memory_space<semaphore_mem>>) src(%arg22 : memref<200x64xf32, #tpu.memory_space<vmem>>) dst(%dma_wait3A_666 : memref<10240x64xf32, #tpu.memory_space<vmem_shared>>)
      %dma_wait3A_667 = arith.constant 0 : i32
      %dma_wait3A_668 = tpu.memref_slice %arg38[%dma_wait3A_667] : memref<10240xf32, #tpu.memory_space<vmem_shared>> -> memref<10240xf32, #tpu.memory_space<vmem_shared>>
      tpu.wait_indirect_dma semaphore(%arg37 : memref<!tpu.dma_semaphore, #tpu.memory_space<semaphore_mem>>) src(%arg40 : memref<200xf32, #tpu.memory_space<vmem>>) dst(%dma_wait3A_668 : memref<10240xf32, #tpu.memory_space<vmem_shared>>)
      %add3A_669 = arith.constant 2 : i32
      %add3A_670 = arith.addi %add3A_663, %add3A_669 : i32
      %mul3A_671 = arith.constant 200 : i32
      %mul3A_672 = arith.muli %add3A_670, %mul3A_671 : i32
      %add3A_673 = arith.addi %mul3A_150, %mul3A_672 : i32
      %dma_start3A_674 = tpu.memref_slice %arg3[%add3A_673] : memref<320000xi32, #tpu.memory_space<hbm>> -> memref<200xi32, #tpu.memory_space<hbm>>
      %dma_start3A_675 = tpu.memref_slice %arg3[%add3A_673] : memref<320000xi32, #tpu.memory_space<hbm>> -> memref<200xi32, #tpu.memory_space<hbm>>
      tpu.enqueue_dma source(%dma_start3A_675 : memref<200xi32, #tpu.memory_space<hbm>>) target(%arg12 : memref<200xi32, #tpu.memory_space<vmem>>) target_semaphore(%arg27 : memref<!tpu.dma_semaphore, #tpu.memory_space<semaphore_mem>>)
      %mul3A_676 = arith.constant 200 : i32
      %mul3A_677 = arith.muli %add3A_670, %mul3A_676 : i32
      %add3A_678 = arith.addi %mul3A_150, %mul3A_677 : i32
      %dma_start3A_679 = tpu.memref_slice %arg4[%add3A_678] : memref<320000xi32, #tpu.memory_space<hbm>> -> memref<200xi32, #tpu.memory_space<hbm>>
      %dma_start3A_680 = tpu.memref_slice %arg4[%add3A_678] : memref<320000xi32, #tpu.memory_space<hbm>> -> memref<200xi32, #tpu.memory_space<hbm>>
      tpu.enqueue_dma source(%dma_start3A_680 : memref<200xi32, #tpu.memory_space<hbm>>) target(%arg17 : memref<200xi32, #tpu.memory_space<vmem>>) target_semaphore(%arg27 : memref<!tpu.dma_semaphore, #tpu.memory_space<semaphore_mem>>)
      %dma_wait3A_681 = arith.constant 0 : i32
      %dma_wait3A_682 = tpu.memref_slice %arg3[%dma_wait3A_681] : memref<320000xi32, #tpu.memory_space<hbm>> -> memref<200xi32, #tpu.memory_space<hbm>>
      %dma_wait3A_683 = arith.constant 0 : i32
      %dma_wait3A_684 = tpu.memref_slice %arg3[%dma_wait3A_683] : memref<320000xi32, #tpu.memory_space<hbm>> -> memref<200xi32, #tpu.memory_space<hbm>>
      tpu.wait_dma2 semaphore(%arg26 : memref<!tpu.dma_semaphore, #tpu.memory_space<semaphore_mem>>) src(%dma_wait3A_684 : memref<200xi32, #tpu.memory_space<hbm>>) dst(%arg11 : memref<200xi32, #tpu.memory_space<vmem>>)
      %dma_wait3A_685 = arith.constant 0 : i32
      %dma_wait3A_686 = tpu.memref_slice %arg3[%dma_wait3A_685] : memref<320000xi32, #tpu.memory_space<hbm>> -> memref<200xi32, #tpu.memory_space<hbm>>
      %dma_wait3A_687 = arith.constant 0 : i32
      %dma_wait3A_688 = tpu.memref_slice %arg3[%dma_wait3A_687] : memref<320000xi32, #tpu.memory_space<hbm>> -> memref<200xi32, #tpu.memory_space<hbm>>
      tpu.wait_dma2 semaphore(%arg26 : memref<!tpu.dma_semaphore, #tpu.memory_space<semaphore_mem>>) src(%dma_wait3A_688 : memref<200xi32, #tpu.memory_space<hbm>>) dst(%arg16 : memref<200xi32, #tpu.memory_space<vmem>>)
      %dma_start3A_689 = arith.constant 0 : i32
      %dma_start3A_690 = arith.constant 0 : i32
      %dma_start3A_691 = tpu.memref_slice %arg2[%arg0, %dma_start3A_689, %dma_start3A_690] : memref<2x10000x64xf32, #tpu.memory_space<hbm>> -> memref<1x10000x64xf32, #tpu.memory_space<hbm>>
      %dma_start3A_692 = tpu.memref_squeeze %dma_start3A_691 : memref<1x10000x64xf32, #tpu.memory_space<hbm>> -> memref<10000x64xf32, #tpu.memory_space<hbm>>
      %dma_start3A_693 = arith.constant 0 : i32
      %dma_start3A_694 = arith.constant 0 : i32
      %dma_start3A_695 = tpu.memref_slice %dma_start3A_692[%dma_start3A_693, %dma_start3A_694] : memref<10000x64xf32, #tpu.memory_space<hbm>> -> memref<10000x64xf32, #tpu.memory_space<hbm>>
      tpu.enqueue_indirect_dma source(%dma_start3A_695 : memref<10000x64xf32, #tpu.memory_space<hbm>>) target(%arg21 : memref<200x64xf32, #tpu.memory_space<vmem>>) offsets(%arg11 : memref<200xi32, #tpu.memory_space<vmem>>) semaphore(%arg31 : memref<!tpu.dma_semaphore, #tpu.memory_space<semaphore_mem>>)
      %dma_wait3A_696 = arith.constant 0 : i32
      %dma_wait3A_697 = arith.constant 0 : i32
      %dma_wait3A_698 = tpu.memref_slice %arg2[%arg0, %dma_wait3A_696, %dma_wait3A_697] : memref<2x10000x64xf32, #tpu.memory_space<hbm>> -> memref<1x10000x64xf32, #tpu.memory_space<hbm>>
      %dma_wait3A_699 = tpu.memref_squeeze %dma_wait3A_698 : memref<1x10000x64xf32, #tpu.memory_space<hbm>> -> memref<10000x64xf32, #tpu.memory_space<hbm>>
      %dma_wait3A_700 = arith.constant 0 : i32
      %dma_wait3A_701 = arith.constant 0 : i32
      %dma_wait3A_702 = tpu.memref_slice %dma_wait3A_699[%dma_wait3A_700, %dma_wait3A_701] : memref<10000x64xf32, #tpu.memory_space<hbm>> -> memref<10000x64xf32, #tpu.memory_space<hbm>>
      tpu.wait_indirect_dma semaphore(%arg30 : memref<!tpu.dma_semaphore, #tpu.memory_space<semaphore_mem>>) src(%dma_wait3A_702 : memref<10000x64xf32, #tpu.memory_space<hbm>>) dst(%arg20 : memref<200x64xf32, #tpu.memory_space<vmem>>)
      %dma_start3A_703 = arith.constant 0 : i32
      %dma_start3A_704 = arith.constant 0 : i32
      %dma_start3A_705 = tpu.memref_slice %arg7[%dma_start3A_703, %dma_start3A_704] : memref<10240x64xf32, #tpu.memory_space<vmem_shared>> -> memref<10240x64xf32, #tpu.memory_space<vmem_shared>>
      tpu.enqueue_indirect_dma source(%arg20 : memref<200x64xf32, #tpu.memory_space<vmem>>) target(%dma_start3A_705 : memref<10240x64xf32, #tpu.memory_space<vmem_shared>>) offsets(%arg15 : memref<200xi32, #tpu.memory_space<vmem>>) semaphore(%arg35 : memref<!tpu.dma_semaphore, #tpu.memory_space<semaphore_mem>>) {add = true}
      %dma_start3A_706 = arith.constant 0 : i32
      %dma_start3A_707 = tpu.memref_slice %arg38[%dma_start3A_706] : memref<10240xf32, #tpu.memory_space<vmem_shared>> -> memref<10240xf32, #tpu.memory_space<vmem_shared>>
      tpu.enqueue_indirect_dma source(%arg40 : memref<200xf32, #tpu.memory_space<vmem>>) target(%dma_start3A_707 : memref<10240xf32, #tpu.memory_space<vmem_shared>>) offsets(%arg15 : memref<200xi32, #tpu.memory_space<vmem>>) semaphore(%arg35 : memref<!tpu.dma_semaphore, #tpu.memory_space<semaphore_mem>>) {add = true}
      %mul3A_708 = arith.constant 5 : i32
      %mul3A_709 = arith.muli %scan3A_563, %mul3A_708 : i32
      %add3A_710 = arith.constant 3 : i32
      %add3A_711 = arith.addi %mul3A_709, %add3A_710 : i32
      %dma_wait3A_712 = arith.constant 0 : i32
      %dma_wait3A_713 = arith.constant 0 : i32
      %dma_wait3A_714 = tpu.memref_slice %arg7[%dma_wait3A_712, %dma_wait3A_713] : memref<10240x64xf32, #tpu.memory_space<vmem_shared>> -> memref<10240x64xf32, #tpu.memory_space<vmem_shared>>
      tpu.wait_indirect_dma semaphore(%arg33 : memref<!tpu.dma_semaphore, #tpu.memory_space<semaphore_mem>>) src(%arg18 : memref<200x64xf32, #tpu.memory_space<vmem>>) dst(%dma_wait3A_714 : memref<10240x64xf32, #tpu.memory_space<vmem_shared>>)
      %dma_wait3A_715 = arith.constant 0 : i32
      %dma_wait3A_716 = tpu.memref_slice %arg38[%dma_wait3A_715] : memref<10240xf32, #tpu.memory_space<vmem_shared>> -> memref<10240xf32, #tpu.memory_space<vmem_shared>>
      tpu.wait_indirect_dma semaphore(%arg33 : memref<!tpu.dma_semaphore, #tpu.memory_space<semaphore_mem>>) src(%arg40 : memref<200xf32, #tpu.memory_space<vmem>>) dst(%dma_wait3A_716 : memref<10240xf32, #tpu.memory_space<vmem_shared>>)
      %add3A_717 = arith.constant 2 : i32
      %add3A_718 = arith.addi %add3A_711, %add3A_717 : i32
      %mul3A_719 = arith.constant 200 : i32
      %mul3A_720 = arith.muli %add3A_718, %mul3A_719 : i32
      %add3A_721 = arith.addi %mul3A_150, %mul3A_720 : i32
      %dma_start3A_722 = tpu.memref_slice %arg3[%add3A_721] : memref<320000xi32, #tpu.memory_space<hbm>> -> memref<200xi32, #tpu.memory_space<hbm>>
      %dma_start3A_723 = tpu.memref_slice %arg3[%add3A_721] : memref<320000xi32, #tpu.memory_space<hbm>> -> memref<200xi32, #tpu.memory_space<hbm>>
      tpu.enqueue_dma source(%dma_start3A_723 : memref<200xi32, #tpu.memory_space<hbm>>) target(%arg8 : memref<200xi32, #tpu.memory_space<vmem>>) target_semaphore(%arg23 : memref<!tpu.dma_semaphore, #tpu.memory_space<semaphore_mem>>)
      %mul3A_724 = arith.constant 200 : i32
      %mul3A_725 = arith.muli %add3A_718, %mul3A_724 : i32
      %add3A_726 = arith.addi %mul3A_150, %mul3A_725 : i32
      %dma_start3A_727 = tpu.memref_slice %arg4[%add3A_726] : memref<320000xi32, #tpu.memory_space<hbm>> -> memref<200xi32, #tpu.memory_space<hbm>>
      %dma_start3A_728 = tpu.memref_slice %arg4[%add3A_726] : memref<320000xi32, #tpu.memory_space<hbm>> -> memref<200xi32, #tpu.memory_space<hbm>>
      tpu.enqueue_dma source(%dma_start3A_728 : memref<200xi32, #tpu.memory_space<hbm>>) target(%arg13 : memref<200xi32, #tpu.memory_space<vmem>>) target_semaphore(%arg23 : memref<!tpu.dma_semaphore, #tpu.memory_space<semaphore_mem>>)
      %dma_wait3A_729 = arith.constant 0 : i32
      %dma_wait3A_730 = tpu.memref_slice %arg3[%dma_wait3A_729] : memref<320000xi32, #tpu.memory_space<hbm>> -> memref<200xi32, #tpu.memory_space<hbm>>
      %dma_wait3A_731 = arith.constant 0 : i32
      %dma_wait3A_732 = tpu.memref_slice %arg3[%dma_wait3A_731] : memref<320000xi32, #tpu.memory_space<hbm>> -> memref<200xi32, #tpu.memory_space<hbm>>
      tpu.wait_dma2 semaphore(%arg27 : memref<!tpu.dma_semaphore, #tpu.memory_space<semaphore_mem>>) src(%dma_wait3A_732 : memref<200xi32, #tpu.memory_space<hbm>>) dst(%arg12 : memref<200xi32, #tpu.memory_space<vmem>>)
      %dma_wait3A_733 = arith.constant 0 : i32
      %dma_wait3A_734 = tpu.memref_slice %arg3[%dma_wait3A_733] : memref<320000xi32, #tpu.memory_space<hbm>> -> memref<200xi32, #tpu.memory_space<hbm>>
      %dma_wait3A_735 = arith.constant 0 : i32
      %dma_wait3A_736 = tpu.memref_slice %arg3[%dma_wait3A_735] : memref<320000xi32, #tpu.memory_space<hbm>> -> memref<200xi32, #tpu.memory_space<hbm>>
      tpu.wait_dma2 semaphore(%arg27 : memref<!tpu.dma_semaphore, #tpu.memory_space<semaphore_mem>>) src(%dma_wait3A_736 : memref<200xi32, #tpu.memory_space<hbm>>) dst(%arg17 : memref<200xi32, #tpu.memory_space<vmem>>)
      %dma_start3A_737 = arith.constant 0 : i32
      %dma_start3A_738 = arith.constant 0 : i32
      %dma_start3A_739 = tpu.memref_slice %arg2[%arg0, %dma_start3A_737, %dma_start3A_738] : memref<2x10000x64xf32, #tpu.memory_space<hbm>> -> memref<1x10000x64xf32, #tpu.memory_space<hbm>>
      %dma_start3A_740 = tpu.memref_squeeze %dma_start3A_739 : memref<1x10000x64xf32, #tpu.memory_space<hbm>> -> memref<10000x64xf32, #tpu.memory_space<hbm>>
      %dma_start3A_741 = arith.constant 0 : i32
      %dma_start3A_742 = arith.constant 0 : i32
      %dma_start3A_743 = tpu.memref_slice %dma_start3A_740[%dma_start3A_741, %dma_start3A_742] : memref<10000x64xf32, #tpu.memory_space<hbm>> -> memref<10000x64xf32, #tpu.memory_space<hbm>>
      tpu.enqueue_indirect_dma source(%dma_start3A_743 : memref<10000x64xf32, #tpu.memory_space<hbm>>) target(%arg22 : memref<200x64xf32, #tpu.memory_space<vmem>>) offsets(%arg12 : memref<200xi32, #tpu.memory_space<vmem>>) semaphore(%arg32 : memref<!tpu.dma_semaphore, #tpu.memory_space<semaphore_mem>>)
      %dma_wait3A_744 = arith.constant 0 : i32
      %dma_wait3A_745 = arith.constant 0 : i32
      %dma_wait3A_746 = tpu.memref_slice %arg2[%arg0, %dma_wait3A_744, %dma_wait3A_745] : memref<2x10000x64xf32, #tpu.memory_space<hbm>> -> memref<1x10000x64xf32, #tpu.memory_space<hbm>>
      %dma_wait3A_747 = tpu.memref_squeeze %dma_wait3A_746 : memref<1x10000x64xf32, #tpu.memory_space<hbm>> -> memref<10000x64xf32, #tpu.memory_space<hbm>>
      %dma_wait3A_748 = arith.constant 0 : i32
      %dma_wait3A_749 = arith.constant 0 : i32
      %dma_wait3A_750 = tpu.memref_slice %dma_wait3A_747[%dma_wait3A_748, %dma_wait3A_749] : memref<10000x64xf32, #tpu.memory_space<hbm>> -> memref<10000x64xf32, #tpu.memory_space<hbm>>
      tpu.wait_indirect_dma semaphore(%arg31 : memref<!tpu.dma_semaphore, #tpu.memory_space<semaphore_mem>>) src(%dma_wait3A_750 : memref<10000x64xf32, #tpu.memory_space<hbm>>) dst(%arg21 : memref<200x64xf32, #tpu.memory_space<vmem>>)
      %dma_start3A_751 = arith.constant 0 : i32
      %dma_start3A_752 = arith.constant 0 : i32
      %dma_start3A_753 = tpu.memref_slice %arg7[%dma_start3A_751, %dma_start3A_752] : memref<10240x64xf32, #tpu.memory_space<vmem_shared>> -> memref<10240x64xf32, #tpu.memory_space<vmem_shared>>
      tpu.enqueue_indirect_dma source(%arg21 : memref<200x64xf32, #tpu.memory_space<vmem>>) target(%dma_start3A_753 : memref<10240x64xf32, #tpu.memory_space<vmem_shared>>) offsets(%arg16 : memref<200xi32, #tpu.memory_space<vmem>>) semaphore(%arg36 : memref<!tpu.dma_semaphore, #tpu.memory_space<semaphore_mem>>) {add = true}
      %dma_start3A_754 = arith.constant 0 : i32
      %dma_start3A_755 = tpu.memref_slice %arg38[%dma_start3A_754] : memref<10240xf32, #tpu.memory_space<vmem_shared>> -> memref<10240xf32, #tpu.memory_space<vmem_shared>>
      tpu.enqueue_indirect_dma source(%arg40 : memref<200xf32, #tpu.memory_space<vmem>>) target(%dma_start3A_755 : memref<10240xf32, #tpu.memory_space<vmem_shared>>) offsets(%arg16 : memref<200xi32, #tpu.memory_space<vmem>>) semaphore(%arg36 : memref<!tpu.dma_semaphore, #tpu.memory_space<semaphore_mem>>) {add = true}
      %mul3A_756 = arith.constant 5 : i32
      %mul3A_757 = arith.muli %scan3A_563, %mul3A_756 : i32
      %add3A_758 = arith.constant 4 : i32
      %add3A_759 = arith.addi %mul3A_757, %add3A_758 : i32
      %dma_wait3A_760 = arith.constant 0 : i32
      %dma_wait3A_761 = arith.constant 0 : i32
      %dma_wait3A_762 = tpu.memref_slice %arg7[%dma_wait3A_760, %dma_wait3A_761] : memref<10240x64xf32, #tpu.memory_space<vmem_shared>> -> memref<10240x64xf32, #tpu.memory_space<vmem_shared>>
      tpu.wait_indirect_dma semaphore(%arg34 : memref<!tpu.dma_semaphore, #tpu.memory_space<semaphore_mem>>) src(%arg19 : memref<200x64xf32, #tpu.memory_space<vmem>>) dst(%dma_wait3A_762 : memref<10240x64xf32, #tpu.memory_space<vmem_shared>>)
      %dma_wait3A_763 = arith.constant 0 : i32
      %dma_wait3A_764 = tpu.memref_slice %arg38[%dma_wait3A_763] : memref<10240xf32, #tpu.memory_space<vmem_shared>> -> memref<10240xf32, #tpu.memory_space<vmem_shared>>
      tpu.wait_indirect_dma semaphore(%arg34 : memref<!tpu.dma_semaphore, #tpu.memory_space<semaphore_mem>>) src(%arg40 : memref<200xf32, #tpu.memory_space<vmem>>) dst(%dma_wait3A_764 : memref<10240xf32, #tpu.memory_space<vmem_shared>>)
      %add3A_765 = arith.constant 2 : i32
      %add3A_766 = arith.addi %add3A_759, %add3A_765 : i32
      %mul3A_767 = arith.constant 200 : i32
      %mul3A_768 = arith.muli %add3A_766, %mul3A_767 : i32
      %add3A_769 = arith.addi %mul3A_150, %mul3A_768 : i32
      %dma_start3A_770 = tpu.memref_slice %arg3[%add3A_769] : memref<320000xi32, #tpu.memory_space<hbm>> -> memref<200xi32, #tpu.memory_space<hbm>>
      %dma_start3A_771 = tpu.memref_slice %arg3[%add3A_769] : memref<320000xi32, #tpu.memory_space<hbm>> -> memref<200xi32, #tpu.memory_space<hbm>>
      tpu.enqueue_dma source(%dma_start3A_771 : memref<200xi32, #tpu.memory_space<hbm>>) target(%arg9 : memref<200xi32, #tpu.memory_space<vmem>>) target_semaphore(%arg24 : memref<!tpu.dma_semaphore, #tpu.memory_space<semaphore_mem>>)
      %mul3A_772 = arith.constant 200 : i32
      %mul3A_773 = arith.muli %add3A_766, %mul3A_772 : i32
      %add3A_774 = arith.addi %mul3A_150, %mul3A_773 : i32
      %dma_start3A_775 = tpu.memref_slice %arg4[%add3A_774] : memref<320000xi32, #tpu.memory_space<hbm>> -> memref<200xi32, #tpu.memory_space<hbm>>
      %dma_start3A_776 = tpu.memref_slice %arg4[%add3A_774] : memref<320000xi32, #tpu.memory_space<hbm>> -> memref<200xi32, #tpu.memory_space<hbm>>
      tpu.enqueue_dma source(%dma_start3A_776 : memref<200xi32, #tpu.memory_space<hbm>>) target(%arg14 : memref<200xi32, #tpu.memory_space<vmem>>) target_semaphore(%arg24 : memref<!tpu.dma_semaphore, #tpu.memory_space<semaphore_mem>>)
      %dma_wait3A_777 = arith.constant 0 : i32
      %dma_wait3A_778 = tpu.memref_slice %arg3[%dma_wait3A_777] : memref<320000xi32, #tpu.memory_space<hbm>> -> memref<200xi32, #tpu.memory_space<hbm>>
      %dma_wait3A_779 = arith.constant 0 : i32
      %dma_wait3A_780 = tpu.memref_slice %arg3[%dma_wait3A_779] : memref<320000xi32, #tpu.memory_space<hbm>> -> memref<200xi32, #tpu.memory_space<hbm>>
      tpu.wait_dma2 semaphore(%arg23 : memref<!tpu.dma_semaphore, #tpu.memory_space<semaphore_mem>>) src(%dma_wait3A_780 : memref<200xi32, #tpu.memory_space<hbm>>) dst(%arg8 : memref<200xi32, #tpu.memory_space<vmem>>)
      %dma_wait3A_781 = arith.constant 0 : i32
      %dma_wait3A_782 = tpu.memref_slice %arg3[%dma_wait3A_781] : memref<320000xi32, #tpu.memory_space<hbm>> -> memref<200xi32, #tpu.memory_space<hbm>>
      %dma_wait3A_783 = arith.constant 0 : i32
      %dma_wait3A_784 = tpu.memref_slice %arg3[%dma_wait3A_783] : memref<320000xi32, #tpu.memory_space<hbm>> -> memref<200xi32, #tpu.memory_space<hbm>>
      tpu.wait_dma2 semaphore(%arg23 : memref<!tpu.dma_semaphore, #tpu.memory_space<semaphore_mem>>) src(%dma_wait3A_784 : memref<200xi32, #tpu.memory_space<hbm>>) dst(%arg13 : memref<200xi32, #tpu.memory_space<vmem>>)
      %dma_start3A_785 = arith.constant 0 : i32
      %dma_start3A_786 = arith.constant 0 : i32
      %dma_start3A_787 = tpu.memref_slice %arg2[%arg0, %dma_start3A_785, %dma_start3A_786] : memref<2x10000x64xf32, #tpu.memory_space<hbm>> -> memref<1x10000x64xf32, #tpu.memory_space<hbm>>
      %dma_start3A_788 = tpu.memref_squeeze %dma_start3A_787 : memref<1x10000x64xf32, #tpu.memory_space<hbm>> -> memref<10000x64xf32, #tpu.memory_space<hbm>>
      %dma_start3A_789 = arith.constant 0 : i32
      %dma_start3A_790 = arith.constant 0 : i32
      %dma_start3A_791 = tpu.memref_slice %dma_start3A_788[%dma_start3A_789, %dma_start3A_790] : memref<10000x64xf32, #tpu.memory_space<hbm>> -> memref<10000x64xf32, #tpu.memory_space<hbm>>
      tpu.enqueue_indirect_dma source(%dma_start3A_791 : memref<10000x64xf32, #tpu.memory_space<hbm>>) target(%arg18 : memref<200x64xf32, #tpu.memory_space<vmem>>) offsets(%arg8 : memref<200xi32, #tpu.memory_space<vmem>>) semaphore(%arg28 : memref<!tpu.dma_semaphore, #tpu.memory_space<semaphore_mem>>)
      %dma_wait3A_792 = arith.constant 0 : i32
      %dma_wait3A_793 = arith.constant 0 : i32
      %dma_wait3A_794 = tpu.memref_slice %arg2[%arg0, %dma_wait3A_792, %dma_wait3A_793] : memref<2x10000x64xf32, #tpu.memory_space<hbm>> -> memref<1x10000x64xf32, #tpu.memory_space<hbm>>
      %dma_wait3A_795 = tpu.memref_squeeze %dma_wait3A_794 : memref<1x10000x64xf32, #tpu.memory_space<hbm>> -> memref<10000x64xf32, #tpu.memory_space<hbm>>
      %dma_wait3A_796 = arith.constant 0 : i32
      %dma_wait3A_797 = arith.constant 0 : i32
      %dma_wait3A_798 = tpu.memref_slice %dma_wait3A_795[%dma_wait3A_796, %dma_wait3A_797] : memref<10000x64xf32, #tpu.memory_space<hbm>> -> memref<10000x64xf32, #tpu.memory_space<hbm>>
      tpu.wait_indirect_dma semaphore(%arg32 : memref<!tpu.dma_semaphore, #tpu.memory_space<semaphore_mem>>) src(%dma_wait3A_798 : memref<10000x64xf32, #tpu.memory_space<hbm>>) dst(%arg22 : memref<200x64xf32, #tpu.memory_space<vmem>>)
      %dma_start3A_799 = arith.constant 0 : i32
      %dma_start3A_800 = arith.constant 0 : i32
      %dma_start3A_801 = tpu.memref_slice %arg7[%dma_start3A_799, %dma_start3A_800] : memref<10240x64xf32, #tpu.memory_space<vmem_shared>> -> memref<10240x64xf32, #tpu.memory_space<vmem_shared>>
      tpu.enqueue_indirect_dma source(%arg22 : memref<200x64xf32, #tpu.memory_space<vmem>>) target(%dma_start3A_801 : memref<10240x64xf32, #tpu.memory_space<vmem_shared>>) offsets(%arg17 : memref<200xi32, #tpu.memory_space<vmem>>) semaphore(%arg37 : memref<!tpu.dma_semaphore, #tpu.memory_space<semaphore_mem>>) {add = true}
      %dma_start3A_802 = arith.constant 0 : i32
      %dma_start3A_803 = tpu.memref_slice %arg38[%dma_start3A_802] : memref<10240xf32, #tpu.memory_space<vmem_shared>> -> memref<10240xf32, #tpu.memory_space<vmem_shared>>
      tpu.enqueue_indirect_dma source(%arg40 : memref<200xf32, #tpu.memory_space<vmem>>) target(%dma_start3A_803 : memref<10240xf32, #tpu.memory_space<vmem_shared>>) offsets(%arg17 : memref<200xi32, #tpu.memory_space<vmem>>) semaphore(%arg37 : memref<!tpu.dma_semaphore, #tpu.memory_space<semaphore_mem>>) {add = true}
    }
    %scan3A_369 = arith.constant 18 : i32
    %dma_wait3A_370 = arith.constant 0 : i32
    %dma_wait3A_371 = arith.constant 0 : i32
    %dma_wait3A_372 = tpu.memref_slice %arg7[%dma_wait3A_370, %dma_wait3A_371] : memref<10240x64xf32, #tpu.memory_space<vmem_shared>> -> memref<10240x64xf32, #tpu.memory_space<vmem_shared>>
    tpu.wait_indirect_dma semaphore(%arg35 : memref<!tpu.dma_semaphore, #tpu.memory_space<semaphore_mem>>) src(%arg20 : memref<200x64xf32, #tpu.memory_space<vmem>>) dst(%dma_wait3A_372 : memref<10240x64xf32, #tpu.memory_space<vmem_shared>>)
    %dma_wait3A_373 = arith.constant 0 : i32
    %dma_wait3A_374 = tpu.memref_slice %arg38[%dma_wait3A_373] : memref<10240xf32, #tpu.memory_space<vmem_shared>> -> memref<10240xf32, #tpu.memory_space<vmem_shared>>
    tpu.wait_indirect_dma semaphore(%arg35 : memref<!tpu.dma_semaphore, #tpu.memory_space<semaphore_mem>>) src(%arg40 : memref<200xf32, #tpu.memory_space<vmem>>) dst(%dma_wait3A_374 : memref<10240xf32, #tpu.memory_space<vmem_shared>>)
    %add3A_375 = arith.constant 19400 : i32
    %add3A_376 = arith.addi %mul3A_150, %add3A_375 : i32
    %dma_start3A_377 = tpu.memref_slice %arg3[%add3A_376] : memref<320000xi32, #tpu.memory_space<hbm>> -> memref<200xi32, #tpu.memory_space<hbm>>
    %dma_start3A_378 = tpu.memref_slice %arg3[%add3A_376] : memref<320000xi32, #tpu.memory_space<hbm>> -> memref<200xi32, #tpu.memory_space<hbm>>
    tpu.enqueue_dma source(%dma_start3A_378 : memref<200xi32, #tpu.memory_space<hbm>>) target(%arg10 : memref<200xi32, #tpu.memory_space<vmem>>) target_semaphore(%arg25 : memref<!tpu.dma_semaphore, #tpu.memory_space<semaphore_mem>>)
    %add3A_379 = arith.constant 19400 : i32
    %add3A_380 = arith.addi %mul3A_150, %add3A_379 : i32
    %dma_start3A_381 = tpu.memref_slice %arg4[%add3A_380] : memref<320000xi32, #tpu.memory_space<hbm>> -> memref<200xi32, #tpu.memory_space<hbm>>
    %dma_start3A_382 = tpu.memref_slice %arg4[%add3A_380] : memref<320000xi32, #tpu.memory_space<hbm>> -> memref<200xi32, #tpu.memory_space<hbm>>
    tpu.enqueue_dma source(%dma_start3A_382 : memref<200xi32, #tpu.memory_space<hbm>>) target(%arg15 : memref<200xi32, #tpu.memory_space<vmem>>) target_semaphore(%arg25 : memref<!tpu.dma_semaphore, #tpu.memory_space<semaphore_mem>>)
    %dma_wait3A_383 = arith.constant 0 : i32
    %dma_wait3A_384 = tpu.memref_slice %arg3[%dma_wait3A_383] : memref<320000xi32, #tpu.memory_space<hbm>> -> memref<200xi32, #tpu.memory_space<hbm>>
    %dma_wait3A_385 = arith.constant 0 : i32
    %dma_wait3A_386 = tpu.memref_slice %arg3[%dma_wait3A_385] : memref<320000xi32, #tpu.memory_space<hbm>> -> memref<200xi32, #tpu.memory_space<hbm>>
    tpu.wait_dma2 semaphore(%arg24 : memref<!tpu.dma_semaphore, #tpu.memory_space<semaphore_mem>>) src(%dma_wait3A_386 : memref<200xi32, #tpu.memory_space<hbm>>) dst(%arg9 : memref<200xi32, #tpu.memory_space<vmem>>)
    %dma_wait3A_387 = arith.constant 0 : i32
    %dma_wait3A_388 = tpu.memref_slice %arg3[%dma_wait3A_387] : memref<320000xi32, #tpu.memory_space<hbm>> -> memref<200xi32, #tpu.memory_space<hbm>>
    %dma_wait3A_389 = arith.constant 0 : i32
    %dma_wait3A_390 = tpu.memref_slice %arg3[%dma_wait3A_389] : memref<320000xi32, #tpu.memory_space<hbm>> -> memref<200xi32, #tpu.memory_space<hbm>>
    tpu.wait_dma2 semaphore(%arg24 : memref<!tpu.dma_semaphore, #tpu.memory_space<semaphore_mem>>) src(%dma_wait3A_390 : memref<200xi32, #tpu.memory_space<hbm>>) dst(%arg14 : memref<200xi32, #tpu.memory_space<vmem>>)
    %dma_start3A_391 = arith.constant 0 : i32
    %dma_start3A_392 = arith.constant 0 : i32
    %dma_start3A_393 = tpu.memref_slice %arg2[%arg0, %dma_start3A_391, %dma_start3A_392] : memref<2x10000x64xf32, #tpu.memory_space<hbm>> -> memref<1x10000x64xf32, #tpu.memory_space<hbm>>
    %dma_start3A_394 = tpu.memref_squeeze %dma_start3A_393 : memref<1x10000x64xf32, #tpu.memory_space<hbm>> -> memref<10000x64xf32, #tpu.memory_space<hbm>>
    %dma_start3A_395 = arith.constant 0 : i32
    %dma_start3A_396 = arith.constant 0 : i32
    %dma_start3A_397 = tpu.memref_slice %dma_start3A_394[%dma_start3A_395, %dma_start3A_396] : memref<10000x64xf32, #tpu.memory_space<hbm>> -> memref<10000x64xf32, #tpu.memory_space<hbm>>
    tpu.enqueue_indirect_dma source(%dma_start3A_397 : memref<10000x64xf32, #tpu.memory_space<hbm>>) target(%arg19 : memref<200x64xf32, #tpu.memory_space<vmem>>) offsets(%arg9 : memref<200xi32, #tpu.memory_space<vmem>>) semaphore(%arg29 : memref<!tpu.dma_semaphore, #tpu.memory_space<semaphore_mem>>)
    %dma_wait3A_398 = arith.constant 0 : i32
    %dma_wait3A_399 = arith.constant 0 : i32
    %dma_wait3A_400 = tpu.memref_slice %arg2[%arg0, %dma_wait3A_398, %dma_wait3A_399] : memref<2x10000x64xf32, #tpu.memory_space<hbm>> -> memref<1x10000x64xf32, #tpu.memory_space<hbm>>
    %dma_wait3A_401 = tpu.memref_squeeze %dma_wait3A_400 : memref<1x10000x64xf32, #tpu.memory_space<hbm>> -> memref<10000x64xf32, #tpu.memory_space<hbm>>
    %dma_wait3A_402 = arith.constant 0 : i32
    %dma_wait3A_403 = arith.constant 0 : i32
    %dma_wait3A_404 = tpu.memref_slice %dma_wait3A_401[%dma_wait3A_402, %dma_wait3A_403] : memref<10000x64xf32, #tpu.memory_space<hbm>> -> memref<10000x64xf32, #tpu.memory_space<hbm>>
    tpu.wait_indirect_dma semaphore(%arg28 : memref<!tpu.dma_semaphore, #tpu.memory_space<semaphore_mem>>) src(%dma_wait3A_404 : memref<10000x64xf32, #tpu.memory_space<hbm>>) dst(%arg18 : memref<200x64xf32, #tpu.memory_space<vmem>>)
    %dma_start3A_405 = arith.constant 0 : i32
    %dma_start3A_406 = arith.constant 0 : i32
    %dma_start3A_407 = tpu.memref_slice %arg7[%dma_start3A_405, %dma_start3A_406] : memref<10240x64xf32, #tpu.memory_space<vmem_shared>> -> memref<10240x64xf32, #tpu.memory_space<vmem_shared>>
    tpu.enqueue_indirect_dma source(%arg18 : memref<200x64xf32, #tpu.memory_space<vmem>>) target(%dma_start3A_407 : memref<10240x64xf32, #tpu.memory_space<vmem_shared>>) offsets(%arg13 : memref<200xi32, #tpu.memory_space<vmem>>) semaphore(%arg33 : memref<!tpu.dma_semaphore, #tpu.memory_space<semaphore_mem>>) {add = true}
    %dma_start3A_408 = arith.constant 0 : i32
    %dma_start3A_409 = tpu.memref_slice %arg38[%dma_start3A_408] : memref<10240xf32, #tpu.memory_space<vmem_shared>> -> memref<10240xf32, #tpu.memory_space<vmem_shared>>
    tpu.enqueue_indirect_dma source(%arg40 : memref<200xf32, #tpu.memory_space<vmem>>) target(%dma_start3A_409 : memref<10240xf32, #tpu.memory_space<vmem_shared>>) offsets(%arg13 : memref<200xi32, #tpu.memory_space<vmem>>) semaphore(%arg33 : memref<!tpu.dma_semaphore, #tpu.memory_space<semaphore_mem>>) {add = true}
    %dma_wait3A_410 = arith.constant 0 : i32
    %dma_wait3A_411 = arith.constant 0 : i32
    %dma_wait3A_412 = tpu.memref_slice %arg7[%dma_wait3A_410, %dma_wait3A_411] : memref<10240x64xf32, #tpu.memory_space<vmem_shared>> -> memref<10240x64xf32, #tpu.memory_space<vmem_shared>>
    tpu.wait_indirect_dma semaphore(%arg36 : memref<!tpu.dma_semaphore, #tpu.memory_space<semaphore_mem>>) src(%arg21 : memref<200x64xf32, #tpu.memory_space<vmem>>) dst(%dma_wait3A_412 : memref<10240x64xf32, #tpu.memory_space<vmem_shared>>)
    %dma_wait3A_413 = arith.constant 0 : i32
    %dma_wait3A_414 = tpu.memref_slice %arg38[%dma_wait3A_413] : memref<10240xf32, #tpu.memory_space<vmem_shared>> -> memref<10240xf32, #tpu.memory_space<vmem_shared>>
    tpu.wait_indirect_dma semaphore(%arg36 : memref<!tpu.dma_semaphore, #tpu.memory_space<semaphore_mem>>) src(%arg40 : memref<200xf32, #tpu.memory_space<vmem>>) dst(%dma_wait3A_414 : memref<10240xf32, #tpu.memory_space<vmem_shared>>)
    %add3A_415 = arith.constant 19600 : i32
    %add3A_416 = arith.addi %mul3A_150, %add3A_415 : i32
    %dma_start3A_417 = tpu.memref_slice %arg3[%add3A_416] : memref<320000xi32, #tpu.memory_space<hbm>> -> memref<200xi32, #tpu.memory_space<hbm>>
    %dma_start3A_418 = tpu.memref_slice %arg3[%add3A_416] : memref<320000xi32, #tpu.memory_space<hbm>> -> memref<200xi32, #tpu.memory_space<hbm>>
    tpu.enqueue_dma source(%dma_start3A_418 : memref<200xi32, #tpu.memory_space<hbm>>) target(%arg11 : memref<200xi32, #tpu.memory_space<vmem>>) target_semaphore(%arg26 : memref<!tpu.dma_semaphore, #tpu.memory_space<semaphore_mem>>)
    %add3A_419 = arith.constant 19600 : i32
    %add3A_420 = arith.addi %mul3A_150, %add3A_419 : i32
    %dma_start3A_421 = tpu.memref_slice %arg4[%add3A_420] : memref<320000xi32, #tpu.memory_space<hbm>> -> memref<200xi32, #tpu.memory_space<hbm>>
    %dma_start3A_422 = tpu.memref_slice %arg4[%add3A_420] : memref<320000xi32, #tpu.memory_space<hbm>> -> memref<200xi32, #tpu.memory_space<hbm>>
    tpu.enqueue_dma source(%dma_start3A_422 : memref<200xi32, #tpu.memory_space<hbm>>) target(%arg16 : memref<200xi32, #tpu.memory_space<vmem>>) target_semaphore(%arg26 : memref<!tpu.dma_semaphore, #tpu.memory_space<semaphore_mem>>)
    %dma_wait3A_423 = arith.constant 0 : i32
    %dma_wait3A_424 = tpu.memref_slice %arg3[%dma_wait3A_423] : memref<320000xi32, #tpu.memory_space<hbm>> -> memref<200xi32, #tpu.memory_space<hbm>>
    %dma_wait3A_425 = arith.constant 0 : i32
    %dma_wait3A_426 = tpu.memref_slice %arg3[%dma_wait3A_425] : memref<320000xi32, #tpu.memory_space<hbm>> -> memref<200xi32, #tpu.memory_space<hbm>>
    tpu.wait_dma2 semaphore(%arg25 : memref<!tpu.dma_semaphore, #tpu.memory_space<semaphore_mem>>) src(%dma_wait3A_426 : memref<200xi32, #tpu.memory_space<hbm>>) dst(%arg10 : memref<200xi32, #tpu.memory_space<vmem>>)
    %dma_wait3A_427 = arith.constant 0 : i32
    %dma_wait3A_428 = tpu.memref_slice %arg3[%dma_wait3A_427] : memref<320000xi32, #tpu.memory_space<hbm>> -> memref<200xi32, #tpu.memory_space<hbm>>
    %dma_wait3A_429 = arith.constant 0 : i32
    %dma_wait3A_430 = tpu.memref_slice %arg3[%dma_wait3A_429] : memref<320000xi32, #tpu.memory_space<hbm>> -> memref<200xi32, #tpu.memory_space<hbm>>
    tpu.wait_dma2 semaphore(%arg25 : memref<!tpu.dma_semaphore, #tpu.memory_space<semaphore_mem>>) src(%dma_wait3A_430 : memref<200xi32, #tpu.memory_space<hbm>>) dst(%arg15 : memref<200xi32, #tpu.memory_space<vmem>>)
    %dma_start3A_431 = arith.constant 0 : i32
    %dma_start3A_432 = arith.constant 0 : i32
    %dma_start3A_433 = tpu.memref_slice %arg2[%arg0, %dma_start3A_431, %dma_start3A_432] : memref<2x10000x64xf32, #tpu.memory_space<hbm>> -> memref<1x10000x64xf32, #tpu.memory_space<hbm>>
    %dma_start3A_434 = tpu.memref_squeeze %dma_start3A_433 : memref<1x10000x64xf32, #tpu.memory_space<hbm>> -> memref<10000x64xf32, #tpu.memory_space<hbm>>
    %dma_start3A_435 = arith.constant 0 : i32
    %dma_start3A_436 = arith.constant 0 : i32
    %dma_start3A_437 = tpu.memref_slice %dma_start3A_434[%dma_start3A_435, %dma_start3A_436] : memref<10000x64xf32, #tpu.memory_space<hbm>> -> memref<10000x64xf32, #tpu.memory_space<hbm>>
    tpu.enqueue_indirect_dma source(%dma_start3A_437 : memref<10000x64xf32, #tpu.memory_space<hbm>>) target(%arg20 : memref<200x64xf32, #tpu.memory_space<vmem>>) offsets(%arg10 : memref<200xi32, #tpu.memory_space<vmem>>) semaphore(%arg30 : memref<!tpu.dma_semaphore, #tpu.memory_space<semaphore_mem>>)
    %dma_wait3A_438 = arith.constant 0 : i32
    %dma_wait3A_439 = arith.constant 0 : i32
    %dma_wait3A_440 = tpu.memref_slice %arg2[%arg0, %dma_wait3A_438, %dma_wait3A_439] : memref<2x10000x64xf32, #tpu.memory_space<hbm>> -> memref<1x10000x64xf32, #tpu.memory_space<hbm>>
    %dma_wait3A_441 = tpu.memref_squeeze %dma_wait3A_440 : memref<1x10000x64xf32, #tpu.memory_space<hbm>> -> memref<10000x64xf32, #tpu.memory_space<hbm>>
    %dma_wait3A_442 = arith.constant 0 : i32
    %dma_wait3A_443 = arith.constant 0 : i32
    %dma_wait3A_444 = tpu.memref_slice %dma_wait3A_441[%dma_wait3A_442, %dma_wait3A_443] : memref<10000x64xf32, #tpu.memory_space<hbm>> -> memref<10000x64xf32, #tpu.memory_space<hbm>>
    tpu.wait_indirect_dma semaphore(%arg29 : memref<!tpu.dma_semaphore, #tpu.memory_space<semaphore_mem>>) src(%dma_wait3A_444 : memref<10000x64xf32, #tpu.memory_space<hbm>>) dst(%arg19 : memref<200x64xf32, #tpu.memory_space<vmem>>)
    %dma_start3A_445 = arith.constant 0 : i32
    %dma_start3A_446 = arith.constant 0 : i32
    %dma_start3A_447 = tpu.memref_slice %arg7[%dma_start3A_445, %dma_start3A_446] : memref<10240x64xf32, #tpu.memory_space<vmem_shared>> -> memref<10240x64xf32, #tpu.memory_space<vmem_shared>>
    tpu.enqueue_indirect_dma source(%arg19 : memref<200x64xf32, #tpu.memory_space<vmem>>) target(%dma_start3A_447 : memref<10240x64xf32, #tpu.memory_space<vmem_shared>>) offsets(%arg14 : memref<200xi32, #tpu.memory_space<vmem>>) semaphore(%arg34 : memref<!tpu.dma_semaphore, #tpu.memory_space<semaphore_mem>>) {add = true}
    %dma_start3A_448 = arith.constant 0 : i32
    %dma_start3A_449 = tpu.memref_slice %arg38[%dma_start3A_448] : memref<10240xf32, #tpu.memory_space<vmem_shared>> -> memref<10240xf32, #tpu.memory_space<vmem_shared>>
    tpu.enqueue_indirect_dma source(%arg40 : memref<200xf32, #tpu.memory_space<vmem>>) target(%dma_start3A_449 : memref<10240xf32, #tpu.memory_space<vmem_shared>>) offsets(%arg14 : memref<200xi32, #tpu.memory_space<vmem>>) semaphore(%arg34 : memref<!tpu.dma_semaphore, #tpu.memory_space<semaphore_mem>>) {add = true}
    %dma_wait3A_450 = arith.constant 0 : i32
    %dma_wait3A_451 = arith.constant 0 : i32
    %dma_wait3A_452 = tpu.memref_slice %arg7[%dma_wait3A_450, %dma_wait3A_451] : memref<10240x64xf32, #tpu.memory_space<vmem_shared>> -> memref<10240x64xf32, #tpu.memory_space<vmem_shared>>
    tpu.wait_indirect_dma semaphore(%arg37 : memref<!tpu.dma_semaphore, #tpu.memory_space<semaphore_mem>>) src(%arg22 : memref<200x64xf32, #tpu.memory_space<vmem>>) dst(%dma_wait3A_452 : memref<10240x64xf32, #tpu.memory_space<vmem_shared>>)
    %dma_wait3A_453 = arith.constant 0 : i32
    %dma_wait3A_454 = tpu.memref_slice %arg38[%dma_wait3A_453] : memref<10240xf32, #tpu.memory_space<vmem_shared>> -> memref<10240xf32, #tpu.memory_space<vmem_shared>>
    tpu.wait_indirect_dma semaphore(%arg37 : memref<!tpu.dma_semaphore, #tpu.memory_space<semaphore_mem>>) src(%arg40 : memref<200xf32, #tpu.memory_space<vmem>>) dst(%dma_wait3A_454 : memref<10240xf32, #tpu.memory_space<vmem_shared>>)
    %add3A_455 = arith.constant 19800 : i32
    %add3A_456 = arith.addi %mul3A_150, %add3A_455 : i32
    %dma_start3A_457 = tpu.memref_slice %arg3[%add3A_456] : memref<320000xi32, #tpu.memory_space<hbm>> -> memref<200xi32, #tpu.memory_space<hbm>>
    %dma_start3A_458 = tpu.memref_slice %arg3[%add3A_456] : memref<320000xi32, #tpu.memory_space<hbm>> -> memref<200xi32, #tpu.memory_space<hbm>>
    tpu.enqueue_dma source(%dma_start3A_458 : memref<200xi32, #tpu.memory_space<hbm>>) target(%arg12 : memref<200xi32, #tpu.memory_space<vmem>>) target_semaphore(%arg27 : memref<!tpu.dma_semaphore, #tpu.memory_space<semaphore_mem>>)
    %add3A_459 = arith.constant 19800 : i32
    %add3A_460 = arith.addi %mul3A_150, %add3A_459 : i32
    %dma_start3A_461 = tpu.memref_slice %arg4[%add3A_460] : memref<320000xi32, #tpu.memory_space<hbm>> -> memref<200xi32, #tpu.memory_space<hbm>>
    %dma_start3A_462 = tpu.memref_slice %arg4[%add3A_460] : memref<320000xi32, #tpu.memory_space<hbm>> -> memref<200xi32, #tpu.memory_space<hbm>>
    tpu.enqueue_dma source(%dma_start3A_462 : memref<200xi32, #tpu.memory_space<hbm>>) target(%arg17 : memref<200xi32, #tpu.memory_space<vmem>>) target_semaphore(%arg27 : memref<!tpu.dma_semaphore, #tpu.memory_space<semaphore_mem>>)
    %dma_wait3A_463 = arith.constant 0 : i32
    %dma_wait3A_464 = tpu.memref_slice %arg3[%dma_wait3A_463] : memref<320000xi32, #tpu.memory_space<hbm>> -> memref<200xi32, #tpu.memory_space<hbm>>
    %dma_wait3A_465 = arith.constant 0 : i32
    %dma_wait3A_466 = tpu.memref_slice %arg3[%dma_wait3A_465] : memref<320000xi32, #tpu.memory_space<hbm>> -> memref<200xi32, #tpu.memory_space<hbm>>
    tpu.wait_dma2 semaphore(%arg26 : memref<!tpu.dma_semaphore, #tpu.memory_space<semaphore_mem>>) src(%dma_wait3A_466 : memref<200xi32, #tpu.memory_space<hbm>>) dst(%arg11 : memref<200xi32, #tpu.memory_space<vmem>>)
    %dma_wait3A_467 = arith.constant 0 : i32
    %dma_wait3A_468 = tpu.memref_slice %arg3[%dma_wait3A_467] : memref<320000xi32, #tpu.memory_space<hbm>> -> memref<200xi32, #tpu.memory_space<hbm>>
    %dma_wait3A_469 = arith.constant 0 : i32
    %dma_wait3A_470 = tpu.memref_slice %arg3[%dma_wait3A_469] : memref<320000xi32, #tpu.memory_space<hbm>> -> memref<200xi32, #tpu.memory_space<hbm>>
    tpu.wait_dma2 semaphore(%arg26 : memref<!tpu.dma_semaphore, #tpu.memory_space<semaphore_mem>>) src(%dma_wait3A_470 : memref<200xi32, #tpu.memory_space<hbm>>) dst(%arg16 : memref<200xi32, #tpu.memory_space<vmem>>)
    %dma_start3A_471 = arith.constant 0 : i32
    %dma_start3A_472 = arith.constant 0 : i32
    %dma_start3A_473 = tpu.memref_slice %arg2[%arg0, %dma_start3A_471, %dma_start3A_472] : memref<2x10000x64xf32, #tpu.memory_space<hbm>> -> memref<1x10000x64xf32, #tpu.memory_space<hbm>>
    %dma_start3A_474 = tpu.memref_squeeze %dma_start3A_473 : memref<1x10000x64xf32, #tpu.memory_space<hbm>> -> memref<10000x64xf32, #tpu.memory_space<hbm>>
    %dma_start3A_475 = arith.constant 0 : i32
    %dma_start3A_476 = arith.constant 0 : i32
    %dma_start3A_477 = tpu.memref_slice %dma_start3A_474[%dma_start3A_475, %dma_start3A_476] : memref<10000x64xf32, #tpu.memory_space<hbm>> -> memref<10000x64xf32, #tpu.memory_space<hbm>>
    tpu.enqueue_indirect_dma source(%dma_start3A_477 : memref<10000x64xf32, #tpu.memory_space<hbm>>) target(%arg21 : memref<200x64xf32, #tpu.memory_space<vmem>>) offsets(%arg11 : memref<200xi32, #tpu.memory_space<vmem>>) semaphore(%arg31 : memref<!tpu.dma_semaphore, #tpu.memory_space<semaphore_mem>>)
    %dma_wait3A_478 = arith.constant 0 : i32
    %dma_wait3A_479 = arith.constant 0 : i32
    %dma_wait3A_480 = tpu.memref_slice %arg2[%arg0, %dma_wait3A_478, %dma_wait3A_479] : memref<2x10000x64xf32, #tpu.memory_space<hbm>> -> memref<1x10000x64xf32, #tpu.memory_space<hbm>>
    %dma_wait3A_481 = tpu.memref_squeeze %dma_wait3A_480 : memref<1x10000x64xf32, #tpu.memory_space<hbm>> -> memref<10000x64xf32, #tpu.memory_space<hbm>>
    %dma_wait3A_482 = arith.constant 0 : i32
    %dma_wait3A_483 = arith.constant 0 : i32
    %dma_wait3A_484 = tpu.memref_slice %dma_wait3A_481[%dma_wait3A_482, %dma_wait3A_483] : memref<10000x64xf32, #tpu.memory_space<hbm>> -> memref<10000x64xf32, #tpu.memory_space<hbm>>
    tpu.wait_indirect_dma semaphore(%arg30 : memref<!tpu.dma_semaphore, #tpu.memory_space<semaphore_mem>>) src(%dma_wait3A_484 : memref<10000x64xf32, #tpu.memory_space<hbm>>) dst(%arg20 : memref<200x64xf32, #tpu.memory_space<vmem>>)
    %dma_start3A_485 = arith.constant 0 : i32
    %dma_start3A_486 = arith.constant 0 : i32
    %dma_start3A_487 = tpu.memref_slice %arg7[%dma_start3A_485, %dma_start3A_486] : memref<10240x64xf32, #tpu.memory_space<vmem_shared>> -> memref<10240x64xf32, #tpu.memory_space<vmem_shared>>
    tpu.enqueue_indirect_dma source(%arg20 : memref<200x64xf32, #tpu.memory_space<vmem>>) target(%dma_start3A_487 : memref<10240x64xf32, #tpu.memory_space<vmem_shared>>) offsets(%arg15 : memref<200xi32, #tpu.memory_space<vmem>>) semaphore(%arg35 : memref<!tpu.dma_semaphore, #tpu.memory_space<semaphore_mem>>) {add = true}
    %dma_start3A_488 = arith.constant 0 : i32
    %dma_start3A_489 = tpu.memref_slice %arg38[%dma_start3A_488] : memref<10240xf32, #tpu.memory_space<vmem_shared>> -> memref<10240xf32, #tpu.memory_space<vmem_shared>>
    tpu.enqueue_indirect_dma source(%arg40 : memref<200xf32, #tpu.memory_space<vmem>>) target(%dma_start3A_489 : memref<10240xf32, #tpu.memory_space<vmem_shared>>) offsets(%arg15 : memref<200xi32, #tpu.memory_space<vmem>>) semaphore(%arg35 : memref<!tpu.dma_semaphore, #tpu.memory_space<semaphore_mem>>) {add = true}
    %dma_wait3A_490 = arith.constant 0 : i32
    %dma_wait3A_491 = arith.constant 0 : i32
    %dma_wait3A_492 = tpu.memref_slice %arg7[%dma_wait3A_490, %dma_wait3A_491] : memref<10240x64xf32, #tpu.memory_space<vmem_shared>> -> memref<10240x64xf32, #tpu.memory_space<vmem_shared>>
    tpu.wait_indirect_dma semaphore(%arg33 : memref<!tpu.dma_semaphore, #tpu.memory_space<semaphore_mem>>) src(%arg18 : memref<200x64xf32, #tpu.memory_space<vmem>>) dst(%dma_wait3A_492 : memref<10240x64xf32, #tpu.memory_space<vmem_shared>>)
    %dma_wait3A_493 = arith.constant 0 : i32
    %dma_wait3A_494 = tpu.memref_slice %arg38[%dma_wait3A_493] : memref<10240xf32, #tpu.memory_space<vmem_shared>> -> memref<10240xf32, #tpu.memory_space<vmem_shared>>
    tpu.wait_indirect_dma semaphore(%arg33 : memref<!tpu.dma_semaphore, #tpu.memory_space<semaphore_mem>>) src(%arg40 : memref<200xf32, #tpu.memory_space<vmem>>) dst(%dma_wait3A_494 : memref<10240xf32, #tpu.memory_space<vmem_shared>>)
    %dma_wait3A_495 = arith.constant 0 : i32
    %dma_wait3A_496 = tpu.memref_slice %arg3[%dma_wait3A_495] : memref<320000xi32, #tpu.memory_space<hbm>> -> memref<200xi32, #tpu.memory_space<hbm>>
    %dma_wait3A_497 = arith.constant 0 : i32
    %dma_wait3A_498 = tpu.memref_slice %arg3[%dma_wait3A_497] : memref<320000xi32, #tpu.memory_space<hbm>> -> memref<200xi32, #tpu.memory_space<hbm>>
    tpu.wait_dma2 semaphore(%arg27 : memref<!tpu.dma_semaphore, #tpu.memory_space<semaphore_mem>>) src(%dma_wait3A_498 : memref<200xi32, #tpu.memory_space<hbm>>) dst(%arg12 : memref<200xi32, #tpu.memory_space<vmem>>)
    %dma_wait3A_499 = arith.constant 0 : i32
    %dma_wait3A_500 = tpu.memref_slice %arg3[%dma_wait3A_499] : memref<320000xi32, #tpu.memory_space<hbm>> -> memref<200xi32, #tpu.memory_space<hbm>>
    %dma_wait3A_501 = arith.constant 0 : i32
    %dma_wait3A_502 = tpu.memref_slice %arg3[%dma_wait3A_501] : memref<320000xi32, #tpu.memory_space<hbm>> -> memref<200xi32, #tpu.memory_space<hbm>>
    tpu.wait_dma2 semaphore(%arg27 : memref<!tpu.dma_semaphore, #tpu.memory_space<semaphore_mem>>) src(%dma_wait3A_502 : memref<200xi32, #tpu.memory_space<hbm>>) dst(%arg17 : memref<200xi32, #tpu.memory_space<vmem>>)
    %dma_start3A_503 = arith.constant 0 : i32
    %dma_start3A_504 = arith.constant 0 : i32
    %dma_start3A_505 = tpu.memref_slice %arg2[%arg0, %dma_start3A_503, %dma_start3A_504] : memref<2x10000x64xf32, #tpu.memory_space<hbm>> -> memref<1x10000x64xf32, #tpu.memory_space<hbm>>
    %dma_start3A_506 = tpu.memref_squeeze %dma_start3A_505 : memref<1x10000x64xf32, #tpu.memory_space<hbm>> -> memref<10000x64xf32, #tpu.memory_space<hbm>>
    %dma_start3A_507 = arith.constant 0 : i32
    %dma_start3A_508 = arith.constant 0 : i32
    %dma_start3A_509 = tpu.memref_slice %dma_start3A_506[%dma_start3A_507, %dma_start3A_508] : memref<10000x64xf32, #tpu.memory_space<hbm>> -> memref<10000x64xf32, #tpu.memory_space<hbm>>
    tpu.enqueue_indirect_dma source(%dma_start3A_509 : memref<10000x64xf32, #tpu.memory_space<hbm>>) target(%arg22 : memref<200x64xf32, #tpu.memory_space<vmem>>) offsets(%arg12 : memref<200xi32, #tpu.memory_space<vmem>>) semaphore(%arg32 : memref<!tpu.dma_semaphore, #tpu.memory_space<semaphore_mem>>)
    %dma_wait3A_510 = arith.constant 0 : i32
    %dma_wait3A_511 = arith.constant 0 : i32
    %dma_wait3A_512 = tpu.memref_slice %arg2[%arg0, %dma_wait3A_510, %dma_wait3A_511] : memref<2x10000x64xf32, #tpu.memory_space<hbm>> -> memref<1x10000x64xf32, #tpu.memory_space<hbm>>
    %dma_wait3A_513 = tpu.memref_squeeze %dma_wait3A_512 : memref<1x10000x64xf32, #tpu.memory_space<hbm>> -> memref<10000x64xf32, #tpu.memory_space<hbm>>
    %dma_wait3A_514 = arith.constant 0 : i32
    %dma_wait3A_515 = arith.constant 0 : i32
    %dma_wait3A_516 = tpu.memref_slice %dma_wait3A_513[%dma_wait3A_514, %dma_wait3A_515] : memref<10000x64xf32, #tpu.memory_space<hbm>> -> memref<10000x64xf32, #tpu.memory_space<hbm>>
    tpu.wait_indirect_dma semaphore(%arg31 : memref<!tpu.dma_semaphore, #tpu.memory_space<semaphore_mem>>) src(%dma_wait3A_516 : memref<10000x64xf32, #tpu.memory_space<hbm>>) dst(%arg21 : memref<200x64xf32, #tpu.memory_space<vmem>>)
    %dma_start3A_517 = arith.constant 0 : i32
    %dma_start3A_518 = arith.constant 0 : i32
    %dma_start3A_519 = tpu.memref_slice %arg7[%dma_start3A_517, %dma_start3A_518] : memref<10240x64xf32, #tpu.memory_space<vmem_shared>> -> memref<10240x64xf32, #tpu.memory_space<vmem_shared>>
    tpu.enqueue_indirect_dma source(%arg21 : memref<200x64xf32, #tpu.memory_space<vmem>>) target(%dma_start3A_519 : memref<10240x64xf32, #tpu.memory_space<vmem_shared>>) offsets(%arg16 : memref<200xi32, #tpu.memory_space<vmem>>) semaphore(%arg36 : memref<!tpu.dma_semaphore, #tpu.memory_space<semaphore_mem>>) {add = true}
    %dma_start3A_520 = arith.constant 0 : i32
    %dma_start3A_521 = tpu.memref_slice %arg38[%dma_start3A_520] : memref<10240xf32, #tpu.memory_space<vmem_shared>> -> memref<10240xf32, #tpu.memory_space<vmem_shared>>
    tpu.enqueue_indirect_dma source(%arg40 : memref<200xf32, #tpu.memory_space<vmem>>) target(%dma_start3A_521 : memref<10240xf32, #tpu.memory_space<vmem_shared>>) offsets(%arg16 : memref<200xi32, #tpu.memory_space<vmem>>) semaphore(%arg36 : memref<!tpu.dma_semaphore, #tpu.memory_space<semaphore_mem>>) {add = true}
    %dma_wait3A_522 = arith.constant 0 : i32
    %dma_wait3A_523 = arith.constant 0 : i32
    %dma_wait3A_524 = tpu.memref_slice %arg7[%dma_wait3A_522, %dma_wait3A_523] : memref<10240x64xf32, #tpu.memory_space<vmem_shared>> -> memref<10240x64xf32, #tpu.memory_space<vmem_shared>>
    tpu.wait_indirect_dma semaphore(%arg34 : memref<!tpu.dma_semaphore, #tpu.memory_space<semaphore_mem>>) src(%arg19 : memref<200x64xf32, #tpu.memory_space<vmem>>) dst(%dma_wait3A_524 : memref<10240x64xf32, #tpu.memory_space<vmem_shared>>)
    %dma_wait3A_525 = arith.constant 0 : i32
    %dma_wait3A_526 = tpu.memref_slice %arg38[%dma_wait3A_525] : memref<10240xf32, #tpu.memory_space<vmem_shared>> -> memref<10240xf32, #tpu.memory_space<vmem_shared>>
    tpu.wait_indirect_dma semaphore(%arg34 : memref<!tpu.dma_semaphore, #tpu.memory_space<semaphore_mem>>) src(%arg40 : memref<200xf32, #tpu.memory_space<vmem>>) dst(%dma_wait3A_526 : memref<10240xf32, #tpu.memory_space<vmem_shared>>)
    %dma_wait3A_527 = arith.constant 0 : i32
    %dma_wait3A_528 = arith.constant 0 : i32
    %dma_wait3A_529 = tpu.memref_slice %arg2[%arg0, %dma_wait3A_527, %dma_wait3A_528] : memref<2x10000x64xf32, #tpu.memory_space<hbm>> -> memref<1x10000x64xf32, #tpu.memory_space<hbm>>
    %dma_wait3A_530 = tpu.memref_squeeze %dma_wait3A_529 : memref<1x10000x64xf32, #tpu.memory_space<hbm>> -> memref<10000x64xf32, #tpu.memory_space<hbm>>
    %dma_wait3A_531 = arith.constant 0 : i32
    %dma_wait3A_532 = arith.constant 0 : i32
    %dma_wait3A_533 = tpu.memref_slice %dma_wait3A_530[%dma_wait3A_531, %dma_wait3A_532] : memref<10000x64xf32, #tpu.memory_space<hbm>> -> memref<10000x64xf32, #tpu.memory_space<hbm>>
    tpu.wait_indirect_dma semaphore(%arg32 : memref<!tpu.dma_semaphore, #tpu.memory_space<semaphore_mem>>) src(%dma_wait3A_533 : memref<10000x64xf32, #tpu.memory_space<hbm>>) dst(%arg22 : memref<200x64xf32, #tpu.memory_space<vmem>>)
    %dma_start3A_534 = arith.constant 0 : i32
    %dma_start3A_535 = arith.constant 0 : i32
    %dma_start3A_536 = tpu.memref_slice %arg7[%dma_start3A_534, %dma_start3A_535] : memref<10240x64xf32, #tpu.memory_space<vmem_shared>> -> memref<10240x64xf32, #tpu.memory_space<vmem_shared>>
    tpu.enqueue_indirect_dma source(%arg22 : memref<200x64xf32, #tpu.memory_space<vmem>>) target(%dma_start3A_536 : memref<10240x64xf32, #tpu.memory_space<vmem_shared>>) offsets(%arg17 : memref<200xi32, #tpu.memory_space<vmem>>) semaphore(%arg37 : memref<!tpu.dma_semaphore, #tpu.memory_space<semaphore_mem>>) {add = true}
    %dma_start3A_537 = arith.constant 0 : i32
    %dma_start3A_538 = tpu.memref_slice %arg38[%dma_start3A_537] : memref<10240xf32, #tpu.memory_space<vmem_shared>> -> memref<10240xf32, #tpu.memory_space<vmem_shared>>
    tpu.enqueue_indirect_dma source(%arg40 : memref<200xf32, #tpu.memory_space<vmem>>) target(%dma_start3A_538 : memref<10240xf32, #tpu.memory_space<vmem_shared>>) offsets(%arg17 : memref<200xi32, #tpu.memory_space<vmem>>) semaphore(%arg37 : memref<!tpu.dma_semaphore, #tpu.memory_space<semaphore_mem>>) {add = true}
    %dma_wait3A_539 = arith.constant 0 : i32
    %dma_wait3A_540 = arith.constant 0 : i32
    %dma_wait3A_541 = tpu.memref_slice %arg7[%dma_wait3A_539, %dma_wait3A_540] : memref<10240x64xf32, #tpu.memory_space<vmem_shared>> -> memref<10240x64xf32, #tpu.memory_space<vmem_shared>>
    tpu.wait_indirect_dma semaphore(%arg35 : memref<!tpu.dma_semaphore, #tpu.memory_space<semaphore_mem>>) src(%arg20 : memref<200x64xf32, #tpu.memory_space<vmem>>) dst(%dma_wait3A_541 : memref<10240x64xf32, #tpu.memory_space<vmem_shared>>)
    %dma_wait3A_542 = arith.constant 0 : i32
    %dma_wait3A_543 = tpu.memref_slice %arg38[%dma_wait3A_542] : memref<10240xf32, #tpu.memory_space<vmem_shared>> -> memref<10240xf32, #tpu.memory_space<vmem_shared>>
    tpu.wait_indirect_dma semaphore(%arg35 : memref<!tpu.dma_semaphore, #tpu.memory_space<semaphore_mem>>) src(%arg40 : memref<200xf32, #tpu.memory_space<vmem>>) dst(%dma_wait3A_543 : memref<10240xf32, #tpu.memory_space<vmem_shared>>)
    %dma_wait3A_544 = arith.constant 0 : i32
    %dma_wait3A_545 = arith.constant 0 : i32
    %dma_wait3A_546 = tpu.memref_slice %arg7[%dma_wait3A_544, %dma_wait3A_545] : memref<10240x64xf32, #tpu.memory_space<vmem_shared>> -> memref<10240x64xf32, #tpu.memory_space<vmem_shared>>
    tpu.wait_indirect_dma semaphore(%arg36 : memref<!tpu.dma_semaphore, #tpu.memory_space<semaphore_mem>>) src(%arg21 : memref<200x64xf32, #tpu.memory_space<vmem>>) dst(%dma_wait3A_546 : memref<10240x64xf32, #tpu.memory_space<vmem_shared>>)
    %dma_wait3A_547 = arith.constant 0 : i32
    %dma_wait3A_548 = tpu.memref_slice %arg38[%dma_wait3A_547] : memref<10240xf32, #tpu.memory_space<vmem_shared>> -> memref<10240xf32, #tpu.memory_space<vmem_shared>>
    tpu.wait_indirect_dma semaphore(%arg36 : memref<!tpu.dma_semaphore, #tpu.memory_space<semaphore_mem>>) src(%arg40 : memref<200xf32, #tpu.memory_space<vmem>>) dst(%dma_wait3A_548 : memref<10240xf32, #tpu.memory_space<vmem_shared>>)
    %dma_wait3A_549 = arith.constant 0 : i32
    %dma_wait3A_550 = arith.constant 0 : i32
    %dma_wait3A_551 = tpu.memref_slice %arg7[%dma_wait3A_549, %dma_wait3A_550] : memref<10240x64xf32, #tpu.memory_space<vmem_shared>> -> memref<10240x64xf32, #tpu.memory_space<vmem_shared>>
    tpu.wait_indirect_dma semaphore(%arg37 : memref<!tpu.dma_semaphore, #tpu.memory_space<semaphore_mem>>) src(%arg22 : memref<200x64xf32, #tpu.memory_space<vmem>>) dst(%dma_wait3A_551 : memref<10240x64xf32, #tpu.memory_space<vmem_shared>>)
    %dma_wait3A_552 = arith.constant 0 : i32
    %dma_wait3A_553 = tpu.memref_slice %arg38[%dma_wait3A_552] : memref<10240xf32, #tpu.memory_space<vmem_shared>> -> memref<10240xf32, #tpu.memory_space<vmem_shared>>
    tpu.wait_indirect_dma semaphore(%arg37 : memref<!tpu.dma_semaphore, #tpu.memory_space<semaphore_mem>>) src(%arg40 : memref<200xf32, #tpu.memory_space<vmem>>) dst(%dma_wait3A_553 : memref<10240xf32, #tpu.memory_space<vmem_shared>>)
    %barrier3A_554 = arith.constant 0 : index
    tpu.barrier barrier_id(%barrier3A_554)
    %mul3A_555 = arith.constant 640 : i32
    %mul3A_556 = arith.muli %arg1, %mul3A_555 : i32
    %mul3A_557 = arith.constant 640 : i32
    %mul3A_558 = arith.muli %arg1, %mul3A_557 : i32
    "tpu.region"() ({
      %run_scoped3A = tpu.sem_alloc : memref<!tpu.dma_semaphore, #tpu.memory_space<semaphore_mem>>
      %dma_start3A_563 = arith.constant 0 : i32
      %dma_start3A_564 = tpu.memref_slice %arg5[%arg0, %mul3A_558, %dma_start3A_563] : memref<2x10240x64xf32, #tpu.memory_space<hbm>> -> memref<1x640x64xf32, #tpu.memory_space<hbm>>
      %dma_start3A_565 = tpu.memref_squeeze %dma_start3A_564 : memref<1x640x64xf32, #tpu.memory_space<hbm>> -> memref<640x64xf32, #tpu.memory_space<hbm>>
      %dma_start3A_566 = arith.constant 0 : i32
      %dma_start3A_567 = tpu.memref_slice %arg7[%mul3A_556, %dma_start3A_566] : memref<10240x64xf32, #tpu.memory_space<vmem_shared>> -> memref<640x64xf32, #tpu.memory_space<vmem_shared>>
      tpu.enqueue_dma source(%dma_start3A_567 : memref<640x64xf32, #tpu.memory_space<vmem_shared>>) target(%dma_start3A_565 : memref<640x64xf32, #tpu.memory_space<hbm>>) target_semaphore(%run_scoped3A : memref<!tpu.dma_semaphore, #tpu.memory_space<semaphore_mem>>)
      %dma_wait3A_568 = arith.constant 0 : i32
      %dma_wait3A_569 = tpu.memref_slice %arg5[%arg0, %mul3A_558, %dma_wait3A_568] : memref<2x10240x64xf32, #tpu.memory_space<hbm>> -> memref<1x640x64xf32, #tpu.memory_space<hbm>>
      %dma_wait3A_570 = tpu.memref_squeeze %dma_wait3A_569 : memref<1x640x64xf32, #tpu.memory_space<hbm>> -> memref<640x64xf32, #tpu.memory_space<hbm>>
      %dma_wait3A_571 = arith.constant 0 : i32
      %dma_wait3A_572 = tpu.memref_slice %arg7[%mul3A_556, %dma_wait3A_571] : memref<10240x64xf32, #tpu.memory_space<vmem_shared>> -> memref<640x64xf32, #tpu.memory_space<vmem_shared>>
      tpu.wait_dma2 semaphore(%run_scoped3A : memref<!tpu.dma_semaphore, #tpu.memory_space<semaphore_mem>>) src(%dma_wait3A_572 : memref<640x64xf32, #tpu.memory_space<vmem_shared>>) dst(%dma_wait3A_570 : memref<640x64xf32, #tpu.memory_space<hbm>>)
      tpu.yield
    }) : () -> ()
    %mul3A_559 = arith.constant 640 : i32
    %mul3A_560 = arith.muli %arg1, %mul3A_559 : i32
    %mul3A_561 = arith.constant 640 : i32
    %mul3A_562 = arith.muli %arg1, %mul3A_561 : i32
    "tpu.region"() ({
      %run_scoped3A = tpu.sem_alloc : memref<!tpu.dma_semaphore, #tpu.memory_space<semaphore_mem>>
      %dma_start3A_563 = tpu.memref_slice %arg6[%arg0, %mul3A_562] : memref<2x10240xf32, #tpu.memory_space<hbm>> -> memref<1x640xf32, #tpu.memory_space<hbm>>
      %dma_start3A_564 = tpu.memref_squeeze %dma_start3A_563 : memref<1x640xf32, #tpu.memory_space<hbm>> -> memref<640xf32, #tpu.memory_space<hbm>>
      %dma_start3A_565 = tpu.memref_slice %arg38[%mul3A_560] : memref<10240xf32, #tpu.memory_space<vmem_shared>> -> memref<640xf32, #tpu.memory_space<vmem_shared>>
      tpu.enqueue_dma source(%dma_start3A_565 : memref<640xf32, #tpu.memory_space<vmem_shared>>) target(%dma_start3A_564 : memref<640xf32, #tpu.memory_space<hbm>>) target_semaphore(%run_scoped3A : memref<!tpu.dma_semaphore, #tpu.memory_space<semaphore_mem>>)
      %dma_wait3A_566 = tpu.memref_slice %arg6[%arg0, %mul3A_562] : memref<2x10240xf32, #tpu.memory_space<hbm>> -> memref<1x640xf32, #tpu.memory_space<hbm>>
      %dma_wait3A_567 = tpu.memref_squeeze %dma_wait3A_566 : memref<1x640xf32, #tpu.memory_space<hbm>> -> memref<640xf32, #tpu.memory_space<hbm>>
      %dma_wait3A_568 = tpu.memref_slice %arg38[%mul3A_560] : memref<10240xf32, #tpu.memory_space<vmem_shared>> -> memref<640xf32, #tpu.memory_space<vmem_shared>>
      tpu.wait_dma2 semaphore(%run_scoped3A : memref<!tpu.dma_semaphore, #tpu.memory_space<semaphore_mem>>) src(%dma_wait3A_568 : memref<640xf32, #tpu.memory_space<vmem_shared>>) dst(%dma_wait3A_567 : memref<640xf32, #tpu.memory_space<hbm>>)
      tpu.yield
    }) : () -> ()
    return
  }
}

module attributes {stable_mosaic.version = 14 : i64} {
  func.func @_self1_body(%arg0: i32, %arg1: memref<2000x128xf32, #tpu.memory_space<vmem>>, %arg2: memref<128x128xf32, #tpu.memory_space<vmem>>, %arg3: memref<1x128xf32, #tpu.memory_space<vmem>>, %arg4: memref<2000x128xf32, #tpu.memory_space<vmem>>) attributes {dimension_semantics = [#tpu.dimension_semantics<arbitrary>], iteration_bounds = array<i64: 5>, scalar_prefetch = 0 : i64, scratch_operands = 0 : i64, tpu.core_type = #tpu.core_type<tc>, window_params = [{transform_indices = @transform_0, window_bounds = array<i64: 2000, 128>}, {pipeline_mode = #tpu.pipeline_mode<synchronous>, transform_indices = @transform_1, window_bounds = array<i64: 128, 128>}, {pipeline_mode = #tpu.pipeline_mode<synchronous>, transform_indices = @transform_2, window_bounds = array<i64: 1, 128>}, {transform_indices = @transform_3, window_bounds = array<i64: 2000, 128>}]} {
    %get3A = arith.constant 0 : index
    %get3A_0 = arith.constant 0 : index
    %get3A_1 = vector.load %arg1[%get3A, %get3A_0] : memref<2000x128xf32, #tpu.memory_space<vmem>>, vector<2000x128xf32>
    %get3A_2 = arith.constant 0 : index
    %get3A_3 = arith.constant 0 : index
    %get3A_4 = vector.load %arg2[%get3A_2, %get3A_3] : memref<128x128xf32, #tpu.memory_space<vmem>>, vector<128x128xf32>
    %dot_general3A = arith.constant dense<0.000000e+00> : vector<2000x128xf32>
    %dot_general3A_5 = tpu.matmul %get3A_1, %get3A_4, %dot_general3A {dimension_numbers = #tpu.dot_dimension_numbers<[1], [0], [0], [1], [0, 0, 1, 1], [], []>, transpose_lhs_hint = false} : vector<2000x128xf32>, vector<128x128xf32>, vector<2000x128xf32> -> vector<2000x128xf32>
    %get3A_6 = arith.constant 0 : index
    %get3A_7 = arith.constant 0 : index
    %get3A_8 = vector.load %arg3[%get3A_6, %get3A_7] : memref<1x128xf32, #tpu.memory_space<vmem>>, vector<1x128xf32>
    %add3A = vector.broadcast %get3A_8 : vector<1x128xf32> to vector<2000x128xf32>
    %add3A_9 = arith.addf %dot_general3A_5, %add3A : vector<2000x128xf32>
    %swap3A = arith.constant 0 : index
    %swap3A_10 = arith.constant 0 : index
    %swap3A_11 = vector.load %arg4[%swap3A, %swap3A_10] : memref<2000x128xf32, #tpu.memory_space<vmem>>, vector<2000x128xf32>
    tpu.vector_store %arg4[%swap3A, %swap3A_10], %add3A_9 {strides = array<i32>} : memref<2000x128xf32, #tpu.memory_space<vmem>>, vector<2000x128xf32>,
    return
  }
  func.func @transform_0(%arg0: i32) -> (i32, i32) {
    %c0_i32 = arith.constant 0 : i32
    %c0_i32_0 = arith.constant 0 : i32
    return %arg0, %c0_i32 : i32, i32
  }
  func.func @transform_1(%arg0: i32) -> (i32, i32) {
    %c0_i32 = arith.constant 0 : i32
    %c0_i32_0 = arith.constant 0 : i32
    %c0_i32_1 = arith.constant 0 : i32
    return %c0_i32, %c0_i32_0 : i32, i32
  }
  func.func @transform_2(%arg0: i32) -> (i32, i32) {
    %c0_i32 = arith.constant 0 : i32
    %c0_i32_0 = arith.constant 0 : i32
    %c0_i32_1 = arith.constant 0 : i32
    return %c0_i32, %c0_i32_0 : i32, i32
  }
  func.func @transform_3(%arg0: i32) -> (i32, i32) {
    %c0_i32 = arith.constant 0 : i32
    %c0_i32_0 = arith.constant 0 : i32
    return %arg0, %c0_i32 : i32, i32
  }
}

module attributes {stable_mosaic.version = 14 : i64} {
  func.func @_dense1_body(%arg0: i32, %arg1: memref<2000x128xf32, #tpu.memory_space<vmem>>, %arg2: memref<1x2000x64xf32, #tpu.memory_space<vmem>>, %arg3: memref<1x2000x64xf32, #tpu.memory_space<vmem>>, %arg4: memref<1x2000x1xf32, #tpu.memory_space<vmem>>, %arg5: memref<128x128xf32, #tpu.memory_space<vmem>>, %arg6: memref<128x64xf32, #tpu.memory_space<vmem>>, %arg7: memref<128x64xf32, #tpu.memory_space<vmem>>, %arg8: memref<2000x64xf32, #tpu.memory_space<vmem>>, %arg9: memref<2000x64xf32, #tpu.memory_space<vmem>>, %arg10: memref<2000x1xf32, #tpu.memory_space<vmem>>) attributes {dimension_semantics = [#tpu.dimension_semantics<arbitrary>], iteration_bounds = array<i64: 5>, scalar_prefetch = 0 : i64, scratch_operands = 0 : i64, tpu.core_type = #tpu.core_type<tc>, window_params = [{transform_indices = @transform_0, window_bounds = array<i64: 2000, 128>}, {transform_indices = @transform_1, window_bounds = array<i64: 1, 2000, 64>}, {transform_indices = @transform_2, window_bounds = array<i64: 1, 2000, 64>}, {transform_indices = @transform_3, window_bounds = array<i64: 1, 2000, 1>}, {pipeline_mode = #tpu.pipeline_mode<synchronous>, transform_indices = @transform_4, window_bounds = array<i64: 128, 128>}, {pipeline_mode = #tpu.pipeline_mode<synchronous>, transform_indices = @transform_5, window_bounds = array<i64: 128, 64>}, {pipeline_mode = #tpu.pipeline_mode<synchronous>, transform_indices = @transform_6, window_bounds = array<i64: 128, 64>}, {transform_indices = @transform_7, window_bounds = array<i64: 2000, 64>}, {transform_indices = @transform_8, window_bounds = array<i64: 2000, 64>}, {transform_indices = @transform_9, window_bounds = array<i64: 2000, 1>}]} {
    %get3A = arith.constant 0 : index
    %get3A_0 = arith.constant 0 : index
    %get3A_1 = arith.constant 0 : index
    %get3A_2 = vector.load %arg4[%get3A, %get3A_0, %get3A_1] : memref<1x2000x1xf32, #tpu.memory_space<vmem>>, vector<1x2000x1xf32>
    %get3A_3 = vector.shape_cast %get3A_2 : vector<1x2000x1xf32> to vector<2000x1xf32>
    %max3A = arith.constant 1.000000e+00 : f32
    %max3A_4 = vector.broadcast %max3A : f32 to vector<2000x1xf32>
    %max3A_5 = arith.maximumf %get3A_3, %max3A_4 : vector<2000x1xf32>
    %div3A = arith.constant 1.000000e+00 : f32
    %div3A_6 = vector.broadcast %div3A : f32 to vector<2000x1xf32>
    %div3A_7 = arith.divf %div3A_6, %max3A_5 : vector<2000x1xf32>
    %swap3A = arith.constant 0 : index
    %swap3A_8 = arith.constant 0 : index
    %swap3A_9 = vector.load %arg10[%swap3A, %swap3A_8] : memref<2000x1xf32, #tpu.memory_space<vmem>>, vector<2000x1xf32>
    tpu.vector_store %arg10[%swap3A, %swap3A_8], %div3A_7 {strides = array<i32>} : memref<2000x1xf32, #tpu.memory_space<vmem>>, vector<2000x1xf32>,
    %get3A_10 = arith.constant 0 : index
    %get3A_11 = arith.constant 0 : index
    %get3A_12 = arith.constant 0 : index
    %get3A_13 = vector.load %arg2[%get3A_10, %get3A_11, %get3A_12] : memref<1x2000x64xf32, #tpu.memory_space<vmem>>, vector<1x2000x64xf32>
    %get3A_14 = vector.shape_cast %get3A_13 : vector<1x2000x64xf32> to vector<2000x64xf32>
    %get3A_15 = arith.constant 0 : index
    %get3A_16 = arith.constant 0 : index
    %get3A_17 = arith.constant 0 : index
    %get3A_18 = vector.load %arg3[%get3A_15, %get3A_16, %get3A_17] : memref<1x2000x64xf32, #tpu.memory_space<vmem>>, vector<1x2000x64xf32>
    %get3A_19 = vector.shape_cast %get3A_18 : vector<1x2000x64xf32> to vector<2000x64xf32>
    %concatenate3A = tpu.concatenate %get3A_14, %get3A_19 in 1 : vector<2000x64xf32>, vector<2000x64xf32> -> vector<2000x128xf32>
    %mul3A = vector.broadcast %div3A_7 : vector<2000x1xf32> to vector<2000x128xf32>
    %mul3A_20 = arith.mulf %concatenate3A, %mul3A : vector<2000x128xf32>
    %get3A_21 = arith.constant 0 : index
    %get3A_22 = arith.constant 0 : index
    %get3A_23 = vector.load %arg1[%get3A_21, %get3A_22] : memref<2000x128xf32, #tpu.memory_space<vmem>>, vector<2000x128xf32>
    %get3A_24 = arith.constant 0 : index
    %get3A_25 = arith.constant 0 : index
    %get3A_26 = vector.load %arg5[%get3A_24, %get3A_25] : memref<128x128xf32, #tpu.memory_space<vmem>>, vector<128x128xf32>
    %dot_general3A = arith.constant dense<0.000000e+00> : vector<2000x128xf32>
    %dot_general3A_27 = tpu.matmul %mul3A_20, %get3A_26, %dot_general3A {dimension_numbers = #tpu.dot_dimension_numbers<[1], [0], [0], [1], [0, 0, 1, 1], [], []>, transpose_lhs_hint = false} : vector<2000x128xf32>, vector<128x128xf32>, vector<2000x128xf32> -> vector<2000x128xf32>
    %add3A = arith.addf %get3A_23, %dot_general3A_27 : vector<2000x128xf32>
    %max3A_28 = arith.constant 0.000000e+00 : f32
    %max3A_29 = vector.broadcast %max3A_28 : f32 to vector<2000x128xf32>
    %max3A_30 = arith.maximumf %add3A, %max3A_29 : vector<2000x128xf32>
    %get3A_31 = arith.constant 0 : index
    %get3A_32 = arith.constant 0 : index
    %get3A_33 = vector.load %arg7[%get3A_31, %get3A_32] : memref<128x64xf32, #tpu.memory_space<vmem>>, vector<128x64xf32>
    %dot_general3A_34 = arith.constant dense<0.000000e+00> : vector<2000x64xf32>
    %dot_general3A_35 = tpu.matmul %max3A_30, %get3A_33, %dot_general3A_34 {dimension_numbers = #tpu.dot_dimension_numbers<[1], [0], [0], [1], [0, 0, 1, 1], [], []>, transpose_lhs_hint = false} : vector<2000x128xf32>, vector<128x64xf32>, vector<2000x64xf32> -> vector<2000x64xf32>
    %swap3A_36 = arith.constant 0 : index
    %swap3A_37 = arith.constant 0 : index
    %swap3A_38 = vector.load %arg8[%swap3A_36, %swap3A_37] : memref<2000x64xf32, #tpu.memory_space<vmem>>, vector<2000x64xf32>
    tpu.vector_store %arg8[%swap3A_36, %swap3A_37], %dot_general3A_35 {strides = array<i32>} : memref<2000x64xf32, #tpu.memory_space<vmem>>, vector<2000x64xf32>,
    %get3A_39 = arith.constant 0 : index
    %get3A_40 = arith.constant 0 : index
    %get3A_41 = vector.load %arg6[%get3A_39, %get3A_40] : memref<128x64xf32, #tpu.memory_space<vmem>>, vector<128x64xf32>
    %dot_general3A_42 = arith.constant dense<0.000000e+00> : vector<2000x64xf32>
    %dot_general3A_43 = tpu.matmul %max3A_30, %get3A_41, %dot_general3A_42 {dimension_numbers = #tpu.dot_dimension_numbers<[1], [0], [0], [1], [0, 0, 1, 1], [], []>, transpose_lhs_hint = false} : vector<2000x128xf32>, vector<128x64xf32>, vector<2000x64xf32> -> vector<2000x64xf32>
    %swap3A_44 = arith.constant 0 : index
    %swap3A_45 = arith.constant 0 : index
    %swap3A_46 = vector.load %arg9[%swap3A_44, %swap3A_45] : memref<2000x64xf32, #tpu.memory_space<vmem>>, vector<2000x64xf32>
    tpu.vector_store %arg9[%swap3A_44, %swap3A_45], %dot_general3A_43 {strides = array<i32>} : memref<2000x64xf32, #tpu.memory_space<vmem>>, vector<2000x64xf32>,
    return
  }
  func.func @transform_0(%arg0: i32) -> (i32, i32) {
    %c0_i32 = arith.constant 0 : i32
    %c0_i32_0 = arith.constant 0 : i32
    return %arg0, %c0_i32 : i32, i32
  }
  func.func @transform_1(%arg0: i32) -> (i32, i32, i32) {
    %c0_i32 = arith.constant 0 : i32
    %c0_i32_0 = arith.constant 0 : i32
    %c0_i32_1 = arith.constant 0 : i32
    return %c0_i32, %arg0, %c0_i32_0 : i32, i32, i32
  }
  func.func @transform_2(%arg0: i32) -> (i32, i32, i32) {
    %c1_i32 = arith.constant 1 : i32
    %c0_i32 = arith.constant 0 : i32
    %c0_i32_0 = arith.constant 0 : i32
    return %c1_i32, %arg0, %c0_i32 : i32, i32, i32
  }
  func.func @transform_3(%arg0: i32) -> (i32, i32, i32) {
    %c0_i32 = arith.constant 0 : i32
    %c0_i32_0 = arith.constant 0 : i32
    %c0_i32_1 = arith.constant 0 : i32
    return %c0_i32, %arg0, %c0_i32_0 : i32, i32, i32
  }
  func.func @transform_4(%arg0: i32) -> (i32, i32) {
    %c0_i32 = arith.constant 0 : i32
    %c0_i32_0 = arith.constant 0 : i32
    %c0_i32_1 = arith.constant 0 : i32
    return %c0_i32, %c0_i32_0 : i32, i32
  }
  func.func @transform_5(%arg0: i32) -> (i32, i32) {
    %c0_i32 = arith.constant 0 : i32
    %c0_i32_0 = arith.constant 0 : i32
    %c0_i32_1 = arith.constant 0 : i32
    return %c0_i32, %c0_i32_0 : i32, i32
  }
  func.func @transform_6(%arg0: i32) -> (i32, i32) {
    %c0_i32 = arith.constant 0 : i32
    %c0_i32_0 = arith.constant 0 : i32
    %c0_i32_1 = arith.constant 0 : i32
    return %c0_i32, %c0_i32_0 : i32, i32
  }
  func.func @transform_7(%arg0: i32) -> (i32, i32) {
    %c0_i32 = arith.constant 0 : i32
    %c0_i32_0 = arith.constant 0 : i32
    return %arg0, %c0_i32 : i32, i32
  }
  func.func @transform_8(%arg0: i32) -> (i32, i32) {
    %c0_i32 = arith.constant 0 : i32
    %c0_i32_0 = arith.constant 0 : i32
    return %arg0, %c0_i32 : i32, i32
  }
  func.func @transform_9(%arg0: i32) -> (i32, i32) {
    %c0_i32 = arith.constant 0 : i32
    %c0_i32_0 = arith.constant 0 : i32
    return %arg0, %c0_i32 : i32, i32
  }
}

module attributes {stable_mosaic.version = 14 : i64} {
  func.func @_dense2_body(%arg0: i32, %arg1: memref<2000x64xf32, #tpu.memory_space<vmem>>, %arg2: memref<1x2000x64xf32, #tpu.memory_space<vmem>>, %arg3: memref<1x2000x64xf32, #tpu.memory_space<vmem>>, %arg4: memref<2000x1xf32, #tpu.memory_space<vmem>>, %arg5: memref<1x64xf32, #tpu.memory_space<vmem>>, %arg6: memref<2000x64xf32, #tpu.memory_space<vmem>>) attributes {dimension_semantics = [#tpu.dimension_semantics<arbitrary>], iteration_bounds = array<i64: 5>, scalar_prefetch = 0 : i64, scratch_operands = 0 : i64, tpu.core_type = #tpu.core_type<tc>, window_params = [{transform_indices = @transform_0, window_bounds = array<i64: 2000, 64>}, {transform_indices = @transform_1, window_bounds = array<i64: 1, 2000, 64>}, {transform_indices = @transform_2, window_bounds = array<i64: 1, 2000, 64>}, {transform_indices = @transform_3, window_bounds = array<i64: 2000, 1>}, {pipeline_mode = #tpu.pipeline_mode<synchronous>, transform_indices = @transform_4, window_bounds = array<i64: 1, 64>}, {transform_indices = @transform_5, window_bounds = array<i64: 2000, 64>}]} {
    %get3A = arith.constant 0 : index
    %get3A_0 = arith.constant 0 : index
    %get3A_1 = vector.load %arg1[%get3A, %get3A_0] : memref<2000x64xf32, #tpu.memory_space<vmem>>, vector<2000x64xf32>
    %get3A_2 = arith.constant 0 : index
    %get3A_3 = arith.constant 0 : index
    %get3A_4 = arith.constant 0 : index
    %get3A_5 = vector.load %arg2[%get3A_2, %get3A_3, %get3A_4] : memref<1x2000x64xf32, #tpu.memory_space<vmem>>, vector<1x2000x64xf32>
    %get3A_6 = vector.shape_cast %get3A_5 : vector<1x2000x64xf32> to vector<2000x64xf32>
    %get3A_7 = arith.constant 0 : index
    %get3A_8 = arith.constant 0 : index
    %get3A_9 = arith.constant 0 : index
    %get3A_10 = vector.load %arg3[%get3A_7, %get3A_8, %get3A_9] : memref<1x2000x64xf32, #tpu.memory_space<vmem>>, vector<1x2000x64xf32>
    %get3A_11 = vector.shape_cast %get3A_10 : vector<1x2000x64xf32> to vector<2000x64xf32>
    %add3A = arith.addf %get3A_6, %get3A_11 : vector<2000x64xf32>
    %get3A_12 = arith.constant 0 : index
    %get3A_13 = arith.constant 0 : index
    %get3A_14 = vector.load %arg4[%get3A_12, %get3A_13] : memref<2000x1xf32, #tpu.memory_space<vmem>>, vector<2000x1xf32>
    %mul3A = vector.broadcast %get3A_14 : vector<2000x1xf32> to vector<2000x64xf32>
    %mul3A_15 = arith.mulf %add3A, %mul3A : vector<2000x64xf32>
    %add3A_16 = arith.addf %get3A_1, %mul3A_15 : vector<2000x64xf32>
    %get3A_17 = arith.constant 0 : index
    %get3A_18 = arith.constant 0 : index
    %get3A_19 = vector.load %arg5[%get3A_17, %get3A_18] : memref<1x64xf32, #tpu.memory_space<vmem>>, vector<1x64xf32>
    %add3A_20 = vector.broadcast %get3A_19 : vector<1x64xf32> to vector<2000x64xf32>
    %add3A_21 = arith.addf %add3A_16, %add3A_20 : vector<2000x64xf32>
    %reduce_max3A = arith.constant dense<0xFF800000> : vector<2000xf32>
    %reduce_max3A_22 = vector.multi_reduction <maximumf>, %add3A_21, %reduce_max3A [1] : vector<2000x64xf32> to vector<2000xf32>
    %broadcast_in_dim3A = vector.shape_cast %reduce_max3A_22 : vector<2000xf32> to vector<2000x1xf32>
    %sub3A = vector.broadcast %broadcast_in_dim3A : vector<2000x1xf32> to vector<2000x64xf32>
    %sub3A_23 = arith.subf %add3A_21, %sub3A : vector<2000x64xf32>
    %exp3A = math.exp %sub3A_23 : vector<2000x64xf32>
    %reduce_sum3A = arith.constant dense<0.000000e+00> : vector<2000xf32>
    %reduce_sum3A_24 = vector.multi_reduction <add>, %exp3A, %reduce_sum3A [1] : vector<2000x64xf32> to vector<2000xf32>
    %broadcast_in_dim3A_25 = vector.shape_cast %reduce_sum3A_24 : vector<2000xf32> to vector<2000x1xf32>
    %log3A = math.log %broadcast_in_dim3A_25 : vector<2000x1xf32>
    %sub3A_26 = vector.broadcast %log3A : vector<2000x1xf32> to vector<2000x64xf32>
    %sub3A_27 = arith.subf %sub3A_23, %sub3A_26 : vector<2000x64xf32>
    %swap3A = arith.constant 0 : index
    %swap3A_28 = arith.constant 0 : index
    %swap3A_29 = vector.load %arg6[%swap3A, %swap3A_28] : memref<2000x64xf32, #tpu.memory_space<vmem>>, vector<2000x64xf32>
    tpu.vector_store %arg6[%swap3A, %swap3A_28], %sub3A_27 {strides = array<i32>} : memref<2000x64xf32, #tpu.memory_space<vmem>>, vector<2000x64xf32>,
    return
  }
  func.func @transform_0(%arg0: i32) -> (i32, i32) {
    %c0_i32 = arith.constant 0 : i32
    %c0_i32_0 = arith.constant 0 : i32
    return %arg0, %c0_i32 : i32, i32
  }
  func.func @transform_1(%arg0: i32) -> (i32, i32, i32) {
    %c0_i32 = arith.constant 0 : i32
    %c0_i32_0 = arith.constant 0 : i32
    %c0_i32_1 = arith.constant 0 : i32
    return %c0_i32, %arg0, %c0_i32_0 : i32, i32, i32
  }
  func.func @transform_2(%arg0: i32) -> (i32, i32, i32) {
    %c1_i32 = arith.constant 1 : i32
    %c0_i32 = arith.constant 0 : i32
    %c0_i32_0 = arith.constant 0 : i32
    return %c1_i32, %arg0, %c0_i32 : i32, i32, i32
  }
  func.func @transform_3(%arg0: i32) -> (i32, i32) {
    %c0_i32 = arith.constant 0 : i32
    %c0_i32_0 = arith.constant 0 : i32
    return %arg0, %c0_i32 : i32, i32
  }
  func.func @transform_4(%arg0: i32) -> (i32, i32) {
    %c0_i32 = arith.constant 0 : i32
    %c0_i32_0 = arith.constant 0 : i32
    %c0_i32_1 = arith.constant 0 : i32
    return %c0_i32, %c0_i32_0 : i32, i32
  }
  func.func @transform_5(%arg0: i32) -> (i32, i32) {
    %c0_i32 = arith.constant 0 : i32
    %c0_i32_0 = arith.constant 0 : i32
    return %arg0, %c0_i32 : i32, i32
  }
}

</mosaic_0001>

<sc_bundles>
// kernel: kernel.10.cloned.1.call-start
scs
__scs_entry_jumppad:
0x0: {  	(pc) =	sbr.rel $0x88, $3  }
0x1: {  	(tag) =	ssettag $0x0;
	lr =	simm.s32 $0x1  }
0x2: {  	[smem:$0x3F99] =	sst lr;
	_ =	strace $0xD0000000  }
0x3: {  	_ = 	snop  }
0x4: {  	_ = 	snop  }
0x5: {  	_ = 	snop  }
0x6: {  	_ = 	snop  }
0x7: {  	_ = 	snop  }
__scs_overlays_trampoline_lowered:
0x8: {  	[smem:$0x3FA8] =	sst s0  }
0x9: {  	[smem:$0x3FA9] =	sst s1  }
0xa: {  	[smem:$0x3FAA] =	sst s2  }
0xb: {  	[smem:$0x3FAB] =	sst s3  }
0xc: {  	[smem:$0x3FAC] =	sst s4  }
0xd: {  	[smem:$0x3FAD] =	sst s5  }
0xe: {  	[smem:$0x3FAE] =	sst s6  }
0xf: {  	[smem:$0x3FAF] =	sst s7  }
0x10: {  	[smem:$0x3FB0] =	sst s8  }
0x11: {  	[smem:$0x3FB1] =	sst s9;
	s0 =	simm.s32 @!p0 $0x0  }
0x12: {  	s1 =	sld [smem:$0x3F97];
	s0 =	simm.s32 @p0 $0x1  }
0x13: {  	[smem:$0x3FB2] =	sst s0;
	s0 =	simm.s32 @!p1 $0x0  }
0x14: {  	s2 =	sld [smem:$0x3F96];
	s0 =	simm.s32 @p1 $0x1  }
0x15: {  	[smem:$0x3FB3] =	sst s0;
	s0 =	simm.s32 @!p2 $0x0  }
0x16: {  	s3 =	sld [smem:$0x3FDB];
	s0 =	simm.s32 @p2 $0x1  }
0x17: {  	s4 =	simm.s32 $0x1BF5;
	[smem:$0x3FB5] =	sst s0  }
0x18: {  	s0 =	sld [smem:$0x3F98];
	_ =	swait.ge [sflag:s4], $0x0  }
0x19: {  	s7 =	sld [smem:$0x3F99]  }
0x1a: {  	s8 =	sadd.s32 $0xFFFFE003, lr  }
0x1b: {  	s9 =	sadd.s32 $0xFFFFFEF7, lr;
	s5 =	simm.s32 $0xFFFFFFFF;
	p2 =	slt.u32 s8, $0xFFFFF086  }
0x1c: {  	p1 =	slt.u32 s9, $0xF7A;
	s5 =	simm.s32 @!p2 $0x0  }
0x1d: {  	s5 =	simm.s32 @p1 $0x1;
	p0 =	seq.s32 s7, s2  }
0x1e: {  	s7 =	smul.u32 @!p0 $0xF7A, s2;
	p2 =	seq.s32 @!p0 s5, $0x0  }
0x1f: {  	s9 =	smul.u32 $0xF7A, s1;
	s8 =	simm.s32 @!p0 $0x1BF5;
	p2 =	por !p2, p0  }
0x20: {  	[sflag:s8] =	ssyncset.s32 @!p0 $0xFFFFF086;
	s6 =	sadd.s32 @!p0 s3, s7;
	s7 =	simm.s32 @!p0 $0x108  }
0x21: {  	s3 =	sadd.s32 s3, s9;
	s6 =	sadd.s32 @!p0 $0x88, s6;
	s7 =	simm.s32 @p2 $0x1082  }
0x22: {  	[simem:s7], [sflag:s8] =	dma.local @!p0 [hbm:s6], $0xF7A  }
0x23: {  	s9 =	sor.u32 $0xD0000000, s2;
	s6 =	simm.s32 $0x108;
	_ =	swait.ge @!p0 [sflag:s8], $0x0  }
0x24: {  	s3 =	sadd.s32 $0x88, s3;
	s6 =	simm.s32 @!p1 $0x1082;
	[sflag:s4] =	ssyncset.s32 $0xFFFFF086  }
0x25: {  	[simem:s6], [sflag:s4] =	dma.local [hbm:s3], $0xF7A  }
0x26: {  	[smem:$0x3F99] =	sst s1;
	(tag) =	ssettag s2;
	_ =	strace s9  }
0x27: {  	s1 =	sld [smem:$0x3FA9]  }
0x28: {  	s2 =	sld [smem:$0x3FAA]  }
0x29: {  	s4 =	sld [smem:$0x3FAC]  }
0x2a: {  	p0 =	seq.s32 s5, $0x0;
	s5 =	sld [smem:$0x3FAD]  }
0x2b: {  	s6 =	sld [smem:$0x3FAE]  }
0x2c: {  	s7 =	sld [smem:$0x3FAF]  }
0x2d: {  	s3 =	simm.s32 $0x108;
	s8 =	sld [smem:$0x3FB0]  }
0x2e: {  	s3 =	simm.s32 @!p0 $0x1082;
	s9 =	sld [smem:$0x3FB1]  }
0x2f: {  	lr =	sadd.s32 s0, s3;
	s0 =	sld [smem:$0x3FA8]  }
0x30: {  	s3 =	sld [smem:$0x3FAB]  }
0x31: {  	[smem:$0x3FB4] =	sst s10  }
0x32: {  	s10 =	sld [smem:$0x3FB2];
	_ =	sdelay $0x3  }
0x33: {  	p0 =	seq.s32 s10, $0x1;
	s10 =	sld [smem:$0x3FB4];
	_ =	sdelay $0x3  }
0x34: {  	[smem:$0x3FB4] =	sst s10  }
0x35: {  	s10 =	sld [smem:$0x3FB3];
	_ =	sdelay $0x3  }
0x36: {  	p1 =	seq.s32 s10, $0x1;
	s10 =	sld [smem:$0x3FB4];
	_ =	sdelay $0x3  }
0x37: {  	[smem:$0x3FB4] =	sst s10  }
0x38: {  	s10 =	sld [smem:$0x3FB5]  }
0x39: {  	_ = 	snop;
	(pc) =	sbr.ind lr, $3  }
0x3a: {  	_ = 	snop  }
0x3b: {  	_ = 	snop  }
0x3c: {  	p2 =	seq.s32 s10, $0x1;
	s10 =	sld [smem:$0x3FB4]  }
0x3d: {  	_ =	shalt  }
0x3e: {  	_ =	shalt  }
0x3f: {  	_ =	shalt  }
0x40: {  	_ =	shalt  }
0x41: {  	_ =	shalt  }
0x42: {  	_ =	shalt  }
0x43: {  	_ =	shalt  }
0x44: {  	_ =	shalt  }
0x45: {  	_ =	shalt  }
0x46: {  	_ =	shalt  }
0x47: {  	_ =	shalt  }
0x48: {  	_ =	shalt  }
0x49: {  	_ =	shalt  }
0x4a: {  	_ =	shalt  }
0x4b: {  	_ =	shalt  }
0x4c: {  	_ =	shalt  }
0x4d: {  	_ =	shalt  }
0x4e: {  	_ =	shalt  }
0x4f: {  	_ =	shalt  }
0x50: {  	_ =	shalt  }
0x51: {  	_ =	shalt  }
0x52: {  	_ =	shalt  }
0x53: {  	_ =	shalt  }
0x54: {  	_ =	shalt  }
0x55: {  	_ =	shalt  }
0x56: {  	_ =	shalt  }
0x57: {  	_ =	shalt  }
0x58: {  	_ =	shalt  }
0x59: {  	_ =	shalt  }
0x5a: {  	_ =	shalt  }
0x5b: {  	_ =	shalt  }
0x5c: {  	_ =	shalt  }
0x5d: {  	_ =	shalt  }
0x5e: {  	_ =	shalt  }
0x5f: {  	_ =	shalt  }
0x60: {  	_ =	shalt  }
0x61: {  	_ =	shalt  }
0x62: {  	_ =	shalt  }
0x63: {  	_ =	shalt  }
0x64: {  	_ =	shalt  }
0x65: {  	_ =	shalt  }
0x66: {  	_ =	shalt  }
0x67: {  	_ =	shalt  }
0x68: {  	_ =	shalt  }
0x69: {  	_ =	shalt  }
0x6a: {  	_ =	shalt  }
0x6b: {  	_ =	shalt  }
0x6c: {  	_ =	shalt  }
0x6d: {  	_ =	shalt  }
0x6e: {  	_ =	shalt  }
0x6f: {  	_ =	shalt  }
0x70: {  	_ =	shalt  }
0x71: {  	_ =	shalt  }
0x72: {  	_ =	shalt  }
0x73: {  	_ =	shalt  }
0x74: {  	_ =	shalt  }
0x75: {  	_ =	shalt  }
0x76: {  	_ =	shalt  }
0x77: {  	_ =	shalt  }
0x78: {  	_ =	shalt  }
0x79: {  	_ =	shalt  }
0x7a: {  	_ =	shalt  }
0x7b: {  	_ =	shalt  }
0x7c: {  	_ =	shalt  }
0x7d: {  	_ =	shalt  }
0x7e: {  	_ =	shalt  }
0x7f: {  	_ =	shalt  }
0x80: {  	_ =	shalt  }
0x81: {  	_ =	shalt  }
0x82: {  	_ =	shalt  }
0x83: {  	_ =	shalt  }
0x84: {  	_ =	shalt  }
0x85: {  	_ =	shalt  }
0x86: {  	_ =	shalt  }
0x87: {  	_ =	shalt  }
.Lfunc_end0:
.L_simem_size_0:
called_computation.1_lowered:
.L_overlay_start_0:
0x88: {  	s2 =	sld [smem:$0x3FD9]  }
0x89: {  	s3 =	sld [smem:$0x3FFE];
	_ =	sdelay $0x1  }
0x8a: {  	s1 =	srdreg.scid  }
0x8b: {  	s0 =	sand.u32 $0x1, s1  }
0x8c: {  	s17 =	sshll.u32 s0, $0xA;
	s2 =	sadd.s32 s3, s2  }
0x8d: {  	s2 =	sadd.s32 s2, s17  }
0x8e: {  	[smem:$0x3FC0] =	sst s2  }
0x8f: {  	_ = 	snop  }
0x90: {  	s2 =	sld [smem:$0x3FD0];
	(tm) =	ssettm $0x1  }
0x91: {  	s18 =	sld [smem:$0x3FFB];
	_ =	sdelay $0x3  }
0x92: {  	_ =	strace s18  }
0x93: {  	s3 =	sld [smem:$0x3FFC];
	_ =	sdelay $0x3  }
0x94: {  	_ =	strace s3  }
0x95: {  	s3 =	sld [smem:$0x3FFD];
	_ =	sdelay $0x3  }
0x96: {  	_ =	strace s3  }
0x97: {  	_ =	strace $0x8FFFFFFF  }
0x98: {  	s19 =	sld [smem:$0x3FDB];
	_ =	sdelay $0x1  }
0x99: {  	s4 =	simm.s32 $_scs_section_size  }
0x9a: {  	s5 =	simm.s32 $_size__tile_overlayer_lowered;
	s6 =	simm.s32 $_tile_overlayer_lowered  }
0x9b: {  	s22 =	simm.s32 $0x1BFF;
	s21 =	sshll.u32 s6, $0x1;
	s3 =	sadd.s32 s4, s19  }
0x9c: {  	s7 =	simm.s32 $0x0;
	s20 =	sshll.u32 s5, $0x1;
	s5 =	sadd.s32 s21, s3  }
0x9d: {  	[timem:s7], [sflag:s22] =	dma.local [hbm:s5], s20  }
0x9e: {  	_ =	swait.ge [sflag:s22], s20  }
0x9f: {  	s4 =	ssub.s32 $0x0, s20;
	[sflag:s22] =	ssyncset.done $0x0  }
0xa0: {  	[sflag:s22] =	ssyncadd.s32 s4;
	_ =	sdelay $0x1  }
0xa1: {  	s23 =	simm.s32 $0x1B8B  }
0xa2: {  	_ =	swait.ge [sflag:s23], $0x1  }
0xa3: {  	[sflag:s23] =	ssyncset.done $0x0  }
0xa4: {  	s25 =	simm.s32 $0x1B8E;
	s24 =	sld [smem:$0x3FFE];
	[sflag:s23] =	ssyncadd.s32 $0xFFFFFFFF  }
0xa5: {  	s26 =	simm.s32 $execute0_lowered;
	[smem:$0x3FD2] =	sst s25  }
0xa6: {  	s5 =	sshll.u32 s26, $0x1;
	_ =	strace $0x80000049;
	[dreg:$0x1] =	wrdreg $0xFFFFFFFF  }
0xa7: {  	s28 =	simm.s32 $_size_execute0_lowered;
	s3 =	sadd.s32 s3, s5;
	[dreg:$0x0] =	wrdreg $0x0  }
0xa8: {  	s5 =	sshll.u32 s28, $0x1;
	[dreg:$0x2] =	wrdreg s3  }
0xa9: {  	[dreg:$0x3] =	wrdreg s5  }
0xaa: {  	[dreg:$0x4] =	wrdreg $0xC0  }
0xab: {  	_ =	task [dreg:s7], $0x5FFFF  }
0xac: {  	[dreg:$0x1] =	wrdreg $0xFFFFFFFF  }
0xad: {  	[dreg:$0x0] =	wrdreg $0x60  }
0xae: {  	[dreg:$0x2] =	wrdreg s2  }
0xaf: {  	[dreg:$0x3] =	wrdreg s24  }
0xb0: {  	[dreg:$0x4] =	wrdreg $0x0  }
0xb1: {  	[dreg:$0x5] =	wrdreg $0x9  }
0xb2: {  	_ =	task.clear_ibuf [dreg:s7], $0x6FFFF;
	_ =	strace $0x90000049  }
0xb3: {  	s29 =	simm.s32 $0x9;
	_ =	strace $0x8000004B  }
0xb4: {  	_ =	swait.ge [sflag:s29], $0x1  }
0xb5: {  	[sflag:s29] =	ssyncadd.s32 $0xFFFFFFFF  }
0xb6: {  	_ =	strace $0x9000004B  }
0xb7: {  	_ =	sfence  }
0xb8: {  	s30 =	sld [smem:$0x0];
	_ =	sdelay $0x2  }
0xb9: {  	s31 =	sshll.u32 s1, $0xD;
	s1 =	sshrl.u32 s1, $0x2  }
0xba: {  	s3 =	sand.u32 $0x4000, s31;
	s1 =	sadd.s32 s1, s30  }
0xbb: {  	s0 =	sor.u32 s3, s0;
	s1 =	sshll.u32 s1, $0x11  }
0xbc: {  	s0 =	sor.u32 s1, s0  }
0xbd: {  	s0 =	sadd.s32 $0x8F2B, s0  }
0xbe: {  	[sflag:s0] =	ssyncadd.remote.s32 $0x1  }
0xbf: {  	_ =	sfence.sel $0xFFFF  }
0xc0: {  	[dreg:$0x0] =	wrdreg $0xFFFFFFFF;
	(pc) =	sbr.abs _section_cstart, $3  }
0xc1: {  	[dreg:$0x1] =	wrdreg $0xFFFFFFFF  }
0xc2: {  	_ =	task.clear_ibuf [dreg:s7], $0x2FFFF;
	_ =	strace $0x9FFFFFFF  }
0xc3: {  	(tm) =	ssettm $0x7FFFFFFF  }
tec
execute0_lowered:
.L_overlay_start_1:
0x0: {  	(tag) =	ssettag $0x1  }
0x1: {  	s29 =	rddreg [dreg:$0x0]  }
0x2: {  	s0 =	rddreg [dreg:$0x1]  }
0x3: {  	s1 =	rddreg [dreg:$0x2]  }
0x4: {  	s4 =	simm.s32 $0x0;
	s2 =	srdreg.scid;
	s14 =	stileid.u32  }
0x5: {  	[smem:$0x7FF] =	sst s4;
	s10 =	sand.u32 $0x1, s2;
	s5 =	smul.u32 $0xA000, s14  }
0x6: {  	s6 =	sadd.s32 $0xB400, s0;
	s7 =	sadd.s32 $0x1600, s0;
	s12 =	smul.u32 $0x28000, s14  }
0x7: {  	_ =	strace $0x8000004A;
	s2 =	smul.u32 $0xA0000, s10;
	s8 =	sshll.u32 s10, $0x4  }
0x8: {  	s11 =	ssub.s32 $0x2, s10;
	s10 =	smul.u32 $0x27100, s10;
	s8 =	sor.u32 s14, s8  }
0x9: {  	s22 =	sshrl.u32 s11, $0x1;
	s14 =	smul.u32 $0x2710, s14;
	s2 =	sadd.s32 s5, s2  }
0xa: {  	s9 =	smul.u32 $0x2710, s8;
	s8 =	sshrl.u32 s12, $0x2;
	s5 =	sadd.s32 s5, s1  }
0xb: {  	s2 =	sshrl.u32 s2, $0x3;
	s10 =	sadd.s32 s14, s10;
	[smem:$0x7EC] =	sst s5  }
0xc: {  	s0 =	sadd.s32 s2, s0;
	s2 =	ssub.s32 s11, s22;
	s23 =	sadd.s32 $0xC8, s9  }
0xd: {  	s12 =	sshrl.u32 s9, $0x3;
	s11 =	sshrl.u32 s23, $0x3;
	s0 =	sadd.s32 $0x15200, s0  }
0xe: {  	s18 =	sadd.s32 $0x7D0, s10;
	s13 =	sadd.s32 s6, s11;
	[smem:$0x7FC] =	sst s0  }
0xf: {  	s24 =	sadd.s32 $0x32, s12;
	s11 =	sadd.s32 s7, s11;
	[dreg:$0xe] =	wrdreg s13  }
0x10: {  	s3 =	sadd.s32 $0x64, s12;
	s15 =	sadd.s32 s6, s24;
	[dreg:$0xf] =	wrdreg s11  }
0x11: {  	s19 =	sshrl.u32 s18, $0x3;
	s14 =	sadd.s32 s6, s3;
	[dreg:$0x10] =	wrdreg s15  }
0x12: {  	s25 =	sadd.s32 $0x258, s9;
	s20 =	sadd.s32 s19, s7;
	[dreg:$0x14] =	wrdreg s14  }
0x13: {  	s21 =	sadd.s32 $0x708, s10;
	s22 =	sadd.s32 s19, s6;
	[dreg:$0x6] =	wrdreg s20  }
0x14: {  	s26 =	sshrl.u32 s25, $0x3;
	s11 =	sadd.s32 s7, s24;
	[dreg:$0x7] =	wrdreg s22  }
0x15: {  	s23 =	sshrl.u32 s21, $0x3;
	s13 =	sadd.s32 s6, s26;
	[dreg:$0x11] =	wrdreg s11  }
0x16: {  	s19 =	sadd.s32 $0x96, s12;
	s24 =	sadd.s32 s23, s7;
	[dreg:$0x12] =	wrdreg s13  }
0x17: {  	s20 =	sadd.s32 s6, s19;
	[dreg:$0x8] =	wrdreg s24  }
0x18: {  	s16 =	sadd.s32 $0x3E8, s9;
	s21 =	sadd.s32 s7, s19;
	[dreg:$0x18] =	wrdreg s20  }
0x19: {  	s25 =	sadd.s32 $0x640, s10;
	s11 =	sadd.s32 s7, s26;
	[dreg:$0x19] =	wrdreg s21  }
0x1a: {  	s15 =	sadd.s32 $0x898, s10;
	s13 =	sadd.s32 s7, s3;
	[dreg:$0x13] =	wrdreg s11  }
0x1b: {  	s10 =	sadd.s32 $0x578, s10;
	s26 =	sadd.s32 s23, s6;
	[dreg:$0x15] =	wrdreg s13  }
0x1c: {  	s3 =	sshrl.u32 s25, $0x3;
	s23 =	sadd.s32 s6, s12;
	[dreg:$0x9] =	wrdreg s26  }
0x1d: {  	s10 =	sshrl.u32 s10, $0x3;
	s24 =	sadd.s32 s7, s12;
	[dreg:$0x1a] =	wrdreg s23  }
0x1e: {  	s11 =	sshrl.u32 s15, $0x3;
	s15 =	sadd.s32 s3, s7;
	[dreg:$0x1b] =	wrdreg s24  }
0x1f: {  	s13 =	sshrl.u32 s16, $0x3;
	s16 =	sadd.s32 s3, s6;
	[dreg:$0xa] =	wrdreg s15  }
0x20: {  	s12 =	sadd.s32 $0x4B0, s12;
	s18 =	sadd.s32 s10, s7;
	[dreg:$0xb] =	wrdreg s16  }
0x21: {  	s26 =	sadd.s32 s6, s12;
	[dreg:$0xc] =	wrdreg s18  }
0x22: {  	s3 =	sadd.s32 s7, s12;
	[dreg:$0x1e] =	wrdreg s26  }
0x23: {  	s10 =	sadd.s32 s10, s6;
	[dreg:$0x1f] =	wrdreg s3  }
0x24: {  	s17 =	sadd.s32 s11, s7;
	[dreg:$0xd] =	wrdreg s10  }
0x25: {  	s11 =	sadd.s32 s11, s6;
	[dreg:$0x4] =	wrdreg s17  }
0x26: {  	s28 =	simm.s32 $0x10;
	s26 =	smax.u32 s2, $0x1;
	[dreg:$0x5] =	wrdreg s11  }
0x27: {  	s31 =	simm.s32 $0xA4B0;
	s17 =	sadd.s32 s6, s13;
	[smem:$0x7FD] =	sst s26  }
0x28: {  	s10 =	sadd.s32 s8, s1;
	s13 =	sadd.s32 s7, s13;
	[dreg:$0x16] =	wrdreg s17  }
0x29: {  	s30 =	simm.s32 $0xA190;
	s12 =	sadd.s32 $0x1400, s10;
	[dreg:$0x17] =	wrdreg s13  }
0x2a: {  	s5 =	simm.s32 $0x0;
	s14 =	sadd.s32 $0x2800, s10;
	[smem:$0x7EE] =	sst s12  }
0x2b: {  	s0 =	simm.s32 $0x3;
	s15 =	sadd.s32 $0x3200, s10;
	[smem:$0x7F0] =	sst s14  }
0x2c: {  	s22 =	sadd.s32 $0x24B8, s9;
	s16 =	sadd.s32 $0x3C00, s10;
	[smem:$0x7F1] =	sst s15  }
0x2d: {  	s9 =	sadd.s32 $0x2648, s9;
	s18 =	sadd.s32 $0x5000, s10;
	[smem:$0x7F2] =	sst s16  }
0x2e: {  	s9 =	sshrl.u32 s9, $0x3;
	s19 =	sadd.s32 $0x5A00, s10;
	[smem:$0x7F4] =	sst s18  }
0x2f: {  	s8 =	simm.s32 $0x4;
	s20 =	sadd.s32 $0x6400, s10;
	[smem:$0x7F5] =	sst s19  }
0x30: {  	s2 =	simm.s32 $0x13DD0;
	s21 =	sadd.s32 $0x6E00, s10;
	[smem:$0x7F6] =	sst s20  }
0x31: {  	s11 =	sshrl.u32 s22, $0x3;
	s22 =	sadd.s32 $0x7800, s10;
	[smem:$0x7F7] =	sst s21  }
0x32: {  	s23 =	sadd.s32 $0x8200, s10;
	s24 =	sadd.s32 $0x8C00, s10;
	[smem:$0x7F8] =	sst s22  }
0x33: {  	s26 =	simm.s32 $0x2;
	s25 =	sadd.s32 s6, s11;
	[smem:$0x7F9] =	sst s23  }
0x34: {  	s11 =	sadd.s32 s7, s11;
	s6 =	sadd.s32 s6, s9;
	[smem:$0x7FA] =	sst s24  }
0x35: {  	s9 =	sadd.s32 s7, s9;
	s13 =	sadd.s32 $0x1E00, s10;
	[dreg:$0x1c] =	wrdreg s25  }
0x36: {  	s17 =	sadd.s32 $0x4600, s10;
	s21 =	simm.s32 $0x1;
	[dreg:$0x1d] =	wrdreg s11  }
0x37: {  	s22 =	simm.s32 $0xC8;
	s7 =	simm.s32 $0xA640;
	[smem:$0x7EA] =	sst s6  }
0x38: {  	s12 =	simm.s32 $0x5;
	s16 =	simm.s32 $0xA;
	[smem:$0x7EB] =	sst s9  }
0x39: {  	s18 =	simm.s32 $0xE;
	s19 =	simm.s32 $0xF;
	[smem:$0x7EF] =	sst s13  }
0x3a: {  	s11 =	sadd.s32 $0xA00, s10;
	[smem:$0x7F3] =	sst s17;
	s25 =	sadd.s32 $0x9600, s10  }
0x3b: {  	s6 =	simm.s32 $0xA578;
	s9 =	simm.s32 $0xA708;
	[smem:$0x7ED] =	sst s11  }
0x3c: {  	v0 =	vimm.f32 $0.0e+00;
	s17 =	simm.s32 $0xD;
	[smem:$0x7FB] =	sst s25;
	s25 =	simm.s32 $0xC  }
.LBB2_1:
0x3d: {  	s15 =	sand.u32 $0x3F00, s4  }
0x3e: {  	[smem:$0x7E9] =	sst s5;
	s20 =	sand.u32 $0x30, s4;
	s23 =	sshrl.u32 s15, $0x2  }
0x3f: {  	s15 =	simm.s32 $0x40;
	s23 =	sor.u32 s20, s23;
	s20 =	simm.s32 $0x0  }
.LBB2_2:
0x40: {  	p0 =	sne.s32 s15, $0x27C0  }
0x41: {  	[tilespmem:s23+$0xA7D0] =	vst v0;
	s20 =	sadd.s32 $0x10, s20;
	s23 =	smov.u32 s15;
	s15 =	sadd.s32 $0x40, s15  }
.Ltmp0:
0x42: {  	(pc) =	sbr.rel @p0 .LBB2_2-.Ltmp0, $4  }
0x43: {  	_ = 	snop  }
0x44: {  	s23 =	sand.u32 $0x3F00, s23  }
0x45: {  	s24 =	sand.u32 $0x30, s20;
	s23 =	sshrl.u32 s23, $0x2  }
0x46: {  	s23 =	sor.u32 s24, s23  }
0x47: {  	s15 =	sld [smem:$0x7EC];
	_ =	sdelay $0x1  }
0x48: {  	[tilespmem:s23+$0xA7D0] =	vst v0;
	s23 =	simm.s32 $0xA7D0  }
0x49: {  	[spmem:s15] =	stream.linear.scatter [tilespmem:s23], [sflag:$0x10], $0xA00, $0x38;
	[tilespmem:$0x1A1D0] =	vst v63  }
0x4a: {  	_ =	swait.ge [sflag:s28], $0xA00  }
0x4b: {  	s14 =	sld [smem:$0x7ED]  }
0x4c: {  	[sflag:s28] =	ssyncset.done $0x0  }
0x4d: {  	[sflag:s28] =	ssyncadd.s32 $0xFFFFF600  }
0x4e: {  	[spmem:s14] =	stream.linear.scatter [tilespmem:s23], [sflag:$0x10], $0xA00, $0x38;
	[tilespmem:$0x1A1D0] =	vst v63  }
0x4f: {  	_ =	swait.ge [sflag:s28], $0xA00  }
0x50: {  	s20 =	sld [smem:$0x7EE]  }
0x51: {  	[sflag:s28] =	ssyncset.done $0x0  }
0x52: {  	[sflag:s28] =	ssyncadd.s32 $0xFFFFF600  }
0x53: {  	[spmem:s20] =	stream.linear.scatter [tilespmem:s23], [sflag:$0x10], $0xA00, $0x38;
	[tilespmem:$0x1A1D0] =	vst v63  }
0x54: {  	_ =	swait.ge [sflag:s28], $0xA00  }
0x55: {  	s24 =	sld [smem:$0x7EF]  }
0x56: {  	[sflag:s28] =	ssyncset.done $0x0  }
0x57: {  	[sflag:s28] =	ssyncadd.s32 $0xFFFFF600  }
0x58: {  	[spmem:s24] =	stream.linear.scatter [tilespmem:s23], [sflag:$0x10], $0xA00, $0x38;
	[tilespmem:$0x1A1D0] =	vst v63  }
0x59: {  	_ =	swait.ge [sflag:s28], $0xA00  }
0x5a: {  	s3 =	sld [smem:$0x7F0]  }
0x5b: {  	[sflag:s28] =	ssyncset.done $0x0  }
0x5c: {  	[sflag:s28] =	ssyncadd.s32 $0xFFFFF600  }
0x5d: {  	[spmem:s3] =	stream.linear.scatter [tilespmem:s23], [sflag:$0x10], $0xA00, $0x38;
	[tilespmem:$0x1A1D0] =	vst v63  }
0x5e: {  	_ =	swait.ge [sflag:s28], $0xA00  }
0x5f: {  	s5 =	sld [smem:$0x7F1]  }
0x60: {  	[sflag:s28] =	ssyncset.done $0x0  }
0x61: {  	[sflag:s28] =	ssyncadd.s32 $0xFFFFF600  }
0x62: {  	[spmem:s5] =	stream.linear.scatter [tilespmem:s23], [sflag:$0x10], $0xA00, $0x38;
	[tilespmem:$0x1A1D0] =	vst v63  }
0x63: {  	_ =	swait.ge [sflag:s28], $0xA00  }
0x64: {  	s10 =	sld [smem:$0x7F2]  }
0x65: {  	[sflag:s28] =	ssyncset.done $0x0  }
0x66: {  	[sflag:s28] =	ssyncadd.s32 $0xFFFFF600  }
0x67: {  	[spmem:s10] =	stream.linear.scatter [tilespmem:s23], [sflag:$0x10], $0xA00, $0x38;
	[tilespmem:$0x1A1D0] =	vst v63  }
0x68: {  	_ =	swait.ge [sflag:s28], $0xA00  }
0x69: {  	s11 =	sld [smem:$0x7F3]  }
0x6a: {  	[sflag:s28] =	ssyncset.done $0x0  }
0x6b: {  	[sflag:s28] =	ssyncadd.s32 $0xFFFFF600  }
0x6c: {  	[spmem:s11] =	stream.linear.scatter [tilespmem:s23], [sflag:$0x10], $0xA00, $0x38;
	[tilespmem:$0x1A1D0] =	vst v63  }
0x6d: {  	_ =	swait.ge [sflag:s28], $0xA00  }
0x6e: {  	s13 =	sld [smem:$0x7F4]  }
0x6f: {  	[sflag:s28] =	ssyncset.done $0x0  }
0x70: {  	[sflag:s28] =	ssyncadd.s32 $0xFFFFF600  }
0x71: {  	[spmem:s13] =	stream.linear.scatter [tilespmem:s23], [sflag:$0x10], $0xA00, $0x38;
	[tilespmem:$0x1A1D0] =	vst v63  }
0x72: {  	_ =	swait.ge [sflag:s28], $0xA00  }
0x73: {  	s14 =	sld [smem:$0x7F5]  }
0x74: {  	[sflag:s28] =	ssyncset.done $0x0  }
0x75: {  	[sflag:s28] =	ssyncadd.s32 $0xFFFFF600  }
0x76: {  	[spmem:s14] =	stream.linear.scatter [tilespmem:s23], [sflag:$0x10], $0xA00, $0x38;
	[tilespmem:$0x1A1D0] =	vst v63  }
0x77: {  	_ =	swait.ge [sflag:s28], $0xA00  }
0x78: {  	s20 =	sld [smem:$0x7F6]  }
0x79: {  	[sflag:s28] =	ssyncset.done $0x0  }
0x7a: {  	[sflag:s28] =	ssyncadd.s32 $0xFFFFF600  }
0x7b: {  	[spmem:s20] =	stream.linear.scatter [tilespmem:s23], [sflag:$0x10], $0xA00, $0x38;
	[tilespmem:$0x1A1D0] =	vst v63  }
0x7c: {  	_ =	swait.ge [sflag:s28], $0xA00  }
0x7d: {  	s24 =	sld [smem:$0x7F7]  }
0x7e: {  	[sflag:s28] =	ssyncset.done $0x0  }
0x7f: {  	[sflag:s28] =	ssyncadd.s32 $0xFFFFF600  }
0x80: {  	[spmem:s24] =	stream.linear.scatter [tilespmem:s23], [sflag:$0x10], $0xA00, $0x38;
	[tilespmem:$0x1A1D0] =	vst v63  }
0x81: {  	_ =	swait.ge [sflag:s28], $0xA00  }
0x82: {  	s3 =	sld [smem:$0x7F8]  }
0x83: {  	[sflag:s28] =	ssyncset.done $0x0  }
0x84: {  	[sflag:s28] =	ssyncadd.s32 $0xFFFFF600  }
0x85: {  	[spmem:s3] =	stream.linear.scatter [tilespmem:s23], [sflag:$0x10], $0xA00, $0x38;
	[tilespmem:$0x1A1D0] =	vst v63  }
0x86: {  	_ =	swait.ge [sflag:s28], $0xA00  }
0x87: {  	s5 =	sld [smem:$0x7F9]  }
0x88: {  	[sflag:s28] =	ssyncset.done $0x0  }
0x89: {  	[sflag:s28] =	ssyncadd.s32 $0xFFFFF600  }
0x8a: {  	[spmem:s5] =	stream.linear.scatter [tilespmem:s23], [sflag:$0x10], $0xA00, $0x38;
	[tilespmem:$0x1A1D0] =	vst v63  }
0x8b: {  	_ =	swait.ge [sflag:s28], $0xA00  }
0x8c: {  	s10 =	sld [smem:$0x7FA]  }
0x8d: {  	[sflag:s28] =	ssyncset.done $0x0  }
0x8e: {  	[sflag:s28] =	ssyncadd.s32 $0xFFFFF600  }
0x8f: {  	[spmem:s10] =	stream.linear.scatter [tilespmem:s23], [sflag:$0x10], $0xA00, $0x38;
	[tilespmem:$0x1A1D0] =	vst v63  }
0x90: {  	_ =	swait.ge [sflag:s28], $0xA00  }
0x91: {  	s11 =	sld [smem:$0x7FB]  }
0x92: {  	[sflag:s28] =	ssyncset.done $0x0  }
0x93: {  	[sflag:s28] =	ssyncadd.s32 $0xFFFFF600  }
0x94: {  	[spmem:s11] =	stream.linear.scatter [tilespmem:s23], [sflag:$0x10], $0xA00, $0x38;
	[tilespmem:$0x1A1D0] =	vst v63  }
0x95: {  	_ =	swait.ge [sflag:s28], $0xA00  }
0x96: {  	[sflag:s28] =	ssyncset.done $0x0  }
0x97: {  	[sflag:s28] =	ssyncadd.s32 $0xFFFFF600  }
0x98: {  	[bflag:$0x0] =	sbarrier.arrive $0xFFFF  }
0x99: {  	s15 =	simm.s32 $0x0;
	s5 =	simm.s32 $0xA000;
	s20 =	rddreg [dreg:$0x1a]  }
0x9a: {  	[tilespmem:s5], [sflag:$0x1] =	stream.linear.gather [hbm4b:s20+s15], $0xC8, $0x38;
	[tilespmem:$0x1A1D0] =	vst v63  }
0x9b: {  	s10 =	simm.s32 $0xA3E8;
	s13 =	rddreg [dreg:$0x1b]  }
0x9c: {  	[tilespmem:s10], [sflag:$0x1] =	stream.linear.gather [hbm4b:s13+s15], $0xC8, $0x38;
	[tilespmem:$0x1A1D0] =	vst v63  }
0x9d: {  	s24 =	simm.s32 $0xA0C8;
	s14 =	rddreg [dreg:$0xe]  }
0x9e: {  	[tilespmem:s24], [sflag:$0x2] =	stream.linear.gather [hbm4b:s14+s15], $0xC8, $0x38;
	[tilespmem:$0x1A1D0] =	vst v63  }
0x9f: {  	s3 =	rddreg [dreg:$0xf]  }
0xa0: {  	[tilespmem:s31], [sflag:$0x2] =	stream.linear.gather [hbm4b:s3+s15], $0xC8, $0x38;
	[tilespmem:$0x1A1D0] =	vst v63  }
0xa1: {  	_ =	swait.ge [sflag:s21], $0xC8  }
0xa2: {  	[sflag:s21] =	ssyncset.done $0x0  }
0xa3: {  	[sflag:s21] =	ssyncadd.s32 $0xFFFFFF38  }
0xa4: {  	_ =	swait.ge [sflag:s21], $0xC8  }
0xa5: {  	[sflag:s21] =	ssyncset.done $0x0  }
0xa6: {  	s5 =	simm.s32 $0xA000;
	[sflag:s21] =	ssyncadd.s32 $0xFFFFFF38  }
0xa7: {  	[tilespmem:s23], [sflag:$0x6] =	stream.indirect.gather [hbm4b:s29+s22], $0x40, s5, s22, $0xb8;
	[tilespmem:$0x1A1D0] =	vst v63  }
0xa8: {  	s5 =	rddreg [dreg:$0x10]  }
0xa9: {  	[tilespmem:s30], [sflag:$0x3] =	stream.linear.gather [hbm4b:s5+s15], $0xC8, $0x38;
	[tilespmem:$0x1A1D0] =	vst v63  }
0xaa: {  	s13 =	rddreg [dreg:$0x11]  }
0xab: {  	[tilespmem:s6], [sflag:$0x3] =	stream.linear.gather [hbm4b:s13+s15], $0xC8, $0x38;
	[tilespmem:$0x1A1D0] =	vst v63  }
0xac: {  	_ =	swait.ge [sflag:s26], $0xC8  }
0xad: {  	[sflag:s26] =	ssyncset.done $0x0  }
0xae: {  	[sflag:s26] =	ssyncadd.s32 $0xFFFFFF38  }
0xaf: {  	_ =	swait.ge [sflag:s26], $0xC8  }
0xb0: {  	s28 =	simm.s32 $0xA0C8;
	[sflag:s26] =	ssyncset.done $0x0  }
0xb1: {  	s24 =	simm.s32 $0xD9D0;
	s5 =	simm.s32 $0x6;
	[sflag:s26] =	ssyncadd.s32 $0xFFFFFF38  }
0xb2: {  	[tilespmem:s24], [sflag:$0x7] =	stream.indirect.gather [hbm4b:s29+s22], $0x40, s28, s22, $0xb8;
	[tilespmem:$0x1A1D0] =	vst v63  }
0xb3: {  	_ =	swait.ge [sflag:s5], $0x3200  }
0xb4: {  	[sflag:s5] =	ssyncset.done $0x0  }
0xb5: {  	s11 =	simm.s32 $0xA3E8;
	[sflag:s5] =	ssyncadd.s32 $0xFFFFCE00  }
0xb6: {  	[spmem:s1] =	stream.indirect.scatter.add.f32 [tilespmem:s23], [sflag:$0xB], $0x40, s11, s22, $0xb8;
	[tilespmem:$0x1A1D0] =	vst v63  }
0xb7: {  	s28 =	simm.s32 $0xA258;
	s14 =	rddreg [dreg:$0x12]  }
0xb8: {  	[tilespmem:s28], [sflag:$0x4] =	stream.linear.gather [hbm4b:s14+s15], $0xC8, $0x38;
	[tilespmem:$0x1A1D0] =	vst v63  }
0xb9: {  	s11 =	rddreg [dreg:$0x13]  }
0xba: {  	[tilespmem:s7], [sflag:$0x4] =	stream.linear.gather [hbm4b:s11+s15], $0xC8, $0x38;
	[tilespmem:$0x1A1D0] =	vst v63  }
0xbb: {  	_ =	swait.ge [sflag:s0], $0xC8  }
0xbc: {  	[sflag:s0] =	ssyncset.done $0x0  }
0xbd: {  	[sflag:s0] =	ssyncadd.s32 $0xFFFFFF38  }
0xbe: {  	_ =	swait.ge [sflag:s0], $0xC8  }
0xbf: {  	[sflag:s0] =	ssyncset.done $0x0  }
0xc0: {  	s10 =	simm.s32 $0x7;
	s28 =	simm.s32 $0x10BD0;
	[sflag:s0] =	ssyncadd.s32 $0xFFFFFF38  }
0xc1: {  	[tilespmem:s28], [sflag:$0x8] =	stream.indirect.gather [hbm4b:s29+s22], $0x40, s30, s22, $0xb8;
	[tilespmem:$0x1A1D0] =	vst v63  }
0xc2: {  	_ =	swait.ge [sflag:s10], $0x3200  }
0xc3: {  	[sflag:s10] =	ssyncset.done $0x0  }
0xc4: {  	[sflag:s10] =	ssyncadd.s32 $0xFFFFCE00  }
0xc5: {  	[spmem:s1] =	stream.indirect.scatter.add.f32 [tilespmem:s24], [sflag:$0xC], $0x40, s31, s22, $0xb8;
	[tilespmem:$0x1A1D0] =	vst v63  }
0xc6: {  	s7 =	simm.s32 $0xA320;
	s13 =	rddreg [dreg:$0x14]  }
0xc7: {  	[tilespmem:s7], [sflag:$0x5] =	stream.linear.gather [hbm4b:s13+s15], $0xC8, $0x38;
	[tilespmem:$0x1A1D0] =	vst v63  }
0xc8: {  	s11 =	rddreg [dreg:$0x15]  }
0xc9: {  	[tilespmem:s9], [sflag:$0x5] =	stream.linear.gather [hbm4b:s11+s15], $0xC8, $0x38;
	[tilespmem:$0x1A1D0] =	vst v63  }
0xca: {  	_ =	swait.ge [sflag:s8], $0xC8  }
0xcb: {  	[sflag:s8] =	ssyncset.done $0x0  }
0xcc: {  	[sflag:s8] =	ssyncadd.s32 $0xFFFFFF38  }
0xcd: {  	_ =	swait.ge [sflag:s8], $0xC8  }
0xce: {  	[sflag:s8] =	ssyncset.done $0x0  }
0xcf: {  	s14 =	simm.s32 $0xA258;
	s11 =	simm.s32 $0x8;
	[sflag:s8] =	ssyncadd.s32 $0xFFFFFF38  }
0xd0: {  	[tilespmem:s2], [sflag:$0x9] =	stream.indirect.gather [hbm4b:s29+s22], $0x40, s14, s22, $0xb8;
	[tilespmem:$0x1A1D0] =	vst v63  }
0xd1: {  	_ =	swait.ge [sflag:s11], $0x3200  }
0xd2: {  	[sflag:s11] =	ssyncset.done $0x0  }
0xd3: {  	s14 =	simm.s32 $0xB;
	[sflag:s11] =	ssyncadd.s32 $0xFFFFCE00  }
0xd4: {  	[spmem:s1] =	stream.indirect.scatter.add.f32 [tilespmem:s28], [sflag:$0xD], $0x40, s6, s22, $0xb8;
	[tilespmem:$0x1A1D0] =	vst v63  }
0xd5: {  	_ =	swait.ge [sflag:s14], $0x3200  }
0xd6: {  	[sflag:s14] =	ssyncset.done $0x0  }
0xd7: {  	s7 =	simm.s32 $0xA000;
	s2 =	rddreg [dreg:$0x16];
	[sflag:s14] =	ssyncadd.s32 $0xFFFFCE00  }
0xd8: {  	[tilespmem:s7], [sflag:$0x1] =	stream.linear.gather [hbm4b:s2+s15], $0xC8, $0x38;
	[tilespmem:$0x1A1D0] =	vst v63  }
0xd9: {  	s3 =	simm.s32 $0xA3E8;
	s2 =	rddreg [dreg:$0x17]  }
0xda: {  	[tilespmem:s3], [sflag:$0x1] =	stream.linear.gather [hbm4b:s2+s15], $0xC8, $0x38;
	[tilespmem:$0x1A1D0] =	vst v63  }
0xdb: {  	_ =	swait.ge [sflag:s12], $0xC8  }
0xdc: {  	[sflag:s12] =	ssyncset.done $0x0  }
0xdd: {  	[sflag:s12] =	ssyncadd.s32 $0xFFFFFF38  }
0xde: {  	_ =	swait.ge [sflag:s12], $0xC8  }
0xdf: {  	[sflag:s12] =	ssyncset.done $0x0  }
0xe0: {  	s13 =	simm.s32 $0xA320;
	s2 =	simm.s32 $0x16FD0;
	[sflag:s12] =	ssyncadd.s32 $0xFFFFFF38  }
0xe1: {  	[tilespmem:s2], [sflag:$0xA] =	stream.indirect.gather [hbm4b:s29+s22], $0x40, s13, s22, $0xb8;
	[tilespmem:$0x1A1D0] =	vst v63  }
0xe2: {  	s13 =	simm.s32 $0x9  }
0xe3: {  	_ =	swait.ge [sflag:s13], $0x3200  }
0xe4: {  	[sflag:s13] =	ssyncset.done $0x0  }
0xe5: {  	s9 =	simm.s32 $0xA640;
	s3 =	simm.s32 $0x13DD0;
	[sflag:s13] =	ssyncadd.s32 $0xFFFFCE00  }
0xe6: {  	[spmem:s1] =	stream.indirect.scatter.add.f32 [tilespmem:s3], [sflag:$0xE], $0x40, s9, s22, $0xb8;
	[tilespmem:$0x1A1D0] =	vst v63  }
0xe7: {  	_ =	swait.ge [sflag:s25], $0x3200  }
0xe8: {  	[sflag:s25] =	ssyncset.done $0x0  }
0xe9: {  	s9 =	simm.s32 $0xA0C8;
	s20 =	rddreg [dreg:$0x18];
	[sflag:s25] =	ssyncadd.s32 $0xFFFFCE00  }
0xea: {  	[tilespmem:s9], [sflag:$0x2] =	stream.linear.gather [hbm4b:s20+s15], $0xC8, $0x38;
	[tilespmem:$0x1A1D0] =	vst v63  }
0xeb: {  	s20 =	rddreg [dreg:$0x19]  }
0xec: {  	[tilespmem:s31], [sflag:$0x2] =	stream.linear.gather [hbm4b:s20+s15], $0xC8, $0x38;
	[tilespmem:$0x1A1D0] =	vst v63  }
0xed: {  	_ =	swait.ge [sflag:s21], $0xC8  }
0xee: {  	[sflag:s21] =	ssyncset.done $0x0  }
0xef: {  	[sflag:s21] =	ssyncadd.s32 $0xFFFFFF38  }
0xf0: {  	_ =	swait.ge [sflag:s21], $0xC8  }
0xf1: {  	[sflag:s21] =	ssyncset.done $0x0  }
0xf2: {  	[sflag:s21] =	ssyncadd.s32 $0xFFFFFF38  }
0xf3: {  	[tilespmem:s23], [sflag:$0x6] =	stream.indirect.gather [hbm4b:s29+s22], $0x40, s7, s22, $0xb8;
	[tilespmem:$0x1A1D0] =	vst v63  }
0xf4: {  	_ =	swait.ge [sflag:s16], $0x3200  }
0xf5: {  	[sflag:s16] =	ssyncset.done $0x0  }
0xf6: {  	s3 =	simm.s32 $0xA708;
	[sflag:s16] =	ssyncadd.s32 $0xFFFFCE00  }
0xf7: {  	[spmem:s1] =	stream.indirect.scatter.add.f32 [tilespmem:s2], [sflag:$0xF], $0x40, s3, s22, $0xb8;
	[tilespmem:$0x1A1D0] =	vst v63  }
0xf8: {  	_ =	swait.ge [sflag:s17], $0x3200  }
0xf9: {  	s3 =	rddreg [dreg:$0xd];
	[sflag:s17] =	ssyncset.done $0x0  }
0xfa: {  	s7 =	rddreg [dreg:$0xc];
	[sflag:s17] =	ssyncadd.s32 $0xFFFFCE00;
	s15 =	sadd.s32 $0x0, s3  }
0xfb: {  	[tilespmem:s30], [sflag:$0x3] =	stream.linear.gather [hbm4b:s15+s4], $0xC8, $0x38;
	[tilespmem:$0x1A1D0] =	vst v63  }
0xfc: {  	s17 =	sadd.s32 $0x0, s7  }
0xfd: {  	[tilespmem:s6], [sflag:$0x3] =	stream.linear.gather [hbm4b:s17+s4], $0xC8, $0x38;
	[tilespmem:$0x1A1D0] =	vst v63  }
0xfe: {  	_ =	swait.ge [sflag:s26], $0xC8  }
0xff: {  	[sflag:s26] =	ssyncset.done $0x0  }
0x100: {  	[sflag:s26] =	ssyncadd.s32 $0xFFFFFF38  }
0x101: {  	_ =	swait.ge [sflag:s26], $0xC8  }
0x102: {  	[sflag:s26] =	ssyncset.done $0x0  }
0x103: {  	[sflag:s26] =	ssyncadd.s32 $0xFFFFFF38  }
0x104: {  	[tilespmem:s24], [sflag:$0x7] =	stream.indirect.gather [hbm4b:s29+s22], $0x40, s9, s22, $0xb8;
	[tilespmem:$0x1A1D0] =	vst v63  }
0x105: {  	_ =	swait.ge [sflag:s5], $0x3200  }
0x106: {  	[sflag:s5] =	ssyncset.done $0x0  }
0x107: {  	s20 =	simm.s32 $0xA3E8;
	[sflag:s5] =	ssyncadd.s32 $0xFFFFCE00  }
0x108: {  	[spmem:s1] =	stream.indirect.scatter.add.f32 [tilespmem:s23], [sflag:$0xB], $0x40, s20, s22, $0xb8;
	[tilespmem:$0x1A1D0] =	vst v63  }
0x109: {  	_ =	swait.ge [sflag:s18], $0x3200  }
0x10a: {  	s7 =	rddreg [dreg:$0xb]  }
0x10b: {  	[sflag:s18] =	ssyncset.done $0x0;
	s9 =	rddreg [dreg:$0xa]  }
0x10c: {  	[sflag:s18] =	ssyncadd.s32 $0xFFFFCE00;
	s15 =	sadd.s32 $0x0, s7;
	s18 =	simm.s32 $0xA258  }
0x10d: {  	[tilespmem:s18], [sflag:$0x4] =	stream.linear.gather [hbm4b:s15+s4], $0xC8, $0x38;
	[tilespmem:$0x1A1D0] =	vst v63  }
0x10e: {  	s13 =	simm.s32 $0xA640;
	s20 =	sadd.s32 $0x0, s9  }
0x10f: {  	[tilespmem:s13], [sflag:$0x4] =	stream.linear.gather [hbm4b:s20+s4], $0xC8, $0x38;
	[tilespmem:$0x1A1D0] =	vst v63  }
0x110: {  	_ =	swait.ge [sflag:s0], $0xC8  }
0x111: {  	[sflag:s0] =	ssyncset.done $0x0  }
0x112: {  	[sflag:s0] =	ssyncadd.s32 $0xFFFFFF38  }
0x113: {  	_ =	swait.ge [sflag:s0], $0xC8  }
0x114: {  	[sflag:s0] =	ssyncset.done $0x0  }
0x115: {  	[sflag:s0] =	ssyncadd.s32 $0xFFFFFF38  }
0x116: {  	[tilespmem:s28], [sflag:$0x8] =	stream.indirect.gather [hbm4b:s29+s22], $0x40, s30, s22, $0xb8;
	[tilespmem:$0x1A1D0] =	vst v63  }
0x117: {  	_ =	swait.ge [sflag:s10], $0x3200  }
0x118: {  	[sflag:s10] =	ssyncset.done $0x0  }
0x119: {  	s13 =	smov.u32 s1;
	[sflag:s10] =	ssyncadd.s32 $0xFFFFCE00  }
0x11a: {  	[spmem:s13] =	stream.indirect.scatter.add.f32 [tilespmem:s24], [sflag:$0xC], $0x40, s31, s22, $0xb8;
	[tilespmem:$0x1A1D0] =	vst v63  }
0x11b: {  	_ =	swait.ge [sflag:s19], $0x3200  }
0x11c: {  	s9 =	simm.s32 $0xA320;
	s24 =	rddreg [dreg:$0x9];
	[sflag:s19] =	ssyncset.done $0x0  }
0x11d: {  	s30 =	rddreg [dreg:$0x8];
	[sflag:s19] =	ssyncadd.s32 $0xFFFFCE00;
	s15 =	sadd.s32 $0x0, s24  }
0x11e: {  	[tilespmem:s9], [sflag:$0x5] =	stream.linear.gather [hbm4b:s15+s4], $0xC8, $0x38;
	[tilespmem:$0x1A1D0] =	vst v63  }
0x11f: {  	s2 =	simm.s32 $0xA708;
	s24 =	sadd.s32 $0x0, s30  }
0x120: {  	[tilespmem:s2], [sflag:$0x5] =	stream.linear.gather [hbm4b:s24+s4], $0xC8, $0x38;
	[tilespmem:$0x1A1D0] =	vst v63  }
0x121: {  	_ =	swait.ge [sflag:s8], $0xC8  }
0x122: {  	[sflag:s8] =	ssyncset.done $0x0  }
0x123: {  	[sflag:s8] =	ssyncadd.s32 $0xFFFFFF38  }
0x124: {  	_ =	swait.ge [sflag:s8], $0xC8  }
0x125: {  	s3 =	smov.u32 s29;
	[sflag:s8] =	ssyncset.done $0x0  }
0x126: {  	s18 =	simm.s32 $0xA258;
	s30 =	simm.s32 $0x13DD0;
	[sflag:s8] =	ssyncadd.s32 $0xFFFFFF38  }
0x127: {  	[tilespmem:s30], [sflag:$0x9] =	stream.indirect.gather [hbm4b:s3+s22], $0x40, s18, s22, $0xb8;
	[tilespmem:$0x1A1D0] =	vst v63  }
0x128: {  	_ =	swait.ge [sflag:s11], $0x3200  }
0x129: {  	[sflag:s11] =	ssyncset.done $0x0  }
0x12a: {  	[sflag:s11] =	ssyncadd.s32 $0xFFFFCE00  }
0x12b: {  	[spmem:s13] =	stream.indirect.scatter.add.f32 [tilespmem:s28], [sflag:$0xD], $0x40, s6, s22, $0xb8;
	[tilespmem:$0x1A1D0] =	vst v63  }
0x12c: {  	_ =	swait.ge [sflag:s14], $0x3200  }
0x12d: {  	s18 =	simm.s32 $0xA000;
	s6 =	rddreg [dreg:$0x7];
	[sflag:s14] =	ssyncset.done $0x0  }
0x12e: {  	s11 =	rddreg [dreg:$0x6];
	[sflag:s14] =	ssyncadd.s32 $0xFFFFCE00;
	s15 =	sadd.s32 $0x0, s6  }
0x12f: {  	[tilespmem:s18], [sflag:$0x1] =	stream.linear.gather [hbm4b:s15+s4], $0xC8, $0x38;
	[tilespmem:$0x1A1D0] =	vst v63  }
0x130: {  	s17 =	simm.s32 $0xA3E8;
	s19 =	sadd.s32 $0x0, s11  }
0x131: {  	[tilespmem:s17], [sflag:$0x1] =	stream.linear.gather [hbm4b:s19+s4], $0xC8, $0x38;
	[tilespmem:$0x1A1D0] =	vst v63  }
0x132: {  	_ =	swait.ge [sflag:s12], $0xC8  }
0x133: {  	[sflag:s12] =	ssyncset.done $0x0  }
0x134: {  	[sflag:s12] =	ssyncadd.s32 $0xFFFFFF38  }
0x135: {  	_ =	swait.ge [sflag:s12], $0xC8  }
0x136: {  	[sflag:s12] =	ssyncset.done $0x0  }
0x137: {  	s1 =	simm.s32 $0x16FD0;
	s29 =	simm.s32 $0x9;
	[sflag:s12] =	ssyncadd.s32 $0xFFFFFF38  }
0x138: {  	[tilespmem:s1], [sflag:$0xA] =	stream.indirect.gather [hbm4b:s3+s22], $0x40, s9, s22, $0xb8;
	[tilespmem:$0x1A1D0] =	vst v63  }
0x139: {  	_ =	swait.ge [sflag:s29], $0x3200  }
0x13a: {  	[sflag:s29] =	ssyncset.done $0x0  }
0x13b: {  	s7 =	simm.s32 $0xA640;
	[sflag:s29] =	ssyncadd.s32 $0xFFFFCE00  }
0x13c: {  	[spmem:s13] =	stream.indirect.scatter.add.f32 [tilespmem:s30], [sflag:$0xE], $0x40, s7, s22, $0xb8;
	[tilespmem:$0x1A1D0] =	vst v63  }
0x13d: {  	_ =	swait.ge [sflag:s25], $0x3200  }
0x13e: {  	s28 =	simm.s32 $0xA0C8;
	s20 =	rddreg [dreg:$0x5];
	[sflag:s25] =	ssyncset.done $0x0  }
0x13f: {  	s24 =	rddreg [dreg:$0x4];
	[sflag:s25] =	ssyncadd.s32 $0xFFFFCE00;
	s15 =	sadd.s32 $0x0, s20  }
0x140: {  	[tilespmem:s28], [sflag:$0x2] =	stream.linear.gather [hbm4b:s15+s4], $0xC8, $0x38;
	[tilespmem:$0x1A1D0] =	vst v63  }
0x141: {  	s30 =	sadd.s32 $0x0, s24  }
0x142: {  	[tilespmem:s31], [sflag:$0x2] =	stream.linear.gather [hbm4b:s30+s4], $0xC8, $0x38;
	[tilespmem:$0x1A1D0] =	vst v63  }
0x143: {  	_ =	swait.ge [sflag:s21], $0xC8  }
0x144: {  	[sflag:s21] =	ssyncset.done $0x0  }
0x145: {  	[sflag:s21] =	ssyncadd.s32 $0xFFFFFF38  }
0x146: {  	_ =	swait.ge [sflag:s21], $0xC8  }
0x147: {  	[sflag:s21] =	ssyncset.done $0x0  }
0x148: {  	s6 =	simm.s32 $0xA190;
	[sflag:s21] =	ssyncadd.s32 $0xFFFFFF38  }
0x149: {  	[tilespmem:s23], [sflag:$0x6] =	stream.indirect.gather [hbm4b:s3+s22], $0x40, s18, s22, $0xb8;
	[tilespmem:$0x1A1D0] =	vst v63  }
0x14a: {  	s19 =	simm.s32 $0xE;
	s17 =	simm.s32 $0xA;
	_ =	swait.ge [sflag:s16], $0x3200  }
0x14b: {  	s9 =	simm.s32 $0xF;
	s29 =	smov.u32 s3;
	[sflag:s16] =	ssyncset.done $0x0  }
0x14c: {  	s15 =	simm.s32 $0x7D;
	s18 =	simm.s32 $0xD;
	[sflag:s16] =	ssyncadd.s32 $0xFFFFCE00  }
.LBB2_4:
0x14d: {  	s2 =	simm.s32 $0xA708;
	s7 =	simm.s32 $0x16FD0  }
0x14e: {  	[spmem:s13] =	stream.indirect.scatter.add.f32 [tilespmem:s7], [sflag:$0xF], $0x40, s2, s22, $0xb8;
	[tilespmem:$0x1A1D0] =	vst v63  }
0x14f: {  	_ =	swait.ge [sflag:s18], $0x3200  }
0x150: {  	s20 =	smov.u32 s15;
	s23 =	rddreg [dreg:$0xd];
	[sflag:s18] =	ssyncset.done $0x0  }
0x151: {  	s24 =	rddreg [dreg:$0xc];
	[sflag:s18] =	ssyncadd.s32 $0xFFFFCE00;
	s23 =	sadd.s32 s20, s23  }
0x152: {  	[tilespmem:s6], [sflag:$0x3] =	stream.linear.gather [hbm4b:s23+s4], $0xC8, $0x38;
	[tilespmem:$0x1A1D0] =	vst v63  }
0x153: {  	s14 =	simm.s32 $0xA578;
	s16 =	sadd.s32 s20, s24  }
0x154: {  	[tilespmem:s14], [sflag:$0x3] =	stream.linear.gather [hbm4b:s16+s4], $0xC8, $0x38;
	[tilespmem:$0x1A1D0] =	vst v63  }
0x155: {  	_ =	swait.ge [sflag:s26], $0xC8  }
0x156: {  	[sflag:s26] =	ssyncset.done $0x0  }
0x157: {  	[sflag:s26] =	ssyncadd.s32 $0xFFFFFF38  }
0x158: {  	_ =	swait.ge [sflag:s26], $0xC8  }
0x159: {  	[sflag:s26] =	ssyncset.done $0x0  }
0x15a: {  	s25 =	simm.s32 $0xD9D0;
	s1 =	simm.s32 $0xA0C8;
	[sflag:s26] =	ssyncadd.s32 $0xFFFFFF38  }
0x15b: {  	[tilespmem:s25], [sflag:$0x7] =	stream.indirect.gather [hbm4b:s29+s22], $0x40, s1, s22, $0xb8;
	[tilespmem:$0x1A1D0] =	vst v63  }
0x15c: {  	_ =	swait.ge [sflag:s5], $0x3200  }
0x15d: {  	[sflag:s5] =	ssyncset.done $0x0  }
0x15e: {  	s31 =	simm.s32 $0xA3E8;
	s28 =	simm.s32 $0xA7D0;
	[sflag:s5] =	ssyncadd.s32 $0xFFFFCE00  }
0x15f: {  	[spmem:s13] =	stream.indirect.scatter.add.f32 [tilespmem:s28], [sflag:$0xB], $0x40, s31, s22, $0xb8;
	[tilespmem:$0x1A1D0] =	vst v63  }
0x160: {  	_ =	swait.ge [sflag:s19], $0x3200  }
0x161: {  	s16 =	simm.s32 $0xA258;
	s24 =	rddreg [dreg:$0xb];
	[sflag:s19] =	ssyncset.done $0x0  }
0x162: {  	s11 =	rddreg [dreg:$0xa];
	[sflag:s19] =	ssyncadd.s32 $0xFFFFCE00;
	s23 =	sadd.s32 s20, s24  }
0x163: {  	[tilespmem:s16], [sflag:$0x4] =	stream.linear.gather [hbm4b:s23+s4], $0xC8, $0x38;
	[tilespmem:$0x1A1D0] =	vst v63  }
0x164: {  	s24 =	sadd.s32 s20, s11;
	s11 =	simm.s32 $0xA640  }
0x165: {  	[tilespmem:s11], [sflag:$0x4] =	stream.linear.gather [hbm4b:s24+s4], $0xC8, $0x38;
	[tilespmem:$0x1A1D0] =	vst v63  }
0x166: {  	_ =	swait.ge [sflag:s0], $0xC8  }
0x167: {  	[sflag:s0] =	ssyncset.done $0x0  }
0x168: {  	[sflag:s0] =	ssyncadd.s32 $0xFFFFFF38  }
0x169: {  	_ =	swait.ge [sflag:s0], $0xC8  }
0x16a: {  	[sflag:s0] =	ssyncset.done $0x0  }
0x16b: {  	s29 =	simm.s32 $0x10BD0;
	[sflag:s0] =	ssyncadd.s32 $0xFFFFFF38  }
0x16c: {  	[tilespmem:s29], [sflag:$0x8] =	stream.indirect.gather [hbm4b:s3+s22], $0x40, s6, s22, $0xb8;
	[tilespmem:$0x1A1D0] =	vst v63  }
0x16d: {  	_ =	swait.ge [sflag:s10], $0x3200  }
0x16e: {  	[sflag:s10] =	ssyncset.done $0x0  }
0x16f: {  	s31 =	simm.s32 $0xA4B0;
	[sflag:s10] =	ssyncadd.s32 $0xFFFFCE00  }
0x170: {  	[spmem:s13] =	stream.indirect.scatter.add.f32 [tilespmem:s25], [sflag:$0xC], $0x40, s31, s22, $0xb8;
	[tilespmem:$0x1A1D0] =	vst v63  }
0x171: {  	_ =	swait.ge [sflag:s9], $0x3200  }
0x172: {  	s25 =	rddreg [dreg:$0x9]  }
0x173: {  	[sflag:s9] =	ssyncset.done $0x0;
	s24 =	rddreg [dreg:$0x8]  }
0x174: {  	[sflag:s9] =	ssyncadd.s32 $0xFFFFCE00;
	s23 =	sadd.s32 s20, s25;
	s25 =	simm.s32 $0xA320  }
0x175: {  	[tilespmem:s25], [sflag:$0x5] =	stream.linear.gather [hbm4b:s23+s4], $0xC8, $0x38;
	[tilespmem:$0x1A1D0] =	vst v63  }
0x176: {  	s24 =	sadd.s32 s20, s24  }
0x177: {  	[tilespmem:s2], [sflag:$0x5] =	stream.linear.gather [hbm4b:s24+s4], $0xC8, $0x38;
	[tilespmem:$0x1A1D0] =	vst v63  }
0x178: {  	_ =	swait.ge [sflag:s8], $0xC8  }
0x179: {  	[sflag:s8] =	ssyncset.done $0x0  }
0x17a: {  	[sflag:s8] =	ssyncadd.s32 $0xFFFFFF38  }
0x17b: {  	_ =	swait.ge [sflag:s8], $0xC8  }
0x17c: {  	[sflag:s8] =	ssyncset.done $0x0  }
0x17d: {  	s2 =	simm.s32 $0x13DD0;
	s24 =	simm.s32 $0x8;
	[sflag:s8] =	ssyncadd.s32 $0xFFFFFF38  }
0x17e: {  	[tilespmem:s2], [sflag:$0x9] =	stream.indirect.gather [hbm4b:s3+s22], $0x40, s16, s22, $0xb8;
	[tilespmem:$0x1A1D0] =	vst v63  }
0x17f: {  	_ =	swait.ge [sflag:s24], $0x3200  }
0x180: {  	[sflag:s24] =	ssyncset.done $0x0  }
0x181: {  	s23 =	simm.s32 $0xB;
	[sflag:s24] =	ssyncadd.s32 $0xFFFFCE00  }
0x182: {  	[spmem:s13] =	stream.indirect.scatter.add.f32 [tilespmem:s29], [sflag:$0xD], $0x40, s14, s22, $0xb8;
	[tilespmem:$0x1A1D0] =	vst v63  }
0x183: {  	_ =	swait.ge [sflag:s23], $0x3200  }
0x184: {  	s30 =	simm.s32 $0xA000;
	s24 =	rddreg [dreg:$0x7];
	[sflag:s23] =	ssyncset.done $0x0  }
0x185: {  	s16 =	rddreg [dreg:$0x6];
	[sflag:s23] =	ssyncadd.s32 $0xFFFFCE00;
	s23 =	sadd.s32 s20, s24  }
0x186: {  	[tilespmem:s30], [sflag:$0x1] =	stream.linear.gather [hbm4b:s23+s4], $0xC8, $0x38;
	[tilespmem:$0x1A1D0] =	vst v63  }
0x187: {  	s28 =	simm.s32 $0xA3E8;
	s24 =	sadd.s32 s20, s16  }
0x188: {  	[tilespmem:s28], [sflag:$0x1] =	stream.linear.gather [hbm4b:s24+s4], $0xC8, $0x38;
	[tilespmem:$0x1A1D0] =	vst v63  }
0x189: {  	_ =	swait.ge [sflag:s12], $0xC8  }
0x18a: {  	[sflag:s12] =	ssyncset.done $0x0  }
0x18b: {  	[sflag:s12] =	ssyncadd.s32 $0xFFFFFF38  }
0x18c: {  	_ =	swait.ge [sflag:s12], $0xC8  }
0x18d: {  	[sflag:s12] =	ssyncset.done $0x0  }
0x18e: {  	s30 =	simm.s32 $0x9;
	[sflag:s12] =	ssyncadd.s32 $0xFFFFFF38  }
0x18f: {  	[tilespmem:s7], [sflag:$0xA] =	stream.indirect.gather [hbm4b:s3+s22], $0x40, s25, s22, $0xb8;
	[tilespmem:$0x1A1D0] =	vst v63  }
0x190: {  	_ =	swait.ge [sflag:s30], $0x3200  }
0x191: {  	[sflag:s30] =	ssyncset.done $0x0  }
0x192: {  	s25 =	simm.s32 $0xC;
	[sflag:s30] =	ssyncadd.s32 $0xFFFFCE00  }
0x193: {  	[spmem:s13] =	stream.indirect.scatter.add.f32 [tilespmem:s2], [sflag:$0xE], $0x40, s11, s22, $0xb8;
	[tilespmem:$0x1A1D0] =	vst v63  }
0x194: {  	_ =	swait.ge [sflag:s25], $0x3200  }
0x195: {  	s7 =	rddreg [dreg:$0x5];
	[sflag:s25] =	ssyncset.done $0x0  }
0x196: {  	s11 =	rddreg [dreg:$0x4];
	[sflag:s25] =	ssyncadd.s32 $0xFFFFCE00;
	s23 =	sadd.s32 s20, s7  }
0x197: {  	[tilespmem:s1], [sflag:$0x2] =	stream.linear.gather [hbm4b:s23+s4], $0xC8, $0x38;
	[tilespmem:$0x1A1D0] =	vst v63  }
0x198: {  	s20 =	sadd.s32 s20, s11  }
0x199: {  	[tilespmem:s31], [sflag:$0x2] =	stream.linear.gather [hbm4b:s20+s4], $0xC8, $0x38;
	[tilespmem:$0x1A1D0] =	vst v63  }
0x19a: {  	_ =	swait.ge [sflag:s21], $0xC8  }
0x19b: {  	[sflag:s21] =	ssyncset.done $0x0  }
0x19c: {  	[sflag:s21] =	ssyncadd.s32 $0xFFFFFF38  }
0x19d: {  	_ =	swait.ge [sflag:s21], $0xC8  }
0x19e: {  	p0 =	sne.s32 s15, $0x36B;
	s14 =	simm.s32 $0xA000;
	[sflag:s21] =	ssyncset.done $0x0  }
.Ltmp1:
0x19f: {  	s23 =	simm.s32 $0xA7D0;
	[sflag:s21] =	ssyncadd.s32 $0xFFFFFF38;
	(pc) =	sbr.rel @p0 .LBB2_4-.Ltmp1, $4  }
0x1a0: {  	[tilespmem:s23], [sflag:$0x6] =	stream.indirect.gather [hbm4b:s3+s22], $0x40, s14, s22, $0xb8;
	[tilespmem:$0x1A1D0] =	vst v63  }
0x1a1: {  	_ =	swait.ge [sflag:s17], $0x3200  }
0x1a2: {  	s15 =	sadd.s32 $0x7D, s15;
	[sflag:s17] =	ssyncset.done $0x0  }
0x1a3: {  	s29 =	smov.u32 s3;
	s16 =	simm.s32 $0xA0C8;
	[sflag:s17] =	ssyncadd.s32 $0xFFFFCE00  }
0x1a4: {  	s1 =	simm.s32 $0xA708;
	s2 =	simm.s32 $0x16FD0  }
0x1a5: {  	[spmem:s13] =	stream.indirect.scatter.add.f32 [tilespmem:s2], [sflag:$0xF], $0x40, s1, s22, $0xb8;
	[tilespmem:$0x1A1D0] =	vst v63  }
0x1a6: {  	_ =	swait.ge [sflag:s18], $0x3200  }
0x1a7: {  	[sflag:s18] =	ssyncset.done $0x0  }
0x1a8: {  	s15 =	rddreg [dreg:$0x1c];
	[sflag:s18] =	ssyncadd.s32 $0xFFFFCE00  }
0x1a9: {  	[tilespmem:s6], [sflag:$0x3] =	stream.linear.gather [hbm4b:s15+s4], $0xC8, $0x38;
	[tilespmem:$0x1A1D0] =	vst v63  }
0x1aa: {  	s11 =	simm.s32 $0xA578;
	s14 =	rddreg [dreg:$0x1d]  }
0x1ab: {  	[tilespmem:s11], [sflag:$0x3] =	stream.linear.gather [hbm4b:s14+s4], $0xC8, $0x38;
	[tilespmem:$0x1A1D0] =	vst v63  }
0x1ac: {  	_ =	swait.ge [sflag:s26], $0xC8  }
0x1ad: {  	[sflag:s26] =	ssyncset.done $0x0  }
0x1ae: {  	[sflag:s26] =	ssyncadd.s32 $0xFFFFFF38  }
0x1af: {  	_ =	swait.ge [sflag:s26], $0xC8  }
0x1b0: {  	[sflag:s26] =	ssyncset.done $0x0  }
0x1b1: {  	s24 =	simm.s32 $0xD9D0;
	[sflag:s26] =	ssyncadd.s32 $0xFFFFFF38  }
0x1b2: {  	[tilespmem:s24], [sflag:$0x7] =	stream.indirect.gather [hbm4b:s29+s22], $0x40, s16, s22, $0xb8;
	[tilespmem:$0x1A1D0] =	vst v63  }
0x1b3: {  	_ =	swait.ge [sflag:s5], $0x3200  }
0x1b4: {  	[sflag:s5] =	ssyncset.done $0x0  }
0x1b5: {  	[sflag:s5] =	ssyncadd.s32 $0xFFFFCE00  }
0x1b6: {  	[spmem:s13] =	stream.indirect.scatter.add.f32 [tilespmem:s23], [sflag:$0xB], $0x40, s28, s22, $0xb8;
	[tilespmem:$0x1A1D0] =	vst v63  }
0x1b7: {  	_ =	swait.ge [sflag:s19], $0x3200  }
0x1b8: {  	[sflag:s19] =	ssyncset.done $0x0  }
0x1b9: {  	s23 =	simm.s32 $0xA258;
	s20 =	rddreg [dreg:$0x1e];
	[sflag:s19] =	ssyncadd.s32 $0xFFFFCE00  }
0x1ba: {  	[tilespmem:s23], [sflag:$0x4] =	stream.linear.gather [hbm4b:s20+s4], $0xC8, $0x38;
	[tilespmem:$0x1A1D0] =	vst v63  }
0x1bb: {  	s7 =	simm.s32 $0xA640;
	s5 =	rddreg [dreg:$0x1f]  }
0x1bc: {  	[tilespmem:s7], [sflag:$0x4] =	stream.linear.gather [hbm4b:s5+s4], $0xC8, $0x38;
	[tilespmem:$0x1A1D0] =	vst v63  }
0x1bd: {  	_ =	swait.ge [sflag:s0], $0xC8  }
0x1be: {  	[sflag:s0] =	ssyncset.done $0x0  }
0x1bf: {  	[sflag:s0] =	ssyncadd.s32 $0xFFFFFF38  }
0x1c0: {  	_ =	swait.ge [sflag:s0], $0xC8  }
0x1c1: {  	[sflag:s0] =	ssyncset.done $0x0  }
0x1c2: {  	s20 =	simm.s32 $0x10BD0;
	[sflag:s0] =	ssyncadd.s32 $0xFFFFFF38  }
0x1c3: {  	[tilespmem:s20], [sflag:$0x8] =	stream.indirect.gather [hbm4b:s29+s22], $0x40, s6, s22, $0xb8;
	[tilespmem:$0x1A1D0] =	vst v63  }
0x1c4: {  	_ =	swait.ge [sflag:s10], $0x3200  }
0x1c5: {  	[sflag:s10] =	ssyncset.done $0x0  }
0x1c6: {  	[sflag:s10] =	ssyncadd.s32 $0xFFFFCE00  }
0x1c7: {  	[spmem:s13] =	stream.indirect.scatter.add.f32 [tilespmem:s24], [sflag:$0xC], $0x40, s31, s22, $0xb8;
	[tilespmem:$0x1A1D0] =	vst v63  }
0x1c8: {  	_ =	swait.ge [sflag:s9], $0x3200  }
0x1c9: {  	s6 =	sld [smem:$0x7EA]  }
0x1ca: {  	[sflag:s9] =	ssyncset.done $0x0  }
0x1cb: {  	s10 =	simm.s32 $0xA320;
	s14 =	sld [smem:$0x7EB];
	[sflag:s9] =	ssyncadd.s32 $0xFFFFCE00  }
0x1cc: {  	[tilespmem:s10], [sflag:$0x5] =	stream.linear.gather [hbm4b:s6+s4], $0xC8, $0x38;
	[tilespmem:$0x1A1D0] =	vst v63  }
0x1cd: {  	_ = 	snop  }
0x1ce: {  	[tilespmem:s1], [sflag:$0x5] =	stream.linear.gather [hbm4b:s14+s4], $0xC8, $0x38;
	[tilespmem:$0x1A1D0] =	vst v63  }
0x1cf: {  	_ =	swait.ge [sflag:s8], $0xC8  }
0x1d0: {  	[sflag:s8] =	ssyncset.done $0x0  }
0x1d1: {  	[sflag:s8] =	ssyncadd.s32 $0xFFFFFF38  }
0x1d2: {  	_ =	swait.ge [sflag:s8], $0xC8  }
0x1d3: {  	[sflag:s8] =	ssyncset.done $0x0  }
0x1d4: {  	s3 =	simm.s32 $0x13DD0;
	s15 =	simm.s32 $0x8;
	[sflag:s8] =	ssyncadd.s32 $0xFFFFFF38  }
0x1d5: {  	[tilespmem:s3], [sflag:$0x9] =	stream.indirect.gather [hbm4b:s29+s22], $0x40, s23, s22, $0xb8;
	[tilespmem:$0x1A1D0] =	vst v63  }
0x1d6: {  	_ =	swait.ge [sflag:s15], $0x3200  }
0x1d7: {  	[sflag:s15] =	ssyncset.done $0x0  }
0x1d8: {  	s16 =	simm.s32 $0xB;
	[sflag:s15] =	ssyncadd.s32 $0xFFFFCE00  }
0x1d9: {  	[spmem:s13] =	stream.indirect.scatter.add.f32 [tilespmem:s20], [sflag:$0xD], $0x40, s11, s22, $0xb8;
	[tilespmem:$0x1A1D0] =	vst v63  }
0x1da: {  	_ =	swait.ge [sflag:s16], $0x3200  }
0x1db: {  	[sflag:s16] =	ssyncset.done $0x0  }
0x1dc: {  	[sflag:s16] =	ssyncadd.s32 $0xFFFFCE00  }
0x1dd: {  	_ =	swait.ge [sflag:s12], $0xC8  }
0x1de: {  	[sflag:s12] =	ssyncset.done $0x0  }
0x1df: {  	[sflag:s12] =	ssyncadd.s32 $0xFFFFFF38  }
0x1e0: {  	_ =	swait.ge [sflag:s12], $0xC8  }
0x1e1: {  	[sflag:s12] =	ssyncset.done $0x0  }
0x1e2: {  	[sflag:s12] =	ssyncadd.s32 $0xFFFFFF38  }
0x1e3: {  	[tilespmem:s2], [sflag:$0xA] =	stream.indirect.gather [hbm4b:s29+s22], $0x40, s10, s22, $0xb8;
	[tilespmem:$0x1A1D0] =	vst v63  }
0x1e4: {  	_ =	swait.ge [sflag:s30], $0x3200  }
0x1e5: {  	[sflag:s30] =	ssyncset.done $0x0  }
0x1e6: {  	[sflag:s30] =	ssyncadd.s32 $0xFFFFCE00  }
0x1e7: {  	[spmem:s13] =	stream.indirect.scatter.add.f32 [tilespmem:s3], [sflag:$0xE], $0x40, s7, s22, $0xb8;
	[tilespmem:$0x1A1D0] =	vst v63  }
0x1e8: {  	_ =	swait.ge [sflag:s25], $0x3200  }
0x1e9: {  	[sflag:s25] =	ssyncset.done $0x0  }
0x1ea: {  	[sflag:s25] =	ssyncadd.s32 $0xFFFFCE00  }
0x1eb: {  	_ =	swait.ge [sflag:s17], $0x3200  }
0x1ec: {  	[sflag:s17] =	ssyncset.done $0x0  }
0x1ed: {  	[sflag:s17] =	ssyncadd.s32 $0xFFFFCE00  }
0x1ee: {  	[spmem:s13] =	stream.indirect.scatter.add.f32 [tilespmem:s2], [sflag:$0xF], $0x40, s1, s22, $0xb8;
	[tilespmem:$0x1A1D0] =	vst v63  }
0x1ef: {  	_ =	swait.ge [sflag:s18], $0x3200  }
0x1f0: {  	[sflag:s18] =	ssyncset.done $0x0  }
0x1f1: {  	[sflag:s18] =	ssyncadd.s32 $0xFFFFCE00  }
0x1f2: {  	_ =	swait.ge [sflag:s19], $0x3200  }
0x1f3: {  	[sflag:s19] =	ssyncset.done $0x0  }
0x1f4: {  	[sflag:s19] =	ssyncadd.s32 $0xFFFFCE00  }
0x1f5: {  	_ =	swait.ge [sflag:s9], $0x3200  }
0x1f6: {  	[sflag:s9] =	ssyncset.done $0x0  }
0x1f7: {  	[sflag:s9] =	ssyncadd.s32 $0xFFFFCE00  }
0x1f8: {  	[bflag:$0x0] =	sbarrier.arrive $0xFFFF  }
0x1f9: {  	s18 =	sld [smem:$0x7EC]  }
0x1fa: {  	s17 =	stileid.u32;
	s19 =	sld [smem:$0x7FC]  }
0x1fb: {  	s15 =	sshll.u32 s17, $0x6  }
0x1fc: {  	s28 =	simm.s32 $0x10;
	s15 =	sor.u32 $0x1C10, s15;
	s20 =	sshrl.u32 s18, $0x3  }
0x1fd: {  	[hbm:s19], [sflag:s15] =	dma.local [spmem:s20], $0x1400  }
0x1fe: {  	_ =	swait.ge [sflag:s28], $0x1400  }
0x1ff: {  	s23 =	sld [smem:$0x7E9]  }
0x200: {  	s24 =	sld [smem:$0x7FD];
	_ =	sdelay $0x1  }
0x201: {  	s5 =	sadd.s32 $0x1, s23  }
0x202: {  	p0 =	sne.s32 s5, s24  }
.Ltmp2:
0x203: {  	_ = 	snop;
	(pc) =	sbr.rel @p0 .LBB2_1-.Ltmp2, $4  }
0x204: {  	s6 =	simm.s32 $0xA578;
	s16 =	simm.s32 $0xA;
	s30 =	simm.s32 $0xA190  }
0x205: {  	s7 =	simm.s32 $0xA640;
	s2 =	simm.s32 $0x13DD0;
	s17 =	simm.s32 $0xD  }
0x206: {  	s1 =	smov.u32 s13;
	s9 =	simm.s32 $0xA708;
	[sflag:s28] =	ssyncset.done $0x0  }
0x207: {  	s18 =	simm.s32 $0xE;
	s19 =	simm.s32 $0xF;
	[sflag:s28] =	ssyncadd.s32 $0xFFFFEC00  }
0x208: {  	_ =	sfence.sel $0x180000  }
0x209: {  	[bflag:$0x0] =	sbarrier.arrive $0xFFFF  }
0x20a: {  	_ =	strace $0x9000004A  }
0x20b: {  	s0 =	stileid.u32;
	[bflag:$0x2] =	sbarrier.arrive $0xFFFF  }
0x20c: {  	p0 =	sne.s32 s0, $0x0;
	s0 =	rddreg [dreg:$0x3]  }
0x20d: {  	s0 =	sadd.s32 @!p0 $0x100000, s0  }
0x20e: {  	[sflag:s0] =	ssyncadd.tile.s32 @!p0 $0x1;
	_ =	shalt  }
.Lfunc_end2:
_tile_overlayer_lowered:
.L_overlay_start_2:
0x20f: {  	(tag) =	ssettag $0x2  }
0x210: {  	s0 =	rddreg [dreg:$0x0];
	s2 =	stileid.u32  }
0x211: {  	s1 =	rddreg [dreg:$0x1];
	p0 =	sne.s32 s2, $0x0  }
0x212: {  	s3 =	rddreg [dreg:$0x2];
	[bflag:$0x3] =	sbarrier.arrive $0xFFFF;
	s2 =	simm.s32 @!p0 $0x1C10  }
0x213: {  	[timem:s3], [sflag:s2] =	dma.local @!p0 [hbm:s0], s1  }
0x214: {  	s0 =	simm.s32 @!p0 $0x10  }
0x215: {  	_ =	swait.ge @!p0 [sflag:s0], s1  }
0x216: {  	s1 =	ssub.s32 @!p0 $0x0, s1;
	[sflag:s0] =	ssyncset.done @!p0 $0x0  }
0x217: {  	[sflag:s0] =	ssyncadd.s32 @!p0 s1  }
0x218: {  	[bflag:$0x3] =	sbarrier.arrive $0xFFFF  }
0x219: {  	_ =	shalt  }

// kernel: kernel.7.cloned.1.call-start
scs
__scs_entry_jumppad:
0x0: {  	(pc) =	sbr.rel $0x88, $3  }
0x1: {  	(tag) =	ssettag $0x0;
	lr =	simm.s32 $0x1  }
0x2: {  	[smem:$0x3F99] =	sst lr;
	_ =	strace $0xD0000000  }
0x3: {  	_ = 	snop  }
0x4: {  	_ = 	snop  }
0x5: {  	_ = 	snop  }
0x6: {  	_ = 	snop  }
0x7: {  	_ = 	snop  }
__scs_overlays_trampoline_lowered:
0x8: {  	[smem:$0x3FA8] =	sst s0  }
0x9: {  	[smem:$0x3FA9] =	sst s1  }
0xa: {  	[smem:$0x3FAA] =	sst s2  }
0xb: {  	[smem:$0x3FAB] =	sst s3  }
0xc: {  	[smem:$0x3FAC] =	sst s4  }
0xd: {  	[smem:$0x3FAD] =	sst s5  }
0xe: {  	[smem:$0x3FAE] =	sst s6  }
0xf: {  	[smem:$0x3FAF] =	sst s7  }
0x10: {  	[smem:$0x3FB0] =	sst s8  }
0x11: {  	[smem:$0x3FB1] =	sst s9;
	s0 =	simm.s32 @!p0 $0x0  }
0x12: {  	s1 =	sld [smem:$0x3F97];
	s0 =	simm.s32 @p0 $0x1  }
0x13: {  	[smem:$0x3FB2] =	sst s0;
	s0 =	simm.s32 @!p1 $0x0  }
0x14: {  	s2 =	sld [smem:$0x3F96];
	s0 =	simm.s32 @p1 $0x1  }
0x15: {  	[smem:$0x3FB3] =	sst s0;
	s0 =	simm.s32 @!p2 $0x0  }
0x16: {  	s3 =	sld [smem:$0x3FDB];
	s0 =	simm.s32 @p2 $0x1  }
0x17: {  	s4 =	simm.s32 $0x1BF5;
	[smem:$0x3FB5] =	sst s0  }
0x18: {  	s0 =	sld [smem:$0x3F98];
	_ =	swait.ge [sflag:s4], $0x0  }
0x19: {  	s7 =	sld [smem:$0x3F99]  }
0x1a: {  	s8 =	sadd.s32 $0xFFFFE003, lr  }
0x1b: {  	s9 =	sadd.s32 $0xFFFFFEF7, lr;
	s5 =	simm.s32 $0xFFFFFFFF;
	p2 =	slt.u32 s8, $0xFFFFF086  }
0x1c: {  	p1 =	slt.u32 s9, $0xF7A;
	s5 =	simm.s32 @!p2 $0x0  }
0x1d: {  	s5 =	simm.s32 @p1 $0x1;
	p0 =	seq.s32 s7, s2  }
0x1e: {  	s7 =	smul.u32 @!p0 $0xF7A, s2;
	p2 =	seq.s32 @!p0 s5, $0x0  }
0x1f: {  	s9 =	smul.u32 $0xF7A, s1;
	s8 =	simm.s32 @!p0 $0x1BF5;
	p2 =	por !p2, p0  }
0x20: {  	[sflag:s8] =	ssyncset.s32 @!p0 $0xFFFFF086;
	s6 =	sadd.s32 @!p0 s3, s7;
	s7 =	simm.s32 @!p0 $0x108  }
0x21: {  	s3 =	sadd.s32 s3, s9;
	s6 =	sadd.s32 @!p0 $0x88, s6;
	s7 =	simm.s32 @p2 $0x1082  }
0x22: {  	[simem:s7], [sflag:s8] =	dma.local @!p0 [hbm:s6], $0xF7A  }
0x23: {  	s9 =	sor.u32 $0xD0000000, s2;
	s6 =	simm.s32 $0x108;
	_ =	swait.ge @!p0 [sflag:s8], $0x0  }
0x24: {  	s3 =	sadd.s32 $0x88, s3;
	s6 =	simm.s32 @!p1 $0x1082;
	[sflag:s4] =	ssyncset.s32 $0xFFFFF086  }
0x25: {  	[simem:s6], [sflag:s4] =	dma.local [hbm:s3], $0xF7A  }
0x26: {  	[smem:$0x3F99] =	sst s1;
	(tag) =	ssettag s2;
	_ =	strace s9  }
0x27: {  	s1 =	sld [smem:$0x3FA9]  }
0x28: {  	s2 =	sld [smem:$0x3FAA]  }
0x29: {  	s4 =	sld [smem:$0x3FAC]  }
0x2a: {  	p0 =	seq.s32 s5, $0x0;
	s5 =	sld [smem:$0x3FAD]  }
0x2b: {  	s6 =	sld [smem:$0x3FAE]  }
0x2c: {  	s7 =	sld [smem:$0x3FAF]  }
0x2d: {  	s3 =	simm.s32 $0x108;
	s8 =	sld [smem:$0x3FB0]  }
0x2e: {  	s3 =	simm.s32 @!p0 $0x1082;
	s9 =	sld [smem:$0x3FB1]  }
0x2f: {  	lr =	sadd.s32 s0, s3;
	s0 =	sld [smem:$0x3FA8]  }
0x30: {  	s3 =	sld [smem:$0x3FAB]  }
0x31: {  	[smem:$0x3FB4] =	sst s10  }
0x32: {  	s10 =	sld [smem:$0x3FB2];
	_ =	sdelay $0x3  }
0x33: {  	p0 =	seq.s32 s10, $0x1;
	s10 =	sld [smem:$0x3FB4];
	_ =	sdelay $0x3  }
0x34: {  	[smem:$0x3FB4] =	sst s10  }
0x35: {  	s10 =	sld [smem:$0x3FB3];
	_ =	sdelay $0x3  }
0x36: {  	p1 =	seq.s32 s10, $0x1;
	s10 =	sld [smem:$0x3FB4];
	_ =	sdelay $0x3  }
0x37: {  	[smem:$0x3FB4] =	sst s10  }
0x38: {  	s10 =	sld [smem:$0x3FB5]  }
0x39: {  	_ = 	snop;
	(pc) =	sbr.ind lr, $3  }
0x3a: {  	_ = 	snop  }
0x3b: {  	_ = 	snop  }
0x3c: {  	p2 =	seq.s32 s10, $0x1;
	s10 =	sld [smem:$0x3FB4]  }
0x3d: {  	_ =	shalt  }
0x3e: {  	_ =	shalt  }
0x3f: {  	_ =	shalt  }
0x40: {  	_ =	shalt  }
0x41: {  	_ =	shalt  }
0x42: {  	_ =	shalt  }
0x43: {  	_ =	shalt  }
0x44: {  	_ =	shalt  }
0x45: {  	_ =	shalt  }
0x46: {  	_ =	shalt  }
0x47: {  	_ =	shalt  }
0x48: {  	_ =	shalt  }
0x49: {  	_ =	shalt  }
0x4a: {  	_ =	shalt  }
0x4b: {  	_ =	shalt  }
0x4c: {  	_ =	shalt  }
0x4d: {  	_ =	shalt  }
0x4e: {  	_ =	shalt  }
0x4f: {  	_ =	shalt  }
0x50: {  	_ =	shalt  }
0x51: {  	_ =	shalt  }
0x52: {  	_ =	shalt  }
0x53: {  	_ =	shalt  }
0x54: {  	_ =	shalt  }
0x55: {  	_ =	shalt  }
0x56: {  	_ =	shalt  }
0x57: {  	_ =	shalt  }
0x58: {  	_ =	shalt  }
0x59: {  	_ =	shalt  }
0x5a: {  	_ =	shalt  }
0x5b: {  	_ =	shalt  }
0x5c: {  	_ =	shalt  }
0x5d: {  	_ =	shalt  }
0x5e: {  	_ =	shalt  }
0x5f: {  	_ =	shalt  }
0x60: {  	_ =	shalt  }
0x61: {  	_ =	shalt  }
0x62: {  	_ =	shalt  }
0x63: {  	_ =	shalt  }
0x64: {  	_ =	shalt  }
0x65: {  	_ =	shalt  }
0x66: {  	_ =	shalt  }
0x67: {  	_ =	shalt  }
0x68: {  	_ =	shalt  }
0x69: {  	_ =	shalt  }
0x6a: {  	_ =	shalt  }
0x6b: {  	_ =	shalt  }
0x6c: {  	_ =	shalt  }
0x6d: {  	_ =	shalt  }
0x6e: {  	_ =	shalt  }
0x6f: {  	_ =	shalt  }
0x70: {  	_ =	shalt  }
0x71: {  	_ =	shalt  }
0x72: {  	_ =	shalt  }
0x73: {  	_ =	shalt  }
0x74: {  	_ =	shalt  }
0x75: {  	_ =	shalt  }
0x76: {  	_ =	shalt  }
0x77: {  	_ =	shalt  }
0x78: {  	_ =	shalt  }
0x79: {  	_ =	shalt  }
0x7a: {  	_ =	shalt  }
0x7b: {  	_ =	shalt  }
0x7c: {  	_ =	shalt  }
0x7d: {  	_ =	shalt  }
0x7e: {  	_ =	shalt  }
0x7f: {  	_ =	shalt  }
0x80: {  	_ =	shalt  }
0x81: {  	_ =	shalt  }
0x82: {  	_ =	shalt  }
0x83: {  	_ =	shalt  }
0x84: {  	_ =	shalt  }
0x85: {  	_ =	shalt  }
0x86: {  	_ =	shalt  }
0x87: {  	_ =	shalt  }
.Lfunc_end0:
.L_simem_size_0:
called_computation_lowered:
.L_overlay_start_0:
0x88: {  	s2 =	sld [smem:$0x3FD9]  }
0x89: {  	s3 =	sld [smem:$0x3FFE];
	_ =	sdelay $0x1  }
0x8a: {  	s1 =	srdreg.scid  }
0x8b: {  	s0 =	sand.u32 $0x1, s1  }
0x8c: {  	s17 =	sshll.u32 s0, $0xA;
	s2 =	sadd.s32 s3, s2  }
0x8d: {  	s2 =	sadd.s32 s2, s17  }
0x8e: {  	[smem:$0x3FC0] =	sst s2  }
0x8f: {  	_ = 	snop  }
0x90: {  	s2 =	sld [smem:$0x3FD0];
	(tm) =	ssettm $0x1  }
0x91: {  	s18 =	sld [smem:$0x3FFB];
	_ =	sdelay $0x3  }
0x92: {  	_ =	strace s18  }
0x93: {  	s3 =	sld [smem:$0x3FFC];
	_ =	sdelay $0x3  }
0x94: {  	_ =	strace s3  }
0x95: {  	s3 =	sld [smem:$0x3FFD];
	_ =	sdelay $0x3  }
0x96: {  	_ =	strace s3  }
0x97: {  	_ =	strace $0x8FFFFFFF  }
0x98: {  	s19 =	sld [smem:$0x3FDB];
	_ =	sdelay $0x1  }
0x99: {  	s4 =	simm.s32 $_scs_section_size  }
0x9a: {  	s5 =	simm.s32 $_size__tile_overlayer_lowered;
	s6 =	simm.s32 $_tile_overlayer_lowered  }
0x9b: {  	s22 =	simm.s32 $0x1BFF;
	s21 =	sshll.u32 s6, $0x1;
	s3 =	sadd.s32 s4, s19  }
0x9c: {  	s7 =	simm.s32 $0x0;
	s20 =	sshll.u32 s5, $0x1;
	s5 =	sadd.s32 s21, s3  }
0x9d: {  	[timem:s7], [sflag:s22] =	dma.local [hbm:s5], s20  }
0x9e: {  	_ =	swait.ge [sflag:s22], s20  }
0x9f: {  	s4 =	ssub.s32 $0x0, s20;
	[sflag:s22] =	ssyncset.done $0x0  }
0xa0: {  	[sflag:s22] =	ssyncadd.s32 s4;
	_ =	sdelay $0x1  }
0xa1: {  	s23 =	simm.s32 $0x1B8B  }
0xa2: {  	_ =	swait.ge [sflag:s23], $0x1  }
0xa3: {  	[sflag:s23] =	ssyncset.done $0x0  }
0xa4: {  	s25 =	simm.s32 $0x1B8E;
	s24 =	sld [smem:$0x3FFE];
	[sflag:s23] =	ssyncadd.s32 $0xFFFFFFFF  }
0xa5: {  	s26 =	simm.s32 $execute0_lowered;
	[smem:$0x3FD2] =	sst s25  }
0xa6: {  	s5 =	sshll.u32 s26, $0x1;
	_ =	strace $0x80000046;
	[dreg:$0x1] =	wrdreg $0xFFFFFFFF  }
0xa7: {  	s28 =	simm.s32 $_size_execute0_lowered;
	s3 =	sadd.s32 s3, s5;
	[dreg:$0x0] =	wrdreg $0x0  }
0xa8: {  	s5 =	sshll.u32 s28, $0x1;
	[dreg:$0x2] =	wrdreg s3  }
0xa9: {  	[dreg:$0x3] =	wrdreg s5  }
0xaa: {  	[dreg:$0x4] =	wrdreg $0xC0  }
0xab: {  	_ =	task [dreg:s7], $0x5FFFF  }
0xac: {  	[dreg:$0x1] =	wrdreg $0xFFFFFFFF  }
0xad: {  	[dreg:$0x0] =	wrdreg $0x60  }
0xae: {  	[dreg:$0x2] =	wrdreg s24  }
0xaf: {  	[dreg:$0x3] =	wrdreg s2  }
0xb0: {  	[dreg:$0x4] =	wrdreg $0x0  }
0xb1: {  	[dreg:$0x5] =	wrdreg $0x1A1D00  }
0xb2: {  	[dreg:$0x6] =	wrdreg $0x9  }
0xb3: {  	_ =	task.clear_ibuf [dreg:s7], $0x7FFFF;
	_ =	strace $0x90000046  }
0xb4: {  	s29 =	simm.s32 $0x9;
	_ =	strace $0x80000048  }
0xb5: {  	_ =	swait.ge [sflag:s29], $0x1  }
0xb6: {  	[sflag:s29] =	ssyncadd.s32 $0xFFFFFFFF  }
0xb7: {  	_ =	strace $0x90000048  }
0xb8: {  	_ =	sfence  }
0xb9: {  	s30 =	sld [smem:$0x0];
	_ =	sdelay $0x2  }
0xba: {  	s31 =	sshll.u32 s1, $0xD;
	s1 =	sshrl.u32 s1, $0x2  }
0xbb: {  	s3 =	sand.u32 $0x4000, s31;
	s1 =	sadd.s32 s1, s30  }
0xbc: {  	s0 =	sor.u32 s3, s0;
	s1 =	sshll.u32 s1, $0x11  }
0xbd: {  	s0 =	sor.u32 s1, s0  }
0xbe: {  	s0 =	sadd.s32 $0x8F2B, s0  }
0xbf: {  	[sflag:s0] =	ssyncadd.remote.s32 $0x1  }
0xc0: {  	_ =	sfence.sel $0xFFFF  }
0xc1: {  	[dreg:$0x0] =	wrdreg $0xFFFFFFFF;
	(pc) =	sbr.abs _section_cstart, $3  }
0xc2: {  	[dreg:$0x1] =	wrdreg $0xFFFFFFFF  }
0xc3: {  	_ =	task.clear_ibuf [dreg:s7], $0x2FFFF;
	_ =	strace $0x9FFFFFFF  }
0xc4: {  	(tm) =	ssettm $0x7FFFFFFF  }
0xc5: {  	_ =	shalt  }
tec
execute0_lowered:
.L_overlay_start_1:
0x0: {  	(tag) =	ssettag $0x1  }
0x1: {  	s2 =	rddreg [dreg:$0x0]  }
0x2: {  	s7 =	rddreg [dreg:$0x1]  }
0x3: {  	s3 =	rddreg [dreg:$0x2]  }
0x4: {  	s0 =	srdreg.scid;
	s17 =	stileid.u32  }
0x5: {  	s22 =	rddreg [dreg:$0x3];
	s9 =	smul.u32 $0xA000, s17  }
0x6: {  	s4 =	simm.s32 $0x0;
	s8 =	sand.u32 $0x1, s0;
	s11 =	smul.u32 $0x4E20, s17  }
0x7: {  	[smem:$0x7FF] =	sst s4;
	s10 =	sadd.s32 $0xB400, s2;
	s0 =	smul.u32 $0x13880, s8  }
0x8: {  	s12 =	sadd.s32 $0x1600, s2;
	s5 =	smul.u32 $0xA0000, s8;
	s6 =	ssub.s32 $0x2, s8  }
0x9: {  	_ =	strace $0x80000047;
	s8 =	smul.u32 $0x2800, s8;
	s13 =	sshrl.u32 s6, $0x1  }
0xa: {  	s21 =	sadd.s32 $0xC8, s11;
	s14 =	sshrl.u32 s11, $0x3;
	s23 =	sadd.s32 $0x258, s11  }
0xb: {  	s0 =	sadd.s32 s0, s2;
	s5 =	sadd.s32 s9, s5;
	s24 =	sadd.s32 $0x32, s14  }
0xc: {  	s26 =	sadd.s32 $0x64, s14;
	s5 =	sshrl.u32 s5, $0x3;
	s16 =	sadd.s32 s10, s24  }
0xd: {  	s1 =	sadd.s32 s10, s26;
	s20 =	sadd.s32 s12, s26;
	[dreg:$0x9] =	wrdreg s16  }
0xe: {  	s2 =	sadd.s32 s5, s2;
	s5 =	ssub.s32 s6, s13;
	[dreg:$0xd] =	wrdreg s1  }
0xf: {  	s13 =	sshrl.u32 s21, $0x3;
	[dreg:$0xf] =	wrdreg s20;
	s20 =	sadd.s32 s12, s14  }
0x10: {  	s18 =	sadd.s32 $0x3E8, s11;
	s15 =	sadd.s32 s10, s13;
	[dreg:$0x17] =	wrdreg s20  }
0x11: {  	s16 =	smul.u32 $0x9C4, s17;
	s13 =	sadd.s32 s12, s13;
	[dreg:$0x7] =	wrdreg s15  }
0x12: {  	s6 =	smul.u32 $0x280, s17;
	[dreg:$0x8] =	wrdreg s13;
	s15 =	sadd.s32 s12, s24  }
0x13: {  	s21 =	sshrl.u32 s18, $0x3;
	s19 =	sadd.s32 s16, s12;
	[dreg:$0xa] =	wrdreg s15  }
0x14: {  	s13 =	sshrl.u32 s23, $0x3;
	s23 =	sadd.s32 s10, s21;
	[dreg:$0x5] =	wrdreg s19  }
0x15: {  	s8 =	sadd.s32 s6, s8;
	s6 =	sadd.s32 s6, s22;
	[dreg:$0x10] =	wrdreg s23  }
0x16: {  	s25 =	sadd.s32 s10, s13;
	[smem:$0x7FB] =	sst s6  }
0x17: {  	s24 =	sadd.s32 $0x96, s14;
	s13 =	sadd.s32 s12, s13;
	[dreg:$0xb] =	wrdreg s25  }
0x18: {  	s1 =	sadd.s32 s10, s24;
	[dreg:$0xc] =	wrdreg s13  }
0x19: {  	s8 =	sshrl.u32 s8, $0x3;
	s19 =	sadd.s32 s10, s14;
	[dreg:$0x12] =	wrdreg s1  }
0x1a: {  	s7 =	sadd.s32 s7, s8;
	[dreg:$0x16] =	wrdreg s19  }
0x1b: {  	s8 =	sadd.s32 s12, s21;
	[dreg:$0xe] =	wrdreg s7  }
0x1c: {  	s21 =	sadd.s32 $0x992, s14;
	s14 =	sadd.s32 s9, s3;
	[dreg:$0x11] =	wrdreg s8  }
0x1d: {  	s7 =	sadd.s32 s12, s24;
	[dreg:$0x1c] =	wrdreg s14  }
0x1e: {  	s25 =	sadd.s32 $0x4BC8, s11;
	s24 =	sadd.s32 s10, s21;
	[dreg:$0x13] =	wrdreg s7  }
0x1f: {  	s26 =	sshrl.u32 s25, $0x3;
	s8 =	sadd.s32 s12, s21;
	[dreg:$0x18] =	wrdreg s24  }
0x20: {  	s18 =	sadd.s32 $0x4D58, s11;
	s13 =	sadd.s32 s10, s26;
	[dreg:$0x19] =	wrdreg s8  }
0x21: {  	s23 =	smul.u32 $0x28000, s17;
	s15 =	sadd.s32 s12, s26;
	[dreg:$0x14] =	wrdreg s13  }
0x22: {  	s7 =	sshrl.u32 s18, $0x3;
	s26 =	sadd.s32 s16, s10;
	[dreg:$0x15] =	wrdreg s15  }
0x23: {  	s1 =	sshrl.u32 s23, $0x2;
	s25 =	sadd.s32 s12, s7;
	[dreg:$0x6] =	wrdreg s26  }
0x24: {  	s9 =	sadd.s32 s1, s3;
	s7 =	sadd.s32 s10, s7;
	[dreg:$0x1a] =	wrdreg s25  }
0x25: {  	s8 =	sadd.s32 $0xA00, s9;
	[dreg:$0x1b] =	wrdreg s7  }
0x26: {  	s10 =	sadd.s32 $0x1400, s9;
	[dreg:$0x1d] =	wrdreg s8  }
0x27: {  	s11 =	sadd.s32 $0x1E00, s9;
	[dreg:$0x1e] =	wrdreg s10  }
0x28: {  	s12 =	sadd.s32 $0x2800, s9;
	[dreg:$0x1f] =	wrdreg s11  }
0x29: {  	s13 =	sadd.s32 $0x3200, s9;
	[smem:$0x7EF] =	sst s12  }
0x2a: {  	s15 =	sadd.s32 $0x3C00, s9;
	[smem:$0x7F0] =	sst s13  }
0x2b: {  	s16 =	sadd.s32 $0x4600, s9;
	[smem:$0x7F1] =	sst s15  }
0x2c: {  	s17 =	sadd.s32 $0x5000, s9;
	[smem:$0x7F2] =	sst s16  }
0x2d: {  	s29 =	simm.s32 $0xA4B0;
	s18 =	sadd.s32 $0x5A00, s9;
	[smem:$0x7F3] =	sst s17  }
0x2e: {  	s30 =	simm.s32 $0x2;
	s19 =	sadd.s32 $0x6400, s9;
	[smem:$0x7F4] =	sst s18  }
0x2f: {  	s28 =	simm.s32 $0xE;
	s20 =	sadd.s32 $0x6E00, s9;
	[smem:$0x7F5] =	sst s19  }
0x30: {  	s31 =	simm.s32 $0xF;
	s21 =	sadd.s32 $0x7800, s9;
	[smem:$0x7F6] =	sst s20  }
0x31: {  	s6 =	simm.s32 $0x13DD0;
	s23 =	sadd.s32 $0x8200, s9;
	[smem:$0x7F7] =	sst s21  }
0x32: {  	s24 =	sadd.s32 $0x8C00, s9;
	s26 =	smax.u32 s5, $0x1;
	[smem:$0x7F8] =	sst s23  }
0x33: {  	[smem:$0x7F9] =	sst s24;
	s7 =	sadd.s32 $0x9600, s9;
	s15 =	sadd.s32 $0x15200, s0  }
0x34: {  	s25 =	sadd.s32 $0x3C400, s2;
	[smem:$0x7FD] =	sst s26;
	s21 =	simm.s32 $0x10  }
0x35: {  	s24 =	simm.s32 $0x1;
	s2 =	simm.s32 $0x1A6D0;
	s12 =	simm.s32 $0x4  }
0x36: {  	s17 =	simm.s32 $0xB;
	s26 =	simm.s32 $0x5;
	s20 =	simm.s32 $0xC  }
0x37: {  	s18 =	simm.s32 $0xD;
	s0 =	simm.s32 $0x0;
	[smem:$0x7FA] =	sst s7  }
0x38: {  	v0 =	vimm.f32 $0.0e+00;
	v1 =	vimm.f32 $1.000000000e+00;
	[smem:$0x7FC] =	sst s25;
	s25 =	simm.s32 $0xC8;
	s7 =	simm.s32 $0x3  }
.LBB2_1:
0x39: {  	s5 =	sand.u32 $0x3F00, s4  }
0x3a: {  	[smem:$0x7EE] =	sst s0;
	s8 =	sand.u32 $0x30, s4;
	s10 =	sshrl.u32 s5, $0x2  }
0x3b: {  	s5 =	simm.s32 $0x40;
	s10 =	sor.u32 s8, s10;
	s8 =	simm.s32 $0x0  }
.LBB2_2:
0x3c: {  	p0 =	sne.s32 s5, $0x27C0  }
0x3d: {  	[tilespmem:s10+$0xA7D0] =	vst v0;
	s8 =	sadd.s32 $0x10, s8;
	s10 =	smov.u32 s5;
	s5 =	sadd.s32 $0x40, s5  }
.Ltmp0:
0x3e: {  	(pc) =	sbr.rel @p0 .LBB2_2-.Ltmp0, $4  }
0x3f: {  	_ = 	snop  }
0x40: {  	s10 =	sand.u32 $0x3F00, s10  }
0x41: {  	s13 =	sand.u32 $0x30, s8;
	s10 =	sshrl.u32 s10, $0x2  }
0x42: {  	s10 =	sor.u32 s13, s10  }
0x43: {  	[tilespmem:s10+$0xA7D0] =	vst v0;
	s13 =	simm.s32 $0xA7D0  }
0x44: {  	[spmem:s14] =	stream.linear.scatter [tilespmem:s13], [sflag:$0x10], $0xA00, $0x38;
	[tilespmem:$0x1A798] =	vst v63  }
0x45: {  	_ =	swait.ge [sflag:s21], $0xA00  }
0x46: {  	[sflag:s21] =	ssyncset.done $0x0  }
0x47: {  	s5 =	rddreg [dreg:$0x1d];
	[sflag:s21] =	ssyncadd.s32 $0xFFFFF600  }
0x48: {  	[spmem:s5] =	stream.linear.scatter [tilespmem:s13], [sflag:$0x10], $0xA00, $0x38;
	[tilespmem:$0x1A798] =	vst v63  }
0x49: {  	_ =	swait.ge [sflag:s21], $0xA00  }
0x4a: {  	[sflag:s21] =	ssyncset.done $0x0  }
0x4b: {  	s1 =	rddreg [dreg:$0x1e];
	[sflag:s21] =	ssyncadd.s32 $0xFFFFF600  }
0x4c: {  	[spmem:s1] =	stream.linear.scatter [tilespmem:s13], [sflag:$0x10], $0xA00, $0x38;
	[tilespmem:$0x1A798] =	vst v63  }
0x4d: {  	_ =	swait.ge [sflag:s21], $0xA00  }
0x4e: {  	[sflag:s21] =	ssyncset.done $0x0  }
0x4f: {  	s8 =	rddreg [dreg:$0x1f];
	[sflag:s21] =	ssyncadd.s32 $0xFFFFF600  }
0x50: {  	[spmem:s8] =	stream.linear.scatter [tilespmem:s13], [sflag:$0x10], $0xA00, $0x38;
	[tilespmem:$0x1A798] =	vst v63  }
0x51: {  	_ =	swait.ge [sflag:s21], $0xA00  }
0x52: {  	s9 =	sld [smem:$0x7EF]  }
0x53: {  	[sflag:s21] =	ssyncset.done $0x0  }
0x54: {  	[sflag:s21] =	ssyncadd.s32 $0xFFFFF600  }
0x55: {  	[spmem:s9] =	stream.linear.scatter [tilespmem:s13], [sflag:$0x10], $0xA00, $0x38;
	[tilespmem:$0x1A798] =	vst v63  }
0x56: {  	_ =	swait.ge [sflag:s21], $0xA00  }
0x57: {  	s10 =	sld [smem:$0x7F0]  }
0x58: {  	[sflag:s21] =	ssyncset.done $0x0  }
0x59: {  	[sflag:s21] =	ssyncadd.s32 $0xFFFFF600  }
0x5a: {  	[spmem:s10] =	stream.linear.scatter [tilespmem:s13], [sflag:$0x10], $0xA00, $0x38;
	[tilespmem:$0x1A798] =	vst v63  }
0x5b: {  	_ =	swait.ge [sflag:s21], $0xA00  }
0x5c: {  	s11 =	sld [smem:$0x7F1]  }
0x5d: {  	[sflag:s21] =	ssyncset.done $0x0  }
0x5e: {  	[sflag:s21] =	ssyncadd.s32 $0xFFFFF600  }
0x5f: {  	[spmem:s11] =	stream.linear.scatter [tilespmem:s13], [sflag:$0x10], $0xA00, $0x38;
	[tilespmem:$0x1A798] =	vst v63  }
0x60: {  	_ =	swait.ge [sflag:s21], $0xA00  }
0x61: {  	s14 =	sld [smem:$0x7F2]  }
0x62: {  	[sflag:s21] =	ssyncset.done $0x0  }
0x63: {  	[sflag:s21] =	ssyncadd.s32 $0xFFFFF600  }
0x64: {  	[spmem:s14] =	stream.linear.scatter [tilespmem:s13], [sflag:$0x10], $0xA00, $0x38;
	[tilespmem:$0x1A798] =	vst v63  }
0x65: {  	_ =	swait.ge [sflag:s21], $0xA00  }
0x66: {  	s16 =	sld [smem:$0x7F3]  }
0x67: {  	[sflag:s21] =	ssyncset.done $0x0  }
0x68: {  	[sflag:s21] =	ssyncadd.s32 $0xFFFFF600  }
0x69: {  	[spmem:s16] =	stream.linear.scatter [tilespmem:s13], [sflag:$0x10], $0xA00, $0x38;
	[tilespmem:$0x1A798] =	vst v63  }
0x6a: {  	_ =	swait.ge [sflag:s21], $0xA00  }
0x6b: {  	s19 =	sld [smem:$0x7F4]  }
0x6c: {  	[sflag:s21] =	ssyncset.done $0x0  }
0x6d: {  	[sflag:s21] =	ssyncadd.s32 $0xFFFFF600  }
0x6e: {  	[spmem:s19] =	stream.linear.scatter [tilespmem:s13], [sflag:$0x10], $0xA00, $0x38;
	[tilespmem:$0x1A798] =	vst v63  }
0x6f: {  	_ =	swait.ge [sflag:s21], $0xA00  }
0x70: {  	s23 =	sld [smem:$0x7F5]  }
0x71: {  	[sflag:s21] =	ssyncset.done $0x0  }
0x72: {  	[sflag:s21] =	ssyncadd.s32 $0xFFFFF600  }
0x73: {  	[spmem:s23] =	stream.linear.scatter [tilespmem:s13], [sflag:$0x10], $0xA00, $0x38;
	[tilespmem:$0x1A798] =	vst v63  }
0x74: {  	_ =	swait.ge [sflag:s21], $0xA00  }
0x75: {  	s0 =	sld [smem:$0x7F6]  }
0x76: {  	[sflag:s21] =	ssyncset.done $0x0  }
0x77: {  	[sflag:s21] =	ssyncadd.s32 $0xFFFFF600  }
0x78: {  	[spmem:s0] =	stream.linear.scatter [tilespmem:s13], [sflag:$0x10], $0xA00, $0x38;
	[tilespmem:$0x1A798] =	vst v63  }
0x79: {  	_ =	swait.ge [sflag:s21], $0xA00  }
0x7a: {  	s1 =	sld [smem:$0x7F7]  }
0x7b: {  	[sflag:s21] =	ssyncset.done $0x0  }
0x7c: {  	[sflag:s21] =	ssyncadd.s32 $0xFFFFF600  }
0x7d: {  	[spmem:s1] =	stream.linear.scatter [tilespmem:s13], [sflag:$0x10], $0xA00, $0x38;
	[tilespmem:$0x1A798] =	vst v63  }
0x7e: {  	_ =	swait.ge [sflag:s21], $0xA00  }
0x7f: {  	s8 =	sld [smem:$0x7F8]  }
0x80: {  	[sflag:s21] =	ssyncset.done $0x0  }
0x81: {  	[sflag:s21] =	ssyncadd.s32 $0xFFFFF600  }
0x82: {  	[spmem:s8] =	stream.linear.scatter [tilespmem:s13], [sflag:$0x10], $0xA00, $0x38;
	[tilespmem:$0x1A798] =	vst v63  }
0x83: {  	_ =	swait.ge [sflag:s21], $0xA00  }
0x84: {  	s9 =	sld [smem:$0x7F9]  }
0x85: {  	[sflag:s21] =	ssyncset.done $0x0  }
0x86: {  	[sflag:s21] =	ssyncadd.s32 $0xFFFFF600  }
0x87: {  	[spmem:s9] =	stream.linear.scatter [tilespmem:s13], [sflag:$0x10], $0xA00, $0x38;
	[tilespmem:$0x1A798] =	vst v63  }
0x88: {  	_ =	swait.ge [sflag:s21], $0xA00  }
0x89: {  	s10 =	sld [smem:$0x7FA]  }
0x8a: {  	[sflag:s21] =	ssyncset.done $0x0  }
0x8b: {  	[sflag:s21] =	ssyncadd.s32 $0xFFFFF600  }
0x8c: {  	[spmem:s10] =	stream.linear.scatter [tilespmem:s13], [sflag:$0x10], $0xA00, $0x38;
	[tilespmem:$0x1A798] =	vst v63  }
0x8d: {  	_ =	swait.ge [sflag:s21], $0xA00  }
0x8e: {  	[sflag:s21] =	ssyncset.done $0x0  }
0x8f: {  	[sflag:s21] =	ssyncadd.s32 $0xFFFFF600  }
0x90: {  	[tilespmem:$0x1A450] =	vst v0  }
0x91: {  	[tilespmem:$0x1A460] =	vst v0  }
0x92: {  	[tilespmem:$0x1A470] =	vst v0  }
0x93: {  	[tilespmem:$0x1A480] =	vst v0  }
0x94: {  	[tilespmem:$0x1A490] =	vst v0  }
0x95: {  	[tilespmem:$0x1A4A0] =	vst v0  }
0x96: {  	[tilespmem:$0x1A4B0] =	vst v0  }
0x97: {  	[tilespmem:$0x1A4C0] =	vst v0  }
0x98: {  	[tilespmem:$0x1A4D0] =	vst v0  }
0x99: {  	[tilespmem:$0x1A4E0] =	vst v0  }
0x9a: {  	[tilespmem:$0x1A4F0] =	vst v0  }
0x9b: {  	[tilespmem:$0x1A500] =	vst v0  }
0x9c: {  	[tilespmem:$0x1A510] =	vst v0  }
0x9d: {  	[tilespmem:$0x1A520] =	vst v0  }
0x9e: {  	[tilespmem:$0x1A530] =	vst v0  }
0x9f: {  	[tilespmem:$0x1A540] =	vst v0  }
0xa0: {  	[tilespmem:$0x1A550] =	vst v0  }
0xa1: {  	[tilespmem:$0x1A560] =	vst v0  }
0xa2: {  	[tilespmem:$0x1A570] =	vst v0  }
0xa3: {  	[tilespmem:$0x1A580] =	vst v0  }
0xa4: {  	[tilespmem:$0x1A590] =	vst v0  }
0xa5: {  	[tilespmem:$0x1A5A0] =	vst v0  }
0xa6: {  	[tilespmem:$0x1A5B0] =	vst v0  }
0xa7: {  	[tilespmem:$0x1A5C0] =	vst v0  }
0xa8: {  	[tilespmem:$0x1A5D0] =	vst v0  }
0xa9: {  	[tilespmem:$0x1A5E0] =	vst v0  }
0xaa: {  	[tilespmem:$0x1A5F0] =	vst v0  }
0xab: {  	[tilespmem:$0x1A600] =	vst v0  }
0xac: {  	[tilespmem:$0x1A610] =	vst v0  }
0xad: {  	[tilespmem:$0x1A620] =	vst v0  }
0xae: {  	[tilespmem:$0x1A630] =	vst v0  }
0xaf: {  	[tilespmem:$0x1A640] =	vst v0  }
0xb0: {  	[tilespmem:$0x1A650] =	vst v0  }
0xb1: {  	[tilespmem:$0x1A660] =	vst v0  }
0xb2: {  	[tilespmem:$0x1A670] =	vst v0  }
0xb3: {  	[tilespmem:$0x1A680] =	vst v0  }
0xb4: {  	[tilespmem:$0x1A690] =	vst v0  }
0xb5: {  	s11 =	sld [smem:$0x7FB];
	[tilespmem:$0x1A6A0] =	vst v0  }
0xb6: {  	[tilespmem:$0x1A6B0] =	vst v0  }
0xb7: {  	s8 =	simm.s32 $0x1A450;
	[tilespmem:$0x1A6C0] =	vst v0  }
0xb8: {  	[spmem:s11] =	stream.linear.scatter [tilespmem:s8], [sflag:$0x10], $0x280, $0x38;
	[tilespmem:$0x1A798] =	vst v63  }
0xb9: {  	_ =	swait.ge [sflag:s21], $0x280  }
0xba: {  	[sflag:s21] =	ssyncset.done $0x0  }
0xbb: {  	[sflag:s21] =	ssyncadd.s32 $0xFFFFFD80  }
0xbc: {  	[tilespmem:$0x1A6D0] =	vst v1  }
0xbd: {  	[tilespmem:$0x1A6E0] =	vst v1  }
0xbe: {  	[tilespmem:$0x1A6F0] =	vst v1  }
0xbf: {  	[tilespmem:$0x1A700] =	vst v1  }
0xc0: {  	[tilespmem:$0x1A710] =	vst v1  }
0xc1: {  	[tilespmem:$0x1A720] =	vst v1  }
0xc2: {  	[tilespmem:$0x1A730] =	vst v1  }
0xc3: {  	[tilespmem:$0x1A740] =	vst v1  }
0xc4: {  	[tilespmem:$0x1A750] =	vst v1  }
0xc5: {  	[tilespmem:$0x1A760] =	vst v1  }
0xc6: {  	[tilespmem:$0x1A770] =	vst v1  }
0xc7: {  	[tilespmem:$0x1A780] =	vst v1  }
0xc8: {  	[tilespmem:$0x1A788] =	vst v1  }
0xc9: {  	[bflag:$0x0] =	sbarrier.arrive $0xFFFF  }
0xca: {  	s5 =	simm.s32 $0x0;
	s0 =	simm.s32 $0xA000;
	s14 =	rddreg [dreg:$0x16]  }
0xcb: {  	[tilespmem:s0], [sflag:$0x1] =	stream.linear.gather [hbm4b:s14+s5], $0xC8, $0x38;
	[tilespmem:$0x1A798] =	vst v63  }
0xcc: {  	s21 =	simm.s32 $0xA3E8;
	s19 =	rddreg [dreg:$0x17]  }
0xcd: {  	[tilespmem:s21], [sflag:$0x1] =	stream.linear.gather [hbm4b:s19+s5], $0xC8, $0x38;
	[tilespmem:$0x1A798] =	vst v63  }
0xce: {  	s1 =	simm.s32 $0xA0C8;
	s23 =	rddreg [dreg:$0x7]  }
0xcf: {  	[tilespmem:s1], [sflag:$0x2] =	stream.linear.gather [hbm4b:s23+s5], $0xC8, $0x38;
	[tilespmem:$0x1A798] =	vst v63  }
0xd0: {  	s9 =	rddreg [dreg:$0x8]  }
0xd1: {  	[tilespmem:s29], [sflag:$0x2] =	stream.linear.gather [hbm4b:s9+s5], $0xC8, $0x38;
	[tilespmem:$0x1A798] =	vst v63  }
0xd2: {  	_ =	swait.ge [sflag:s24], $0xC8  }
0xd3: {  	[sflag:s24] =	ssyncset.done $0x0  }
0xd4: {  	[sflag:s24] =	ssyncadd.s32 $0xFFFFFF38  }
0xd5: {  	_ =	swait.ge [sflag:s24], $0xC8  }
0xd6: {  	[sflag:s24] =	ssyncset.done $0x0  }
0xd7: {  	s16 =	simm.s32 $0xA000;
	[sflag:s24] =	ssyncadd.s32 $0xFFFFFF38  }
0xd8: {  	[tilespmem:s13], [sflag:$0x6] =	stream.indirect.gather [hbm4b:s15+s25], $0x40, s16, s25, $0xb8;
	[tilespmem:$0x1A798] =	vst v63  }
0xd9: {  	s14 =	simm.s32 $0xA190;
	s10 =	rddreg [dreg:$0x9]  }
0xda: {  	[tilespmem:s14], [sflag:$0x3] =	stream.linear.gather [hbm4b:s10+s5], $0xC8, $0x38;
	[tilespmem:$0x1A798] =	vst v63  }
0xdb: {  	s19 =	simm.s32 $0xA578;
	s16 =	rddreg [dreg:$0xa]  }
0xdc: {  	[tilespmem:s19], [sflag:$0x3] =	stream.linear.gather [hbm4b:s16+s5], $0xC8, $0x38;
	[tilespmem:$0x1A798] =	vst v63  }
0xdd: {  	_ =	swait.ge [sflag:s30], $0xC8  }
0xde: {  	[sflag:s30] =	ssyncset.done $0x0  }
0xdf: {  	[sflag:s30] =	ssyncadd.s32 $0xFFFFFF38  }
0xe0: {  	_ =	swait.ge [sflag:s30], $0xC8  }
0xe1: {  	s1 =	simm.s32 $0xA0C8;
	[sflag:s30] =	ssyncset.done $0x0  }
0xe2: {  	s23 =	simm.s32 $0xD9D0;
	s9 =	simm.s32 $0x6;
	[sflag:s30] =	ssyncadd.s32 $0xFFFFFF38  }
0xe3: {  	[tilespmem:s23], [sflag:$0x7] =	stream.indirect.gather [hbm4b:s15+s25], $0x40, s1, s25, $0xb8;
	[tilespmem:$0x1A798] =	vst v63  }
0xe4: {  	_ =	swait.ge [sflag:s9], $0x3200  }
0xe5: {  	[sflag:s9] =	ssyncset.done $0x0  }
0xe6: {  	[sflag:s9] =	ssyncadd.s32 $0xFFFFCE00  }
0xe7: {  	[spmem:s3] =	stream.indirect.scatter.add.f32 [tilespmem:s13], [sflag:$0xB], $0x40, s21, s25, $0xb8;
	[tilespmem:$0x1A798] =	vst v63  }
0xe8: {  	_ = 	snop  }
0xe9: {  	[spmem:s22] =	stream.indirect.scatter.add.f32 [tilespmem:s2], [sflag:$0xB], $0x1, s21, s25, $0xb8;
	[tilespmem:$0x1A798] =	vst v63  }
0xea: {  	s16 =	simm.s32 $0xA258;
	s1 =	rddreg [dreg:$0xb]  }
0xeb: {  	[tilespmem:s16], [sflag:$0x4] =	stream.linear.gather [hbm4b:s1+s5], $0xC8, $0x38;
	[tilespmem:$0x1A798] =	vst v63  }
0xec: {  	s0 =	simm.s32 $0xA640;
	s23 =	rddreg [dreg:$0xc]  }
0xed: {  	[tilespmem:s0], [sflag:$0x4] =	stream.linear.gather [hbm4b:s23+s5], $0xC8, $0x38;
	[tilespmem:$0x1A798] =	vst v63  }
0xee: {  	_ =	swait.ge [sflag:s7], $0xC8  }
0xef: {  	[sflag:s7] =	ssyncset.done $0x0  }
0xf0: {  	[sflag:s7] =	ssyncadd.s32 $0xFFFFFF38  }
0xf1: {  	_ =	swait.ge [sflag:s7], $0xC8  }
0xf2: {  	s8 =	simm.s32 $0x10BD0;
	[sflag:s7] =	ssyncset.done $0x0  }
0xf3: {  	s14 =	simm.s32 $0xA190;
	s1 =	simm.s32 $0x7;
	[sflag:s7] =	ssyncadd.s32 $0xFFFFFF38  }
0xf4: {  	[tilespmem:s8], [sflag:$0x8] =	stream.indirect.gather [hbm4b:s15+s25], $0x40, s14, s25, $0xb8;
	[tilespmem:$0x1A798] =	vst v63  }
0xf5: {  	_ =	swait.ge [sflag:s1], $0x3200  }
0xf6: {  	[sflag:s1] =	ssyncset.done $0x0  }
0xf7: {  	s10 =	simm.s32 $0xD9D0;
	[sflag:s1] =	ssyncadd.s32 $0xFFFFCE00  }
0xf8: {  	[spmem:s3] =	stream.indirect.scatter.add.f32 [tilespmem:s10], [sflag:$0xC], $0x40, s29, s25, $0xb8;
	[tilespmem:$0x1A798] =	vst v63  }
0xf9: {  	_ = 	snop  }
0xfa: {  	[spmem:s22] =	stream.indirect.scatter.add.f32 [tilespmem:s2], [sflag:$0xC], $0x1, s29, s25, $0xb8;
	[tilespmem:$0x1A798] =	vst v63  }
0xfb: {  	s23 =	simm.s32 $0xA320;
	s14 =	rddreg [dreg:$0xd]  }
0xfc: {  	[tilespmem:s23], [sflag:$0x5] =	stream.linear.gather [hbm4b:s14+s5], $0xC8, $0x38;
	[tilespmem:$0x1A798] =	vst v63  }
0xfd: {  	s10 =	rddreg [dreg:$0xf];
	s14 =	simm.s32 $0xA708  }
0xfe: {  	[tilespmem:s14], [sflag:$0x5] =	stream.linear.gather [hbm4b:s10+s5], $0xC8, $0x38;
	[tilespmem:$0x1A798] =	vst v63  }
0xff: {  	_ =	swait.ge [sflag:s12], $0xC8  }
0x100: {  	[sflag:s12] =	ssyncset.done $0x0  }
0x101: {  	[sflag:s12] =	ssyncadd.s32 $0xFFFFFF38  }
0x102: {  	_ =	swait.ge [sflag:s12], $0xC8  }
0x103: {  	[sflag:s12] =	ssyncset.done $0x0  }
0x104: {  	s16 =	simm.s32 $0xA258;
	[sflag:s12] =	ssyncadd.s32 $0xFFFFFF38  }
0x105: {  	[tilespmem:s6], [sflag:$0x9] =	stream.indirect.gather [hbm4b:s15+s25], $0x40, s16, s25, $0xb8;
	[tilespmem:$0x1A798] =	vst v63  }
0x106: {  	s16 =	simm.s32 $0x8  }
0x107: {  	_ =	swait.ge [sflag:s16], $0x3200  }
0x108: {  	[sflag:s16] =	ssyncset.done $0x0  }
0x109: {  	s0 =	simm.s32 $0x10BD0;
	s14 =	simm.s32 $0xA578;
	[sflag:s16] =	ssyncadd.s32 $0xFFFFCE00  }
0x10a: {  	[spmem:s3] =	stream.indirect.scatter.add.f32 [tilespmem:s0], [sflag:$0xD], $0x40, s14, s25, $0xb8;
	[tilespmem:$0x1A798] =	vst v63  }
0x10b: {  	_ = 	snop  }
0x10c: {  	[spmem:s22] =	stream.indirect.scatter.add.f32 [tilespmem:s2], [sflag:$0xD], $0x1, s14, s25, $0xb8;
	[tilespmem:$0x1A798] =	vst v63  }
0x10d: {  	_ =	swait.ge [sflag:s17], $0x3200  }
0x10e: {  	[sflag:s17] =	ssyncset.done $0x0  }
0x10f: {  	[sflag:s17] =	ssyncadd.s32 $0xFFFFCE00  }
0x110: {  	_ =	swait.ge [sflag:s17], $0xC8  }
0x111: {  	[sflag:s17] =	ssyncset.done $0x0  }
0x112: {  	s11 =	simm.s32 $0xA000;
	s10 =	rddreg [dreg:$0x10];
	[sflag:s17] =	ssyncadd.s32 $0xFFFFFF38  }
0x113: {  	[tilespmem:s11], [sflag:$0x1] =	stream.linear.gather [hbm4b:s10+s5], $0xC8, $0x38;
	[tilespmem:$0x1A798] =	vst v63  }
0x114: {  	s14 =	rddreg [dreg:$0x11]  }
0x115: {  	[tilespmem:s21], [sflag:$0x1] =	stream.linear.gather [hbm4b:s14+s5], $0xC8, $0x38;
	[tilespmem:$0x1A798] =	vst v63  }
0x116: {  	_ =	swait.ge [sflag:s26], $0xC8  }
0x117: {  	[sflag:s26] =	ssyncset.done $0x0  }
0x118: {  	[sflag:s26] =	ssyncadd.s32 $0xFFFFFF38  }
0x119: {  	_ =	swait.ge [sflag:s26], $0xC8  }
0x11a: {  	s23 =	simm.s32 $0xA320;
	[sflag:s26] =	ssyncset.done $0x0  }
0x11b: {  	s10 =	simm.s32 $0x16FD0;
	s14 =	simm.s32 $0x9;
	[sflag:s26] =	ssyncadd.s32 $0xFFFFFF38  }
0x11c: {  	[tilespmem:s10], [sflag:$0xA] =	stream.indirect.gather [hbm4b:s15+s25], $0x40, s23, s25, $0xb8;
	[tilespmem:$0x1A798] =	vst v63  }
0x11d: {  	_ =	swait.ge [sflag:s14], $0x3200  }
0x11e: {  	[sflag:s14] =	ssyncset.done $0x0  }
0x11f: {  	s23 =	simm.s32 $0xA640;
	[sflag:s14] =	ssyncadd.s32 $0xFFFFCE00  }
0x120: {  	[spmem:s3] =	stream.indirect.scatter.add.f32 [tilespmem:s6], [sflag:$0xE], $0x40, s23, s25, $0xb8;
	[tilespmem:$0x1A798] =	vst v63  }
0x121: {  	_ = 	snop  }
0x122: {  	[spmem:s22] =	stream.indirect.scatter.add.f32 [tilespmem:s2], [sflag:$0xE], $0x1, s23, s25, $0xb8;
	[tilespmem:$0x1A798] =	vst v63  }
0x123: {  	_ =	swait.ge [sflag:s20], $0x3200  }
0x124: {  	[sflag:s20] =	ssyncset.done $0x0  }
0x125: {  	[sflag:s20] =	ssyncadd.s32 $0xFFFFCE00  }
0x126: {  	_ =	swait.ge [sflag:s20], $0xC8  }
0x127: {  	[sflag:s20] =	ssyncset.done $0x0  }
0x128: {  	s19 =	simm.s32 $0xA0C8;
	s11 =	rddreg [dreg:$0x12];
	[sflag:s20] =	ssyncadd.s32 $0xFFFFFF38  }
0x129: {  	[tilespmem:s19], [sflag:$0x2] =	stream.linear.gather [hbm4b:s11+s5], $0xC8, $0x38;
	[tilespmem:$0x1A798] =	vst v63  }
0x12a: {  	s19 =	rddreg [dreg:$0x13]  }
0x12b: {  	[tilespmem:s29], [sflag:$0x2] =	stream.linear.gather [hbm4b:s19+s5], $0xC8, $0x38;
	[tilespmem:$0x1A798] =	vst v63  }
0x12c: {  	_ =	swait.ge [sflag:s24], $0xC8  }
0x12d: {  	[sflag:s24] =	ssyncset.done $0x0  }
0x12e: {  	[sflag:s24] =	ssyncadd.s32 $0xFFFFFF38  }
0x12f: {  	_ =	swait.ge [sflag:s24], $0xC8  }
0x130: {  	[sflag:s24] =	ssyncset.done $0x0  }
0x131: {  	s0 =	simm.s32 $0xA000;
	s19 =	simm.s32 $0xA;
	[sflag:s24] =	ssyncadd.s32 $0xFFFFFF38  }
0x132: {  	[tilespmem:s13], [sflag:$0x6] =	stream.indirect.gather [hbm4b:s15+s25], $0x40, s0, s25, $0xb8;
	[tilespmem:$0x1A798] =	vst v63  }
0x133: {  	_ =	swait.ge [sflag:s19], $0x3200  }
0x134: {  	[sflag:s19] =	ssyncset.done $0x0  }
0x135: {  	s8 =	simm.s32 $0xA708;
	[sflag:s19] =	ssyncadd.s32 $0xFFFFCE00  }
0x136: {  	[spmem:s3] =	stream.indirect.scatter.add.f32 [tilespmem:s10], [sflag:$0xF], $0x40, s8, s25, $0xb8;
	[tilespmem:$0x1A798] =	vst v63  }
0x137: {  	_ = 	snop  }
0x138: {  	[spmem:s22] =	stream.indirect.scatter.add.f32 [tilespmem:s2], [sflag:$0xF], $0x1, s8, s25, $0xb8;
	[tilespmem:$0x1A798] =	vst v63  }
0x139: {  	_ =	swait.ge [sflag:s18], $0x3200  }
0x13a: {  	[sflag:s18] =	ssyncset.done $0x0  }
0x13b: {  	[sflag:s18] =	ssyncadd.s32 $0xFFFFCE00  }
0x13c: {  	_ =	swait.ge [sflag:s18], $0xC8  }
0x13d: {  	s11 =	rddreg [dreg:$0x6];
	[sflag:s18] =	ssyncset.done $0x0  }
0x13e: {  	s8 =	rddreg [dreg:$0x5];
	s5 =	sadd.s32 $0x0, s11;
	[sflag:s18] =	ssyncadd.s32 $0xFFFFFF38  }
0x13f: {  	s11 =	simm.s32 $0xA190;
	s8 =	sadd.s32 $0x0, s8;
	s0 =	sadd.s32 $0xAF, s5  }
0x140: {  	[tilespmem:s11], [sflag:$0x3] =	stream.linear.gather [hbm4b:s0+s4], $0xC8, $0x38;
	[tilespmem:$0x1A798] =	vst v63  }
0x141: {  	s10 =	sadd.s32 $0xAF, s8;
	s0 =	simm.s32 $0xA578  }
0x142: {  	[tilespmem:s0], [sflag:$0x3] =	stream.linear.gather [hbm4b:s10+s4], $0xC8, $0x38;
	[tilespmem:$0x1A798] =	vst v63  }
0x143: {  	_ =	swait.ge [sflag:s30], $0xC8  }
0x144: {  	[sflag:s30] =	ssyncset.done $0x0  }
0x145: {  	[sflag:s30] =	ssyncadd.s32 $0xFFFFFF38  }
0x146: {  	_ =	swait.ge [sflag:s30], $0xC8  }
0x147: {  	[sflag:s30] =	ssyncset.done $0x0  }
0x148: {  	s23 =	simm.s32 $0xA0C8;
	s0 =	simm.s32 $0xD9D0;
	[sflag:s30] =	ssyncadd.s32 $0xFFFFFF38  }
0x149: {  	[tilespmem:s0], [sflag:$0x7] =	stream.indirect.gather [hbm4b:s15+s25], $0x40, s23, s25, $0xb8;
	[tilespmem:$0x1A798] =	vst v63  }
0x14a: {  	_ =	swait.ge [sflag:s9], $0x3200  }
0x14b: {  	[sflag:s9] =	ssyncset.done $0x0  }
0x14c: {  	[sflag:s9] =	ssyncadd.s32 $0xFFFFCE00  }
0x14d: {  	[spmem:s3] =	stream.indirect.scatter.add.f32 [tilespmem:s13], [sflag:$0xB], $0x40, s21, s25, $0xb8;
	[tilespmem:$0x1A798] =	vst v63  }
0x14e: {  	_ = 	snop  }
0x14f: {  	[spmem:s22] =	stream.indirect.scatter.add.f32 [tilespmem:s2], [sflag:$0xB], $0x1, s21, s25, $0xb8;
	[tilespmem:$0x1A798] =	vst v63  }
0x150: {  	_ =	swait.ge [sflag:s28], $0x3200  }
0x151: {  	[sflag:s28] =	ssyncset.done $0x0  }
0x152: {  	[sflag:s28] =	ssyncadd.s32 $0xFFFFCE00  }
0x153: {  	_ =	swait.ge [sflag:s28], $0xC8  }
0x154: {  	[sflag:s28] =	ssyncset.done $0x0  }
0x155: {  	s23 =	sadd.s32 $0xC8, s5;
	s9 =	simm.s32 $0xA258;
	[sflag:s28] =	ssyncadd.s32 $0xFFFFFF38  }
0x156: {  	[tilespmem:s9], [sflag:$0x4] =	stream.linear.gather [hbm4b:s23+s4], $0xC8, $0x38;
	[tilespmem:$0x1A798] =	vst v63  }
0x157: {  	s10 =	sadd.s32 $0xC8, s8;
	s23 =	simm.s32 $0xA640  }
0x158: {  	[tilespmem:s23], [sflag:$0x4] =	stream.linear.gather [hbm4b:s10+s4], $0xC8, $0x38;
	[tilespmem:$0x1A798] =	vst v63  }
0x159: {  	_ =	swait.ge [sflag:s7], $0xC8  }
0x15a: {  	[sflag:s7] =	ssyncset.done $0x0  }
0x15b: {  	[sflag:s7] =	ssyncadd.s32 $0xFFFFFF38  }
0x15c: {  	_ =	swait.ge [sflag:s7], $0xC8  }
0x15d: {  	[sflag:s7] =	ssyncset.done $0x0  }
0x15e: {  	s23 =	simm.s32 $0x10BD0;
	[sflag:s7] =	ssyncadd.s32 $0xFFFFFF38  }
0x15f: {  	[tilespmem:s23], [sflag:$0x8] =	stream.indirect.gather [hbm4b:s15+s25], $0x40, s11, s25, $0xb8;
	[tilespmem:$0x1A798] =	vst v63  }
0x160: {  	_ =	swait.ge [sflag:s1], $0x3200  }
0x161: {  	[sflag:s1] =	ssyncset.done $0x0  }
0x162: {  	[sflag:s1] =	ssyncadd.s32 $0xFFFFCE00  }
0x163: {  	[spmem:s3] =	stream.indirect.scatter.add.f32 [tilespmem:s0], [sflag:$0xC], $0x40, s29, s25, $0xb8;
	[tilespmem:$0x1A798] =	vst v63  }
0x164: {  	_ = 	snop  }
0x165: {  	[spmem:s22] =	stream.indirect.scatter.add.f32 [tilespmem:s2], [sflag:$0xC], $0x1, s29, s25, $0xb8;
	[tilespmem:$0x1A798] =	vst v63  }
0x166: {  	_ =	swait.ge [sflag:s31], $0x3200  }
0x167: {  	[sflag:s31] =	ssyncset.done $0x0  }
0x168: {  	[sflag:s31] =	ssyncadd.s32 $0xFFFFCE00  }
0x169: {  	_ =	swait.ge [sflag:s31], $0xC8  }
0x16a: {  	[sflag:s31] =	ssyncset.done $0x0  }
0x16b: {  	s11 =	sadd.s32 $0xE1, s5;
	s1 =	simm.s32 $0xA320;
	[sflag:s31] =	ssyncadd.s32 $0xFFFFFF38  }
0x16c: {  	[tilespmem:s1], [sflag:$0x5] =	stream.linear.gather [hbm4b:s11+s4], $0xC8, $0x38;
	[tilespmem:$0x1A798] =	vst v63  }
0x16d: {  	s0 =	sadd.s32 $0xE1, s8;
	s11 =	simm.s32 $0xA708  }
0x16e: {  	[tilespmem:s11], [sflag:$0x5] =	stream.linear.gather [hbm4b:s0+s4], $0xC8, $0x38;
	[tilespmem:$0x1A798] =	vst v63  }
0x16f: {  	_ =	swait.ge [sflag:s12], $0xC8  }
0x170: {  	[sflag:s12] =	ssyncset.done $0x0  }
0x171: {  	[sflag:s12] =	ssyncadd.s32 $0xFFFFFF38  }
0x172: {  	_ =	swait.ge [sflag:s12], $0xC8  }
0x173: {  	[sflag:s12] =	ssyncset.done $0x0  }
0x174: {  	[sflag:s12] =	ssyncadd.s32 $0xFFFFFF38  }
0x175: {  	[tilespmem:s6], [sflag:$0x9] =	stream.indirect.gather [hbm4b:s15+s25], $0x40, s9, s25, $0xb8;
	[tilespmem:$0x1A798] =	vst v63  }
0x176: {  	_ =	swait.ge [sflag:s16], $0x3200  }
0x177: {  	[sflag:s16] =	ssyncset.done $0x0  }
0x178: {  	[sflag:s16] =	ssyncadd.s32 $0xFFFFCE00;
	s16 =	simm.s32 $0xA578  }
0x179: {  	[spmem:s3] =	stream.indirect.scatter.add.f32 [tilespmem:s23], [sflag:$0xD], $0x40, s16, s25, $0xb8;
	[tilespmem:$0x1A798] =	vst v63  }
0x17a: {  	_ = 	snop  }
0x17b: {  	[spmem:s22] =	stream.indirect.scatter.add.f32 [tilespmem:s2], [sflag:$0xD], $0x1, s16, s25, $0xb8;
	[tilespmem:$0x1A798] =	vst v63  }
0x17c: {  	_ =	swait.ge [sflag:s17], $0x3200  }
0x17d: {  	[sflag:s17] =	ssyncset.done $0x0  }
0x17e: {  	[sflag:s17] =	ssyncadd.s32 $0xFFFFCE00  }
0x17f: {  	_ =	swait.ge [sflag:s17], $0xC8  }
0x180: {  	[sflag:s17] =	ssyncset.done $0x0  }
0x181: {  	s0 =	simm.s32 $0xA000;
	s23 =	sadd.s32 $0xFA, s5;
	[sflag:s17] =	ssyncadd.s32 $0xFFFFFF38  }
0x182: {  	[tilespmem:s0], [sflag:$0x1] =	stream.linear.gather [hbm4b:s23+s4], $0xC8, $0x38;
	[tilespmem:$0x1A798] =	vst v63  }
0x183: {  	s9 =	sadd.s32 $0xFA, s8  }
0x184: {  	[tilespmem:s21], [sflag:$0x1] =	stream.linear.gather [hbm4b:s9+s4], $0xC8, $0x38;
	[tilespmem:$0x1A798] =	vst v63  }
0x185: {  	_ =	swait.ge [sflag:s26], $0xC8  }
0x186: {  	[sflag:s26] =	ssyncset.done $0x0  }
0x187: {  	[sflag:s26] =	ssyncadd.s32 $0xFFFFFF38  }
0x188: {  	_ =	swait.ge [sflag:s26], $0xC8  }
0x189: {  	[sflag:s26] =	ssyncset.done $0x0  }
0x18a: {  	s11 =	simm.s32 $0x16FD0;
	[sflag:s26] =	ssyncadd.s32 $0xFFFFFF38  }
0x18b: {  	[tilespmem:s11], [sflag:$0xA] =	stream.indirect.gather [hbm4b:s15+s25], $0x40, s1, s25, $0xb8;
	[tilespmem:$0x1A798] =	vst v63  }
0x18c: {  	_ =	swait.ge [sflag:s14], $0x3200  }
0x18d: {  	[sflag:s14] =	ssyncset.done $0x0  }
0x18e: {  	s16 =	simm.s32 $0xA640;
	[sflag:s14] =	ssyncadd.s32 $0xFFFFCE00  }
0x18f: {  	[spmem:s3] =	stream.indirect.scatter.add.f32 [tilespmem:s6], [sflag:$0xE], $0x40, s16, s25, $0xb8;
	[tilespmem:$0x1A798] =	vst v63  }
0x190: {  	_ = 	snop  }
0x191: {  	[spmem:s22] =	stream.indirect.scatter.add.f32 [tilespmem:s2], [sflag:$0xE], $0x1, s16, s25, $0xb8;
	[tilespmem:$0x1A798] =	vst v63  }
0x192: {  	_ =	swait.ge [sflag:s20], $0x3200  }
0x193: {  	[sflag:s20] =	ssyncset.done $0x0  }
0x194: {  	[sflag:s20] =	ssyncadd.s32 $0xFFFFCE00  }
0x195: {  	_ =	swait.ge [sflag:s20], $0xC8  }
0x196: {  	[sflag:s20] =	ssyncset.done $0x0  }
0x197: {  	s5 =	sadd.s32 $0x113, s5;
	s21 =	simm.s32 $0xA0C8;
	[sflag:s20] =	ssyncadd.s32 $0xFFFFFF38  }
0x198: {  	[tilespmem:s21], [sflag:$0x2] =	stream.linear.gather [hbm4b:s5+s4], $0xC8, $0x38;
	[tilespmem:$0x1A798] =	vst v63  }
0x199: {  	s23 =	sadd.s32 $0x113, s8  }
0x19a: {  	[tilespmem:s29], [sflag:$0x2] =	stream.linear.gather [hbm4b:s23+s4], $0xC8, $0x38;
	[tilespmem:$0x1A798] =	vst v63  }
0x19b: {  	_ =	swait.ge [sflag:s24], $0xC8  }
0x19c: {  	[sflag:s24] =	ssyncset.done $0x0  }
0x19d: {  	[sflag:s24] =	ssyncadd.s32 $0xFFFFFF38  }
0x19e: {  	_ =	swait.ge [sflag:s24], $0xC8  }
0x19f: {  	[sflag:s24] =	ssyncset.done $0x0  }
0x1a0: {  	[sflag:s24] =	ssyncadd.s32 $0xFFFFFF38  }
0x1a1: {  	[tilespmem:s13], [sflag:$0x6] =	stream.indirect.gather [hbm4b:s15+s25], $0x40, s0, s25, $0xb8;
	[tilespmem:$0x1A798] =	vst v63  }
0x1a2: {  	_ =	swait.ge [sflag:s19], $0x3200  }
0x1a3: {  	[sflag:s19] =	ssyncset.done $0x0  }
0x1a4: {  	s8 =	simm.s32 $0xA708;
	s5 =	simm.s32 $0x7D;
	[sflag:s19] =	ssyncadd.s32 $0xFFFFCE00  }
0x1a5: {  	[spmem:s3] =	stream.indirect.scatter.add.f32 [tilespmem:s11], [sflag:$0xF], $0x40, s8, s25, $0xb8;
	[tilespmem:$0x1A798] =	vst v63  }
.LBB2_4:
0x1a6: {  	[spmem:s22] =	stream.indirect.scatter.add.f32 [tilespmem:s2], [sflag:$0xF], $0x1, s8, s25, $0xb8;
	[tilespmem:$0x1A798] =	vst v63  }
0x1a7: {  	_ =	swait.ge [sflag:s18], $0x3200  }
0x1a8: {  	[sflag:s18] =	ssyncset.done $0x0  }
0x1a9: {  	[sflag:s18] =	ssyncadd.s32 $0xFFFFCE00  }
0x1aa: {  	_ =	swait.ge [sflag:s18], $0xC8  }
0x1ab: {  	s10 =	smov.u32 s5;
	s1 =	simm.s32 $0xA190;
	s11 =	rddreg [dreg:$0x6]  }
0x1ac: {  	s13 =	rddreg [dreg:$0x5];
	[sflag:s18] =	ssyncset.done $0x0;
	s8 =	sadd.s32 s10, s11  }
0x1ad: {  	[sflag:s18] =	ssyncadd.s32 $0xFFFFFF38;
	s10 =	sadd.s32 s10, s13;
	s14 =	sadd.s32 $0xAF, s8  }
0x1ae: {  	[tilespmem:s1], [sflag:$0x3] =	stream.linear.gather [hbm4b:s14+s4], $0xC8, $0x38;
	[tilespmem:$0x1A798] =	vst v63  }
0x1af: {  	s11 =	simm.s32 $0xA578;
	s13 =	sadd.s32 $0xAF, s10  }
0x1b0: {  	[tilespmem:s11], [sflag:$0x3] =	stream.linear.gather [hbm4b:s13+s4], $0xC8, $0x38;
	[tilespmem:$0x1A798] =	vst v63  }
0x1b1: {  	_ =	swait.ge [sflag:s30], $0xC8  }
0x1b2: {  	[sflag:s30] =	ssyncset.done $0x0  }
0x1b3: {  	[sflag:s30] =	ssyncadd.s32 $0xFFFFFF38  }
0x1b4: {  	_ =	swait.ge [sflag:s30], $0xC8  }
0x1b5: {  	s23 =	simm.s32 $0xD9D0;
	[sflag:s30] =	ssyncset.done $0x0  }
0x1b6: {  	s16 =	simm.s32 $0xA0C8;
	s0 =	simm.s32 $0x6;
	[sflag:s30] =	ssyncadd.s32 $0xFFFFFF38  }
0x1b7: {  	[tilespmem:s23], [sflag:$0x7] =	stream.indirect.gather [hbm4b:s15+s25], $0x40, s16, s25, $0xb8;
	[tilespmem:$0x1A798] =	vst v63  }
0x1b8: {  	_ =	swait.ge [sflag:s0], $0x3200  }
0x1b9: {  	[sflag:s0] =	ssyncset.done $0x0  }
0x1ba: {  	s29 =	simm.s32 $0xA3E8;
	s21 =	simm.s32 $0xA7D0;
	[sflag:s0] =	ssyncadd.s32 $0xFFFFCE00  }
0x1bb: {  	[spmem:s3] =	stream.indirect.scatter.add.f32 [tilespmem:s21], [sflag:$0xB], $0x40, s29, s25, $0xb8;
	[tilespmem:$0x1A798] =	vst v63  }
0x1bc: {  	s21 =	simm.s32 $0xA3E8  }
0x1bd: {  	[spmem:s22] =	stream.indirect.scatter.add.f32 [tilespmem:s2], [sflag:$0xB], $0x1, s21, s25, $0xb8;
	[tilespmem:$0x1A798] =	vst v63  }
0x1be: {  	_ =	swait.ge [sflag:s28], $0x3200  }
0x1bf: {  	[sflag:s28] =	ssyncset.done $0x0  }
0x1c0: {  	[sflag:s28] =	ssyncadd.s32 $0xFFFFCE00  }
0x1c1: {  	_ =	swait.ge [sflag:s28], $0xC8  }
0x1c2: {  	[sflag:s28] =	ssyncset.done $0x0  }
0x1c3: {  	s14 =	sadd.s32 $0xC8, s8;
	s0 =	simm.s32 $0xA258;
	[sflag:s28] =	ssyncadd.s32 $0xFFFFFF38  }
0x1c4: {  	[tilespmem:s0], [sflag:$0x4] =	stream.linear.gather [hbm4b:s14+s4], $0xC8, $0x38;
	[tilespmem:$0x1A798] =	vst v63  }
0x1c5: {  	s9 =	simm.s32 $0xA640;
	s19 =	sadd.s32 $0xC8, s10  }
0x1c6: {  	[tilespmem:s9], [sflag:$0x4] =	stream.linear.gather [hbm4b:s19+s4], $0xC8, $0x38;
	[tilespmem:$0x1A798] =	vst v63  }
0x1c7: {  	_ =	swait.ge [sflag:s7], $0xC8  }
0x1c8: {  	[sflag:s7] =	ssyncset.done $0x0  }
0x1c9: {  	[sflag:s7] =	ssyncadd.s32 $0xFFFFFF38  }
0x1ca: {  	_ =	swait.ge [sflag:s7], $0xC8  }
0x1cb: {  	[sflag:s7] =	ssyncset.done $0x0  }
0x1cc: {  	s13 =	simm.s32 $0x7;
	s19 =	simm.s32 $0x10BD0;
	[sflag:s7] =	ssyncadd.s32 $0xFFFFFF38  }
0x1cd: {  	[tilespmem:s19], [sflag:$0x8] =	stream.indirect.gather [hbm4b:s15+s25], $0x40, s1, s25, $0xb8;
	[tilespmem:$0x1A798] =	vst v63  }
0x1ce: {  	_ =	swait.ge [sflag:s13], $0x3200  }
0x1cf: {  	[sflag:s13] =	ssyncset.done $0x0  }
0x1d0: {  	s29 =	simm.s32 $0xA4B0;
	[sflag:s13] =	ssyncadd.s32 $0xFFFFCE00  }
0x1d1: {  	[spmem:s3] =	stream.indirect.scatter.add.f32 [tilespmem:s23], [sflag:$0xC], $0x40, s29, s25, $0xb8;
	[tilespmem:$0x1A798] =	vst v63  }
0x1d2: {  	_ = 	snop  }
0x1d3: {  	[spmem:s22] =	stream.indirect.scatter.add.f32 [tilespmem:s2], [sflag:$0xC], $0x1, s29, s25, $0xb8;
	[tilespmem:$0x1A798] =	vst v63  }
0x1d4: {  	_ =	swait.ge [sflag:s31], $0x3200  }
0x1d5: {  	[sflag:s31] =	ssyncset.done $0x0  }
0x1d6: {  	[sflag:s31] =	ssyncadd.s32 $0xFFFFCE00  }
0x1d7: {  	_ =	swait.ge [sflag:s31], $0xC8  }
0x1d8: {  	s14 =	sadd.s32 $0xE1, s8;
	[sflag:s31] =	ssyncset.done $0x0  }
0x1d9: {  	s1 =	smov.u32 s3;
	s3 =	simm.s32 $0xA320;
	[sflag:s31] =	ssyncadd.s32 $0xFFFFFF38  }
0x1da: {  	[tilespmem:s3], [sflag:$0x5] =	stream.linear.gather [hbm4b:s14+s4], $0xC8, $0x38;
	[tilespmem:$0x1A798] =	vst v63  }
0x1db: {  	s6 =	simm.s32 $0xA708;
	s23 =	sadd.s32 $0xE1, s10  }
0x1dc: {  	[tilespmem:s6], [sflag:$0x5] =	stream.linear.gather [hbm4b:s23+s4], $0xC8, $0x38;
	[tilespmem:$0x1A798] =	vst v63  }
0x1dd: {  	_ =	swait.ge [sflag:s12], $0xC8  }
0x1de: {  	[sflag:s12] =	ssyncset.done $0x0  }
0x1df: {  	[sflag:s12] =	ssyncadd.s32 $0xFFFFFF38  }
0x1e0: {  	_ =	swait.ge [sflag:s12], $0xC8  }
0x1e1: {  	[sflag:s12] =	ssyncset.done $0x0  }
0x1e2: {  	s13 =	simm.s32 $0x8;
	s6 =	simm.s32 $0x13DD0;
	[sflag:s12] =	ssyncadd.s32 $0xFFFFFF38  }
0x1e3: {  	[tilespmem:s6], [sflag:$0x9] =	stream.indirect.gather [hbm4b:s15+s25], $0x40, s0, s25, $0xb8;
	[tilespmem:$0x1A798] =	vst v63  }
0x1e4: {  	_ =	swait.ge [sflag:s13], $0x3200  }
0x1e5: {  	[sflag:s13] =	ssyncset.done $0x0  }
0x1e6: {  	[sflag:s13] =	ssyncadd.s32 $0xFFFFCE00  }
0x1e7: {  	[spmem:s1] =	stream.indirect.scatter.add.f32 [tilespmem:s19], [sflag:$0xD], $0x40, s11, s25, $0xb8;
	[tilespmem:$0x1A798] =	vst v63  }
0x1e8: {  	_ = 	snop  }
0x1e9: {  	[spmem:s22] =	stream.indirect.scatter.add.f32 [tilespmem:s2], [sflag:$0xD], $0x1, s11, s25, $0xb8;
	[tilespmem:$0x1A798] =	vst v63  }
0x1ea: {  	_ =	swait.ge [sflag:s17], $0x3200  }
0x1eb: {  	[sflag:s17] =	ssyncset.done $0x0  }
0x1ec: {  	[sflag:s17] =	ssyncadd.s32 $0xFFFFCE00  }
0x1ed: {  	_ =	swait.ge [sflag:s17], $0xC8  }
0x1ee: {  	[sflag:s17] =	ssyncset.done $0x0  }
0x1ef: {  	s14 =	sadd.s32 $0xFA, s8;
	s23 =	simm.s32 $0xA000;
	[sflag:s17] =	ssyncadd.s32 $0xFFFFFF38  }
0x1f0: {  	[tilespmem:s23], [sflag:$0x1] =	stream.linear.gather [hbm4b:s14+s4], $0xC8, $0x38;
	[tilespmem:$0x1A798] =	vst v63  }
0x1f1: {  	s19 =	sadd.s32 $0xFA, s10  }
0x1f2: {  	[tilespmem:s21], [sflag:$0x1] =	stream.linear.gather [hbm4b:s19+s4], $0xC8, $0x38;
	[tilespmem:$0x1A798] =	vst v63  }
0x1f3: {  	_ =	swait.ge [sflag:s26], $0xC8  }
0x1f4: {  	[sflag:s26] =	ssyncset.done $0x0  }
0x1f5: {  	[sflag:s26] =	ssyncadd.s32 $0xFFFFFF38  }
0x1f6: {  	_ =	swait.ge [sflag:s26], $0xC8  }
0x1f7: {  	[sflag:s26] =	ssyncset.done $0x0  }
0x1f8: {  	s14 =	simm.s32 $0x16FD0;
	s19 =	simm.s32 $0x9;
	[sflag:s26] =	ssyncadd.s32 $0xFFFFFF38  }
0x1f9: {  	[tilespmem:s14], [sflag:$0xA] =	stream.indirect.gather [hbm4b:s15+s25], $0x40, s3, s25, $0xb8;
	[tilespmem:$0x1A798] =	vst v63  }
0x1fa: {  	_ =	swait.ge [sflag:s19], $0x3200  }
0x1fb: {  	[sflag:s19] =	ssyncset.done $0x0  }
0x1fc: {  	[sflag:s19] =	ssyncadd.s32 $0xFFFFCE00  }
0x1fd: {  	[spmem:s1] =	stream.indirect.scatter.add.f32 [tilespmem:s6], [sflag:$0xE], $0x40, s9, s25, $0xb8;
	[tilespmem:$0x1A798] =	vst v63  }
0x1fe: {  	_ = 	snop  }
0x1ff: {  	[spmem:s22] =	stream.indirect.scatter.add.f32 [tilespmem:s2], [sflag:$0xE], $0x1, s9, s25, $0xb8;
	[tilespmem:$0x1A798] =	vst v63  }
0x200: {  	_ =	swait.ge [sflag:s20], $0x3200  }
0x201: {  	[sflag:s20] =	ssyncset.done $0x0  }
0x202: {  	[sflag:s20] =	ssyncadd.s32 $0xFFFFCE00  }
0x203: {  	_ =	swait.ge [sflag:s20], $0xC8  }
0x204: {  	[sflag:s20] =	ssyncset.done $0x0  }
0x205: {  	s8 =	sadd.s32 $0x113, s8;
	[sflag:s20] =	ssyncadd.s32 $0xFFFFFF38  }
0x206: {  	[tilespmem:s16], [sflag:$0x2] =	stream.linear.gather [hbm4b:s8+s4], $0xC8, $0x38;
	[tilespmem:$0x1A798] =	vst v63  }
0x207: {  	s10 =	sadd.s32 $0x113, s10  }
0x208: {  	[tilespmem:s29], [sflag:$0x2] =	stream.linear.gather [hbm4b:s10+s4], $0xC8, $0x38;
	[tilespmem:$0x1A798] =	vst v63  }
0x209: {  	_ =	swait.ge [sflag:s24], $0xC8  }
0x20a: {  	[sflag:s24] =	ssyncset.done $0x0  }
0x20b: {  	[sflag:s24] =	ssyncadd.s32 $0xFFFFFF38  }
0x20c: {  	_ =	swait.ge [sflag:s24], $0xC8  }
0x20d: {  	[sflag:s24] =	ssyncset.done $0x0  }
0x20e: {  	p0 =	sne.s32 s5, $0x84D;
	s13 =	simm.s32 $0xA7D0;
	[sflag:s24] =	ssyncadd.s32 $0xFFFFFF38  }
0x20f: {  	[tilespmem:s13], [sflag:$0x6] =	stream.indirect.gather [hbm4b:s15+s25], $0x40, s23, s25, $0xb8;
	[tilespmem:$0x1A798] =	vst v63  }
.Ltmp1:
0x210: {  	s23 =	simm.s32 $0xA;
	(pc) =	sbr.rel @p0 .LBB2_4-.Ltmp1, $4  }
0x211: {  	_ =	swait.ge [sflag:s23], $0x3200  }
0x212: {  	s5 =	sadd.s32 $0x7D, s5;
	s0 =	simm.s32 $0xA0C8;
	[sflag:s23] =	ssyncset.done $0x0  }
0x213: {  	s3 =	smov.u32 s1;
	s8 =	simm.s32 $0xA708;
	[sflag:s23] =	ssyncadd.s32 $0xFFFFCE00  }
0x214: {  	[spmem:s1] =	stream.indirect.scatter.add.f32 [tilespmem:s14], [sflag:$0xF], $0x40, s8, s25, $0xb8;
	[tilespmem:$0x1A798] =	vst v63  }
0x215: {  	[spmem:s22] =	stream.indirect.scatter.add.f32 [tilespmem:s2], [sflag:$0xF], $0x1, s8, s25, $0xb8;
	[tilespmem:$0x1A798] =	vst v63  }
0x216: {  	_ =	swait.ge [sflag:s18], $0x3200  }
0x217: {  	[sflag:s18] =	ssyncset.done $0x0  }
0x218: {  	[sflag:s18] =	ssyncadd.s32 $0xFFFFCE00  }
0x219: {  	_ =	swait.ge [sflag:s18], $0xC8  }
0x21a: {  	[sflag:s18] =	ssyncset.done $0x0  }
0x21b: {  	s19 =	simm.s32 $0xA190;
	s5 =	rddreg [dreg:$0x14];
	[sflag:s18] =	ssyncadd.s32 $0xFFFFFF38  }
0x21c: {  	[tilespmem:s19], [sflag:$0x3] =	stream.linear.gather [hbm4b:s5+s4], $0xC8, $0x38;
	[tilespmem:$0x1A798] =	vst v63  }
0x21d: {  	s10 =	simm.s32 $0xA578;
	s9 =	rddreg [dreg:$0x15]  }
0x21e: {  	[tilespmem:s10], [sflag:$0x3] =	stream.linear.gather [hbm4b:s9+s4], $0xC8, $0x38;
	[tilespmem:$0x1A798] =	vst v63  }
0x21f: {  	_ =	swait.ge [sflag:s30], $0xC8  }
0x220: {  	[sflag:s30] =	ssyncset.done $0x0  }
0x221: {  	[sflag:s30] =	ssyncadd.s32 $0xFFFFFF38  }
0x222: {  	_ =	swait.ge [sflag:s30], $0xC8  }
0x223: {  	[sflag:s30] =	ssyncset.done $0x0  }
0x224: {  	s23 =	simm.s32 $0xD9D0;
	s11 =	simm.s32 $0x6;
	[sflag:s30] =	ssyncadd.s32 $0xFFFFFF38  }
0x225: {  	[tilespmem:s23], [sflag:$0x7] =	stream.indirect.gather [hbm4b:s15+s25], $0x40, s0, s25, $0xb8;
	[tilespmem:$0x1A798] =	vst v63  }
0x226: {  	_ =	swait.ge [sflag:s11], $0x3200  }
0x227: {  	[sflag:s11] =	ssyncset.done $0x0  }
0x228: {  	[sflag:s11] =	ssyncadd.s32 $0xFFFFCE00  }
0x229: {  	[spmem:s3] =	stream.indirect.scatter.add.f32 [tilespmem:s13], [sflag:$0xB], $0x40, s21, s25, $0xb8;
	[tilespmem:$0x1A798] =	vst v63  }
0x22a: {  	_ = 	snop  }
0x22b: {  	[spmem:s22] =	stream.indirect.scatter.add.f32 [tilespmem:s2], [sflag:$0xB], $0x1, s21, s25, $0xb8;
	[tilespmem:$0x1A798] =	vst v63  }
0x22c: {  	_ =	swait.ge [sflag:s28], $0x3200  }
0x22d: {  	[sflag:s28] =	ssyncset.done $0x0  }
0x22e: {  	[sflag:s28] =	ssyncadd.s32 $0xFFFFCE00  }
0x22f: {  	_ =	swait.ge [sflag:s28], $0xC8  }
0x230: {  	[sflag:s28] =	ssyncset.done $0x0  }
0x231: {  	s0 =	simm.s32 $0xA258;
	s13 =	rddreg [dreg:$0x18];
	[sflag:s28] =	ssyncadd.s32 $0xFFFFFF38  }
0x232: {  	[tilespmem:s0], [sflag:$0x4] =	stream.linear.gather [hbm4b:s13+s4], $0xC8, $0x38;
	[tilespmem:$0x1A798] =	vst v63  }
0x233: {  	s9 =	simm.s32 $0xA640;
	s16 =	rddreg [dreg:$0x19]  }
0x234: {  	[tilespmem:s9], [sflag:$0x4] =	stream.linear.gather [hbm4b:s16+s4], $0xC8, $0x38;
	[tilespmem:$0x1A798] =	vst v63  }
0x235: {  	_ =	swait.ge [sflag:s7], $0xC8  }
0x236: {  	[sflag:s7] =	ssyncset.done $0x0  }
0x237: {  	[sflag:s7] =	ssyncadd.s32 $0xFFFFFF38  }
0x238: {  	_ =	swait.ge [sflag:s7], $0xC8  }
0x239: {  	[sflag:s7] =	ssyncset.done $0x0  }
0x23a: {  	s11 =	simm.s32 $0x10BD0;
	s21 =	simm.s32 $0x7;
	[sflag:s7] =	ssyncadd.s32 $0xFFFFFF38  }
0x23b: {  	[tilespmem:s11], [sflag:$0x8] =	stream.indirect.gather [hbm4b:s15+s25], $0x40, s19, s25, $0xb8;
	[tilespmem:$0x1A798] =	vst v63  }
0x23c: {  	_ =	swait.ge [sflag:s21], $0x3200  }
0x23d: {  	[sflag:s21] =	ssyncset.done $0x0  }
0x23e: {  	[sflag:s21] =	ssyncadd.s32 $0xFFFFCE00  }
0x23f: {  	[spmem:s3] =	stream.indirect.scatter.add.f32 [tilespmem:s23], [sflag:$0xC], $0x40, s29, s25, $0xb8;
	[tilespmem:$0x1A798] =	vst v63  }
0x240: {  	_ = 	snop  }
0x241: {  	[spmem:s22] =	stream.indirect.scatter.add.f32 [tilespmem:s2], [sflag:$0xC], $0x1, s29, s25, $0xb8;
	[tilespmem:$0x1A798] =	vst v63  }
0x242: {  	_ =	swait.ge [sflag:s31], $0x3200  }
0x243: {  	[sflag:s31] =	ssyncset.done $0x0  }
0x244: {  	[sflag:s31] =	ssyncadd.s32 $0xFFFFCE00  }
0x245: {  	_ =	swait.ge [sflag:s31], $0xC8  }
0x246: {  	[sflag:s31] =	ssyncset.done $0x0  }
0x247: {  	s16 =	simm.s32 $0xA320;
	s13 =	rddreg [dreg:$0x1b];
	[sflag:s31] =	ssyncadd.s32 $0xFFFFFF38  }
0x248: {  	[tilespmem:s16], [sflag:$0x5] =	stream.linear.gather [hbm4b:s13+s4], $0xC8, $0x38;
	[tilespmem:$0x1A798] =	vst v63  }
0x249: {  	s19 =	rddreg [dreg:$0x1a]  }
0x24a: {  	[tilespmem:s8], [sflag:$0x5] =	stream.linear.gather [hbm4b:s19+s4], $0xC8, $0x38;
	[tilespmem:$0x1A798] =	vst v63  }
0x24b: {  	_ =	swait.ge [sflag:s12], $0xC8  }
0x24c: {  	[sflag:s12] =	ssyncset.done $0x0  }
0x24d: {  	[sflag:s12] =	ssyncadd.s32 $0xFFFFFF38  }
0x24e: {  	_ =	swait.ge [sflag:s12], $0xC8  }
0x24f: {  	[sflag:s12] =	ssyncset.done $0x0  }
0x250: {  	s21 =	simm.s32 $0x8;
	[sflag:s12] =	ssyncadd.s32 $0xFFFFFF38  }
0x251: {  	[tilespmem:s6], [sflag:$0x9] =	stream.indirect.gather [hbm4b:s15+s25], $0x40, s0, s25, $0xb8;
	[tilespmem:$0x1A798] =	vst v63  }
0x252: {  	_ =	swait.ge [sflag:s21], $0x3200  }
0x253: {  	[sflag:s21] =	ssyncset.done $0x0  }
0x254: {  	[sflag:s21] =	ssyncadd.s32 $0xFFFFCE00  }
0x255: {  	[spmem:s1] =	stream.indirect.scatter.add.f32 [tilespmem:s11], [sflag:$0xD], $0x40, s10, s25, $0xb8;
	[tilespmem:$0x1A798] =	vst v63  }
0x256: {  	_ = 	snop  }
0x257: {  	[spmem:s22] =	stream.indirect.scatter.add.f32 [tilespmem:s2], [sflag:$0xD], $0x1, s10, s25, $0xb8;
	[tilespmem:$0x1A798] =	vst v63  }
0x258: {  	_ =	swait.ge [sflag:s17], $0x3200  }
0x259: {  	[sflag:s17] =	ssyncset.done $0x0  }
0x25a: {  	[sflag:s17] =	ssyncadd.s32 $0xFFFFCE00  }
0x25b: {  	_ =	swait.ge [sflag:s17], $0xC8  }
0x25c: {  	[sflag:s17] =	ssyncset.done $0x0  }
0x25d: {  	[sflag:s17] =	ssyncadd.s32 $0xFFFFFF38  }
0x25e: {  	_ =	swait.ge [sflag:s26], $0xC8  }
0x25f: {  	[sflag:s26] =	ssyncset.done $0x0  }
0x260: {  	[sflag:s26] =	ssyncadd.s32 $0xFFFFFF38  }
0x261: {  	_ =	swait.ge [sflag:s26], $0xC8  }
0x262: {  	[sflag:s26] =	ssyncset.done $0x0  }
0x263: {  	s23 =	simm.s32 $0x9;
	[sflag:s26] =	ssyncadd.s32 $0xFFFFFF38  }
0x264: {  	[tilespmem:s14], [sflag:$0xA] =	stream.indirect.gather [hbm4b:s15+s25], $0x40, s16, s25, $0xb8;
	[tilespmem:$0x1A798] =	vst v63  }
0x265: {  	_ =	swait.ge [sflag:s23], $0x3200  }
0x266: {  	[sflag:s23] =	ssyncset.done $0x0  }
0x267: {  	[sflag:s23] =	ssyncadd.s32 $0xFFFFCE00  }
0x268: {  	[spmem:s1] =	stream.indirect.scatter.add.f32 [tilespmem:s6], [sflag:$0xE], $0x40, s9, s25, $0xb8;
	[tilespmem:$0x1A798] =	vst v63  }
0x269: {  	_ = 	snop  }
0x26a: {  	[spmem:s22] =	stream.indirect.scatter.add.f32 [tilespmem:s2], [sflag:$0xE], $0x1, s9, s25, $0xb8;
	[tilespmem:$0x1A798] =	vst v63  }
0x26b: {  	_ =	swait.ge [sflag:s20], $0x3200  }
0x26c: {  	[sflag:s20] =	ssyncset.done $0x0  }
0x26d: {  	[sflag:s20] =	ssyncadd.s32 $0xFFFFCE00  }
0x26e: {  	_ =	swait.ge [sflag:s20], $0xC8  }
0x26f: {  	[sflag:s20] =	ssyncset.done $0x0  }
0x270: {  	s5 =	simm.s32 $0xA;
	[sflag:s20] =	ssyncadd.s32 $0xFFFFFF38  }
0x271: {  	_ =	swait.ge [sflag:s5], $0x3200  }
0x272: {  	[sflag:s5] =	ssyncset.done $0x0  }
0x273: {  	[sflag:s5] =	ssyncadd.s32 $0xFFFFCE00  }
0x274: {  	[spmem:s1] =	stream.indirect.scatter.add.f32 [tilespmem:s14], [sflag:$0xF], $0x40, s8, s25, $0xb8;
	[tilespmem:$0x1A798] =	vst v63  }
0x275: {  	_ = 	snop  }
0x276: {  	[spmem:s22] =	stream.indirect.scatter.add.f32 [tilespmem:s2], [sflag:$0xF], $0x1, s8, s25, $0xb8;
	[tilespmem:$0x1A798] =	vst v63  }
0x277: {  	_ =	swait.ge [sflag:s18], $0x3200  }
0x278: {  	[sflag:s18] =	ssyncset.done $0x0  }
0x279: {  	[sflag:s18] =	ssyncadd.s32 $0xFFFFCE00  }
0x27a: {  	_ =	swait.ge [sflag:s18], $0xC8  }
0x27b: {  	[sflag:s18] =	ssyncset.done $0x0  }
0x27c: {  	[sflag:s18] =	ssyncadd.s32 $0xFFFFFF38  }
0x27d: {  	_ =	swait.ge [sflag:s28], $0x3200  }
0x27e: {  	[sflag:s28] =	ssyncset.done $0x0  }
0x27f: {  	[sflag:s28] =	ssyncadd.s32 $0xFFFFCE00  }
0x280: {  	_ =	swait.ge [sflag:s28], $0xC8  }
0x281: {  	[sflag:s28] =	ssyncset.done $0x0  }
0x282: {  	[sflag:s28] =	ssyncadd.s32 $0xFFFFFF38  }
0x283: {  	_ =	swait.ge [sflag:s31], $0x3200  }
0x284: {  	[sflag:s31] =	ssyncset.done $0x0  }
0x285: {  	[sflag:s31] =	ssyncadd.s32 $0xFFFFCE00  }
0x286: {  	_ =	swait.ge [sflag:s31], $0xC8  }
0x287: {  	[sflag:s31] =	ssyncset.done $0x0  }
0x288: {  	[sflag:s31] =	ssyncadd.s32 $0xFFFFFF38  }
0x289: {  	[bflag:$0x0] =	sbarrier.arrive $0xFFFF  }
0x28a: {  	s9 =	stileid.u32;
	s11 =	sld [smem:$0x7FC]  }
0x28b: {  	s5 =	sshll.u32 s9, $0x6;
	s14 =	rddreg [dreg:$0x1c]  }
0x28c: {  	s21 =	simm.s32 $0x10;
	s5 =	sor.u32 $0x1C10, s5;
	s10 =	sshrl.u32 s14, $0x3  }
0x28d: {  	[hbm:s11], [sflag:s5] =	dma.local [spmem:s10], $0x1400  }
0x28e: {  	_ =	swait.ge [sflag:s21], $0x1400  }
0x28f: {  	s13 =	sld [smem:$0x7FB];
	_ =	sdelay $0x1  }
0x290: {  	[sflag:s21] =	ssyncset.done $0x0  }
0x291: {  	s16 =	rddreg [dreg:$0xe];
	[sflag:s21] =	ssyncadd.s32 $0xFFFFEC00;
	s8 =	sshrl.u32 s13, $0x3  }
0x292: {  	[hbm:s16], [sflag:s5] =	dma.local [spmem:s8], $0x50  }
0x293: {  	_ =	swait.ge [sflag:s21], $0x50  }
0x294: {  	s19 =	sld [smem:$0x7EE]  }
0x295: {  	s23 =	sld [smem:$0x7FD];
	_ =	sdelay $0x1  }
0x296: {  	s0 =	sadd.s32 $0x1, s19  }
0x297: {  	p0 =	sne.s32 s0, s23  }
.Ltmp2:
0x298: {  	_ = 	snop;
	(pc) =	sbr.rel @p0 .LBB2_1-.Ltmp2, $3  }
0x299: {  	_ =	sdelay $0x1  }
0x29a: {  	[sflag:s21] =	ssyncset.done $0x0  }
0x29b: {  	s3 =	smov.u32 s1;
	[sflag:s21] =	ssyncadd.s32 $0xFFFFFFB0  }
0x29c: {  	_ =	sfence.sel $0x180000  }
0x29d: {  	[bflag:$0x0] =	sbarrier.arrive $0xFFFF  }
0x29e: {  	_ =	strace $0x90000047  }
0x29f: {  	s0 =	stileid.u32;
	[bflag:$0x2] =	sbarrier.arrive $0xFFFF  }
0x2a0: {  	p0 =	sne.s32 s0, $0x0;
	s0 =	rddreg [dreg:$0x4]  }
0x2a1: {  	s0 =	sadd.s32 @!p0 $0x100000, s0  }
0x2a2: {  	[sflag:s0] =	ssyncadd.tile.s32 @!p0 $0x1;
	_ =	shalt  }
.Lfunc_end2:
_tile_overlayer_lowered:
.L_overlay_start_2:
0x2a3: {  	(tag) =	ssettag $0x2  }
0x2a4: {  	s0 =	rddreg [dreg:$0x0];
	s2 =	stileid.u32  }
0x2a5: {  	s1 =	rddreg [dreg:$0x1];
	p0 =	sne.s32 s2, $0x0  }
0x2a6: {  	s3 =	rddreg [dreg:$0x2];
	[bflag:$0x3] =	sbarrier.arrive $0xFFFF;
	s2 =	simm.s32 @!p0 $0x1C10  }
0x2a7: {  	[timem:s3], [sflag:s2] =	dma.local @!p0 [hbm:s0], s1  }
0x2a8: {  	s0 =	simm.s32 @!p0 $0x10  }
0x2a9: {  	_ =	swait.ge @!p0 [sflag:s0], s1  }
0x2aa: {  	s1 =	ssub.s32 @!p0 $0x0, s1;
	[sflag:s0] =	ssyncset.done @!p0 $0x0  }
0x2ab: {  	[sflag:s0] =	ssyncadd.s32 @!p0 s1  }
0x2ac: {  	[bflag:$0x3] =	sbarrier.arrive $0xFFFF  }
0x2ad: {  	_ =	shalt  }

</sc_bundles>
